<compile_context>
chip_gen: v7x
topology: tpu7x:2x2x1
jax: 0.10.2.dev20260603
libtpu: 0.0.44.dev20260713+nightly
codegen_flags: <defaults>
</compile_context>

<pallas_src>
import functools

import jax
import jax.numpy as jnp
from jax import lax
from jax.experimental import pallas as pl
from jax.experimental.pallas import tpu as pltpu
from jax.experimental.pallas import tpu_sc as plsc

NC = 2
NS = 16
NW = NC * NS
K = 64


def _cdiv(a, b):
    return (a + b - 1) // b



def _make_count(N, CW, D):
    nacc = NS * K * _cdiv(N + 1, NS * K)
    rps = nacc // NS

    mesh = plsc.VectorSubcoreMesh(core_axis_name="c", subcore_axis_name="s")

    @functools.partial(
        pl.kernel,
        out_type=jax.ShapeDtypeStruct((NC, nacc, D), jnp.float32),
        mesh=mesh,
        scratch_types=[
            pltpu.VMEM((CW, K), jnp.int32),
            pltpu.VMEM((2, K, D), jnp.float32),
            pltpu.VMEM_SHARED((nacc, D), jnp.float32),
        ],
    )
    def count(dst_hbm, z_hbm, ones_hbm, out_hbm, idx_d, cbuf, acc):
        c = lax.axis_index("c")
        s = lax.axis_index("s")
        wid = s * NC + c

        pltpu.sync_copy(z_hbm, cbuf.at[0])
        pltpu.sync_copy(ones_hbm, cbuf.at[1])
        for t in range(rps // K):
            pltpu.sync_copy(cbuf.at[0], acc.at[pl.ds(s * rps + t * K, K)])
        plsc.subcore_barrier()

        pltpu.sync_copy(dst_hbm.at[wid], idx_d)

        def body(k, carry):
            pltpu.sync_copy(cbuf.at[1], acc.at[idx_d.at[k]], add=True)
            return carry

        lax.fori_loop(0, CW, body, 0)
        plsc.subcore_barrier()

        pltpu.sync_copy(acc.at[pl.ds(s * rps, rps)],
                        out_hbm.at[c, pl.ds(s * rps, rps)])

    return count


def _make_prop(N, CW, D):
    nacc = NS * K * _cdiv(N + 1, NS * K)
    rps = nacc // NS

    mesh = plsc.VectorSubcoreMesh(core_axis_name="c", subcore_axis_name="s")

    @functools.partial(
        pl.kernel,
        out_type=jax.ShapeDtypeStruct((NC, nacc, D), jnp.float32),
        mesh=mesh,
        scratch_types=[
            pltpu.VMEM((CW // 2, K), jnp.int32),
            pltpu.VMEM((CW // 2, K), jnp.int32),
            pltpu.VMEM((2, K, D), jnp.float32),
            pltpu.VMEM_SHARED((nacc, D), jnp.float32),
            pltpu.SemaphoreType.DMA,
            pltpu.SemaphoreType.DMA,
        ],
    )
    def prop(y_hbm, src_hbm, dst_hbm, z_hbm, out_hbm,
             idx_s, idx_d, rows, acc, sem0, sem1):
        c = lax.axis_index("c")
        s = lax.axis_index("s")
        wid = s * NC + c

        pltpu.sync_copy(z_hbm, rows.at[0])
        for t in range(rps // K):
            pltpu.sync_copy(rows.at[0], acc.at[pl.ds(s * rps + t * K, K)])
        plsc.subcore_barrier()

        PH = CW // 2
        for phase in range(2):
            pltpu.sync_copy(src_hbm.at[wid, pl.ds(phase * PH, PH)], idx_s)
            pltpu.sync_copy(dst_hbm.at[wid, pl.ds(phase * PH, PH)], idx_d)
            pltpu.async_copy(y_hbm.at[idx_s.at[0]], rows.at[0], sem0)

            def body(i, carry):
                k0 = 2 * i
                pltpu.async_copy(y_hbm.at[idx_s.at[k0 + 1]], rows.at[1], sem1)
                pltpu.make_async_copy(y_hbm.at[idx_s.at[k0]], rows.at[0],
                                      sem0).wait()
                pltpu.sync_copy(rows.at[0], acc.at[idx_d.at[k0]], add=True)

                @pl.when(k0 + 2 < PH)
                def _():
                    pltpu.async_copy(y_hbm.at[idx_s.at[k0 + 2]], rows.at[0],
                                     sem0)

                pltpu.make_async_copy(y_hbm.at[idx_s.at[k0 + 1]], rows.at[1],
                                      sem1).wait()
                pltpu.sync_copy(rows.at[1], acc.at[idx_d.at[k0 + 1]],
                                add=True)
                return carry

            lax.fori_loop(0, PH // 2, body, 0)
        plsc.subcore_barrier()

        pltpu.sync_copy(acc.at[pl.ds(s * rps, rps)],
                        out_hbm.at[c, pl.ds(s * rps, rps)])

    return prop



def _dis(c_ref):
    cnt = c_ref[0, :, 0:1] + c_ref[1, :, 0:1] + 1.0
    return lax.rsqrt(cnt)


def _tc_first(x_ref, w_ref, c_ref, o_ref):
    d = _dis(c_ref)
    o_ref[...] = jnp.dot(x_ref[...], w_ref[...],
                         preferred_element_type=jnp.float32) * d


def _tc_mid(p_ref, y_ref, c_ref, w_ref, b_ref, o_ref):
    d = _dis(c_ref)
    h = (p_ref[0] + p_ref[1] + y_ref[...]) * d + b_ref[...]
    h = jnp.maximum(h, 0.0)
    o_ref[...] = jnp.dot(h, w_ref[...], preferred_element_type=jnp.float32) * d


def _tc_pre3(p_ref, y_ref, c_ref, b_ref, o_ref):
    d = _dis(c_ref)
    h = (p_ref[0] + p_ref[1] + y_ref[...]) * d + b_ref[...]
    o_ref[...] = jnp.maximum(h, 0.0) * d


def _tc_last(q_ref, g_ref, c_ref, w_ref, b_ref, o_ref):
    d = _dis(c_ref)
    hh = (q_ref[0] + q_ref[1] + g_ref[...]) * d
    z = jnp.dot(hh, w_ref[...], preferred_element_type=jnp.float32) + b_ref[...]
    m = jnp.max(z, axis=-1, keepdims=True)
    e = jnp.exp(z - m)
    lse = jnp.log(jnp.sum(e, axis=-1, keepdims=True))
    o_ref[...] = z - m - lse



def kernel(x, edge_index, W1, b1, W2, b2, W3, b3):
    N, D_in = x.shape
    D_hid = W1.shape[1]
    D_out = W3.shape[1]
    E = edge_index.shape[1]

    CW = 4 * _cdiv(E, NW * K * 4)
    Epad = NW * CW * K
    nacc = NS * K * _cdiv(N + 1, NS * K)

    src = edge_index[0].astype(jnp.int32)
    dst = edge_index[1].astype(jnp.int32)
    src3 = jnp.concatenate(
        [src, jnp.zeros((Epad - E,), jnp.int32)]).reshape(NW, CW, K)
    dst3 = jnp.concatenate(
        [dst, jnp.full((Epad - E,), N, jnp.int32)]).reshape(NW, CW, K)

    zD = jnp.zeros((K, D_hid), jnp.float32)
    onesD = jnp.ones((K, D_hid), jnp.float32)

    cnt = _make_count(N, CW, D_hid)(dst3, zD, onesD)
    prop = _make_prop(N, CW, D_hid)

    B = 1000
    grid = N // B
    spec_rows = pl.BlockSpec((B, D_hid), lambda i: (i, 0))
    spec_p = pl.BlockSpec((NC, B, D_hid), lambda i: (0, i, 0))
    spec_c = pl.BlockSpec((NC, B, D_hid), lambda i: (0, i, 0))
    spec_w = pl.BlockSpec((D_hid, D_hid), lambda i: (0, 0))
    spec_b = pl.BlockSpec((1, D_hid), lambda i: (0, 0))

    def row_call(body, out_d, in_specs):
        return pl.pallas_call(
            body, grid=(grid,), in_specs=in_specs,
            out_specs=pl.BlockSpec((B, out_d), lambda i: (i, 0)),
            out_shape=jax.ShapeDtypeStruct((N, out_d), jnp.float32))

    b1r, b2r = b1.reshape(1, -1), b2.reshape(1, -1)

    y1 = row_call(_tc_first, D_hid, [spec_rows, spec_w, spec_c])(x, W1, cnt)
    P1 = prop(y1, src3, dst3, zD)
    y2 = row_call(_tc_mid, D_hid, [spec_p, spec_rows, spec_c, spec_w,
                                   spec_b])(P1, y1, cnt, W2, b1r)
    P2 = prop(y2, src3, dst3, zD)
    g = row_call(_tc_pre3, D_hid, [spec_p, spec_rows, spec_c, spec_b])(
        P2, y2, cnt, b2r)
    Q = prop(g, src3, dst3, zD)

    spec_w3 = pl.BlockSpec((D_hid, D_out), lambda i: (0, 0))
    spec_b3 = pl.BlockSpec((1, D_out), lambda i: (0, 0))
    out = row_call(_tc_last, D_out,
                   [spec_p, spec_rows, spec_c, spec_w3, spec_b3])(
                       Q, g, cnt, W3, b3.reshape(1, -1))
    return out

# --- scband reference (transcript-rebuilt; emitter-appended) ---
"""Pipeline reference for scband-gcn-90726889160782 (READ-ONLY COPY).

The authoritative reference and input builder live on the scoring server;
editing this copy changes nothing except your own understanding.
"""

import jax, jax.numpy as jnp
import numpy as np

N_NODES = 10000
N_EDGES = 320000
D_IN = 128
D_HID = 128
D_OUT = 40


def setup_inputs(seed: int = 0) -> dict:
    key = jax.random.key(seed)
    ks = jax.random.split(key, 8)
    x = jax.random.normal(ks[0], (N_NODES, D_IN), dtype=jnp.float32)
    edge_index = jax.random.randint(ks[1], (2, N_EDGES), 0, N_NODES, dtype=jnp.int64)
    s1 = 1.0 / np.sqrt(D_IN)
    s2 = 1.0 / np.sqrt(D_HID)
    W1 = jax.random.uniform(ks[2], (D_IN, D_HID), dtype=jnp.float32, minval=-s1, maxval=s1)
    b1 = jnp.zeros((D_HID,), dtype=jnp.float32)
    W2 = jax.random.uniform(ks[3], (D_HID, D_HID), dtype=jnp.float32, minval=-s2, maxval=s2)
    b2 = jnp.zeros((D_HID,), dtype=jnp.float32)
    W3 = jax.random.uniform(ks[4], (D_HID, D_OUT), dtype=jnp.float32, minval=-s2, maxval=s2)
    b3 = jnp.zeros((D_OUT,), dtype=jnp.float32)
    return {"x": x, "edge_index": edge_index, "W1": W1, "b1": b1, "W2": W2, "b2": b2, "W3": W3, "b3": b3}


def _gcn_conv(x, src, dst, W, b, num_nodes):
    # GCNConv: x' = D^{-1/2} (A + I) D^{-1/2} (x W) + b
    xw = x @ W
    ones = jnp.ones(src.shape[0], dtype=x.dtype)
    deg = jax.ops.segment_sum(ones, dst, num_segments=num_nodes)
    deg_inv_sqrt = jnp.where(deg > 0, 1.0 / jnp.sqrt(jnp.maximum(deg, 1e-12)), 0.0)
    norm = deg_inv_sqrt[src] * deg_inv_sqrt[dst]
    msg = xw[src] * norm[:, None]
    out = jax.ops.segment_sum(msg, dst, num_segments=num_nodes)
    return out + b


def reference(x, edge_index, W1, b1, W2, b2, W3, b3):
    num_nodes = x.shape[0]
    loop = jnp.arange(num_nodes, dtype=edge_index.dtype)
    src = jnp.concatenate([edge_index[0], loop])
    dst = jnp.concatenate([edge_index[1], loop])
    # layer 1 (dropout inactive in eval mode)
    h = _gcn_conv(x, src, dst, W1, b1, num_nodes)
    h = jax.nn.relu(h)
    # layer 2
    h = _gcn_conv(h, src, dst, W2, b2, num_nodes)
    h = jax.nn.relu(h)
    # final layer
    h = _gcn_conv(h, src, dst, W3, b3, num_nodes)
    return jax.nn.log_softmax(h, axis=-1)

if __name__ == "__main__":
    import jax
    _d = setup_inputs()
    print(jax.jit(kernel)(*tuple(_d.values())))

</pallas_src>

<mosaic_0001>
#map = affine_map<(d0, d1) -> (0, 0)>
#map1 = affine_map<(d0, d1) -> (0, 0, 0)>
module attributes {stable_mosaic.version = 14 : i64} {
  func.func @prop(%arg0: i32, %arg1: i32, %arg2: memref<10000x128xf32, #tpu.memory_space<hbm>>, %arg3: memref<32x160x64xi32, #tpu.memory_space<hbm>>, %arg4: memref<32x160x64xi32, #tpu.memory_space<hbm>>, %arg5: memref<64x128xf32, #tpu.memory_space<hbm>>, %arg6: memref<2x10240x128xf32, #tpu.memory_space<hbm>>, %arg7: memref<80x64xi32, #tpu.memory_space<vmem>>, %arg8: memref<80x64xi32, #tpu.memory_space<vmem>>, %arg9: memref<2x64x128xf32, #tpu.memory_space<vmem>>, %arg10: memref<10240x128xf32, #tpu.memory_space<vmem_shared>>, %arg11: memref<!tpu.dma_semaphore, #tpu.memory_space<semaphore_mem>>, %arg12: memref<!tpu.dma_semaphore, #tpu.memory_space<semaphore_mem>>) attributes {dimension_semantics = [#tpu.dimension_semantics<core_parallel>, #tpu.dimension_semantics<subcore_parallel>], iteration_bounds = array<i64: 2, 16>, scalar_prefetch = 0 : i64, scratch_operands = 6 : i64, tpu.core_type = #tpu.core_type<sc_vector_subcore>, window_params = [{transform_indices = #map}, {transform_indices = #map1}, {transform_indices = #map1}, {transform_indices = #map}, {transform_indices = #map1}]} {
    %mul3A = arith.constant 2 : i32
    %mul3A_0 = arith.muli %arg1, %mul3A : i32
    %add3A = arith.addi %mul3A_0, %arg0 : i32
    %run_scoped3A = arith.constant 0 : i32
    "tpu.region"() ({
      %run_scoped3A_90 = tpu.sem_alloc : memref<!tpu.dma_semaphore, #tpu.memory_space<semaphore_mem>>
      %dma_start3A_91 = arith.constant 0 : i32
      %dma_start3A_92 = arith.constant 0 : i32
      %dma_start3A_93 = tpu.memref_slice %arg9[%run_scoped3A, %dma_start3A_91, %dma_start3A_92] : memref<2x64x128xf32, #tpu.memory_space<vmem>> -> memref<1x64x128xf32, #tpu.memory_space<vmem>>
      %dma_start3A_94 = tpu.memref_squeeze %dma_start3A_93 : memref<1x64x128xf32, #tpu.memory_space<vmem>> -> memref<64x128xf32, #tpu.memory_space<vmem>>
      %dma_start3A_95 = arith.constant 0 : i32
      %dma_start3A_96 = arith.constant 0 : i32
      %dma_start3A_97 = tpu.memref_slice %arg9[%run_scoped3A, %dma_start3A_95, %dma_start3A_96] : memref<2x64x128xf32, #tpu.memory_space<vmem>> -> memref<1x64x128xf32, #tpu.memory_space<vmem>>
      %dma_start3A_98 = tpu.memref_squeeze %dma_start3A_97 : memref<1x64x128xf32, #tpu.memory_space<vmem>> -> memref<64x128xf32, #tpu.memory_space<vmem>>
      tpu.enqueue_dma source(%arg5 : memref<64x128xf32, #tpu.memory_space<hbm>>) target(%dma_start3A_98 : memref<64x128xf32, #tpu.memory_space<vmem>>) target_semaphore(%run_scoped3A_90 : memref<!tpu.dma_semaphore, #tpu.memory_space<semaphore_mem>>)
      %dma_wait3A = arith.constant 0 : i32
      %dma_wait3A_99 = arith.constant 0 : i32
      %dma_wait3A_100 = tpu.memref_slice %arg9[%run_scoped3A, %dma_wait3A, %dma_wait3A_99] : memref<2x64x128xf32, #tpu.memory_space<vmem>> -> memref<1x64x128xf32, #tpu.memory_space<vmem>>
      %dma_wait3A_101 = tpu.memref_squeeze %dma_wait3A_100 : memref<1x64x128xf32, #tpu.memory_space<vmem>> -> memref<64x128xf32, #tpu.memory_space<vmem>>
      %dma_wait3A_102 = arith.constant 0 : i32
      %dma_wait3A_103 = arith.constant 0 : i32
      %dma_wait3A_104 = tpu.memref_slice %arg9[%run_scoped3A, %dma_wait3A_102, %dma_wait3A_103] : memref<2x64x128xf32, #tpu.memory_space<vmem>> -> memref<1x64x128xf32, #tpu.memory_space<vmem>>
      %dma_wait3A_105 = tpu.memref_squeeze %dma_wait3A_104 : memref<1x64x128xf32, #tpu.memory_space<vmem>> -> memref<64x128xf32, #tpu.memory_space<vmem>>
      tpu.wait_dma2 semaphore(%run_scoped3A_90 : memref<!tpu.dma_semaphore, #tpu.memory_space<semaphore_mem>>) src(%arg5 : memref<64x128xf32, #tpu.memory_space<hbm>>) dst(%dma_wait3A_105 : memref<64x128xf32, #tpu.memory_space<vmem>>)
      tpu.yield
    }) : () -> ()
    %mul3A_1 = arith.constant 640 : i32
    %mul3A_2 = arith.muli %arg1, %mul3A_1 : i32
    %add3A_3 = arith.constant 0 : i32
    %add3A_4 = arith.addi %mul3A_2, %add3A_3 : i32
    %run_scoped3A_5 = arith.constant 0 : i32
    "tpu.region"() ({
      %run_scoped3A_90 = tpu.sem_alloc : memref<!tpu.dma_semaphore, #tpu.memory_space<semaphore_mem>>
      %dma_start3A_91 = arith.constant 0 : i32
      %dma_start3A_92 = arith.constant 0 : i32
      %dma_start3A_93 = tpu.memref_slice %arg9[%run_scoped3A_5, %dma_start3A_91, %dma_start3A_92] : memref<2x64x128xf32, #tpu.memory_space<vmem>> -> memref<1x64x128xf32, #tpu.memory_space<vmem>>
      %dma_start3A_94 = tpu.memref_squeeze %dma_start3A_93 : memref<1x64x128xf32, #tpu.memory_space<vmem>> -> memref<64x128xf32, #tpu.memory_space<vmem>>
      %dma_start3A_95 = arith.constant 0 : i32
      %dma_start3A_96 = tpu.memref_slice %arg10[%add3A_4, %dma_start3A_95] : memref<10240x128xf32, #tpu.memory_space<vmem_shared>> -> memref<64x128xf32, #tpu.memory_space<vmem_shared>>
      %dma_start3A_97 = arith.constant 0 : i32
      %dma_start3A_98 = tpu.memref_slice %arg10[%add3A_4, %dma_start3A_97] : memref<10240x128xf32, #tpu.memory_space<vmem_shared>> -> memref<64x128xf32, #tpu.memory_space<vmem_shared>>
      %dma_start3A_99 = arith.constant 0 : i32
      %dma_start3A_100 = arith.constant 0 : i32
      %dma_start3A_101 = tpu.memref_slice %arg9[%run_scoped3A_5, %dma_start3A_99, %dma_start3A_100] : memref<2x64x128xf32, #tpu.memory_space<vmem>> -> memref<1x64x128xf32, #tpu.memory_space<vmem>>
      %dma_start3A_102 = tpu.memref_squeeze %dma_start3A_101 : memref<1x64x128xf32, #tpu.memory_space<vmem>> -> memref<64x128xf32, #tpu.memory_space<vmem>>
      tpu.enqueue_dma source(%dma_start3A_102 : memref<64x128xf32, #tpu.memory_space<vmem>>) target(%dma_start3A_98 : memref<64x128xf32, #tpu.memory_space<vmem_shared>>) target_semaphore(%run_scoped3A_90 : memref<!tpu.dma_semaphore, #tpu.memory_space<semaphore_mem>>)
      %dma_wait3A = arith.constant 0 : i32
      %dma_wait3A_103 = arith.constant 0 : i32
      %dma_wait3A_104 = tpu.memref_slice %arg9[%run_scoped3A_5, %dma_wait3A, %dma_wait3A_103] : memref<2x64x128xf32, #tpu.memory_space<vmem>> -> memref<1x64x128xf32, #tpu.memory_space<vmem>>
      %dma_wait3A_105 = tpu.memref_squeeze %dma_wait3A_104 : memref<1x64x128xf32, #tpu.memory_space<vmem>> -> memref<64x128xf32, #tpu.memory_space<vmem>>
      %dma_wait3A_106 = arith.constant 0 : i32
      %dma_wait3A_107 = tpu.memref_slice %arg10[%add3A_4, %dma_wait3A_106] : memref<10240x128xf32, #tpu.memory_space<vmem_shared>> -> memref<64x128xf32, #tpu.memory_space<vmem_shared>>
      %dma_wait3A_108 = arith.constant 0 : i32
      %dma_wait3A_109 = tpu.memref_slice %arg10[%add3A_4, %dma_wait3A_108] : memref<10240x128xf32, #tpu.memory_space<vmem_shared>> -> memref<64x128xf32, #tpu.memory_space<vmem_shared>>
      %dma_wait3A_110 = arith.constant 0 : i32
      %dma_wait3A_111 = arith.constant 0 : i32
      %dma_wait3A_112 = tpu.memref_slice %arg9[%run_scoped3A_5, %dma_wait3A_110, %dma_wait3A_111] : memref<2x64x128xf32, #tpu.memory_space<vmem>> -> memref<1x64x128xf32, #tpu.memory_space<vmem>>
      %dma_wait3A_113 = tpu.memref_squeeze %dma_wait3A_112 : memref<1x64x128xf32, #tpu.memory_space<vmem>> -> memref<64x128xf32, #tpu.memory_space<vmem>>
      tpu.wait_dma2 semaphore(%run_scoped3A_90 : memref<!tpu.dma_semaphore, #tpu.memory_space<semaphore_mem>>) src(%dma_wait3A_113 : memref<64x128xf32, #tpu.memory_space<vmem>>) dst(%dma_wait3A_109 : memref<64x128xf32, #tpu.memory_space<vmem_shared>>)
      tpu.yield
    }) : () -> ()
    %mul3A_6 = arith.constant 640 : i32
    %mul3A_7 = arith.muli %arg1, %mul3A_6 : i32
    %add3A_8 = arith.constant 64 : i32
    %add3A_9 = arith.addi %mul3A_7, %add3A_8 : i32
    %run_scoped3A_10 = arith.constant 0 : i32
    "tpu.region"() ({
      %run_scoped3A_90 = tpu.sem_alloc : memref<!tpu.dma_semaphore, #tpu.memory_space<semaphore_mem>>
      %dma_start3A_91 = arith.constant 0 : i32
      %dma_start3A_92 = arith.constant 0 : i32
      %dma_start3A_93 = tpu.memref_slice %arg9[%run_scoped3A_10, %dma_start3A_91, %dma_start3A_92] : memref<2x64x128xf32, #tpu.memory_space<vmem>> -> memref<1x64x128xf32, #tpu.memory_space<vmem>>
      %dma_start3A_94 = tpu.memref_squeeze %dma_start3A_93 : memref<1x64x128xf32, #tpu.memory_space<vmem>> -> memref<64x128xf32, #tpu.memory_space<vmem>>
      %dma_start3A_95 = arith.constant 0 : i32
      %dma_start3A_96 = tpu.memref_slice %arg10[%add3A_9, %dma_start3A_95] : memref<10240x128xf32, #tpu.memory_space<vmem_shared>> -> memref<64x128xf32, #tpu.memory_space<vmem_shared>>
      %dma_start3A_97 = arith.constant 0 : i32
      %dma_start3A_98 = tpu.memref_slice %arg10[%add3A_9, %dma_start3A_97] : memref<10240x128xf32, #tpu.memory_space<vmem_shared>> -> memref<64x128xf32, #tpu.memory_space<vmem_shared>>
      %dma_start3A_99 = arith.constant 0 : i32
      %dma_start3A_100 = arith.constant 0 : i32
      %dma_start3A_101 = tpu.memref_slice %arg9[%run_scoped3A_10, %dma_start3A_99, %dma_start3A_100] : memref<2x64x128xf32, #tpu.memory_space<vmem>> -> memref<1x64x128xf32, #tpu.memory_space<vmem>>
      %dma_start3A_102 = tpu.memref_squeeze %dma_start3A_101 : memref<1x64x128xf32, #tpu.memory_space<vmem>> -> memref<64x128xf32, #tpu.memory_space<vmem>>
      tpu.enqueue_dma source(%dma_start3A_102 : memref<64x128xf32, #tpu.memory_space<vmem>>) target(%dma_start3A_98 : memref<64x128xf32, #tpu.memory_space<vmem_shared>>) target_semaphore(%run_scoped3A_90 : memref<!tpu.dma_semaphore, #tpu.memory_space<semaphore_mem>>)
      %dma_wait3A = arith.constant 0 : i32
      %dma_wait3A_103 = arith.constant 0 : i32
      %dma_wait3A_104 = tpu.memref_slice %arg9[%run_scoped3A_10, %dma_wait3A, %dma_wait3A_103] : memref<2x64x128xf32, #tpu.memory_space<vmem>> -> memref<1x64x128xf32, #tpu.memory_space<vmem>>
      %dma_wait3A_105 = tpu.memref_squeeze %dma_wait3A_104 : memref<1x64x128xf32, #tpu.memory_space<vmem>> -> memref<64x128xf32, #tpu.memory_space<vmem>>
      %dma_wait3A_106 = arith.constant 0 : i32
      %dma_wait3A_107 = tpu.memref_slice %arg10[%add3A_9, %dma_wait3A_106] : memref<10240x128xf32, #tpu.memory_space<vmem_shared>> -> memref<64x128xf32, #tpu.memory_space<vmem_shared>>
      %dma_wait3A_108 = arith.constant 0 : i32
      %dma_wait3A_109 = tpu.memref_slice %arg10[%add3A_9, %dma_wait3A_108] : memref<10240x128xf32, #tpu.memory_space<vmem_shared>> -> memref<64x128xf32, #tpu.memory_space<vmem_shared>>
      %dma_wait3A_110 = arith.constant 0 : i32
      %dma_wait3A_111 = arith.constant 0 : i32
      %dma_wait3A_112 = tpu.memref_slice %arg9[%run_scoped3A_10, %dma_wait3A_110, %dma_wait3A_111] : memref<2x64x128xf32, #tpu.memory_space<vmem>> -> memref<1x64x128xf32, #tpu.memory_space<vmem>>
      %dma_wait3A_113 = tpu.memref_squeeze %dma_wait3A_112 : memref<1x64x128xf32, #tpu.memory_space<vmem>> -> memref<64x128xf32, #tpu.memory_space<vmem>>
      tpu.wait_dma2 semaphore(%run_scoped3A_90 : memref<!tpu.dma_semaphore, #tpu.memory_space<semaphore_mem>>) src(%dma_wait3A_113 : memref<64x128xf32, #tpu.memory_space<vmem>>) dst(%dma_wait3A_109 : memref<64x128xf32, #tpu.memory_space<vmem_shared>>)
      tpu.yield
    }) : () -> ()
    %mul3A_11 = arith.constant 640 : i32
    %mul3A_12 = arith.muli %arg1, %mul3A_11 : i32
    %add3A_13 = arith.constant 128 : i32
    %add3A_14 = arith.addi %mul3A_12, %add3A_13 : i32
    %run_scoped3A_15 = arith.constant 0 : i32
    "tpu.region"() ({
      %run_scoped3A_90 = tpu.sem_alloc : memref<!tpu.dma_semaphore, #tpu.memory_space<semaphore_mem>>
      %dma_start3A_91 = arith.constant 0 : i32
      %dma_start3A_92 = arith.constant 0 : i32
      %dma_start3A_93 = tpu.memref_slice %arg9[%run_scoped3A_15, %dma_start3A_91, %dma_start3A_92] : memref<2x64x128xf32, #tpu.memory_space<vmem>> -> memref<1x64x128xf32, #tpu.memory_space<vmem>>
      %dma_start3A_94 = tpu.memref_squeeze %dma_start3A_93 : memref<1x64x128xf32, #tpu.memory_space<vmem>> -> memref<64x128xf32, #tpu.memory_space<vmem>>
      %dma_start3A_95 = arith.constant 0 : i32
      %dma_start3A_96 = tpu.memref_slice %arg10[%add3A_14, %dma_start3A_95] : memref<10240x128xf32, #tpu.memory_space<vmem_shared>> -> memref<64x128xf32, #tpu.memory_space<vmem_shared>>
      %dma_start3A_97 = arith.constant 0 : i32
      %dma_start3A_98 = tpu.memref_slice %arg10[%add3A_14, %dma_start3A_97] : memref<10240x128xf32, #tpu.memory_space<vmem_shared>> -> memref<64x128xf32, #tpu.memory_space<vmem_shared>>
      %dma_start3A_99 = arith.constant 0 : i32
      %dma_start3A_100 = arith.constant 0 : i32
      %dma_start3A_101 = tpu.memref_slice %arg9[%run_scoped3A_15, %dma_start3A_99, %dma_start3A_100] : memref<2x64x128xf32, #tpu.memory_space<vmem>> -> memref<1x64x128xf32, #tpu.memory_space<vmem>>
      %dma_start3A_102 = tpu.memref_squeeze %dma_start3A_101 : memref<1x64x128xf32, #tpu.memory_space<vmem>> -> memref<64x128xf32, #tpu.memory_space<vmem>>
      tpu.enqueue_dma source(%dma_start3A_102 : memref<64x128xf32, #tpu.memory_space<vmem>>) target(%dma_start3A_98 : memref<64x128xf32, #tpu.memory_space<vmem_shared>>) target_semaphore(%run_scoped3A_90 : memref<!tpu.dma_semaphore, #tpu.memory_space<semaphore_mem>>)
      %dma_wait3A = arith.constant 0 : i32
      %dma_wait3A_103 = arith.constant 0 : i32
      %dma_wait3A_104 = tpu.memref_slice %arg9[%run_scoped3A_15, %dma_wait3A, %dma_wait3A_103] : memref<2x64x128xf32, #tpu.memory_space<vmem>> -> memref<1x64x128xf32, #tpu.memory_space<vmem>>
      %dma_wait3A_105 = tpu.memref_squeeze %dma_wait3A_104 : memref<1x64x128xf32, #tpu.memory_space<vmem>> -> memref<64x128xf32, #tpu.memory_space<vmem>>
      %dma_wait3A_106 = arith.constant 0 : i32
      %dma_wait3A_107 = tpu.memref_slice %arg10[%add3A_14, %dma_wait3A_106] : memref<10240x128xf32, #tpu.memory_space<vmem_shared>> -> memref<64x128xf32, #tpu.memory_space<vmem_shared>>
      %dma_wait3A_108 = arith.constant 0 : i32
      %dma_wait3A_109 = tpu.memref_slice %arg10[%add3A_14, %dma_wait3A_108] : memref<10240x128xf32, #tpu.memory_space<vmem_shared>> -> memref<64x128xf32, #tpu.memory_space<vmem_shared>>
      %dma_wait3A_110 = arith.constant 0 : i32
      %dma_wait3A_111 = arith.constant 0 : i32
      %dma_wait3A_112 = tpu.memref_slice %arg9[%run_scoped3A_15, %dma_wait3A_110, %dma_wait3A_111] : memref<2x64x128xf32, #tpu.memory_space<vmem>> -> memref<1x64x128xf32, #tpu.memory_space<vmem>>
      %dma_wait3A_113 = tpu.memref_squeeze %dma_wait3A_112 : memref<1x64x128xf32, #tpu.memory_space<vmem>> -> memref<64x128xf32, #tpu.memory_space<vmem>>
      tpu.wait_dma2 semaphore(%run_scoped3A_90 : memref<!tpu.dma_semaphore, #tpu.memory_space<semaphore_mem>>) src(%dma_wait3A_113 : memref<64x128xf32, #tpu.memory_space<vmem>>) dst(%dma_wait3A_109 : memref<64x128xf32, #tpu.memory_space<vmem_shared>>)
      tpu.yield
    }) : () -> ()
    %mul3A_16 = arith.constant 640 : i32
    %mul3A_17 = arith.muli %arg1, %mul3A_16 : i32
    %add3A_18 = arith.constant 192 : i32
    %add3A_19 = arith.addi %mul3A_17, %add3A_18 : i32
    %run_scoped3A_20 = arith.constant 0 : i32
    "tpu.region"() ({
      %run_scoped3A_90 = tpu.sem_alloc : memref<!tpu.dma_semaphore, #tpu.memory_space<semaphore_mem>>
      %dma_start3A_91 = arith.constant 0 : i32
      %dma_start3A_92 = arith.constant 0 : i32
      %dma_start3A_93 = tpu.memref_slice %arg9[%run_scoped3A_20, %dma_start3A_91, %dma_start3A_92] : memref<2x64x128xf32, #tpu.memory_space<vmem>> -> memref<1x64x128xf32, #tpu.memory_space<vmem>>
      %dma_start3A_94 = tpu.memref_squeeze %dma_start3A_93 : memref<1x64x128xf32, #tpu.memory_space<vmem>> -> memref<64x128xf32, #tpu.memory_space<vmem>>
      %dma_start3A_95 = arith.constant 0 : i32
      %dma_start3A_96 = tpu.memref_slice %arg10[%add3A_19, %dma_start3A_95] : memref<10240x128xf32, #tpu.memory_space<vmem_shared>> -> memref<64x128xf32, #tpu.memory_space<vmem_shared>>
      %dma_start3A_97 = arith.constant 0 : i32
      %dma_start3A_98 = tpu.memref_slice %arg10[%add3A_19, %dma_start3A_97] : memref<10240x128xf32, #tpu.memory_space<vmem_shared>> -> memref<64x128xf32, #tpu.memory_space<vmem_shared>>
      %dma_start3A_99 = arith.constant 0 : i32
      %dma_start3A_100 = arith.constant 0 : i32
      %dma_start3A_101 = tpu.memref_slice %arg9[%run_scoped3A_20, %dma_start3A_99, %dma_start3A_100] : memref<2x64x128xf32, #tpu.memory_space<vmem>> -> memref<1x64x128xf32, #tpu.memory_space<vmem>>
      %dma_start3A_102 = tpu.memref_squeeze %dma_start3A_101 : memref<1x64x128xf32, #tpu.memory_space<vmem>> -> memref<64x128xf32, #tpu.memory_space<vmem>>
      tpu.enqueue_dma source(%dma_start3A_102 : memref<64x128xf32, #tpu.memory_space<vmem>>) target(%dma_start3A_98 : memref<64x128xf32, #tpu.memory_space<vmem_shared>>) target_semaphore(%run_scoped3A_90 : memref<!tpu.dma_semaphore, #tpu.memory_space<semaphore_mem>>)
      %dma_wait3A = arith.constant 0 : i32
      %dma_wait3A_103 = arith.constant 0 : i32
      %dma_wait3A_104 = tpu.memref_slice %arg9[%run_scoped3A_20, %dma_wait3A, %dma_wait3A_103] : memref<2x64x128xf32, #tpu.memory_space<vmem>> -> memref<1x64x128xf32, #tpu.memory_space<vmem>>
      %dma_wait3A_105 = tpu.memref_squeeze %dma_wait3A_104 : memref<1x64x128xf32, #tpu.memory_space<vmem>> -> memref<64x128xf32, #tpu.memory_space<vmem>>
      %dma_wait3A_106 = arith.constant 0 : i32
      %dma_wait3A_107 = tpu.memref_slice %arg10[%add3A_19, %dma_wait3A_106] : memref<10240x128xf32, #tpu.memory_space<vmem_shared>> -> memref<64x128xf32, #tpu.memory_space<vmem_shared>>
      %dma_wait3A_108 = arith.constant 0 : i32
      %dma_wait3A_109 = tpu.memref_slice %arg10[%add3A_19, %dma_wait3A_108] : memref<10240x128xf32, #tpu.memory_space<vmem_shared>> -> memref<64x128xf32, #tpu.memory_space<vmem_shared>>
      %dma_wait3A_110 = arith.constant 0 : i32
      %dma_wait3A_111 = arith.constant 0 : i32
      %dma_wait3A_112 = tpu.memref_slice %arg9[%run_scoped3A_20, %dma_wait3A_110, %dma_wait3A_111] : memref<2x64x128xf32, #tpu.memory_space<vmem>> -> memref<1x64x128xf32, #tpu.memory_space<vmem>>
      %dma_wait3A_113 = tpu.memref_squeeze %dma_wait3A_112 : memref<1x64x128xf32, #tpu.memory_space<vmem>> -> memref<64x128xf32, #tpu.memory_space<vmem>>
      tpu.wait_dma2 semaphore(%run_scoped3A_90 : memref<!tpu.dma_semaphore, #tpu.memory_space<semaphore_mem>>) src(%dma_wait3A_113 : memref<64x128xf32, #tpu.memory_space<vmem>>) dst(%dma_wait3A_109 : memref<64x128xf32, #tpu.memory_space<vmem_shared>>)
      tpu.yield
    }) : () -> ()
    %mul3A_21 = arith.constant 640 : i32
    %mul3A_22 = arith.muli %arg1, %mul3A_21 : i32
    %add3A_23 = arith.constant 256 : i32
    %add3A_24 = arith.addi %mul3A_22, %add3A_23 : i32
    %run_scoped3A_25 = arith.constant 0 : i32
    "tpu.region"() ({
      %run_scoped3A_90 = tpu.sem_alloc : memref<!tpu.dma_semaphore, #tpu.memory_space<semaphore_mem>>
      %dma_start3A_91 = arith.constant 0 : i32
      %dma_start3A_92 = arith.constant 0 : i32
      %dma_start3A_93 = tpu.memref_slice %arg9[%run_scoped3A_25, %dma_start3A_91, %dma_start3A_92] : memref<2x64x128xf32, #tpu.memory_space<vmem>> -> memref<1x64x128xf32, #tpu.memory_space<vmem>>
      %dma_start3A_94 = tpu.memref_squeeze %dma_start3A_93 : memref<1x64x128xf32, #tpu.memory_space<vmem>> -> memref<64x128xf32, #tpu.memory_space<vmem>>
      %dma_start3A_95 = arith.constant 0 : i32
      %dma_start3A_96 = tpu.memref_slice %arg10[%add3A_24, %dma_start3A_95] : memref<10240x128xf32, #tpu.memory_space<vmem_shared>> -> memref<64x128xf32, #tpu.memory_space<vmem_shared>>
      %dma_start3A_97 = arith.constant 0 : i32
      %dma_start3A_98 = tpu.memref_slice %arg10[%add3A_24, %dma_start3A_97] : memref<10240x128xf32, #tpu.memory_space<vmem_shared>> -> memref<64x128xf32, #tpu.memory_space<vmem_shared>>
      %dma_start3A_99 = arith.constant 0 : i32
      %dma_start3A_100 = arith.constant 0 : i32
      %dma_start3A_101 = tpu.memref_slice %arg9[%run_scoped3A_25, %dma_start3A_99, %dma_start3A_100] : memref<2x64x128xf32, #tpu.memory_space<vmem>> -> memref<1x64x128xf32, #tpu.memory_space<vmem>>
      %dma_start3A_102 = tpu.memref_squeeze %dma_start3A_101 : memref<1x64x128xf32, #tpu.memory_space<vmem>> -> memref<64x128xf32, #tpu.memory_space<vmem>>
      tpu.enqueue_dma source(%dma_start3A_102 : memref<64x128xf32, #tpu.memory_space<vmem>>) target(%dma_start3A_98 : memref<64x128xf32, #tpu.memory_space<vmem_shared>>) target_semaphore(%run_scoped3A_90 : memref<!tpu.dma_semaphore, #tpu.memory_space<semaphore_mem>>)
      %dma_wait3A = arith.constant 0 : i32
      %dma_wait3A_103 = arith.constant 0 : i32
      %dma_wait3A_104 = tpu.memref_slice %arg9[%run_scoped3A_25, %dma_wait3A, %dma_wait3A_103] : memref<2x64x128xf32, #tpu.memory_space<vmem>> -> memref<1x64x128xf32, #tpu.memory_space<vmem>>
      %dma_wait3A_105 = tpu.memref_squeeze %dma_wait3A_104 : memref<1x64x128xf32, #tpu.memory_space<vmem>> -> memref<64x128xf32, #tpu.memory_space<vmem>>
      %dma_wait3A_106 = arith.constant 0 : i32
      %dma_wait3A_107 = tpu.memref_slice %arg10[%add3A_24, %dma_wait3A_106] : memref<10240x128xf32, #tpu.memory_space<vmem_shared>> -> memref<64x128xf32, #tpu.memory_space<vmem_shared>>
      %dma_wait3A_108 = arith.constant 0 : i32
      %dma_wait3A_109 = tpu.memref_slice %arg10[%add3A_24, %dma_wait3A_108] : memref<10240x128xf32, #tpu.memory_space<vmem_shared>> -> memref<64x128xf32, #tpu.memory_space<vmem_shared>>
      %dma_wait3A_110 = arith.constant 0 : i32
      %dma_wait3A_111 = arith.constant 0 : i32
      %dma_wait3A_112 = tpu.memref_slice %arg9[%run_scoped3A_25, %dma_wait3A_110, %dma_wait3A_111] : memref<2x64x128xf32, #tpu.memory_space<vmem>> -> memref<1x64x128xf32, #tpu.memory_space<vmem>>
      %dma_wait3A_113 = tpu.memref_squeeze %dma_wait3A_112 : memref<1x64x128xf32, #tpu.memory_space<vmem>> -> memref<64x128xf32, #tpu.memory_space<vmem>>
      tpu.wait_dma2 semaphore(%run_scoped3A_90 : memref<!tpu.dma_semaphore, #tpu.memory_space<semaphore_mem>>) src(%dma_wait3A_113 : memref<64x128xf32, #tpu.memory_space<vmem>>) dst(%dma_wait3A_109 : memref<64x128xf32, #tpu.memory_space<vmem_shared>>)
      tpu.yield
    }) : () -> ()
    %mul3A_26 = arith.constant 640 : i32
    %mul3A_27 = arith.muli %arg1, %mul3A_26 : i32
    %add3A_28 = arith.constant 320 : i32
    %add3A_29 = arith.addi %mul3A_27, %add3A_28 : i32
    %run_scoped3A_30 = arith.constant 0 : i32
    "tpu.region"() ({
      %run_scoped3A_90 = tpu.sem_alloc : memref<!tpu.dma_semaphore, #tpu.memory_space<semaphore_mem>>
      %dma_start3A_91 = arith.constant 0 : i32
      %dma_start3A_92 = arith.constant 0 : i32
      %dma_start3A_93 = tpu.memref_slice %arg9[%run_scoped3A_30, %dma_start3A_91, %dma_start3A_92] : memref<2x64x128xf32, #tpu.memory_space<vmem>> -> memref<1x64x128xf32, #tpu.memory_space<vmem>>
      %dma_start3A_94 = tpu.memref_squeeze %dma_start3A_93 : memref<1x64x128xf32, #tpu.memory_space<vmem>> -> memref<64x128xf32, #tpu.memory_space<vmem>>
      %dma_start3A_95 = arith.constant 0 : i32
      %dma_start3A_96 = tpu.memref_slice %arg10[%add3A_29, %dma_start3A_95] : memref<10240x128xf32, #tpu.memory_space<vmem_shared>> -> memref<64x128xf32, #tpu.memory_space<vmem_shared>>
      %dma_start3A_97 = arith.constant 0 : i32
      %dma_start3A_98 = tpu.memref_slice %arg10[%add3A_29, %dma_start3A_97] : memref<10240x128xf32, #tpu.memory_space<vmem_shared>> -> memref<64x128xf32, #tpu.memory_space<vmem_shared>>
      %dma_start3A_99 = arith.constant 0 : i32
      %dma_start3A_100 = arith.constant 0 : i32
      %dma_start3A_101 = tpu.memref_slice %arg9[%run_scoped3A_30, %dma_start3A_99, %dma_start3A_100] : memref<2x64x128xf32, #tpu.memory_space<vmem>> -> memref<1x64x128xf32, #tpu.memory_space<vmem>>
      %dma_start3A_102 = tpu.memref_squeeze %dma_start3A_101 : memref<1x64x128xf32, #tpu.memory_space<vmem>> -> memref<64x128xf32, #tpu.memory_space<vmem>>
      tpu.enqueue_dma source(%dma_start3A_102 : memref<64x128xf32, #tpu.memory_space<vmem>>) target(%dma_start3A_98 : memref<64x128xf32, #tpu.memory_space<vmem_shared>>) target_semaphore(%run_scoped3A_90 : memref<!tpu.dma_semaphore, #tpu.memory_space<semaphore_mem>>)
      %dma_wait3A = arith.constant 0 : i32
      %dma_wait3A_103 = arith.constant 0 : i32
      %dma_wait3A_104 = tpu.memref_slice %arg9[%run_scoped3A_30, %dma_wait3A, %dma_wait3A_103] : memref<2x64x128xf32, #tpu.memory_space<vmem>> -> memref<1x64x128xf32, #tpu.memory_space<vmem>>
      %dma_wait3A_105 = tpu.memref_squeeze %dma_wait3A_104 : memref<1x64x128xf32, #tpu.memory_space<vmem>> -> memref<64x128xf32, #tpu.memory_space<vmem>>
      %dma_wait3A_106 = arith.constant 0 : i32
      %dma_wait3A_107 = tpu.memref_slice %arg10[%add3A_29, %dma_wait3A_106] : memref<10240x128xf32, #tpu.memory_space<vmem_shared>> -> memref<64x128xf32, #tpu.memory_space<vmem_shared>>
      %dma_wait3A_108 = arith.constant 0 : i32
      %dma_wait3A_109 = tpu.memref_slice %arg10[%add3A_29, %dma_wait3A_108] : memref<10240x128xf32, #tpu.memory_space<vmem_shared>> -> memref<64x128xf32, #tpu.memory_space<vmem_shared>>
      %dma_wait3A_110 = arith.constant 0 : i32
      %dma_wait3A_111 = arith.constant 0 : i32
      %dma_wait3A_112 = tpu.memref_slice %arg9[%run_scoped3A_30, %dma_wait3A_110, %dma_wait3A_111] : memref<2x64x128xf32, #tpu.memory_space<vmem>> -> memref<1x64x128xf32, #tpu.memory_space<vmem>>
      %dma_wait3A_113 = tpu.memref_squeeze %dma_wait3A_112 : memref<1x64x128xf32, #tpu.memory_space<vmem>> -> memref<64x128xf32, #tpu.memory_space<vmem>>
      tpu.wait_dma2 semaphore(%run_scoped3A_90 : memref<!tpu.dma_semaphore, #tpu.memory_space<semaphore_mem>>) src(%dma_wait3A_113 : memref<64x128xf32, #tpu.memory_space<vmem>>) dst(%dma_wait3A_109 : memref<64x128xf32, #tpu.memory_space<vmem_shared>>)
      tpu.yield
    }) : () -> ()
    %mul3A_31 = arith.constant 640 : i32
    %mul3A_32 = arith.muli %arg1, %mul3A_31 : i32
    %add3A_33 = arith.constant 384 : i32
    %add3A_34 = arith.addi %mul3A_32, %add3A_33 : i32
    %run_scoped3A_35 = arith.constant 0 : i32
    "tpu.region"() ({
      %run_scoped3A_90 = tpu.sem_alloc : memref<!tpu.dma_semaphore, #tpu.memory_space<semaphore_mem>>
      %dma_start3A_91 = arith.constant 0 : i32
      %dma_start3A_92 = arith.constant 0 : i32
      %dma_start3A_93 = tpu.memref_slice %arg9[%run_scoped3A_35, %dma_start3A_91, %dma_start3A_92] : memref<2x64x128xf32, #tpu.memory_space<vmem>> -> memref<1x64x128xf32, #tpu.memory_space<vmem>>
      %dma_start3A_94 = tpu.memref_squeeze %dma_start3A_93 : memref<1x64x128xf32, #tpu.memory_space<vmem>> -> memref<64x128xf32, #tpu.memory_space<vmem>>
      %dma_start3A_95 = arith.constant 0 : i32
      %dma_start3A_96 = tpu.memref_slice %arg10[%add3A_34, %dma_start3A_95] : memref<10240x128xf32, #tpu.memory_space<vmem_shared>> -> memref<64x128xf32, #tpu.memory_space<vmem_shared>>
      %dma_start3A_97 = arith.constant 0 : i32
      %dma_start3A_98 = tpu.memref_slice %arg10[%add3A_34, %dma_start3A_97] : memref<10240x128xf32, #tpu.memory_space<vmem_shared>> -> memref<64x128xf32, #tpu.memory_space<vmem_shared>>
      %dma_start3A_99 = arith.constant 0 : i32
      %dma_start3A_100 = arith.constant 0 : i32
      %dma_start3A_101 = tpu.memref_slice %arg9[%run_scoped3A_35, %dma_start3A_99, %dma_start3A_100] : memref<2x64x128xf32, #tpu.memory_space<vmem>> -> memref<1x64x128xf32, #tpu.memory_space<vmem>>
      %dma_start3A_102 = tpu.memref_squeeze %dma_start3A_101 : memref<1x64x128xf32, #tpu.memory_space<vmem>> -> memref<64x128xf32, #tpu.memory_space<vmem>>
      tpu.enqueue_dma source(%dma_start3A_102 : memref<64x128xf32, #tpu.memory_space<vmem>>) target(%dma_start3A_98 : memref<64x128xf32, #tpu.memory_space<vmem_shared>>) target_semaphore(%run_scoped3A_90 : memref<!tpu.dma_semaphore, #tpu.memory_space<semaphore_mem>>)
      %dma_wait3A = arith.constant 0 : i32
      %dma_wait3A_103 = arith.constant 0 : i32
      %dma_wait3A_104 = tpu.memref_slice %arg9[%run_scoped3A_35, %dma_wait3A, %dma_wait3A_103] : memref<2x64x128xf32, #tpu.memory_space<vmem>> -> memref<1x64x128xf32, #tpu.memory_space<vmem>>
      %dma_wait3A_105 = tpu.memref_squeeze %dma_wait3A_104 : memref<1x64x128xf32, #tpu.memory_space<vmem>> -> memref<64x128xf32, #tpu.memory_space<vmem>>
      %dma_wait3A_106 = arith.constant 0 : i32
      %dma_wait3A_107 = tpu.memref_slice %arg10[%add3A_34, %dma_wait3A_106] : memref<10240x128xf32, #tpu.memory_space<vmem_shared>> -> memref<64x128xf32, #tpu.memory_space<vmem_shared>>
      %dma_wait3A_108 = arith.constant 0 : i32
      %dma_wait3A_109 = tpu.memref_slice %arg10[%add3A_34, %dma_wait3A_108] : memref<10240x128xf32, #tpu.memory_space<vmem_shared>> -> memref<64x128xf32, #tpu.memory_space<vmem_shared>>
      %dma_wait3A_110 = arith.constant 0 : i32
      %dma_wait3A_111 = arith.constant 0 : i32
      %dma_wait3A_112 = tpu.memref_slice %arg9[%run_scoped3A_35, %dma_wait3A_110, %dma_wait3A_111] : memref<2x64x128xf32, #tpu.memory_space<vmem>> -> memref<1x64x128xf32, #tpu.memory_space<vmem>>
      %dma_wait3A_113 = tpu.memref_squeeze %dma_wait3A_112 : memref<1x64x128xf32, #tpu.memory_space<vmem>> -> memref<64x128xf32, #tpu.memory_space<vmem>>
      tpu.wait_dma2 semaphore(%run_scoped3A_90 : memref<!tpu.dma_semaphore, #tpu.memory_space<semaphore_mem>>) src(%dma_wait3A_113 : memref<64x128xf32, #tpu.memory_space<vmem>>) dst(%dma_wait3A_109 : memref<64x128xf32, #tpu.memory_space<vmem_shared>>)
      tpu.yield
    }) : () -> ()
    %mul3A_36 = arith.constant 640 : i32
    %mul3A_37 = arith.muli %arg1, %mul3A_36 : i32
    %add3A_38 = arith.constant 448 : i32
    %add3A_39 = arith.addi %mul3A_37, %add3A_38 : i32
    %run_scoped3A_40 = arith.constant 0 : i32
    "tpu.region"() ({
      %run_scoped3A_90 = tpu.sem_alloc : memref<!tpu.dma_semaphore, #tpu.memory_space<semaphore_mem>>
      %dma_start3A_91 = arith.constant 0 : i32
      %dma_start3A_92 = arith.constant 0 : i32
      %dma_start3A_93 = tpu.memref_slice %arg9[%run_scoped3A_40, %dma_start3A_91, %dma_start3A_92] : memref<2x64x128xf32, #tpu.memory_space<vmem>> -> memref<1x64x128xf32, #tpu.memory_space<vmem>>
      %dma_start3A_94 = tpu.memref_squeeze %dma_start3A_93 : memref<1x64x128xf32, #tpu.memory_space<vmem>> -> memref<64x128xf32, #tpu.memory_space<vmem>>
      %dma_start3A_95 = arith.constant 0 : i32
      %dma_start3A_96 = tpu.memref_slice %arg10[%add3A_39, %dma_start3A_95] : memref<10240x128xf32, #tpu.memory_space<vmem_shared>> -> memref<64x128xf32, #tpu.memory_space<vmem_shared>>
      %dma_start3A_97 = arith.constant 0 : i32
      %dma_start3A_98 = tpu.memref_slice %arg10[%add3A_39, %dma_start3A_97] : memref<10240x128xf32, #tpu.memory_space<vmem_shared>> -> memref<64x128xf32, #tpu.memory_space<vmem_shared>>
      %dma_start3A_99 = arith.constant 0 : i32
      %dma_start3A_100 = arith.constant 0 : i32
      %dma_start3A_101 = tpu.memref_slice %arg9[%run_scoped3A_40, %dma_start3A_99, %dma_start3A_100] : memref<2x64x128xf32, #tpu.memory_space<vmem>> -> memref<1x64x128xf32, #tpu.memory_space<vmem>>
      %dma_start3A_102 = tpu.memref_squeeze %dma_start3A_101 : memref<1x64x128xf32, #tpu.memory_space<vmem>> -> memref<64x128xf32, #tpu.memory_space<vmem>>
      tpu.enqueue_dma source(%dma_start3A_102 : memref<64x128xf32, #tpu.memory_space<vmem>>) target(%dma_start3A_98 : memref<64x128xf32, #tpu.memory_space<vmem_shared>>) target_semaphore(%run_scoped3A_90 : memref<!tpu.dma_semaphore, #tpu.memory_space<semaphore_mem>>)
      %dma_wait3A = arith.constant 0 : i32
      %dma_wait3A_103 = arith.constant 0 : i32
      %dma_wait3A_104 = tpu.memref_slice %arg9[%run_scoped3A_40, %dma_wait3A, %dma_wait3A_103] : memref<2x64x128xf32, #tpu.memory_space<vmem>> -> memref<1x64x128xf32, #tpu.memory_space<vmem>>
      %dma_wait3A_105 = tpu.memref_squeeze %dma_wait3A_104 : memref<1x64x128xf32, #tpu.memory_space<vmem>> -> memref<64x128xf32, #tpu.memory_space<vmem>>
      %dma_wait3A_106 = arith.constant 0 : i32
      %dma_wait3A_107 = tpu.memref_slice %arg10[%add3A_39, %dma_wait3A_106] : memref<10240x128xf32, #tpu.memory_space<vmem_shared>> -> memref<64x128xf32, #tpu.memory_space<vmem_shared>>
      %dma_wait3A_108 = arith.constant 0 : i32
      %dma_wait3A_109 = tpu.memref_slice %arg10[%add3A_39, %dma_wait3A_108] : memref<10240x128xf32, #tpu.memory_space<vmem_shared>> -> memref<64x128xf32, #tpu.memory_space<vmem_shared>>
      %dma_wait3A_110 = arith.constant 0 : i32
      %dma_wait3A_111 = arith.constant 0 : i32
      %dma_wait3A_112 = tpu.memref_slice %arg9[%run_scoped3A_40, %dma_wait3A_110, %dma_wait3A_111] : memref<2x64x128xf32, #tpu.memory_space<vmem>> -> memref<1x64x128xf32, #tpu.memory_space<vmem>>
      %dma_wait3A_113 = tpu.memref_squeeze %dma_wait3A_112 : memref<1x64x128xf32, #tpu.memory_space<vmem>> -> memref<64x128xf32, #tpu.memory_space<vmem>>
      tpu.wait_dma2 semaphore(%run_scoped3A_90 : memref<!tpu.dma_semaphore, #tpu.memory_space<semaphore_mem>>) src(%dma_wait3A_113 : memref<64x128xf32, #tpu.memory_space<vmem>>) dst(%dma_wait3A_109 : memref<64x128xf32, #tpu.memory_space<vmem_shared>>)
      tpu.yield
    }) : () -> ()
    %mul3A_41 = arith.constant 640 : i32
    %mul3A_42 = arith.muli %arg1, %mul3A_41 : i32
    %add3A_43 = arith.constant 512 : i32
    %add3A_44 = arith.addi %mul3A_42, %add3A_43 : i32
    %run_scoped3A_45 = arith.constant 0 : i32
    "tpu.region"() ({
      %run_scoped3A_90 = tpu.sem_alloc : memref<!tpu.dma_semaphore, #tpu.memory_space<semaphore_mem>>
      %dma_start3A_91 = arith.constant 0 : i32
      %dma_start3A_92 = arith.constant 0 : i32
      %dma_start3A_93 = tpu.memref_slice %arg9[%run_scoped3A_45, %dma_start3A_91, %dma_start3A_92] : memref<2x64x128xf32, #tpu.memory_space<vmem>> -> memref<1x64x128xf32, #tpu.memory_space<vmem>>
      %dma_start3A_94 = tpu.memref_squeeze %dma_start3A_93 : memref<1x64x128xf32, #tpu.memory_space<vmem>> -> memref<64x128xf32, #tpu.memory_space<vmem>>
      %dma_start3A_95 = arith.constant 0 : i32
      %dma_start3A_96 = tpu.memref_slice %arg10[%add3A_44, %dma_start3A_95] : memref<10240x128xf32, #tpu.memory_space<vmem_shared>> -> memref<64x128xf32, #tpu.memory_space<vmem_shared>>
      %dma_start3A_97 = arith.constant 0 : i32
      %dma_start3A_98 = tpu.memref_slice %arg10[%add3A_44, %dma_start3A_97] : memref<10240x128xf32, #tpu.memory_space<vmem_shared>> -> memref<64x128xf32, #tpu.memory_space<vmem_shared>>
      %dma_start3A_99 = arith.constant 0 : i32
      %dma_start3A_100 = arith.constant 0 : i32
      %dma_start3A_101 = tpu.memref_slice %arg9[%run_scoped3A_45, %dma_start3A_99, %dma_start3A_100] : memref<2x64x128xf32, #tpu.memory_space<vmem>> -> memref<1x64x128xf32, #tpu.memory_space<vmem>>
      %dma_start3A_102 = tpu.memref_squeeze %dma_start3A_101 : memref<1x64x128xf32, #tpu.memory_space<vmem>> -> memref<64x128xf32, #tpu.memory_space<vmem>>
      tpu.enqueue_dma source(%dma_start3A_102 : memref<64x128xf32, #tpu.memory_space<vmem>>) target(%dma_start3A_98 : memref<64x128xf32, #tpu.memory_space<vmem_shared>>) target_semaphore(%run_scoped3A_90 : memref<!tpu.dma_semaphore, #tpu.memory_space<semaphore_mem>>)
      %dma_wait3A = arith.constant 0 : i32
      %dma_wait3A_103 = arith.constant 0 : i32
      %dma_wait3A_104 = tpu.memref_slice %arg9[%run_scoped3A_45, %dma_wait3A, %dma_wait3A_103] : memref<2x64x128xf32, #tpu.memory_space<vmem>> -> memref<1x64x128xf32, #tpu.memory_space<vmem>>
      %dma_wait3A_105 = tpu.memref_squeeze %dma_wait3A_104 : memref<1x64x128xf32, #tpu.memory_space<vmem>> -> memref<64x128xf32, #tpu.memory_space<vmem>>
      %dma_wait3A_106 = arith.constant 0 : i32
      %dma_wait3A_107 = tpu.memref_slice %arg10[%add3A_44, %dma_wait3A_106] : memref<10240x128xf32, #tpu.memory_space<vmem_shared>> -> memref<64x128xf32, #tpu.memory_space<vmem_shared>>
      %dma_wait3A_108 = arith.constant 0 : i32
      %dma_wait3A_109 = tpu.memref_slice %arg10[%add3A_44, %dma_wait3A_108] : memref<10240x128xf32, #tpu.memory_space<vmem_shared>> -> memref<64x128xf32, #tpu.memory_space<vmem_shared>>
      %dma_wait3A_110 = arith.constant 0 : i32
      %dma_wait3A_111 = arith.constant 0 : i32
      %dma_wait3A_112 = tpu.memref_slice %arg9[%run_scoped3A_45, %dma_wait3A_110, %dma_wait3A_111] : memref<2x64x128xf32, #tpu.memory_space<vmem>> -> memref<1x64x128xf32, #tpu.memory_space<vmem>>
      %dma_wait3A_113 = tpu.memref_squeeze %dma_wait3A_112 : memref<1x64x128xf32, #tpu.memory_space<vmem>> -> memref<64x128xf32, #tpu.memory_space<vmem>>
      tpu.wait_dma2 semaphore(%run_scoped3A_90 : memref<!tpu.dma_semaphore, #tpu.memory_space<semaphore_mem>>) src(%dma_wait3A_113 : memref<64x128xf32, #tpu.memory_space<vmem>>) dst(%dma_wait3A_109 : memref<64x128xf32, #tpu.memory_space<vmem_shared>>)
      tpu.yield
    }) : () -> ()
    %mul3A_46 = arith.constant 640 : i32
    %mul3A_47 = arith.muli %arg1, %mul3A_46 : i32
    %add3A_48 = arith.constant 576 : i32
    %add3A_49 = arith.addi %mul3A_47, %add3A_48 : i32
    %run_scoped3A_50 = arith.constant 0 : i32
    "tpu.region"() ({
      %run_scoped3A_90 = tpu.sem_alloc : memref<!tpu.dma_semaphore, #tpu.memory_space<semaphore_mem>>
      %dma_start3A_91 = arith.constant 0 : i32
      %dma_start3A_92 = arith.constant 0 : i32
      %dma_start3A_93 = tpu.memref_slice %arg9[%run_scoped3A_50, %dma_start3A_91, %dma_start3A_92] : memref<2x64x128xf32, #tpu.memory_space<vmem>> -> memref<1x64x128xf32, #tpu.memory_space<vmem>>
      %dma_start3A_94 = tpu.memref_squeeze %dma_start3A_93 : memref<1x64x128xf32, #tpu.memory_space<vmem>> -> memref<64x128xf32, #tpu.memory_space<vmem>>
      %dma_start3A_95 = arith.constant 0 : i32
      %dma_start3A_96 = tpu.memref_slice %arg10[%add3A_49, %dma_start3A_95] : memref<10240x128xf32, #tpu.memory_space<vmem_shared>> -> memref<64x128xf32, #tpu.memory_space<vmem_shared>>
      %dma_start3A_97 = arith.constant 0 : i32
      %dma_start3A_98 = tpu.memref_slice %arg10[%add3A_49, %dma_start3A_97] : memref<10240x128xf32, #tpu.memory_space<vmem_shared>> -> memref<64x128xf32, #tpu.memory_space<vmem_shared>>
      %dma_start3A_99 = arith.constant 0 : i32
      %dma_start3A_100 = arith.constant 0 : i32
      %dma_start3A_101 = tpu.memref_slice %arg9[%run_scoped3A_50, %dma_start3A_99, %dma_start3A_100] : memref<2x64x128xf32, #tpu.memory_space<vmem>> -> memref<1x64x128xf32, #tpu.memory_space<vmem>>
      %dma_start3A_102 = tpu.memref_squeeze %dma_start3A_101 : memref<1x64x128xf32, #tpu.memory_space<vmem>> -> memref<64x128xf32, #tpu.memory_space<vmem>>
      tpu.enqueue_dma source(%dma_start3A_102 : memref<64x128xf32, #tpu.memory_space<vmem>>) target(%dma_start3A_98 : memref<64x128xf32, #tpu.memory_space<vmem_shared>>) target_semaphore(%run_scoped3A_90 : memref<!tpu.dma_semaphore, #tpu.memory_space<semaphore_mem>>)
      %dma_wait3A = arith.constant 0 : i32
      %dma_wait3A_103 = arith.constant 0 : i32
      %dma_wait3A_104 = tpu.memref_slice %arg9[%run_scoped3A_50, %dma_wait3A, %dma_wait3A_103] : memref<2x64x128xf32, #tpu.memory_space<vmem>> -> memref<1x64x128xf32, #tpu.memory_space<vmem>>
      %dma_wait3A_105 = tpu.memref_squeeze %dma_wait3A_104 : memref<1x64x128xf32, #tpu.memory_space<vmem>> -> memref<64x128xf32, #tpu.memory_space<vmem>>
      %dma_wait3A_106 = arith.constant 0 : i32
      %dma_wait3A_107 = tpu.memref_slice %arg10[%add3A_49, %dma_wait3A_106] : memref<10240x128xf32, #tpu.memory_space<vmem_shared>> -> memref<64x128xf32, #tpu.memory_space<vmem_shared>>
      %dma_wait3A_108 = arith.constant 0 : i32
      %dma_wait3A_109 = tpu.memref_slice %arg10[%add3A_49, %dma_wait3A_108] : memref<10240x128xf32, #tpu.memory_space<vmem_shared>> -> memref<64x128xf32, #tpu.memory_space<vmem_shared>>
      %dma_wait3A_110 = arith.constant 0 : i32
      %dma_wait3A_111 = arith.constant 0 : i32
      %dma_wait3A_112 = tpu.memref_slice %arg9[%run_scoped3A_50, %dma_wait3A_110, %dma_wait3A_111] : memref<2x64x128xf32, #tpu.memory_space<vmem>> -> memref<1x64x128xf32, #tpu.memory_space<vmem>>
      %dma_wait3A_113 = tpu.memref_squeeze %dma_wait3A_112 : memref<1x64x128xf32, #tpu.memory_space<vmem>> -> memref<64x128xf32, #tpu.memory_space<vmem>>
      tpu.wait_dma2 semaphore(%run_scoped3A_90 : memref<!tpu.dma_semaphore, #tpu.memory_space<semaphore_mem>>) src(%dma_wait3A_113 : memref<64x128xf32, #tpu.memory_space<vmem>>) dst(%dma_wait3A_109 : memref<64x128xf32, #tpu.memory_space<vmem_shared>>)
      tpu.yield
    }) : () -> ()
    %barrier3A = arith.constant 0 : index
    tpu.barrier barrier_id(%barrier3A)
    "tpu.region"() ({
      %run_scoped3A_90 = tpu.sem_alloc : memref<!tpu.dma_semaphore, #tpu.memory_space<semaphore_mem>>
      %dma_start3A_91 = arith.constant 0 : i32
      %dma_start3A_92 = arith.constant 0 : i32
      %dma_start3A_93 = tpu.memref_slice %arg3[%add3A, %dma_start3A_91, %dma_start3A_92] : memref<32x160x64xi32, #tpu.memory_space<hbm>> -> memref<1x80x64xi32, #tpu.memory_space<hbm>>
      %dma_start3A_94 = tpu.memref_squeeze %dma_start3A_93 : memref<1x80x64xi32, #tpu.memory_space<hbm>> -> memref<80x64xi32, #tpu.memory_space<hbm>>
      %dma_start3A_95 = arith.constant 0 : i32
      %dma_start3A_96 = arith.constant 0 : i32
      %dma_start3A_97 = tpu.memref_slice %arg3[%add3A, %dma_start3A_95, %dma_start3A_96] : memref<32x160x64xi32, #tpu.memory_space<hbm>> -> memref<1x80x64xi32, #tpu.memory_space<hbm>>
      %dma_start3A_98 = tpu.memref_squeeze %dma_start3A_97 : memref<1x80x64xi32, #tpu.memory_space<hbm>> -> memref<80x64xi32, #tpu.memory_space<hbm>>
      tpu.enqueue_dma source(%dma_start3A_98 : memref<80x64xi32, #tpu.memory_space<hbm>>) target(%arg7 : memref<80x64xi32, #tpu.memory_space<vmem>>) target_semaphore(%run_scoped3A_90 : memref<!tpu.dma_semaphore, #tpu.memory_space<semaphore_mem>>)
      %dma_wait3A = arith.constant 0 : i32
      %dma_wait3A_99 = arith.constant 0 : i32
      %dma_wait3A_100 = tpu.memref_slice %arg3[%add3A, %dma_wait3A, %dma_wait3A_99] : memref<32x160x64xi32, #tpu.memory_space<hbm>> -> memref<1x80x64xi32, #tpu.memory_space<hbm>>
      %dma_wait3A_101 = tpu.memref_squeeze %dma_wait3A_100 : memref<1x80x64xi32, #tpu.memory_space<hbm>> -> memref<80x64xi32, #tpu.memory_space<hbm>>
      %dma_wait3A_102 = arith.constant 0 : i32
      %dma_wait3A_103 = arith.constant 0 : i32
      %dma_wait3A_104 = tpu.memref_slice %arg3[%add3A, %dma_wait3A_102, %dma_wait3A_103] : memref<32x160x64xi32, #tpu.memory_space<hbm>> -> memref<1x80x64xi32, #tpu.memory_space<hbm>>
      %dma_wait3A_105 = tpu.memref_squeeze %dma_wait3A_104 : memref<1x80x64xi32, #tpu.memory_space<hbm>> -> memref<80x64xi32, #tpu.memory_space<hbm>>
      tpu.wait_dma2 semaphore(%run_scoped3A_90 : memref<!tpu.dma_semaphore, #tpu.memory_space<semaphore_mem>>) src(%dma_wait3A_105 : memref<80x64xi32, #tpu.memory_space<hbm>>) dst(%arg7 : memref<80x64xi32, #tpu.memory_space<vmem>>)
      tpu.yield
    }) : () -> ()
    "tpu.region"() ({
      %run_scoped3A_90 = tpu.sem_alloc : memref<!tpu.dma_semaphore, #tpu.memory_space<semaphore_mem>>
      %dma_start3A_91 = arith.constant 0 : i32
      %dma_start3A_92 = arith.constant 0 : i32
      %dma_start3A_93 = tpu.memref_slice %arg4[%add3A, %dma_start3A_91, %dma_start3A_92] : memref<32x160x64xi32, #tpu.memory_space<hbm>> -> memref<1x80x64xi32, #tpu.memory_space<hbm>>
      %dma_start3A_94 = tpu.memref_squeeze %dma_start3A_93 : memref<1x80x64xi32, #tpu.memory_space<hbm>> -> memref<80x64xi32, #tpu.memory_space<hbm>>
      %dma_start3A_95 = arith.constant 0 : i32
      %dma_start3A_96 = arith.constant 0 : i32
      %dma_start3A_97 = tpu.memref_slice %arg4[%add3A, %dma_start3A_95, %dma_start3A_96] : memref<32x160x64xi32, #tpu.memory_space<hbm>> -> memref<1x80x64xi32, #tpu.memory_space<hbm>>
      %dma_start3A_98 = tpu.memref_squeeze %dma_start3A_97 : memref<1x80x64xi32, #tpu.memory_space<hbm>> -> memref<80x64xi32, #tpu.memory_space<hbm>>
      tpu.enqueue_dma source(%dma_start3A_98 : memref<80x64xi32, #tpu.memory_space<hbm>>) target(%arg8 : memref<80x64xi32, #tpu.memory_space<vmem>>) target_semaphore(%run_scoped3A_90 : memref<!tpu.dma_semaphore, #tpu.memory_space<semaphore_mem>>)
      %dma_wait3A = arith.constant 0 : i32
      %dma_wait3A_99 = arith.constant 0 : i32
      %dma_wait3A_100 = tpu.memref_slice %arg4[%add3A, %dma_wait3A, %dma_wait3A_99] : memref<32x160x64xi32, #tpu.memory_space<hbm>> -> memref<1x80x64xi32, #tpu.memory_space<hbm>>
      %dma_wait3A_101 = tpu.memref_squeeze %dma_wait3A_100 : memref<1x80x64xi32, #tpu.memory_space<hbm>> -> memref<80x64xi32, #tpu.memory_space<hbm>>
      %dma_wait3A_102 = arith.constant 0 : i32
      %dma_wait3A_103 = arith.constant 0 : i32
      %dma_wait3A_104 = tpu.memref_slice %arg4[%add3A, %dma_wait3A_102, %dma_wait3A_103] : memref<32x160x64xi32, #tpu.memory_space<hbm>> -> memref<1x80x64xi32, #tpu.memory_space<hbm>>
      %dma_wait3A_105 = tpu.memref_squeeze %dma_wait3A_104 : memref<1x80x64xi32, #tpu.memory_space<hbm>> -> memref<80x64xi32, #tpu.memory_space<hbm>>
      tpu.wait_dma2 semaphore(%run_scoped3A_90 : memref<!tpu.dma_semaphore, #tpu.memory_space<semaphore_mem>>) src(%dma_wait3A_105 : memref<80x64xi32, #tpu.memory_space<hbm>>) dst(%arg8 : memref<80x64xi32, #tpu.memory_space<vmem>>)
      tpu.yield
    }) : () -> ()
    %dma_start3A = arith.constant 0 : i32
    %dma_start3A_51 = arith.constant 0 : i32
    %dma_start3A_52 = arith.constant 0 : i32
    %dma_start3A_53 = arith.constant 0 : i32
    %dma_start3A_54 = tpu.memref_slice %arg9[%dma_start3A_51, %dma_start3A_52, %dma_start3A_53] : memref<2x64x128xf32, #tpu.memory_space<vmem>> -> memref<1x64x128xf32, #tpu.memory_space<vmem>>
    %dma_start3A_55 = tpu.memref_squeeze %dma_start3A_54 : memref<1x64x128xf32, #tpu.memory_space<vmem>> -> memref<64x128xf32, #tpu.memory_space<vmem>>
    %dma_start3A_56 = arith.constant 0 : i32
    %dma_start3A_57 = tpu.memref_slice %arg7[%dma_start3A, %dma_start3A_56] : memref<80x64xi32, #tpu.memory_space<vmem>> -> memref<1x64xi32, #tpu.memory_space<vmem>>
    %dma_start3A_58 = tpu.memref_squeeze %dma_start3A_57 : memref<1x64xi32, #tpu.memory_space<vmem>> -> memref<64xi32, #tpu.memory_space<vmem>>
    %dma_start3A_59 = arith.constant 0 : i32
    %dma_start3A_60 = arith.constant 0 : i32
    %dma_start3A_61 = tpu.memref_slice %arg2[%dma_start3A_59, %dma_start3A_60] : memref<10000x128xf32, #tpu.memory_space<hbm>> -> memref<10000x128xf32, #tpu.memory_space<hbm>>
    tpu.enqueue_indirect_dma source(%dma_start3A_61 : memref<10000x128xf32, #tpu.memory_space<hbm>>) target(%dma_start3A_55 : memref<64x128xf32, #tpu.memory_space<vmem>>) offsets(%dma_start3A_58 : memref<64xi32, #tpu.memory_space<vmem>>) semaphore(%arg11 : memref<!tpu.dma_semaphore, #tpu.memory_space<semaphore_mem>>)
    %scan3A = arith.constant 0 : i32
    %scan3A_62 = arith.constant 0 : i32
    %scan3A_63 = arith.constant 40 : i32
    %scan3A_64 = arith.addi %scan3A_62, %scan3A_63 : i32
    %scan3A_65 = arith.constant 1 : i32
    scf.for %scan3A_90 = %scan3A_62 to %scan3A_64 step %scan3A_65  : i32 {
      %mul3A_91 = arith.constant 2 : i32
      %mul3A_92 = arith.muli %mul3A_91, %scan3A_90 : i32
      %add3A_93 = arith.constant 1 : i32
      %add3A_94 = arith.addi %mul3A_92, %add3A_93 : i32
      %dma_start3A_95 = arith.constant 1 : i32
      %dma_start3A_96 = arith.constant 0 : i32
      %dma_start3A_97 = arith.constant 0 : i32
      %dma_start3A_98 = tpu.memref_slice %arg9[%dma_start3A_95, %dma_start3A_96, %dma_start3A_97] : memref<2x64x128xf32, #tpu.memory_space<vmem>> -> memref<1x64x128xf32, #tpu.memory_space<vmem>>
      %dma_start3A_99 = tpu.memref_squeeze %dma_start3A_98 : memref<1x64x128xf32, #tpu.memory_space<vmem>> -> memref<64x128xf32, #tpu.memory_space<vmem>>
      %dma_start3A_100 = arith.constant 0 : i32
      %dma_start3A_101 = tpu.memref_slice %arg7[%add3A_94, %dma_start3A_100] : memref<80x64xi32, #tpu.memory_space<vmem>> -> memref<1x64xi32, #tpu.memory_space<vmem>>
      %dma_start3A_102 = tpu.memref_squeeze %dma_start3A_101 : memref<1x64xi32, #tpu.memory_space<vmem>> -> memref<64xi32, #tpu.memory_space<vmem>>
      %dma_start3A_103 = arith.constant 0 : i32
      %dma_start3A_104 = arith.constant 0 : i32
      %dma_start3A_105 = tpu.memref_slice %arg2[%dma_start3A_103, %dma_start3A_104] : memref<10000x128xf32, #tpu.memory_space<hbm>> -> memref<10000x128xf32, #tpu.memory_space<hbm>>
      tpu.enqueue_indirect_dma source(%dma_start3A_105 : memref<10000x128xf32, #tpu.memory_space<hbm>>) target(%dma_start3A_99 : memref<64x128xf32, #tpu.memory_space<vmem>>) offsets(%dma_start3A_102 : memref<64xi32, #tpu.memory_space<vmem>>) semaphore(%arg12 : memref<!tpu.dma_semaphore, #tpu.memory_space<semaphore_mem>>)
      %dma_wait3A = arith.constant 0 : i32
      %dma_wait3A_106 = arith.constant 0 : i32
      %dma_wait3A_107 = arith.constant 0 : i32
      %dma_wait3A_108 = tpu.memref_slice %arg9[%dma_wait3A, %dma_wait3A_106, %dma_wait3A_107] : memref<2x64x128xf32, #tpu.memory_space<vmem>> -> memref<1x64x128xf32, #tpu.memory_space<vmem>>
      %dma_wait3A_109 = tpu.memref_squeeze %dma_wait3A_108 : memref<1x64x128xf32, #tpu.memory_space<vmem>> -> memref<64x128xf32, #tpu.memory_space<vmem>>
      %dma_wait3A_110 = arith.constant 0 : i32
      %dma_wait3A_111 = tpu.memref_slice %arg7[%mul3A_92, %dma_wait3A_110] : memref<80x64xi32, #tpu.memory_space<vmem>> -> memref<1x64xi32, #tpu.memory_space<vmem>>
      %dma_wait3A_112 = tpu.memref_squeeze %dma_wait3A_111 : memref<1x64xi32, #tpu.memory_space<vmem>> -> memref<64xi32, #tpu.memory_space<vmem>>
      %dma_wait3A_113 = arith.constant 0 : i32
      %dma_wait3A_114 = arith.constant 0 : i32
      %dma_wait3A_115 = tpu.memref_slice %arg2[%dma_wait3A_113, %dma_wait3A_114] : memref<10000x128xf32, #tpu.memory_space<hbm>> -> memref<10000x128xf32, #tpu.memory_space<hbm>>
      tpu.wait_indirect_dma semaphore(%arg11 : memref<!tpu.dma_semaphore, #tpu.memory_space<semaphore_mem>>) src(%dma_wait3A_115 : memref<10000x128xf32, #tpu.memory_space<hbm>>) dst(%dma_wait3A_109 : memref<64x128xf32, #tpu.memory_space<vmem>>)
      %run_scoped3A_116 = arith.constant 0 : i32
      "tpu.region"() ({
        %run_scoped3A_137 = tpu.sem_alloc : memref<!tpu.dma_semaphore, #tpu.memory_space<semaphore_mem>>
        %dma_start3A_138 = arith.constant 0 : i32
        %dma_start3A_139 = arith.constant 0 : i32
        %dma_start3A_140 = tpu.memref_slice %arg9[%run_scoped3A_116, %dma_start3A_138, %dma_start3A_139] : memref<2x64x128xf32, #tpu.memory_space<vmem>> -> memref<1x64x128xf32, #tpu.memory_space<vmem>>
        %dma_start3A_141 = tpu.memref_squeeze %dma_start3A_140 : memref<1x64x128xf32, #tpu.memory_space<vmem>> -> memref<64x128xf32, #tpu.memory_space<vmem>>
        %dma_start3A_142 = arith.constant 0 : i32
        %dma_start3A_143 = tpu.memref_slice %arg8[%mul3A_92, %dma_start3A_142] : memref<80x64xi32, #tpu.memory_space<vmem>> -> memref<1x64xi32, #tpu.memory_space<vmem>>
        %dma_start3A_144 = tpu.memref_squeeze %dma_start3A_143 : memref<1x64xi32, #tpu.memory_space<vmem>> -> memref<64xi32, #tpu.memory_space<vmem>>
        %dma_start3A_145 = arith.constant 0 : i32
        %dma_start3A_146 = arith.constant 0 : i32
        %dma_start3A_147 = tpu.memref_slice %arg10[%dma_start3A_145, %dma_start3A_146] : memref<10240x128xf32, #tpu.memory_space<vmem_shared>> -> memref<10240x128xf32, #tpu.memory_space<vmem_shared>>
        tpu.enqueue_indirect_dma source(%dma_start3A_141 : memref<64x128xf32, #tpu.memory_space<vmem>>) target(%dma_start3A_147 : memref<10240x128xf32, #tpu.memory_space<vmem_shared>>) offsets(%dma_start3A_144 : memref<64xi32, #tpu.memory_space<vmem>>) semaphore(%run_scoped3A_137 : memref<!tpu.dma_semaphore, #tpu.memory_space<semaphore_mem>>) {add = true}
        %dma_wait3A_148 = arith.constant 0 : i32
        %dma_wait3A_149 = arith.constant 0 : i32
        %dma_wait3A_150 = tpu.memref_slice %arg9[%run_scoped3A_116, %dma_wait3A_148, %dma_wait3A_149] : memref<2x64x128xf32, #tpu.memory_space<vmem>> -> memref<1x64x128xf32, #tpu.memory_space<vmem>>
        %dma_wait3A_151 = tpu.memref_squeeze %dma_wait3A_150 : memref<1x64x128xf32, #tpu.memory_space<vmem>> -> memref<64x128xf32, #tpu.memory_space<vmem>>
        %dma_wait3A_152 = arith.constant 0 : i32
        %dma_wait3A_153 = tpu.memref_slice %arg8[%mul3A_92, %dma_wait3A_152] : memref<80x64xi32, #tpu.memory_space<vmem>> -> memref<1x64xi32, #tpu.memory_space<vmem>>
        %dma_wait3A_154 = tpu.memref_squeeze %dma_wait3A_153 : memref<1x64xi32, #tpu.memory_space<vmem>> -> memref<64xi32, #tpu.memory_space<vmem>>
        %dma_wait3A_155 = arith.constant 0 : i32
        %dma_wait3A_156 = arith.constant 0 : i32
        %dma_wait3A_157 = tpu.memref_slice %arg10[%dma_wait3A_155, %dma_wait3A_156] : memref<10240x128xf32, #tpu.memory_space<vmem_shared>> -> memref<10240x128xf32, #tpu.memory_space<vmem_shared>>
        tpu.wait_indirect_dma semaphore(%run_scoped3A_137 : memref<!tpu.dma_semaphore, #tpu.memory_space<semaphore_mem>>) src(%dma_wait3A_151 : memref<64x128xf32, #tpu.memory_space<vmem>>) dst(%dma_wait3A_157 : memref<10240x128xf32, #tpu.memory_space<vmem_shared>>)
        tpu.yield
      }) : () -> ()
      %add3A_117 = arith.constant 2 : i32
      %add3A_118 = arith.addi %mul3A_92, %add3A_117 : i32
      %lt3A = arith.constant 80 : i32
      %lt3A_119 = arith.cmpi slt, %add3A_118, %lt3A : i32
      %convert_element_type3A = arith.extui %lt3A_119 : i1 to i32
      %cond3A = arith.constant 0 : i32
      %cond3A_120 = arith.cmpi ne, %convert_element_type3A, %cond3A : i32
      scf.if %cond3A_120 {
        %add3A_137 = arith.constant 2 : i32
        %add3A_138 = arith.addi %mul3A_92, %add3A_137 : i32
        %dma_start3A_139 = arith.constant 0 : i32
        %dma_start3A_140 = arith.constant 0 : i32
        %dma_start3A_141 = arith.constant 0 : i32
        %dma_start3A_142 = tpu.memref_slice %arg9[%dma_start3A_139, %dma_start3A_140, %dma_start3A_141] : memref<2x64x128xf32, #tpu.memory_space<vmem>> -> memref<1x64x128xf32, #tpu.memory_space<vmem>>
        %dma_start3A_143 = tpu.memref_squeeze %dma_start3A_142 : memref<1x64x128xf32, #tpu.memory_space<vmem>> -> memref<64x128xf32, #tpu.memory_space<vmem>>
        %dma_start3A_144 = arith.constant 0 : i32
        %dma_start3A_145 = tpu.memref_slice %arg7[%add3A_138, %dma_start3A_144] : memref<80x64xi32, #tpu.memory_space<vmem>> -> memref<1x64xi32, #tpu.memory_space<vmem>>
        %dma_start3A_146 = tpu.memref_squeeze %dma_start3A_145 : memref<1x64xi32, #tpu.memory_space<vmem>> -> memref<64xi32, #tpu.memory_space<vmem>>
        %dma_start3A_147 = arith.constant 0 : i32
        %dma_start3A_148 = arith.constant 0 : i32
        %dma_start3A_149 = tpu.memref_slice %arg2[%dma_start3A_147, %dma_start3A_148] : memref<10000x128xf32, #tpu.memory_space<hbm>> -> memref<10000x128xf32, #tpu.memory_space<hbm>>
        tpu.enqueue_indirect_dma source(%dma_start3A_149 : memref<10000x128xf32, #tpu.memory_space<hbm>>) target(%dma_start3A_143 : memref<64x128xf32, #tpu.memory_space<vmem>>) offsets(%dma_start3A_146 : memref<64xi32, #tpu.memory_space<vmem>>) semaphore(%arg11 : memref<!tpu.dma_semaphore, #tpu.memory_space<semaphore_mem>>)
      } else {
      }
      %add3A_121 = arith.constant 1 : i32
      %add3A_122 = arith.addi %mul3A_92, %add3A_121 : i32
      %dma_wait3A_123 = arith.constant 1 : i32
      %dma_wait3A_124 = arith.constant 0 : i32
      %dma_wait3A_125 = arith.constant 0 : i32
      %dma_wait3A_126 = tpu.memref_slice %arg9[%dma_wait3A_123, %dma_wait3A_124, %dma_wait3A_125] : memref<2x64x128xf32, #tpu.memory_space<vmem>> -> memref<1x64x128xf32, #tpu.memory_space<vmem>>
      %dma_wait3A_127 = tpu.memref_squeeze %dma_wait3A_126 : memref<1x64x128xf32, #tpu.memory_space<vmem>> -> memref<64x128xf32, #tpu.memory_space<vmem>>
      %dma_wait3A_128 = arith.constant 0 : i32
      %dma_wait3A_129 = tpu.memref_slice %arg7[%add3A_122, %dma_wait3A_128] : memref<80x64xi32, #tpu.memory_space<vmem>> -> memref<1x64xi32, #tpu.memory_space<vmem>>
      %dma_wait3A_130 = tpu.memref_squeeze %dma_wait3A_129 : memref<1x64xi32, #tpu.memory_space<vmem>> -> memref<64xi32, #tpu.memory_space<vmem>>
      %dma_wait3A_131 = arith.constant 0 : i32
      %dma_wait3A_132 = arith.constant 0 : i32
      %dma_wait3A_133 = tpu.memref_slice %arg2[%dma_wait3A_131, %dma_wait3A_132] : memref<10000x128xf32, #tpu.memory_space<hbm>> -> memref<10000x128xf32, #tpu.memory_space<hbm>>
      tpu.wait_indirect_dma semaphore(%arg12 : memref<!tpu.dma_semaphore, #tpu.memory_space<semaphore_mem>>) src(%dma_wait3A_133 : memref<10000x128xf32, #tpu.memory_space<hbm>>) dst(%dma_wait3A_127 : memref<64x128xf32, #tpu.memory_space<vmem>>)
      %add3A_134 = arith.constant 1 : i32
      %add3A_135 = arith.addi %mul3A_92, %add3A_134 : i32
      %run_scoped3A_136 = arith.constant 1 : i32
      "tpu.region"() ({
        %run_scoped3A_137 = tpu.sem_alloc : memref<!tpu.dma_semaphore, #tpu.memory_space<semaphore_mem>>
        %dma_start3A_138 = arith.constant 0 : i32
        %dma_start3A_139 = arith.constant 0 : i32
        %dma_start3A_140 = tpu.memref_slice %arg9[%run_scoped3A_136, %dma_start3A_138, %dma_start3A_139] : memref<2x64x128xf32, #tpu.memory_space<vmem>> -> memref<1x64x128xf32, #tpu.memory_space<vmem>>
        %dma_start3A_141 = tpu.memref_squeeze %dma_start3A_140 : memref<1x64x128xf32, #tpu.memory_space<vmem>> -> memref<64x128xf32, #tpu.memory_space<vmem>>
        %dma_start3A_142 = arith.constant 0 : i32
        %dma_start3A_143 = tpu.memref_slice %arg8[%add3A_135, %dma_start3A_142] : memref<80x64xi32, #tpu.memory_space<vmem>> -> memref<1x64xi32, #tpu.memory_space<vmem>>
        %dma_start3A_144 = tpu.memref_squeeze %dma_start3A_143 : memref<1x64xi32, #tpu.memory_space<vmem>> -> memref<64xi32, #tpu.memory_space<vmem>>
        %dma_start3A_145 = arith.constant 0 : i32
        %dma_start3A_146 = arith.constant 0 : i32
        %dma_start3A_147 = tpu.memref_slice %arg10[%dma_start3A_145, %dma_start3A_146] : memref<10240x128xf32, #tpu.memory_space<vmem_shared>> -> memref<10240x128xf32, #tpu.memory_space<vmem_shared>>
        tpu.enqueue_indirect_dma source(%dma_start3A_141 : memref<64x128xf32, #tpu.memory_space<vmem>>) target(%dma_start3A_147 : memref<10240x128xf32, #tpu.memory_space<vmem_shared>>) offsets(%dma_start3A_144 : memref<64xi32, #tpu.memory_space<vmem>>) semaphore(%run_scoped3A_137 : memref<!tpu.dma_semaphore, #tpu.memory_space<semaphore_mem>>) {add = true}
        %dma_wait3A_148 = arith.constant 0 : i32
        %dma_wait3A_149 = arith.constant 0 : i32
        %dma_wait3A_150 = tpu.memref_slice %arg9[%run_scoped3A_136, %dma_wait3A_148, %dma_wait3A_149] : memref<2x64x128xf32, #tpu.memory_space<vmem>> -> memref<1x64x128xf32, #tpu.memory_space<vmem>>
        %dma_wait3A_151 = tpu.memref_squeeze %dma_wait3A_150 : memref<1x64x128xf32, #tpu.memory_space<vmem>> -> memref<64x128xf32, #tpu.memory_space<vmem>>
        %dma_wait3A_152 = arith.constant 0 : i32
        %dma_wait3A_153 = tpu.memref_slice %arg8[%add3A_135, %dma_wait3A_152] : memref<80x64xi32, #tpu.memory_space<vmem>> -> memref<1x64xi32, #tpu.memory_space<vmem>>
        %dma_wait3A_154 = tpu.memref_squeeze %dma_wait3A_153 : memref<1x64xi32, #tpu.memory_space<vmem>> -> memref<64xi32, #tpu.memory_space<vmem>>
        %dma_wait3A_155 = arith.constant 0 : i32
        %dma_wait3A_156 = arith.constant 0 : i32
        %dma_wait3A_157 = tpu.memref_slice %arg10[%dma_wait3A_155, %dma_wait3A_156] : memref<10240x128xf32, #tpu.memory_space<vmem_shared>> -> memref<10240x128xf32, #tpu.memory_space<vmem_shared>>
        tpu.wait_indirect_dma semaphore(%run_scoped3A_137 : memref<!tpu.dma_semaphore, #tpu.memory_space<semaphore_mem>>) src(%dma_wait3A_151 : memref<64x128xf32, #tpu.memory_space<vmem>>) dst(%dma_wait3A_157 : memref<10240x128xf32, #tpu.memory_space<vmem_shared>>)
        tpu.yield
      }) : () -> ()
    }
    %scan3A_66 = arith.constant 40 : i32
    "tpu.region"() ({
      %run_scoped3A_90 = tpu.sem_alloc : memref<!tpu.dma_semaphore, #tpu.memory_space<semaphore_mem>>
      %dma_start3A_91 = arith.constant 80 : i32
      %dma_start3A_92 = arith.constant 0 : i32
      %dma_start3A_93 = tpu.memref_slice %arg3[%add3A, %dma_start3A_91, %dma_start3A_92] : memref<32x160x64xi32, #tpu.memory_space<hbm>> -> memref<1x80x64xi32, #tpu.memory_space<hbm>>
      %dma_start3A_94 = tpu.memref_squeeze %dma_start3A_93 : memref<1x80x64xi32, #tpu.memory_space<hbm>> -> memref<80x64xi32, #tpu.memory_space<hbm>>
      %dma_start3A_95 = arith.constant 80 : i32
      %dma_start3A_96 = arith.constant 0 : i32
      %dma_start3A_97 = tpu.memref_slice %arg3[%add3A, %dma_start3A_95, %dma_start3A_96] : memref<32x160x64xi32, #tpu.memory_space<hbm>> -> memref<1x80x64xi32, #tpu.memory_space<hbm>>
      %dma_start3A_98 = tpu.memref_squeeze %dma_start3A_97 : memref<1x80x64xi32, #tpu.memory_space<hbm>> -> memref<80x64xi32, #tpu.memory_space<hbm>>
      tpu.enqueue_dma source(%dma_start3A_98 : memref<80x64xi32, #tpu.memory_space<hbm>>) target(%arg7 : memref<80x64xi32, #tpu.memory_space<vmem>>) target_semaphore(%run_scoped3A_90 : memref<!tpu.dma_semaphore, #tpu.memory_space<semaphore_mem>>)
      %dma_wait3A = arith.constant 80 : i32
      %dma_wait3A_99 = arith.constant 0 : i32
      %dma_wait3A_100 = tpu.memref_slice %arg3[%add3A, %dma_wait3A, %dma_wait3A_99] : memref<32x160x64xi32, #tpu.memory_space<hbm>> -> memref<1x80x64xi32, #tpu.memory_space<hbm>>
      %dma_wait3A_101 = tpu.memref_squeeze %dma_wait3A_100 : memref<1x80x64xi32, #tpu.memory_space<hbm>> -> memref<80x64xi32, #tpu.memory_space<hbm>>
      %dma_wait3A_102 = arith.constant 80 : i32
      %dma_wait3A_103 = arith.constant 0 : i32
      %dma_wait3A_104 = tpu.memref_slice %arg3[%add3A, %dma_wait3A_102, %dma_wait3A_103] : memref<32x160x64xi32, #tpu.memory_space<hbm>> -> memref<1x80x64xi32, #tpu.memory_space<hbm>>
      %dma_wait3A_105 = tpu.memref_squeeze %dma_wait3A_104 : memref<1x80x64xi32, #tpu.memory_space<hbm>> -> memref<80x64xi32, #tpu.memory_space<hbm>>
      tpu.wait_dma2 semaphore(%run_scoped3A_90 : memref<!tpu.dma_semaphore, #tpu.memory_space<semaphore_mem>>) src(%dma_wait3A_105 : memref<80x64xi32, #tpu.memory_space<hbm>>) dst(%arg7 : memref<80x64xi32, #tpu.memory_space<vmem>>)
      tpu.yield
    }) : () -> ()
    "tpu.region"() ({
      %run_scoped3A_90 = tpu.sem_alloc : memref<!tpu.dma_semaphore, #tpu.memory_space<semaphore_mem>>
      %dma_start3A_91 = arith.constant 80 : i32
      %dma_start3A_92 = arith.constant 0 : i32
      %dma_start3A_93 = tpu.memref_slice %arg4[%add3A, %dma_start3A_91, %dma_start3A_92] : memref<32x160x64xi32, #tpu.memory_space<hbm>> -> memref<1x80x64xi32, #tpu.memory_space<hbm>>
      %dma_start3A_94 = tpu.memref_squeeze %dma_start3A_93 : memref<1x80x64xi32, #tpu.memory_space<hbm>> -> memref<80x64xi32, #tpu.memory_space<hbm>>
      %dma_start3A_95 = arith.constant 80 : i32
      %dma_start3A_96 = arith.constant 0 : i32
      %dma_start3A_97 = tpu.memref_slice %arg4[%add3A, %dma_start3A_95, %dma_start3A_96] : memref<32x160x64xi32, #tpu.memory_space<hbm>> -> memref<1x80x64xi32, #tpu.memory_space<hbm>>
      %dma_start3A_98 = tpu.memref_squeeze %dma_start3A_97 : memref<1x80x64xi32, #tpu.memory_space<hbm>> -> memref<80x64xi32, #tpu.memory_space<hbm>>
      tpu.enqueue_dma source(%dma_start3A_98 : memref<80x64xi32, #tpu.memory_space<hbm>>) target(%arg8 : memref<80x64xi32, #tpu.memory_space<vmem>>) target_semaphore(%run_scoped3A_90 : memref<!tpu.dma_semaphore, #tpu.memory_space<semaphore_mem>>)
      %dma_wait3A = arith.constant 80 : i32
      %dma_wait3A_99 = arith.constant 0 : i32
      %dma_wait3A_100 = tpu.memref_slice %arg4[%add3A, %dma_wait3A, %dma_wait3A_99] : memref<32x160x64xi32, #tpu.memory_space<hbm>> -> memref<1x80x64xi32, #tpu.memory_space<hbm>>
      %dma_wait3A_101 = tpu.memref_squeeze %dma_wait3A_100 : memref<1x80x64xi32, #tpu.memory_space<hbm>> -> memref<80x64xi32, #tpu.memory_space<hbm>>
      %dma_wait3A_102 = arith.constant 80 : i32
      %dma_wait3A_103 = arith.constant 0 : i32
      %dma_wait3A_104 = tpu.memref_slice %arg4[%add3A, %dma_wait3A_102, %dma_wait3A_103] : memref<32x160x64xi32, #tpu.memory_space<hbm>> -> memref<1x80x64xi32, #tpu.memory_space<hbm>>
      %dma_wait3A_105 = tpu.memref_squeeze %dma_wait3A_104 : memref<1x80x64xi32, #tpu.memory_space<hbm>> -> memref<80x64xi32, #tpu.memory_space<hbm>>
      tpu.wait_dma2 semaphore(%run_scoped3A_90 : memref<!tpu.dma_semaphore, #tpu.memory_space<semaphore_mem>>) src(%dma_wait3A_105 : memref<80x64xi32, #tpu.memory_space<hbm>>) dst(%arg8 : memref<80x64xi32, #tpu.memory_space<vmem>>)
      tpu.yield
    }) : () -> ()
    %dma_start3A_67 = arith.constant 0 : i32
    %dma_start3A_68 = arith.constant 0 : i32
    %dma_start3A_69 = arith.constant 0 : i32
    %dma_start3A_70 = arith.constant 0 : i32
    %dma_start3A_71 = tpu.memref_slice %arg9[%dma_start3A_68, %dma_start3A_69, %dma_start3A_70] : memref<2x64x128xf32, #tpu.memory_space<vmem>> -> memref<1x64x128xf32, #tpu.memory_space<vmem>>
    %dma_start3A_72 = tpu.memref_squeeze %dma_start3A_71 : memref<1x64x128xf32, #tpu.memory_space<vmem>> -> memref<64x128xf32, #tpu.memory_space<vmem>>
    %dma_start3A_73 = arith.constant 0 : i32
    %dma_start3A_74 = tpu.memref_slice %arg7[%dma_start3A_67, %dma_start3A_73] : memref<80x64xi32, #tpu.memory_space<vmem>> -> memref<1x64xi32, #tpu.memory_space<vmem>>
    %dma_start3A_75 = tpu.memref_squeeze %dma_start3A_74 : memref<1x64xi32, #tpu.memory_space<vmem>> -> memref<64xi32, #tpu.memory_space<vmem>>
    %dma_start3A_76 = arith.constant 0 : i32
    %dma_start3A_77 = arith.constant 0 : i32
    %dma_start3A_78 = tpu.memref_slice %arg2[%dma_start3A_76, %dma_start3A_77] : memref<10000x128xf32, #tpu.memory_space<hbm>> -> memref<10000x128xf32, #tpu.memory_space<hbm>>
    tpu.enqueue_indirect_dma source(%dma_start3A_78 : memref<10000x128xf32, #tpu.memory_space<hbm>>) target(%dma_start3A_72 : memref<64x128xf32, #tpu.memory_space<vmem>>) offsets(%dma_start3A_75 : memref<64xi32, #tpu.memory_space<vmem>>) semaphore(%arg11 : memref<!tpu.dma_semaphore, #tpu.memory_space<semaphore_mem>>)
    %scan3A_79 = arith.constant 0 : i32
    %scan3A_80 = arith.constant 0 : i32
    %scan3A_81 = arith.constant 40 : i32
    %scan3A_82 = arith.addi %scan3A_80, %scan3A_81 : i32
    %scan3A_83 = arith.constant 1 : i32
    scf.for %scan3A_90 = %scan3A_80 to %scan3A_82 step %scan3A_83  : i32 {
      %mul3A_91 = arith.constant 2 : i32
      %mul3A_92 = arith.muli %mul3A_91, %scan3A_90 : i32
      %add3A_93 = arith.constant 1 : i32
      %add3A_94 = arith.addi %mul3A_92, %add3A_93 : i32
      %dma_start3A_95 = arith.constant 1 : i32
      %dma_start3A_96 = arith.constant 0 : i32
      %dma_start3A_97 = arith.constant 0 : i32
      %dma_start3A_98 = tpu.memref_slice %arg9[%dma_start3A_95, %dma_start3A_96, %dma_start3A_97] : memref<2x64x128xf32, #tpu.memory_space<vmem>> -> memref<1x64x128xf32, #tpu.memory_space<vmem>>
      %dma_start3A_99 = tpu.memref_squeeze %dma_start3A_98 : memref<1x64x128xf32, #tpu.memory_space<vmem>> -> memref<64x128xf32, #tpu.memory_space<vmem>>
      %dma_start3A_100 = arith.constant 0 : i32
      %dma_start3A_101 = tpu.memref_slice %arg7[%add3A_94, %dma_start3A_100] : memref<80x64xi32, #tpu.memory_space<vmem>> -> memref<1x64xi32, #tpu.memory_space<vmem>>
      %dma_start3A_102 = tpu.memref_squeeze %dma_start3A_101 : memref<1x64xi32, #tpu.memory_space<vmem>> -> memref<64xi32, #tpu.memory_space<vmem>>
      %dma_start3A_103 = arith.constant 0 : i32
      %dma_start3A_104 = arith.constant 0 : i32
      %dma_start3A_105 = tpu.memref_slice %arg2[%dma_start3A_103, %dma_start3A_104] : memref<10000x128xf32, #tpu.memory_space<hbm>> -> memref<10000x128xf32, #tpu.memory_space<hbm>>
      tpu.enqueue_indirect_dma source(%dma_start3A_105 : memref<10000x128xf32, #tpu.memory_space<hbm>>) target(%dma_start3A_99 : memref<64x128xf32, #tpu.memory_space<vmem>>) offsets(%dma_start3A_102 : memref<64xi32, #tpu.memory_space<vmem>>) semaphore(%arg12 : memref<!tpu.dma_semaphore, #tpu.memory_space<semaphore_mem>>)
      %dma_wait3A = arith.constant 0 : i32
      %dma_wait3A_106 = arith.constant 0 : i32
      %dma_wait3A_107 = arith.constant 0 : i32
      %dma_wait3A_108 = tpu.memref_slice %arg9[%dma_wait3A, %dma_wait3A_106, %dma_wait3A_107] : memref<2x64x128xf32, #tpu.memory_space<vmem>> -> memref<1x64x128xf32, #tpu.memory_space<vmem>>
      %dma_wait3A_109 = tpu.memref_squeeze %dma_wait3A_108 : memref<1x64x128xf32, #tpu.memory_space<vmem>> -> memref<64x128xf32, #tpu.memory_space<vmem>>
      %dma_wait3A_110 = arith.constant 0 : i32
      %dma_wait3A_111 = tpu.memref_slice %arg7[%mul3A_92, %dma_wait3A_110] : memref<80x64xi32, #tpu.memory_space<vmem>> -> memref<1x64xi32, #tpu.memory_space<vmem>>
      %dma_wait3A_112 = tpu.memref_squeeze %dma_wait3A_111 : memref<1x64xi32, #tpu.memory_space<vmem>> -> memref<64xi32, #tpu.memory_space<vmem>>
      %dma_wait3A_113 = arith.constant 0 : i32
      %dma_wait3A_114 = arith.constant 0 : i32
      %dma_wait3A_115 = tpu.memref_slice %arg2[%dma_wait3A_113, %dma_wait3A_114] : memref<10000x128xf32, #tpu.memory_space<hbm>> -> memref<10000x128xf32, #tpu.memory_space<hbm>>
      tpu.wait_indirect_dma semaphore(%arg11 : memref<!tpu.dma_semaphore, #tpu.memory_space<semaphore_mem>>) src(%dma_wait3A_115 : memref<10000x128xf32, #tpu.memory_space<hbm>>) dst(%dma_wait3A_109 : memref<64x128xf32, #tpu.memory_space<vmem>>)
      %run_scoped3A_116 = arith.constant 0 : i32
      "tpu.region"() ({
        %run_scoped3A_137 = tpu.sem_alloc : memref<!tpu.dma_semaphore, #tpu.memory_space<semaphore_mem>>
        %dma_start3A_138 = arith.constant 0 : i32
        %dma_start3A_139 = arith.constant 0 : i32
        %dma_start3A_140 = tpu.memref_slice %arg9[%run_scoped3A_116, %dma_start3A_138, %dma_start3A_139] : memref<2x64x128xf32, #tpu.memory_space<vmem>> -> memref<1x64x128xf32, #tpu.memory_space<vmem>>
        %dma_start3A_141 = tpu.memref_squeeze %dma_start3A_140 : memref<1x64x128xf32, #tpu.memory_space<vmem>> -> memref<64x128xf32, #tpu.memory_space<vmem>>
        %dma_start3A_142 = arith.constant 0 : i32
        %dma_start3A_143 = tpu.memref_slice %arg8[%mul3A_92, %dma_start3A_142] : memref<80x64xi32, #tpu.memory_space<vmem>> -> memref<1x64xi32, #tpu.memory_space<vmem>>
        %dma_start3A_144 = tpu.memref_squeeze %dma_start3A_143 : memref<1x64xi32, #tpu.memory_space<vmem>> -> memref<64xi32, #tpu.memory_space<vmem>>
        %dma_start3A_145 = arith.constant 0 : i32
        %dma_start3A_146 = arith.constant 0 : i32
        %dma_start3A_147 = tpu.memref_slice %arg10[%dma_start3A_145, %dma_start3A_146] : memref<10240x128xf32, #tpu.memory_space<vmem_shared>> -> memref<10240x128xf32, #tpu.memory_space<vmem_shared>>
        tpu.enqueue_indirect_dma source(%dma_start3A_141 : memref<64x128xf32, #tpu.memory_space<vmem>>) target(%dma_start3A_147 : memref<10240x128xf32, #tpu.memory_space<vmem_shared>>) offsets(%dma_start3A_144 : memref<64xi32, #tpu.memory_space<vmem>>) semaphore(%run_scoped3A_137 : memref<!tpu.dma_semaphore, #tpu.memory_space<semaphore_mem>>) {add = true}
        %dma_wait3A_148 = arith.constant 0 : i32
        %dma_wait3A_149 = arith.constant 0 : i32
        %dma_wait3A_150 = tpu.memref_slice %arg9[%run_scoped3A_116, %dma_wait3A_148, %dma_wait3A_149] : memref<2x64x128xf32, #tpu.memory_space<vmem>> -> memref<1x64x128xf32, #tpu.memory_space<vmem>>
        %dma_wait3A_151 = tpu.memref_squeeze %dma_wait3A_150 : memref<1x64x128xf32, #tpu.memory_space<vmem>> -> memref<64x128xf32, #tpu.memory_space<vmem>>
        %dma_wait3A_152 = arith.constant 0 : i32
        %dma_wait3A_153 = tpu.memref_slice %arg8[%mul3A_92, %dma_wait3A_152] : memref<80x64xi32, #tpu.memory_space<vmem>> -> memref<1x64xi32, #tpu.memory_space<vmem>>
        %dma_wait3A_154 = tpu.memref_squeeze %dma_wait3A_153 : memref<1x64xi32, #tpu.memory_space<vmem>> -> memref<64xi32, #tpu.memory_space<vmem>>
        %dma_wait3A_155 = arith.constant 0 : i32
        %dma_wait3A_156 = arith.constant 0 : i32
        %dma_wait3A_157 = tpu.memref_slice %arg10[%dma_wait3A_155, %dma_wait3A_156] : memref<10240x128xf32, #tpu.memory_space<vmem_shared>> -> memref<10240x128xf32, #tpu.memory_space<vmem_shared>>
        tpu.wait_indirect_dma semaphore(%run_scoped3A_137 : memref<!tpu.dma_semaphore, #tpu.memory_space<semaphore_mem>>) src(%dma_wait3A_151 : memref<64x128xf32, #tpu.memory_space<vmem>>) dst(%dma_wait3A_157 : memref<10240x128xf32, #tpu.memory_space<vmem_shared>>)
        tpu.yield
      }) : () -> ()
      %add3A_117 = arith.constant 2 : i32
      %add3A_118 = arith.addi %mul3A_92, %add3A_117 : i32
      %lt3A = arith.constant 80 : i32
      %lt3A_119 = arith.cmpi slt, %add3A_118, %lt3A : i32
      %convert_element_type3A = arith.extui %lt3A_119 : i1 to i32
      %cond3A = arith.constant 0 : i32
      %cond3A_120 = arith.cmpi ne, %convert_element_type3A, %cond3A : i32
      scf.if %cond3A_120 {
        %add3A_137 = arith.constant 2 : i32
        %add3A_138 = arith.addi %mul3A_92, %add3A_137 : i32
        %dma_start3A_139 = arith.constant 0 : i32
        %dma_start3A_140 = arith.constant 0 : i32
        %dma_start3A_141 = arith.constant 0 : i32
        %dma_start3A_142 = tpu.memref_slice %arg9[%dma_start3A_139, %dma_start3A_140, %dma_start3A_141] : memref<2x64x128xf32, #tpu.memory_space<vmem>> -> memref<1x64x128xf32, #tpu.memory_space<vmem>>
        %dma_start3A_143 = tpu.memref_squeeze %dma_start3A_142 : memref<1x64x128xf32, #tpu.memory_space<vmem>> -> memref<64x128xf32, #tpu.memory_space<vmem>>
        %dma_start3A_144 = arith.constant 0 : i32
        %dma_start3A_145 = tpu.memref_slice %arg7[%add3A_138, %dma_start3A_144] : memref<80x64xi32, #tpu.memory_space<vmem>> -> memref<1x64xi32, #tpu.memory_space<vmem>>
        %dma_start3A_146 = tpu.memref_squeeze %dma_start3A_145 : memref<1x64xi32, #tpu.memory_space<vmem>> -> memref<64xi32, #tpu.memory_space<vmem>>
        %dma_start3A_147 = arith.constant 0 : i32
        %dma_start3A_148 = arith.constant 0 : i32
        %dma_start3A_149 = tpu.memref_slice %arg2[%dma_start3A_147, %dma_start3A_148] : memref<10000x128xf32, #tpu.memory_space<hbm>> -> memref<10000x128xf32, #tpu.memory_space<hbm>>
        tpu.enqueue_indirect_dma source(%dma_start3A_149 : memref<10000x128xf32, #tpu.memory_space<hbm>>) target(%dma_start3A_143 : memref<64x128xf32, #tpu.memory_space<vmem>>) offsets(%dma_start3A_146 : memref<64xi32, #tpu.memory_space<vmem>>) semaphore(%arg11 : memref<!tpu.dma_semaphore, #tpu.memory_space<semaphore_mem>>)
      } else {
      }
      %add3A_121 = arith.constant 1 : i32
      %add3A_122 = arith.addi %mul3A_92, %add3A_121 : i32
      %dma_wait3A_123 = arith.constant 1 : i32
      %dma_wait3A_124 = arith.constant 0 : i32
      %dma_wait3A_125 = arith.constant 0 : i32
      %dma_wait3A_126 = tpu.memref_slice %arg9[%dma_wait3A_123, %dma_wait3A_124, %dma_wait3A_125] : memref<2x64x128xf32, #tpu.memory_space<vmem>> -> memref<1x64x128xf32, #tpu.memory_space<vmem>>
      %dma_wait3A_127 = tpu.memref_squeeze %dma_wait3A_126 : memref<1x64x128xf32, #tpu.memory_space<vmem>> -> memref<64x128xf32, #tpu.memory_space<vmem>>
      %dma_wait3A_128 = arith.constant 0 : i32
      %dma_wait3A_129 = tpu.memref_slice %arg7[%add3A_122, %dma_wait3A_128] : memref<80x64xi32, #tpu.memory_space<vmem>> -> memref<1x64xi32, #tpu.memory_space<vmem>>
      %dma_wait3A_130 = tpu.memref_squeeze %dma_wait3A_129 : memref<1x64xi32, #tpu.memory_space<vmem>> -> memref<64xi32, #tpu.memory_space<vmem>>
      %dma_wait3A_131 = arith.constant 0 : i32
      %dma_wait3A_132 = arith.constant 0 : i32
      %dma_wait3A_133 = tpu.memref_slice %arg2[%dma_wait3A_131, %dma_wait3A_132] : memref<10000x128xf32, #tpu.memory_space<hbm>> -> memref<10000x128xf32, #tpu.memory_space<hbm>>
      tpu.wait_indirect_dma semaphore(%arg12 : memref<!tpu.dma_semaphore, #tpu.memory_space<semaphore_mem>>) src(%dma_wait3A_133 : memref<10000x128xf32, #tpu.memory_space<hbm>>) dst(%dma_wait3A_127 : memref<64x128xf32, #tpu.memory_space<vmem>>)
      %add3A_134 = arith.constant 1 : i32
      %add3A_135 = arith.addi %mul3A_92, %add3A_134 : i32
      %run_scoped3A_136 = arith.constant 1 : i32
      "tpu.region"() ({
        %run_scoped3A_137 = tpu.sem_alloc : memref<!tpu.dma_semaphore, #tpu.memory_space<semaphore_mem>>
        %dma_start3A_138 = arith.constant 0 : i32
        %dma_start3A_139 = arith.constant 0 : i32
        %dma_start3A_140 = tpu.memref_slice %arg9[%run_scoped3A_136, %dma_start3A_138, %dma_start3A_139] : memref<2x64x128xf32, #tpu.memory_space<vmem>> -> memref<1x64x128xf32, #tpu.memory_space<vmem>>
        %dma_start3A_141 = tpu.memref_squeeze %dma_start3A_140 : memref<1x64x128xf32, #tpu.memory_space<vmem>> -> memref<64x128xf32, #tpu.memory_space<vmem>>
        %dma_start3A_142 = arith.constant 0 : i32
        %dma_start3A_143 = tpu.memref_slice %arg8[%add3A_135, %dma_start3A_142] : memref<80x64xi32, #tpu.memory_space<vmem>> -> memref<1x64xi32, #tpu.memory_space<vmem>>
        %dma_start3A_144 = tpu.memref_squeeze %dma_start3A_143 : memref<1x64xi32, #tpu.memory_space<vmem>> -> memref<64xi32, #tpu.memory_space<vmem>>
        %dma_start3A_145 = arith.constant 0 : i32
        %dma_start3A_146 = arith.constant 0 : i32
        %dma_start3A_147 = tpu.memref_slice %arg10[%dma_start3A_145, %dma_start3A_146] : memref<10240x128xf32, #tpu.memory_space<vmem_shared>> -> memref<10240x128xf32, #tpu.memory_space<vmem_shared>>
        tpu.enqueue_indirect_dma source(%dma_start3A_141 : memref<64x128xf32, #tpu.memory_space<vmem>>) target(%dma_start3A_147 : memref<10240x128xf32, #tpu.memory_space<vmem_shared>>) offsets(%dma_start3A_144 : memref<64xi32, #tpu.memory_space<vmem>>) semaphore(%run_scoped3A_137 : memref<!tpu.dma_semaphore, #tpu.memory_space<semaphore_mem>>) {add = true}
        %dma_wait3A_148 = arith.constant 0 : i32
        %dma_wait3A_149 = arith.constant 0 : i32
        %dma_wait3A_150 = tpu.memref_slice %arg9[%run_scoped3A_136, %dma_wait3A_148, %dma_wait3A_149] : memref<2x64x128xf32, #tpu.memory_space<vmem>> -> memref<1x64x128xf32, #tpu.memory_space<vmem>>
        %dma_wait3A_151 = tpu.memref_squeeze %dma_wait3A_150 : memref<1x64x128xf32, #tpu.memory_space<vmem>> -> memref<64x128xf32, #tpu.memory_space<vmem>>
        %dma_wait3A_152 = arith.constant 0 : i32
        %dma_wait3A_153 = tpu.memref_slice %arg8[%add3A_135, %dma_wait3A_152] : memref<80x64xi32, #tpu.memory_space<vmem>> -> memref<1x64xi32, #tpu.memory_space<vmem>>
        %dma_wait3A_154 = tpu.memref_squeeze %dma_wait3A_153 : memref<1x64xi32, #tpu.memory_space<vmem>> -> memref<64xi32, #tpu.memory_space<vmem>>
        %dma_wait3A_155 = arith.constant 0 : i32
        %dma_wait3A_156 = arith.constant 0 : i32
        %dma_wait3A_157 = tpu.memref_slice %arg10[%dma_wait3A_155, %dma_wait3A_156] : memref<10240x128xf32, #tpu.memory_space<vmem_shared>> -> memref<10240x128xf32, #tpu.memory_space<vmem_shared>>
        tpu.wait_indirect_dma semaphore(%run_scoped3A_137 : memref<!tpu.dma_semaphore, #tpu.memory_space<semaphore_mem>>) src(%dma_wait3A_151 : memref<64x128xf32, #tpu.memory_space<vmem>>) dst(%dma_wait3A_157 : memref<10240x128xf32, #tpu.memory_space<vmem_shared>>)
        tpu.yield
      }) : () -> ()
    }
    %scan3A_84 = arith.constant 40 : i32
    %barrier3A_85 = arith.constant 0 : index
    tpu.barrier barrier_id(%barrier3A_85)
    %mul3A_86 = arith.constant 640 : i32
    %mul3A_87 = arith.muli %arg1, %mul3A_86 : i32
    %mul3A_88 = arith.constant 640 : i32
    %mul3A_89 = arith.muli %arg1, %mul3A_88 : i32
    "tpu.region"() ({
      %run_scoped3A_90 = tpu.sem_alloc : memref<!tpu.dma_semaphore, #tpu.memory_space<semaphore_mem>>
      %dma_start3A_91 = arith.constant 0 : i32
      %dma_start3A_92 = tpu.memref_slice %arg6[%arg0, %mul3A_89, %dma_start3A_91] : memref<2x10240x128xf32, #tpu.memory_space<hbm>> -> memref<1x640x128xf32, #tpu.memory_space<hbm>>
      %dma_start3A_93 = tpu.memref_squeeze %dma_start3A_92 : memref<1x640x128xf32, #tpu.memory_space<hbm>> -> memref<640x128xf32, #tpu.memory_space<hbm>>
      %dma_start3A_94 = arith.constant 0 : i32
      %dma_start3A_95 = tpu.memref_slice %arg10[%mul3A_87, %dma_start3A_94] : memref<10240x128xf32, #tpu.memory_space<vmem_shared>> -> memref<640x128xf32, #tpu.memory_space<vmem_shared>>
      tpu.enqueue_dma source(%dma_start3A_95 : memref<640x128xf32, #tpu.memory_space<vmem_shared>>) target(%dma_start3A_93 : memref<640x128xf32, #tpu.memory_space<hbm>>) target_semaphore(%run_scoped3A_90 : memref<!tpu.dma_semaphore, #tpu.memory_space<semaphore_mem>>)
      %dma_wait3A = arith.constant 0 : i32
      %dma_wait3A_96 = tpu.memref_slice %arg6[%arg0, %mul3A_89, %dma_wait3A] : memref<2x10240x128xf32, #tpu.memory_space<hbm>> -> memref<1x640x128xf32, #tpu.memory_space<hbm>>
      %dma_wait3A_97 = tpu.memref_squeeze %dma_wait3A_96 : memref<1x640x128xf32, #tpu.memory_space<hbm>> -> memref<640x128xf32, #tpu.memory_space<hbm>>
      %dma_wait3A_98 = arith.constant 0 : i32
      %dma_wait3A_99 = tpu.memref_slice %arg10[%mul3A_87, %dma_wait3A_98] : memref<10240x128xf32, #tpu.memory_space<vmem_shared>> -> memref<640x128xf32, #tpu.memory_space<vmem_shared>>
      tpu.wait_dma2 semaphore(%run_scoped3A_90 : memref<!tpu.dma_semaphore, #tpu.memory_space<semaphore_mem>>) src(%dma_wait3A_99 : memref<640x128xf32, #tpu.memory_space<vmem_shared>>) dst(%dma_wait3A_97 : memref<640x128xf32, #tpu.memory_space<hbm>>)
      tpu.yield
    }) : () -> ()
    return
  }
}

#map = affine_map<(d0, d1) -> (0, 0)>
#map1 = affine_map<(d0, d1) -> (0, 0, 0)>
module attributes {stable_mosaic.version = 14 : i64} {
  func.func @prop(%arg0: i32, %arg1: i32, %arg2: memref<10000x128xf32, #tpu.memory_space<hbm>>, %arg3: memref<32x160x64xi32, #tpu.memory_space<hbm>>, %arg4: memref<32x160x64xi32, #tpu.memory_space<hbm>>, %arg5: memref<64x128xf32, #tpu.memory_space<hbm>>, %arg6: memref<2x10240x128xf32, #tpu.memory_space<hbm>>, %arg7: memref<80x64xi32, #tpu.memory_space<vmem>>, %arg8: memref<80x64xi32, #tpu.memory_space<vmem>>, %arg9: memref<2x64x128xf32, #tpu.memory_space<vmem>>, %arg10: memref<10240x128xf32, #tpu.memory_space<vmem_shared>>, %arg11: memref<!tpu.dma_semaphore, #tpu.memory_space<semaphore_mem>>, %arg12: memref<!tpu.dma_semaphore, #tpu.memory_space<semaphore_mem>>) attributes {dimension_semantics = [#tpu.dimension_semantics<core_parallel>, #tpu.dimension_semantics<subcore_parallel>], iteration_bounds = array<i64: 2, 16>, scalar_prefetch = 0 : i64, scratch_operands = 6 : i64, tpu.core_type = #tpu.core_type<sc_vector_subcore>, window_params = [{transform_indices = #map}, {transform_indices = #map1}, {transform_indices = #map1}, {transform_indices = #map}, {transform_indices = #map1}]} {
    %mul3A = arith.constant 2 : i32
    %mul3A_0 = arith.muli %arg1, %mul3A : i32
    %add3A = arith.addi %mul3A_0, %arg0 : i32
    %run_scoped3A = arith.constant 0 : i32
    "tpu.region"() ({
      %run_scoped3A_90 = tpu.sem_alloc : memref<!tpu.dma_semaphore, #tpu.memory_space<semaphore_mem>>
      %dma_start3A_91 = arith.constant 0 : i32
      %dma_start3A_92 = arith.constant 0 : i32
      %dma_start3A_93 = tpu.memref_slice %arg9[%run_scoped3A, %dma_start3A_91, %dma_start3A_92] : memref<2x64x128xf32, #tpu.memory_space<vmem>> -> memref<1x64x128xf32, #tpu.memory_space<vmem>>
      %dma_start3A_94 = tpu.memref_squeeze %dma_start3A_93 : memref<1x64x128xf32, #tpu.memory_space<vmem>> -> memref<64x128xf32, #tpu.memory_space<vmem>>
      %dma_start3A_95 = arith.constant 0 : i32
      %dma_start3A_96 = arith.constant 0 : i32
      %dma_start3A_97 = tpu.memref_slice %arg9[%run_scoped3A, %dma_start3A_95, %dma_start3A_96] : memref<2x64x128xf32, #tpu.memory_space<vmem>> -> memref<1x64x128xf32, #tpu.memory_space<vmem>>
      %dma_start3A_98 = tpu.memref_squeeze %dma_start3A_97 : memref<1x64x128xf32, #tpu.memory_space<vmem>> -> memref<64x128xf32, #tpu.memory_space<vmem>>
      tpu.enqueue_dma source(%arg5 : memref<64x128xf32, #tpu.memory_space<hbm>>) target(%dma_start3A_98 : memref<64x128xf32, #tpu.memory_space<vmem>>) target_semaphore(%run_scoped3A_90 : memref<!tpu.dma_semaphore, #tpu.memory_space<semaphore_mem>>)
      %dma_wait3A = arith.constant 0 : i32
      %dma_wait3A_99 = arith.constant 0 : i32
      %dma_wait3A_100 = tpu.memref_slice %arg9[%run_scoped3A, %dma_wait3A, %dma_wait3A_99] : memref<2x64x128xf32, #tpu.memory_space<vmem>> -> memref<1x64x128xf32, #tpu.memory_space<vmem>>
      %dma_wait3A_101 = tpu.memref_squeeze %dma_wait3A_100 : memref<1x64x128xf32, #tpu.memory_space<vmem>> -> memref<64x128xf32, #tpu.memory_space<vmem>>
      %dma_wait3A_102 = arith.constant 0 : i32
      %dma_wait3A_103 = arith.constant 0 : i32
      %dma_wait3A_104 = tpu.memref_slice %arg9[%run_scoped3A, %dma_wait3A_102, %dma_wait3A_103] : memref<2x64x128xf32, #tpu.memory_space<vmem>> -> memref<1x64x128xf32, #tpu.memory_space<vmem>>
      %dma_wait3A_105 = tpu.memref_squeeze %dma_wait3A_104 : memref<1x64x128xf32, #tpu.memory_space<vmem>> -> memref<64x128xf32, #tpu.memory_space<vmem>>
      tpu.wait_dma2 semaphore(%run_scoped3A_90 : memref<!tpu.dma_semaphore, #tpu.memory_space<semaphore_mem>>) src(%arg5 : memref<64x128xf32, #tpu.memory_space<hbm>>) dst(%dma_wait3A_105 : memref<64x128xf32, #tpu.memory_space<vmem>>)
      tpu.yield
    }) : () -> ()
    %mul3A_1 = arith.constant 640 : i32
    %mul3A_2 = arith.muli %arg1, %mul3A_1 : i32
    %add3A_3 = arith.constant 0 : i32
    %add3A_4 = arith.addi %mul3A_2, %add3A_3 : i32
    %run_scoped3A_5 = arith.constant 0 : i32
    "tpu.region"() ({
      %run_scoped3A_90 = tpu.sem_alloc : memref<!tpu.dma_semaphore, #tpu.memory_space<semaphore_mem>>
      %dma_start3A_91 = arith.constant 0 : i32
      %dma_start3A_92 = arith.constant 0 : i32
      %dma_start3A_93 = tpu.memref_slice %arg9[%run_scoped3A_5, %dma_start3A_91, %dma_start3A_92] : memref<2x64x128xf32, #tpu.memory_space<vmem>> -> memref<1x64x128xf32, #tpu.memory_space<vmem>>
      %dma_start3A_94 = tpu.memref_squeeze %dma_start3A_93 : memref<1x64x128xf32, #tpu.memory_space<vmem>> -> memref<64x128xf32, #tpu.memory_space<vmem>>
      %dma_start3A_95 = arith.constant 0 : i32
      %dma_start3A_96 = tpu.memref_slice %arg10[%add3A_4, %dma_start3A_95] : memref<10240x128xf32, #tpu.memory_space<vmem_shared>> -> memref<64x128xf32, #tpu.memory_space<vmem_shared>>
      %dma_start3A_97 = arith.constant 0 : i32
      %dma_start3A_98 = tpu.memref_slice %arg10[%add3A_4, %dma_start3A_97] : memref<10240x128xf32, #tpu.memory_space<vmem_shared>> -> memref<64x128xf32, #tpu.memory_space<vmem_shared>>
      %dma_start3A_99 = arith.constant 0 : i32
      %dma_start3A_100 = arith.constant 0 : i32
      %dma_start3A_101 = tpu.memref_slice %arg9[%run_scoped3A_5, %dma_start3A_99, %dma_start3A_100] : memref<2x64x128xf32, #tpu.memory_space<vmem>> -> memref<1x64x128xf32, #tpu.memory_space<vmem>>
      %dma_start3A_102 = tpu.memref_squeeze %dma_start3A_101 : memref<1x64x128xf32, #tpu.memory_space<vmem>> -> memref<64x128xf32, #tpu.memory_space<vmem>>
      tpu.enqueue_dma source(%dma_start3A_102 : memref<64x128xf32, #tpu.memory_space<vmem>>) target(%dma_start3A_98 : memref<64x128xf32, #tpu.memory_space<vmem_shared>>) target_semaphore(%run_scoped3A_90 : memref<!tpu.dma_semaphore, #tpu.memory_space<semaphore_mem>>)
      %dma_wait3A = arith.constant 0 : i32
      %dma_wait3A_103 = arith.constant 0 : i32
      %dma_wait3A_104 = tpu.memref_slice %arg9[%run_scoped3A_5, %dma_wait3A, %dma_wait3A_103] : memref<2x64x128xf32, #tpu.memory_space<vmem>> -> memref<1x64x128xf32, #tpu.memory_space<vmem>>
      %dma_wait3A_105 = tpu.memref_squeeze %dma_wait3A_104 : memref<1x64x128xf32, #tpu.memory_space<vmem>> -> memref<64x128xf32, #tpu.memory_space<vmem>>
      %dma_wait3A_106 = arith.constant 0 : i32
      %dma_wait3A_107 = tpu.memref_slice %arg10[%add3A_4, %dma_wait3A_106] : memref<10240x128xf32, #tpu.memory_space<vmem_shared>> -> memref<64x128xf32, #tpu.memory_space<vmem_shared>>
      %dma_wait3A_108 = arith.constant 0 : i32
      %dma_wait3A_109 = tpu.memref_slice %arg10[%add3A_4, %dma_wait3A_108] : memref<10240x128xf32, #tpu.memory_space<vmem_shared>> -> memref<64x128xf32, #tpu.memory_space<vmem_shared>>
      %dma_wait3A_110 = arith.constant 0 : i32
      %dma_wait3A_111 = arith.constant 0 : i32
      %dma_wait3A_112 = tpu.memref_slice %arg9[%run_scoped3A_5, %dma_wait3A_110, %dma_wait3A_111] : memref<2x64x128xf32, #tpu.memory_space<vmem>> -> memref<1x64x128xf32, #tpu.memory_space<vmem>>
      %dma_wait3A_113 = tpu.memref_squeeze %dma_wait3A_112 : memref<1x64x128xf32, #tpu.memory_space<vmem>> -> memref<64x128xf32, #tpu.memory_space<vmem>>
      tpu.wait_dma2 semaphore(%run_scoped3A_90 : memref<!tpu.dma_semaphore, #tpu.memory_space<semaphore_mem>>) src(%dma_wait3A_113 : memref<64x128xf32, #tpu.memory_space<vmem>>) dst(%dma_wait3A_109 : memref<64x128xf32, #tpu.memory_space<vmem_shared>>)
      tpu.yield
    }) : () -> ()
    %mul3A_6 = arith.constant 640 : i32
    %mul3A_7 = arith.muli %arg1, %mul3A_6 : i32
    %add3A_8 = arith.constant 64 : i32
    %add3A_9 = arith.addi %mul3A_7, %add3A_8 : i32
    %run_scoped3A_10 = arith.constant 0 : i32
    "tpu.region"() ({
      %run_scoped3A_90 = tpu.sem_alloc : memref<!tpu.dma_semaphore, #tpu.memory_space<semaphore_mem>>
      %dma_start3A_91 = arith.constant 0 : i32
      %dma_start3A_92 = arith.constant 0 : i32
      %dma_start3A_93 = tpu.memref_slice %arg9[%run_scoped3A_10, %dma_start3A_91, %dma_start3A_92] : memref<2x64x128xf32, #tpu.memory_space<vmem>> -> memref<1x64x128xf32, #tpu.memory_space<vmem>>
      %dma_start3A_94 = tpu.memref_squeeze %dma_start3A_93 : memref<1x64x128xf32, #tpu.memory_space<vmem>> -> memref<64x128xf32, #tpu.memory_space<vmem>>
      %dma_start3A_95 = arith.constant 0 : i32
      %dma_start3A_96 = tpu.memref_slice %arg10[%add3A_9, %dma_start3A_95] : memref<10240x128xf32, #tpu.memory_space<vmem_shared>> -> memref<64x128xf32, #tpu.memory_space<vmem_shared>>
      %dma_start3A_97 = arith.constant 0 : i32
      %dma_start3A_98 = tpu.memref_slice %arg10[%add3A_9, %dma_start3A_97] : memref<10240x128xf32, #tpu.memory_space<vmem_shared>> -> memref<64x128xf32, #tpu.memory_space<vmem_shared>>
      %dma_start3A_99 = arith.constant 0 : i32
      %dma_start3A_100 = arith.constant 0 : i32
      %dma_start3A_101 = tpu.memref_slice %arg9[%run_scoped3A_10, %dma_start3A_99, %dma_start3A_100] : memref<2x64x128xf32, #tpu.memory_space<vmem>> -> memref<1x64x128xf32, #tpu.memory_space<vmem>>
      %dma_start3A_102 = tpu.memref_squeeze %dma_start3A_101 : memref<1x64x128xf32, #tpu.memory_space<vmem>> -> memref<64x128xf32, #tpu.memory_space<vmem>>
      tpu.enqueue_dma source(%dma_start3A_102 : memref<64x128xf32, #tpu.memory_space<vmem>>) target(%dma_start3A_98 : memref<64x128xf32, #tpu.memory_space<vmem_shared>>) target_semaphore(%run_scoped3A_90 : memref<!tpu.dma_semaphore, #tpu.memory_space<semaphore_mem>>)
      %dma_wait3A = arith.constant 0 : i32
      %dma_wait3A_103 = arith.constant 0 : i32
      %dma_wait3A_104 = tpu.memref_slice %arg9[%run_scoped3A_10, %dma_wait3A, %dma_wait3A_103] : memref<2x64x128xf32, #tpu.memory_space<vmem>> -> memref<1x64x128xf32, #tpu.memory_space<vmem>>
      %dma_wait3A_105 = tpu.memref_squeeze %dma_wait3A_104 : memref<1x64x128xf32, #tpu.memory_space<vmem>> -> memref<64x128xf32, #tpu.memory_space<vmem>>
      %dma_wait3A_106 = arith.constant 0 : i32
      %dma_wait3A_107 = tpu.memref_slice %arg10[%add3A_9, %dma_wait3A_106] : memref<10240x128xf32, #tpu.memory_space<vmem_shared>> -> memref<64x128xf32, #tpu.memory_space<vmem_shared>>
      %dma_wait3A_108 = arith.constant 0 : i32
      %dma_wait3A_109 = tpu.memref_slice %arg10[%add3A_9, %dma_wait3A_108] : memref<10240x128xf32, #tpu.memory_space<vmem_shared>> -> memref<64x128xf32, #tpu.memory_space<vmem_shared>>
      %dma_wait3A_110 = arith.constant 0 : i32
      %dma_wait3A_111 = arith.constant 0 : i32
      %dma_wait3A_112 = tpu.memref_slice %arg9[%run_scoped3A_10, %dma_wait3A_110, %dma_wait3A_111] : memref<2x64x128xf32, #tpu.memory_space<vmem>> -> memref<1x64x128xf32, #tpu.memory_space<vmem>>
      %dma_wait3A_113 = tpu.memref_squeeze %dma_wait3A_112 : memref<1x64x128xf32, #tpu.memory_space<vmem>> -> memref<64x128xf32, #tpu.memory_space<vmem>>
      tpu.wait_dma2 semaphore(%run_scoped3A_90 : memref<!tpu.dma_semaphore, #tpu.memory_space<semaphore_mem>>) src(%dma_wait3A_113 : memref<64x128xf32, #tpu.memory_space<vmem>>) dst(%dma_wait3A_109 : memref<64x128xf32, #tpu.memory_space<vmem_shared>>)
      tpu.yield
    }) : () -> ()
    %mul3A_11 = arith.constant 640 : i32
    %mul3A_12 = arith.muli %arg1, %mul3A_11 : i32
    %add3A_13 = arith.constant 128 : i32
    %add3A_14 = arith.addi %mul3A_12, %add3A_13 : i32
    %run_scoped3A_15 = arith.constant 0 : i32
    "tpu.region"() ({
      %run_scoped3A_90 = tpu.sem_alloc : memref<!tpu.dma_semaphore, #tpu.memory_space<semaphore_mem>>
      %dma_start3A_91 = arith.constant 0 : i32
      %dma_start3A_92 = arith.constant 0 : i32
      %dma_start3A_93 = tpu.memref_slice %arg9[%run_scoped3A_15, %dma_start3A_91, %dma_start3A_92] : memref<2x64x128xf32, #tpu.memory_space<vmem>> -> memref<1x64x128xf32, #tpu.memory_space<vmem>>
      %dma_start3A_94 = tpu.memref_squeeze %dma_start3A_93 : memref<1x64x128xf32, #tpu.memory_space<vmem>> -> memref<64x128xf32, #tpu.memory_space<vmem>>
      %dma_start3A_95 = arith.constant 0 : i32
      %dma_start3A_96 = tpu.memref_slice %arg10[%add3A_14, %dma_start3A_95] : memref<10240x128xf32, #tpu.memory_space<vmem_shared>> -> memref<64x128xf32, #tpu.memory_space<vmem_shared>>
      %dma_start3A_97 = arith.constant 0 : i32
      %dma_start3A_98 = tpu.memref_slice %arg10[%add3A_14, %dma_start3A_97] : memref<10240x128xf32, #tpu.memory_space<vmem_shared>> -> memref<64x128xf32, #tpu.memory_space<vmem_shared>>
      %dma_start3A_99 = arith.constant 0 : i32
      %dma_start3A_100 = arith.constant 0 : i32
      %dma_start3A_101 = tpu.memref_slice %arg9[%run_scoped3A_15, %dma_start3A_99, %dma_start3A_100] : memref<2x64x128xf32, #tpu.memory_space<vmem>> -> memref<1x64x128xf32, #tpu.memory_space<vmem>>
      %dma_start3A_102 = tpu.memref_squeeze %dma_start3A_101 : memref<1x64x128xf32, #tpu.memory_space<vmem>> -> memref<64x128xf32, #tpu.memory_space<vmem>>
      tpu.enqueue_dma source(%dma_start3A_102 : memref<64x128xf32, #tpu.memory_space<vmem>>) target(%dma_start3A_98 : memref<64x128xf32, #tpu.memory_space<vmem_shared>>) target_semaphore(%run_scoped3A_90 : memref<!tpu.dma_semaphore, #tpu.memory_space<semaphore_mem>>)
      %dma_wait3A = arith.constant 0 : i32
      %dma_wait3A_103 = arith.constant 0 : i32
      %dma_wait3A_104 = tpu.memref_slice %arg9[%run_scoped3A_15, %dma_wait3A, %dma_wait3A_103] : memref<2x64x128xf32, #tpu.memory_space<vmem>> -> memref<1x64x128xf32, #tpu.memory_space<vmem>>
      %dma_wait3A_105 = tpu.memref_squeeze %dma_wait3A_104 : memref<1x64x128xf32, #tpu.memory_space<vmem>> -> memref<64x128xf32, #tpu.memory_space<vmem>>
      %dma_wait3A_106 = arith.constant 0 : i32
      %dma_wait3A_107 = tpu.memref_slice %arg10[%add3A_14, %dma_wait3A_106] : memref<10240x128xf32, #tpu.memory_space<vmem_shared>> -> memref<64x128xf32, #tpu.memory_space<vmem_shared>>
      %dma_wait3A_108 = arith.constant 0 : i32
      %dma_wait3A_109 = tpu.memref_slice %arg10[%add3A_14, %dma_wait3A_108] : memref<10240x128xf32, #tpu.memory_space<vmem_shared>> -> memref<64x128xf32, #tpu.memory_space<vmem_shared>>
      %dma_wait3A_110 = arith.constant 0 : i32
      %dma_wait3A_111 = arith.constant 0 : i32
      %dma_wait3A_112 = tpu.memref_slice %arg9[%run_scoped3A_15, %dma_wait3A_110, %dma_wait3A_111] : memref<2x64x128xf32, #tpu.memory_space<vmem>> -> memref<1x64x128xf32, #tpu.memory_space<vmem>>
      %dma_wait3A_113 = tpu.memref_squeeze %dma_wait3A_112 : memref<1x64x128xf32, #tpu.memory_space<vmem>> -> memref<64x128xf32, #tpu.memory_space<vmem>>
      tpu.wait_dma2 semaphore(%run_scoped3A_90 : memref<!tpu.dma_semaphore, #tpu.memory_space<semaphore_mem>>) src(%dma_wait3A_113 : memref<64x128xf32, #tpu.memory_space<vmem>>) dst(%dma_wait3A_109 : memref<64x128xf32, #tpu.memory_space<vmem_shared>>)
      tpu.yield
    }) : () -> ()
    %mul3A_16 = arith.constant 640 : i32
    %mul3A_17 = arith.muli %arg1, %mul3A_16 : i32
    %add3A_18 = arith.constant 192 : i32
    %add3A_19 = arith.addi %mul3A_17, %add3A_18 : i32
    %run_scoped3A_20 = arith.constant 0 : i32
    "tpu.region"() ({
      %run_scoped3A_90 = tpu.sem_alloc : memref<!tpu.dma_semaphore, #tpu.memory_space<semaphore_mem>>
      %dma_start3A_91 = arith.constant 0 : i32
      %dma_start3A_92 = arith.constant 0 : i32
      %dma_start3A_93 = tpu.memref_slice %arg9[%run_scoped3A_20, %dma_start3A_91, %dma_start3A_92] : memref<2x64x128xf32, #tpu.memory_space<vmem>> -> memref<1x64x128xf32, #tpu.memory_space<vmem>>
      %dma_start3A_94 = tpu.memref_squeeze %dma_start3A_93 : memref<1x64x128xf32, #tpu.memory_space<vmem>> -> memref<64x128xf32, #tpu.memory_space<vmem>>
      %dma_start3A_95 = arith.constant 0 : i32
      %dma_start3A_96 = tpu.memref_slice %arg10[%add3A_19, %dma_start3A_95] : memref<10240x128xf32, #tpu.memory_space<vmem_shared>> -> memref<64x128xf32, #tpu.memory_space<vmem_shared>>
      %dma_start3A_97 = arith.constant 0 : i32
      %dma_start3A_98 = tpu.memref_slice %arg10[%add3A_19, %dma_start3A_97] : memref<10240x128xf32, #tpu.memory_space<vmem_shared>> -> memref<64x128xf32, #tpu.memory_space<vmem_shared>>
      %dma_start3A_99 = arith.constant 0 : i32
      %dma_start3A_100 = arith.constant 0 : i32
      %dma_start3A_101 = tpu.memref_slice %arg9[%run_scoped3A_20, %dma_start3A_99, %dma_start3A_100] : memref<2x64x128xf32, #tpu.memory_space<vmem>> -> memref<1x64x128xf32, #tpu.memory_space<vmem>>
      %dma_start3A_102 = tpu.memref_squeeze %dma_start3A_101 : memref<1x64x128xf32, #tpu.memory_space<vmem>> -> memref<64x128xf32, #tpu.memory_space<vmem>>
      tpu.enqueue_dma source(%dma_start3A_102 : memref<64x128xf32, #tpu.memory_space<vmem>>) target(%dma_start3A_98 : memref<64x128xf32, #tpu.memory_space<vmem_shared>>) target_semaphore(%run_scoped3A_90 : memref<!tpu.dma_semaphore, #tpu.memory_space<semaphore_mem>>)
      %dma_wait3A = arith.constant 0 : i32
      %dma_wait3A_103 = arith.constant 0 : i32
      %dma_wait3A_104 = tpu.memref_slice %arg9[%run_scoped3A_20, %dma_wait3A, %dma_wait3A_103] : memref<2x64x128xf32, #tpu.memory_space<vmem>> -> memref<1x64x128xf32, #tpu.memory_space<vmem>>
      %dma_wait3A_105 = tpu.memref_squeeze %dma_wait3A_104 : memref<1x64x128xf32, #tpu.memory_space<vmem>> -> memref<64x128xf32, #tpu.memory_space<vmem>>
      %dma_wait3A_106 = arith.constant 0 : i32
      %dma_wait3A_107 = tpu.memref_slice %arg10[%add3A_19, %dma_wait3A_106] : memref<10240x128xf32, #tpu.memory_space<vmem_shared>> -> memref<64x128xf32, #tpu.memory_space<vmem_shared>>
      %dma_wait3A_108 = arith.constant 0 : i32
      %dma_wait3A_109 = tpu.memref_slice %arg10[%add3A_19, %dma_wait3A_108] : memref<10240x128xf32, #tpu.memory_space<vmem_shared>> -> memref<64x128xf32, #tpu.memory_space<vmem_shared>>
      %dma_wait3A_110 = arith.constant 0 : i32
      %dma_wait3A_111 = arith.constant 0 : i32
      %dma_wait3A_112 = tpu.memref_slice %arg9[%run_scoped3A_20, %dma_wait3A_110, %dma_wait3A_111] : memref<2x64x128xf32, #tpu.memory_space<vmem>> -> memref<1x64x128xf32, #tpu.memory_space<vmem>>
      %dma_wait3A_113 = tpu.memref_squeeze %dma_wait3A_112 : memref<1x64x128xf32, #tpu.memory_space<vmem>> -> memref<64x128xf32, #tpu.memory_space<vmem>>
      tpu.wait_dma2 semaphore(%run_scoped3A_90 : memref<!tpu.dma_semaphore, #tpu.memory_space<semaphore_mem>>) src(%dma_wait3A_113 : memref<64x128xf32, #tpu.memory_space<vmem>>) dst(%dma_wait3A_109 : memref<64x128xf32, #tpu.memory_space<vmem_shared>>)
      tpu.yield
    }) : () -> ()
    %mul3A_21 = arith.constant 640 : i32
    %mul3A_22 = arith.muli %arg1, %mul3A_21 : i32
    %add3A_23 = arith.constant 256 : i32
    %add3A_24 = arith.addi %mul3A_22, %add3A_23 : i32
    %run_scoped3A_25 = arith.constant 0 : i32
    "tpu.region"() ({
      %run_scoped3A_90 = tpu.sem_alloc : memref<!tpu.dma_semaphore, #tpu.memory_space<semaphore_mem>>
      %dma_start3A_91 = arith.constant 0 : i32
      %dma_start3A_92 = arith.constant 0 : i32
      %dma_start3A_93 = tpu.memref_slice %arg9[%run_scoped3A_25, %dma_start3A_91, %dma_start3A_92] : memref<2x64x128xf32, #tpu.memory_space<vmem>> -> memref<1x64x128xf32, #tpu.memory_space<vmem>>
      %dma_start3A_94 = tpu.memref_squeeze %dma_start3A_93 : memref<1x64x128xf32, #tpu.memory_space<vmem>> -> memref<64x128xf32, #tpu.memory_space<vmem>>
      %dma_start3A_95 = arith.constant 0 : i32
      %dma_start3A_96 = tpu.memref_slice %arg10[%add3A_24, %dma_start3A_95] : memref<10240x128xf32, #tpu.memory_space<vmem_shared>> -> memref<64x128xf32, #tpu.memory_space<vmem_shared>>
      %dma_start3A_97 = arith.constant 0 : i32
      %dma_start3A_98 = tpu.memref_slice %arg10[%add3A_24, %dma_start3A_97] : memref<10240x128xf32, #tpu.memory_space<vmem_shared>> -> memref<64x128xf32, #tpu.memory_space<vmem_shared>>
      %dma_start3A_99 = arith.constant 0 : i32
      %dma_start3A_100 = arith.constant 0 : i32
      %dma_start3A_101 = tpu.memref_slice %arg9[%run_scoped3A_25, %dma_start3A_99, %dma_start3A_100] : memref<2x64x128xf32, #tpu.memory_space<vmem>> -> memref<1x64x128xf32, #tpu.memory_space<vmem>>
      %dma_start3A_102 = tpu.memref_squeeze %dma_start3A_101 : memref<1x64x128xf32, #tpu.memory_space<vmem>> -> memref<64x128xf32, #tpu.memory_space<vmem>>
      tpu.enqueue_dma source(%dma_start3A_102 : memref<64x128xf32, #tpu.memory_space<vmem>>) target(%dma_start3A_98 : memref<64x128xf32, #tpu.memory_space<vmem_shared>>) target_semaphore(%run_scoped3A_90 : memref<!tpu.dma_semaphore, #tpu.memory_space<semaphore_mem>>)
      %dma_wait3A = arith.constant 0 : i32
      %dma_wait3A_103 = arith.constant 0 : i32
      %dma_wait3A_104 = tpu.memref_slice %arg9[%run_scoped3A_25, %dma_wait3A, %dma_wait3A_103] : memref<2x64x128xf32, #tpu.memory_space<vmem>> -> memref<1x64x128xf32, #tpu.memory_space<vmem>>
      %dma_wait3A_105 = tpu.memref_squeeze %dma_wait3A_104 : memref<1x64x128xf32, #tpu.memory_space<vmem>> -> memref<64x128xf32, #tpu.memory_space<vmem>>
      %dma_wait3A_106 = arith.constant 0 : i32
      %dma_wait3A_107 = tpu.memref_slice %arg10[%add3A_24, %dma_wait3A_106] : memref<10240x128xf32, #tpu.memory_space<vmem_shared>> -> memref<64x128xf32, #tpu.memory_space<vmem_shared>>
      %dma_wait3A_108 = arith.constant 0 : i32
      %dma_wait3A_109 = tpu.memref_slice %arg10[%add3A_24, %dma_wait3A_108] : memref<10240x128xf32, #tpu.memory_space<vmem_shared>> -> memref<64x128xf32, #tpu.memory_space<vmem_shared>>
      %dma_wait3A_110 = arith.constant 0 : i32
      %dma_wait3A_111 = arith.constant 0 : i32
      %dma_wait3A_112 = tpu.memref_slice %arg9[%run_scoped3A_25, %dma_wait3A_110, %dma_wait3A_111] : memref<2x64x128xf32, #tpu.memory_space<vmem>> -> memref<1x64x128xf32, #tpu.memory_space<vmem>>
      %dma_wait3A_113 = tpu.memref_squeeze %dma_wait3A_112 : memref<1x64x128xf32, #tpu.memory_space<vmem>> -> memref<64x128xf32, #tpu.memory_space<vmem>>
      tpu.wait_dma2 semaphore(%run_scoped3A_90 : memref<!tpu.dma_semaphore, #tpu.memory_space<semaphore_mem>>) src(%dma_wait3A_113 : memref<64x128xf32, #tpu.memory_space<vmem>>) dst(%dma_wait3A_109 : memref<64x128xf32, #tpu.memory_space<vmem_shared>>)
      tpu.yield
    }) : () -> ()
    %mul3A_26 = arith.constant 640 : i32
    %mul3A_27 = arith.muli %arg1, %mul3A_26 : i32
    %add3A_28 = arith.constant 320 : i32
    %add3A_29 = arith.addi %mul3A_27, %add3A_28 : i32
    %run_scoped3A_30 = arith.constant 0 : i32
    "tpu.region"() ({
      %run_scoped3A_90 = tpu.sem_alloc : memref<!tpu.dma_semaphore, #tpu.memory_space<semaphore_mem>>
      %dma_start3A_91 = arith.constant 0 : i32
      %dma_start3A_92 = arith.constant 0 : i32
      %dma_start3A_93 = tpu.memref_slice %arg9[%run_scoped3A_30, %dma_start3A_91, %dma_start3A_92] : memref<2x64x128xf32, #tpu.memory_space<vmem>> -> memref<1x64x128xf32, #tpu.memory_space<vmem>>
      %dma_start3A_94 = tpu.memref_squeeze %dma_start3A_93 : memref<1x64x128xf32, #tpu.memory_space<vmem>> -> memref<64x128xf32, #tpu.memory_space<vmem>>
      %dma_start3A_95 = arith.constant 0 : i32
      %dma_start3A_96 = tpu.memref_slice %arg10[%add3A_29, %dma_start3A_95] : memref<10240x128xf32, #tpu.memory_space<vmem_shared>> -> memref<64x128xf32, #tpu.memory_space<vmem_shared>>
      %dma_start3A_97 = arith.constant 0 : i32
      %dma_start3A_98 = tpu.memref_slice %arg10[%add3A_29, %dma_start3A_97] : memref<10240x128xf32, #tpu.memory_space<vmem_shared>> -> memref<64x128xf32, #tpu.memory_space<vmem_shared>>
      %dma_start3A_99 = arith.constant 0 : i32
      %dma_start3A_100 = arith.constant 0 : i32
      %dma_start3A_101 = tpu.memref_slice %arg9[%run_scoped3A_30, %dma_start3A_99, %dma_start3A_100] : memref<2x64x128xf32, #tpu.memory_space<vmem>> -> memref<1x64x128xf32, #tpu.memory_space<vmem>>
      %dma_start3A_102 = tpu.memref_squeeze %dma_start3A_101 : memref<1x64x128xf32, #tpu.memory_space<vmem>> -> memref<64x128xf32, #tpu.memory_space<vmem>>
      tpu.enqueue_dma source(%dma_start3A_102 : memref<64x128xf32, #tpu.memory_space<vmem>>) target(%dma_start3A_98 : memref<64x128xf32, #tpu.memory_space<vmem_shared>>) target_semaphore(%run_scoped3A_90 : memref<!tpu.dma_semaphore, #tpu.memory_space<semaphore_mem>>)
      %dma_wait3A = arith.constant 0 : i32
      %dma_wait3A_103 = arith.constant 0 : i32
      %dma_wait3A_104 = tpu.memref_slice %arg9[%run_scoped3A_30, %dma_wait3A, %dma_wait3A_103] : memref<2x64x128xf32, #tpu.memory_space<vmem>> -> memref<1x64x128xf32, #tpu.memory_space<vmem>>
      %dma_wait3A_105 = tpu.memref_squeeze %dma_wait3A_104 : memref<1x64x128xf32, #tpu.memory_space<vmem>> -> memref<64x128xf32, #tpu.memory_space<vmem>>
      %dma_wait3A_106 = arith.constant 0 : i32
      %dma_wait3A_107 = tpu.memref_slice %arg10[%add3A_29, %dma_wait3A_106] : memref<10240x128xf32, #tpu.memory_space<vmem_shared>> -> memref<64x128xf32, #tpu.memory_space<vmem_shared>>
      %dma_wait3A_108 = arith.constant 0 : i32
      %dma_wait3A_109 = tpu.memref_slice %arg10[%add3A_29, %dma_wait3A_108] : memref<10240x128xf32, #tpu.memory_space<vmem_shared>> -> memref<64x128xf32, #tpu.memory_space<vmem_shared>>
      %dma_wait3A_110 = arith.constant 0 : i32
      %dma_wait3A_111 = arith.constant 0 : i32
      %dma_wait3A_112 = tpu.memref_slice %arg9[%run_scoped3A_30, %dma_wait3A_110, %dma_wait3A_111] : memref<2x64x128xf32, #tpu.memory_space<vmem>> -> memref<1x64x128xf32, #tpu.memory_space<vmem>>
      %dma_wait3A_113 = tpu.memref_squeeze %dma_wait3A_112 : memref<1x64x128xf32, #tpu.memory_space<vmem>> -> memref<64x128xf32, #tpu.memory_space<vmem>>
      tpu.wait_dma2 semaphore(%run_scoped3A_90 : memref<!tpu.dma_semaphore, #tpu.memory_space<semaphore_mem>>) src(%dma_wait3A_113 : memref<64x128xf32, #tpu.memory_space<vmem>>) dst(%dma_wait3A_109 : memref<64x128xf32, #tpu.memory_space<vmem_shared>>)
      tpu.yield
    }) : () -> ()
    %mul3A_31 = arith.constant 640 : i32
    %mul3A_32 = arith.muli %arg1, %mul3A_31 : i32
    %add3A_33 = arith.constant 384 : i32
    %add3A_34 = arith.addi %mul3A_32, %add3A_33 : i32
    %run_scoped3A_35 = arith.constant 0 : i32
    "tpu.region"() ({
      %run_scoped3A_90 = tpu.sem_alloc : memref<!tpu.dma_semaphore, #tpu.memory_space<semaphore_mem>>
      %dma_start3A_91 = arith.constant 0 : i32
      %dma_start3A_92 = arith.constant 0 : i32
      %dma_start3A_93 = tpu.memref_slice %arg9[%run_scoped3A_35, %dma_start3A_91, %dma_start3A_92] : memref<2x64x128xf32, #tpu.memory_space<vmem>> -> memref<1x64x128xf32, #tpu.memory_space<vmem>>
      %dma_start3A_94 = tpu.memref_squeeze %dma_start3A_93 : memref<1x64x128xf32, #tpu.memory_space<vmem>> -> memref<64x128xf32, #tpu.memory_space<vmem>>
      %dma_start3A_95 = arith.constant 0 : i32
      %dma_start3A_96 = tpu.memref_slice %arg10[%add3A_34, %dma_start3A_95] : memref<10240x128xf32, #tpu.memory_space<vmem_shared>> -> memref<64x128xf32, #tpu.memory_space<vmem_shared>>
      %dma_start3A_97 = arith.constant 0 : i32
      %dma_start3A_98 = tpu.memref_slice %arg10[%add3A_34, %dma_start3A_97] : memref<10240x128xf32, #tpu.memory_space<vmem_shared>> -> memref<64x128xf32, #tpu.memory_space<vmem_shared>>
      %dma_start3A_99 = arith.constant 0 : i32
      %dma_start3A_100 = arith.constant 0 : i32
      %dma_start3A_101 = tpu.memref_slice %arg9[%run_scoped3A_35, %dma_start3A_99, %dma_start3A_100] : memref<2x64x128xf32, #tpu.memory_space<vmem>> -> memref<1x64x128xf32, #tpu.memory_space<vmem>>
      %dma_start3A_102 = tpu.memref_squeeze %dma_start3A_101 : memref<1x64x128xf32, #tpu.memory_space<vmem>> -> memref<64x128xf32, #tpu.memory_space<vmem>>
      tpu.enqueue_dma source(%dma_start3A_102 : memref<64x128xf32, #tpu.memory_space<vmem>>) target(%dma_start3A_98 : memref<64x128xf32, #tpu.memory_space<vmem_shared>>) target_semaphore(%run_scoped3A_90 : memref<!tpu.dma_semaphore, #tpu.memory_space<semaphore_mem>>)
      %dma_wait3A = arith.constant 0 : i32
      %dma_wait3A_103 = arith.constant 0 : i32
      %dma_wait3A_104 = tpu.memref_slice %arg9[%run_scoped3A_35, %dma_wait3A, %dma_wait3A_103] : memref<2x64x128xf32, #tpu.memory_space<vmem>> -> memref<1x64x128xf32, #tpu.memory_space<vmem>>
      %dma_wait3A_105 = tpu.memref_squeeze %dma_wait3A_104 : memref<1x64x128xf32, #tpu.memory_space<vmem>> -> memref<64x128xf32, #tpu.memory_space<vmem>>
      %dma_wait3A_106 = arith.constant 0 : i32
      %dma_wait3A_107 = tpu.memref_slice %arg10[%add3A_34, %dma_wait3A_106] : memref<10240x128xf32, #tpu.memory_space<vmem_shared>> -> memref<64x128xf32, #tpu.memory_space<vmem_shared>>
      %dma_wait3A_108 = arith.constant 0 : i32
      %dma_wait3A_109 = tpu.memref_slice %arg10[%add3A_34, %dma_wait3A_108] : memref<10240x128xf32, #tpu.memory_space<vmem_shared>> -> memref<64x128xf32, #tpu.memory_space<vmem_shared>>
      %dma_wait3A_110 = arith.constant 0 : i32
      %dma_wait3A_111 = arith.constant 0 : i32
      %dma_wait3A_112 = tpu.memref_slice %arg9[%run_scoped3A_35, %dma_wait3A_110, %dma_wait3A_111] : memref<2x64x128xf32, #tpu.memory_space<vmem>> -> memref<1x64x128xf32, #tpu.memory_space<vmem>>
      %dma_wait3A_113 = tpu.memref_squeeze %dma_wait3A_112 : memref<1x64x128xf32, #tpu.memory_space<vmem>> -> memref<64x128xf32, #tpu.memory_space<vmem>>
      tpu.wait_dma2 semaphore(%run_scoped3A_90 : memref<!tpu.dma_semaphore, #tpu.memory_space<semaphore_mem>>) src(%dma_wait3A_113 : memref<64x128xf32, #tpu.memory_space<vmem>>) dst(%dma_wait3A_109 : memref<64x128xf32, #tpu.memory_space<vmem_shared>>)
      tpu.yield
    }) : () -> ()
    %mul3A_36 = arith.constant 640 : i32
    %mul3A_37 = arith.muli %arg1, %mul3A_36 : i32
    %add3A_38 = arith.constant 448 : i32
    %add3A_39 = arith.addi %mul3A_37, %add3A_38 : i32
    %run_scoped3A_40 = arith.constant 0 : i32
    "tpu.region"() ({
      %run_scoped3A_90 = tpu.sem_alloc : memref<!tpu.dma_semaphore, #tpu.memory_space<semaphore_mem>>
      %dma_start3A_91 = arith.constant 0 : i32
      %dma_start3A_92 = arith.constant 0 : i32
      %dma_start3A_93 = tpu.memref_slice %arg9[%run_scoped3A_40, %dma_start3A_91, %dma_start3A_92] : memref<2x64x128xf32, #tpu.memory_space<vmem>> -> memref<1x64x128xf32, #tpu.memory_space<vmem>>
      %dma_start3A_94 = tpu.memref_squeeze %dma_start3A_93 : memref<1x64x128xf32, #tpu.memory_space<vmem>> -> memref<64x128xf32, #tpu.memory_space<vmem>>
      %dma_start3A_95 = arith.constant 0 : i32
      %dma_start3A_96 = tpu.memref_slice %arg10[%add3A_39, %dma_start3A_95] : memref<10240x128xf32, #tpu.memory_space<vmem_shared>> -> memref<64x128xf32, #tpu.memory_space<vmem_shared>>
      %dma_start3A_97 = arith.constant 0 : i32
      %dma_start3A_98 = tpu.memref_slice %arg10[%add3A_39, %dma_start3A_97] : memref<10240x128xf32, #tpu.memory_space<vmem_shared>> -> memref<64x128xf32, #tpu.memory_space<vmem_shared>>
      %dma_start3A_99 = arith.constant 0 : i32
      %dma_start3A_100 = arith.constant 0 : i32
      %dma_start3A_101 = tpu.memref_slice %arg9[%run_scoped3A_40, %dma_start3A_99, %dma_start3A_100] : memref<2x64x128xf32, #tpu.memory_space<vmem>> -> memref<1x64x128xf32, #tpu.memory_space<vmem>>
      %dma_start3A_102 = tpu.memref_squeeze %dma_start3A_101 : memref<1x64x128xf32, #tpu.memory_space<vmem>> -> memref<64x128xf32, #tpu.memory_space<vmem>>
      tpu.enqueue_dma source(%dma_start3A_102 : memref<64x128xf32, #tpu.memory_space<vmem>>) target(%dma_start3A_98 : memref<64x128xf32, #tpu.memory_space<vmem_shared>>) target_semaphore(%run_scoped3A_90 : memref<!tpu.dma_semaphore, #tpu.memory_space<semaphore_mem>>)
      %dma_wait3A = arith.constant 0 : i32
      %dma_wait3A_103 = arith.constant 0 : i32
      %dma_wait3A_104 = tpu.memref_slice %arg9[%run_scoped3A_40, %dma_wait3A, %dma_wait3A_103] : memref<2x64x128xf32, #tpu.memory_space<vmem>> -> memref<1x64x128xf32, #tpu.memory_space<vmem>>
      %dma_wait3A_105 = tpu.memref_squeeze %dma_wait3A_104 : memref<1x64x128xf32, #tpu.memory_space<vmem>> -> memref<64x128xf32, #tpu.memory_space<vmem>>
      %dma_wait3A_106 = arith.constant 0 : i32
      %dma_wait3A_107 = tpu.memref_slice %arg10[%add3A_39, %dma_wait3A_106] : memref<10240x128xf32, #tpu.memory_space<vmem_shared>> -> memref<64x128xf32, #tpu.memory_space<vmem_shared>>
      %dma_wait3A_108 = arith.constant 0 : i32
      %dma_wait3A_109 = tpu.memref_slice %arg10[%add3A_39, %dma_wait3A_108] : memref<10240x128xf32, #tpu.memory_space<vmem_shared>> -> memref<64x128xf32, #tpu.memory_space<vmem_shared>>
      %dma_wait3A_110 = arith.constant 0 : i32
      %dma_wait3A_111 = arith.constant 0 : i32
      %dma_wait3A_112 = tpu.memref_slice %arg9[%run_scoped3A_40, %dma_wait3A_110, %dma_wait3A_111] : memref<2x64x128xf32, #tpu.memory_space<vmem>> -> memref<1x64x128xf32, #tpu.memory_space<vmem>>
      %dma_wait3A_113 = tpu.memref_squeeze %dma_wait3A_112 : memref<1x64x128xf32, #tpu.memory_space<vmem>> -> memref<64x128xf32, #tpu.memory_space<vmem>>
      tpu.wait_dma2 semaphore(%run_scoped3A_90 : memref<!tpu.dma_semaphore, #tpu.memory_space<semaphore_mem>>) src(%dma_wait3A_113 : memref<64x128xf32, #tpu.memory_space<vmem>>) dst(%dma_wait3A_109 : memref<64x128xf32, #tpu.memory_space<vmem_shared>>)
      tpu.yield
    }) : () -> ()
    %mul3A_41 = arith.constant 640 : i32
    %mul3A_42 = arith.muli %arg1, %mul3A_41 : i32
    %add3A_43 = arith.constant 512 : i32
    %add3A_44 = arith.addi %mul3A_42, %add3A_43 : i32
    %run_scoped3A_45 = arith.constant 0 : i32
    "tpu.region"() ({
      %run_scoped3A_90 = tpu.sem_alloc : memref<!tpu.dma_semaphore, #tpu.memory_space<semaphore_mem>>
      %dma_start3A_91 = arith.constant 0 : i32
      %dma_start3A_92 = arith.constant 0 : i32
      %dma_start3A_93 = tpu.memref_slice %arg9[%run_scoped3A_45, %dma_start3A_91, %dma_start3A_92] : memref<2x64x128xf32, #tpu.memory_space<vmem>> -> memref<1x64x128xf32, #tpu.memory_space<vmem>>
      %dma_start3A_94 = tpu.memref_squeeze %dma_start3A_93 : memref<1x64x128xf32, #tpu.memory_space<vmem>> -> memref<64x128xf32, #tpu.memory_space<vmem>>
      %dma_start3A_95 = arith.constant 0 : i32
      %dma_start3A_96 = tpu.memref_slice %arg10[%add3A_44, %dma_start3A_95] : memref<10240x128xf32, #tpu.memory_space<vmem_shared>> -> memref<64x128xf32, #tpu.memory_space<vmem_shared>>
      %dma_start3A_97 = arith.constant 0 : i32
      %dma_start3A_98 = tpu.memref_slice %arg10[%add3A_44, %dma_start3A_97] : memref<10240x128xf32, #tpu.memory_space<vmem_shared>> -> memref<64x128xf32, #tpu.memory_space<vmem_shared>>
      %dma_start3A_99 = arith.constant 0 : i32
      %dma_start3A_100 = arith.constant 0 : i32
      %dma_start3A_101 = tpu.memref_slice %arg9[%run_scoped3A_45, %dma_start3A_99, %dma_start3A_100] : memref<2x64x128xf32, #tpu.memory_space<vmem>> -> memref<1x64x128xf32, #tpu.memory_space<vmem>>
      %dma_start3A_102 = tpu.memref_squeeze %dma_start3A_101 : memref<1x64x128xf32, #tpu.memory_space<vmem>> -> memref<64x128xf32, #tpu.memory_space<vmem>>
      tpu.enqueue_dma source(%dma_start3A_102 : memref<64x128xf32, #tpu.memory_space<vmem>>) target(%dma_start3A_98 : memref<64x128xf32, #tpu.memory_space<vmem_shared>>) target_semaphore(%run_scoped3A_90 : memref<!tpu.dma_semaphore, #tpu.memory_space<semaphore_mem>>)
      %dma_wait3A = arith.constant 0 : i32
      %dma_wait3A_103 = arith.constant 0 : i32
      %dma_wait3A_104 = tpu.memref_slice %arg9[%run_scoped3A_45, %dma_wait3A, %dma_wait3A_103] : memref<2x64x128xf32, #tpu.memory_space<vmem>> -> memref<1x64x128xf32, #tpu.memory_space<vmem>>
      %dma_wait3A_105 = tpu.memref_squeeze %dma_wait3A_104 : memref<1x64x128xf32, #tpu.memory_space<vmem>> -> memref<64x128xf32, #tpu.memory_space<vmem>>
      %dma_wait3A_106 = arith.constant 0 : i32
      %dma_wait3A_107 = tpu.memref_slice %arg10[%add3A_44, %dma_wait3A_106] : memref<10240x128xf32, #tpu.memory_space<vmem_shared>> -> memref<64x128xf32, #tpu.memory_space<vmem_shared>>
      %dma_wait3A_108 = arith.constant 0 : i32
      %dma_wait3A_109 = tpu.memref_slice %arg10[%add3A_44, %dma_wait3A_108] : memref<10240x128xf32, #tpu.memory_space<vmem_shared>> -> memref<64x128xf32, #tpu.memory_space<vmem_shared>>
      %dma_wait3A_110 = arith.constant 0 : i32
      %dma_wait3A_111 = arith.constant 0 : i32
      %dma_wait3A_112 = tpu.memref_slice %arg9[%run_scoped3A_45, %dma_wait3A_110, %dma_wait3A_111] : memref<2x64x128xf32, #tpu.memory_space<vmem>> -> memref<1x64x128xf32, #tpu.memory_space<vmem>>
      %dma_wait3A_113 = tpu.memref_squeeze %dma_wait3A_112 : memref<1x64x128xf32, #tpu.memory_space<vmem>> -> memref<64x128xf32, #tpu.memory_space<vmem>>
      tpu.wait_dma2 semaphore(%run_scoped3A_90 : memref<!tpu.dma_semaphore, #tpu.memory_space<semaphore_mem>>) src(%dma_wait3A_113 : memref<64x128xf32, #tpu.memory_space<vmem>>) dst(%dma_wait3A_109 : memref<64x128xf32, #tpu.memory_space<vmem_shared>>)
      tpu.yield
    }) : () -> ()
    %mul3A_46 = arith.constant 640 : i32
    %mul3A_47 = arith.muli %arg1, %mul3A_46 : i32
    %add3A_48 = arith.constant 576 : i32
    %add3A_49 = arith.addi %mul3A_47, %add3A_48 : i32
    %run_scoped3A_50 = arith.constant 0 : i32
    "tpu.region"() ({
      %run_scoped3A_90 = tpu.sem_alloc : memref<!tpu.dma_semaphore, #tpu.memory_space<semaphore_mem>>
      %dma_start3A_91 = arith.constant 0 : i32
      %dma_start3A_92 = arith.constant 0 : i32
      %dma_start3A_93 = tpu.memref_slice %arg9[%run_scoped3A_50, %dma_start3A_91, %dma_start3A_92] : memref<2x64x128xf32, #tpu.memory_space<vmem>> -> memref<1x64x128xf32, #tpu.memory_space<vmem>>
      %dma_start3A_94 = tpu.memref_squeeze %dma_start3A_93 : memref<1x64x128xf32, #tpu.memory_space<vmem>> -> memref<64x128xf32, #tpu.memory_space<vmem>>
      %dma_start3A_95 = arith.constant 0 : i32
      %dma_start3A_96 = tpu.memref_slice %arg10[%add3A_49, %dma_start3A_95] : memref<10240x128xf32, #tpu.memory_space<vmem_shared>> -> memref<64x128xf32, #tpu.memory_space<vmem_shared>>
      %dma_start3A_97 = arith.constant 0 : i32
      %dma_start3A_98 = tpu.memref_slice %arg10[%add3A_49, %dma_start3A_97] : memref<10240x128xf32, #tpu.memory_space<vmem_shared>> -> memref<64x128xf32, #tpu.memory_space<vmem_shared>>
      %dma_start3A_99 = arith.constant 0 : i32
      %dma_start3A_100 = arith.constant 0 : i32
      %dma_start3A_101 = tpu.memref_slice %arg9[%run_scoped3A_50, %dma_start3A_99, %dma_start3A_100] : memref<2x64x128xf32, #tpu.memory_space<vmem>> -> memref<1x64x128xf32, #tpu.memory_space<vmem>>
      %dma_start3A_102 = tpu.memref_squeeze %dma_start3A_101 : memref<1x64x128xf32, #tpu.memory_space<vmem>> -> memref<64x128xf32, #tpu.memory_space<vmem>>
      tpu.enqueue_dma source(%dma_start3A_102 : memref<64x128xf32, #tpu.memory_space<vmem>>) target(%dma_start3A_98 : memref<64x128xf32, #tpu.memory_space<vmem_shared>>) target_semaphore(%run_scoped3A_90 : memref<!tpu.dma_semaphore, #tpu.memory_space<semaphore_mem>>)
      %dma_wait3A = arith.constant 0 : i32
      %dma_wait3A_103 = arith.constant 0 : i32
      %dma_wait3A_104 = tpu.memref_slice %arg9[%run_scoped3A_50, %dma_wait3A, %dma_wait3A_103] : memref<2x64x128xf32, #tpu.memory_space<vmem>> -> memref<1x64x128xf32, #tpu.memory_space<vmem>>
      %dma_wait3A_105 = tpu.memref_squeeze %dma_wait3A_104 : memref<1x64x128xf32, #tpu.memory_space<vmem>> -> memref<64x128xf32, #tpu.memory_space<vmem>>
      %dma_wait3A_106 = arith.constant 0 : i32
      %dma_wait3A_107 = tpu.memref_slice %arg10[%add3A_49, %dma_wait3A_106] : memref<10240x128xf32, #tpu.memory_space<vmem_shared>> -> memref<64x128xf32, #tpu.memory_space<vmem_shared>>
      %dma_wait3A_108 = arith.constant 0 : i32
      %dma_wait3A_109 = tpu.memref_slice %arg10[%add3A_49, %dma_wait3A_108] : memref<10240x128xf32, #tpu.memory_space<vmem_shared>> -> memref<64x128xf32, #tpu.memory_space<vmem_shared>>
      %dma_wait3A_110 = arith.constant 0 : i32
      %dma_wait3A_111 = arith.constant 0 : i32
      %dma_wait3A_112 = tpu.memref_slice %arg9[%run_scoped3A_50, %dma_wait3A_110, %dma_wait3A_111] : memref<2x64x128xf32, #tpu.memory_space<vmem>> -> memref<1x64x128xf32, #tpu.memory_space<vmem>>
      %dma_wait3A_113 = tpu.memref_squeeze %dma_wait3A_112 : memref<1x64x128xf32, #tpu.memory_space<vmem>> -> memref<64x128xf32, #tpu.memory_space<vmem>>
      tpu.wait_dma2 semaphore(%run_scoped3A_90 : memref<!tpu.dma_semaphore, #tpu.memory_space<semaphore_mem>>) src(%dma_wait3A_113 : memref<64x128xf32, #tpu.memory_space<vmem>>) dst(%dma_wait3A_109 : memref<64x128xf32, #tpu.memory_space<vmem_shared>>)
      tpu.yield
    }) : () -> ()
    %barrier3A = arith.constant 0 : index
    tpu.barrier barrier_id(%barrier3A)
    "tpu.region"() ({
      %run_scoped3A_90 = tpu.sem_alloc : memref<!tpu.dma_semaphore, #tpu.memory_space<semaphore_mem>>
      %dma_start3A_91 = arith.constant 0 : i32
      %dma_start3A_92 = arith.constant 0 : i32
      %dma_start3A_93 = tpu.memref_slice %arg3[%add3A, %dma_start3A_91, %dma_start3A_92] : memref<32x160x64xi32, #tpu.memory_space<hbm>> -> memref<1x80x64xi32, #tpu.memory_space<hbm>>
      %dma_start3A_94 = tpu.memref_squeeze %dma_start3A_93 : memref<1x80x64xi32, #tpu.memory_space<hbm>> -> memref<80x64xi32, #tpu.memory_space<hbm>>
      %dma_start3A_95 = arith.constant 0 : i32
      %dma_start3A_96 = arith.constant 0 : i32
      %dma_start3A_97 = tpu.memref_slice %arg3[%add3A, %dma_start3A_95, %dma_start3A_96] : memref<32x160x64xi32, #tpu.memory_space<hbm>> -> memref<1x80x64xi32, #tpu.memory_space<hbm>>
      %dma_start3A_98 = tpu.memref_squeeze %dma_start3A_97 : memref<1x80x64xi32, #tpu.memory_space<hbm>> -> memref<80x64xi32, #tpu.memory_space<hbm>>
      tpu.enqueue_dma source(%dma_start3A_98 : memref<80x64xi32, #tpu.memory_space<hbm>>) target(%arg7 : memref<80x64xi32, #tpu.memory_space<vmem>>) target_semaphore(%run_scoped3A_90 : memref<!tpu.dma_semaphore, #tpu.memory_space<semaphore_mem>>)
      %dma_wait3A = arith.constant 0 : i32
      %dma_wait3A_99 = arith.constant 0 : i32
      %dma_wait3A_100 = tpu.memref_slice %arg3[%add3A, %dma_wait3A, %dma_wait3A_99] : memref<32x160x64xi32, #tpu.memory_space<hbm>> -> memref<1x80x64xi32, #tpu.memory_space<hbm>>
      %dma_wait3A_101 = tpu.memref_squeeze %dma_wait3A_100 : memref<1x80x64xi32, #tpu.memory_space<hbm>> -> memref<80x64xi32, #tpu.memory_space<hbm>>
      %dma_wait3A_102 = arith.constant 0 : i32
      %dma_wait3A_103 = arith.constant 0 : i32
      %dma_wait3A_104 = tpu.memref_slice %arg3[%add3A, %dma_wait3A_102, %dma_wait3A_103] : memref<32x160x64xi32, #tpu.memory_space<hbm>> -> memref<1x80x64xi32, #tpu.memory_space<hbm>>
      %dma_wait3A_105 = tpu.memref_squeeze %dma_wait3A_104 : memref<1x80x64xi32, #tpu.memory_space<hbm>> -> memref<80x64xi32, #tpu.memory_space<hbm>>
      tpu.wait_dma2 semaphore(%run_scoped3A_90 : memref<!tpu.dma_semaphore, #tpu.memory_space<semaphore_mem>>) src(%dma_wait3A_105 : memref<80x64xi32, #tpu.memory_space<hbm>>) dst(%arg7 : memref<80x64xi32, #tpu.memory_space<vmem>>)
      tpu.yield
    }) : () -> ()
    "tpu.region"() ({
      %run_scoped3A_90 = tpu.sem_alloc : memref<!tpu.dma_semaphore, #tpu.memory_space<semaphore_mem>>
      %dma_start3A_91 = arith.constant 0 : i32
      %dma_start3A_92 = arith.constant 0 : i32
      %dma_start3A_93 = tpu.memref_slice %arg4[%add3A, %dma_start3A_91, %dma_start3A_92] : memref<32x160x64xi32, #tpu.memory_space<hbm>> -> memref<1x80x64xi32, #tpu.memory_space<hbm>>
      %dma_start3A_94 = tpu.memref_squeeze %dma_start3A_93 : memref<1x80x64xi32, #tpu.memory_space<hbm>> -> memref<80x64xi32, #tpu.memory_space<hbm>>
      %dma_start3A_95 = arith.constant 0 : i32
      %dma_start3A_96 = arith.constant 0 : i32
      %dma_start3A_97 = tpu.memref_slice %arg4[%add3A, %dma_start3A_95, %dma_start3A_96] : memref<32x160x64xi32, #tpu.memory_space<hbm>> -> memref<1x80x64xi32, #tpu.memory_space<hbm>>
      %dma_start3A_98 = tpu.memref_squeeze %dma_start3A_97 : memref<1x80x64xi32, #tpu.memory_space<hbm>> -> memref<80x64xi32, #tpu.memory_space<hbm>>
      tpu.enqueue_dma source(%dma_start3A_98 : memref<80x64xi32, #tpu.memory_space<hbm>>) target(%arg8 : memref<80x64xi32, #tpu.memory_space<vmem>>) target_semaphore(%run_scoped3A_90 : memref<!tpu.dma_semaphore, #tpu.memory_space<semaphore_mem>>)
      %dma_wait3A = arith.constant 0 : i32
      %dma_wait3A_99 = arith.constant 0 : i32
      %dma_wait3A_100 = tpu.memref_slice %arg4[%add3A, %dma_wait3A, %dma_wait3A_99] : memref<32x160x64xi32, #tpu.memory_space<hbm>> -> memref<1x80x64xi32, #tpu.memory_space<hbm>>
      %dma_wait3A_101 = tpu.memref_squeeze %dma_wait3A_100 : memref<1x80x64xi32, #tpu.memory_space<hbm>> -> memref<80x64xi32, #tpu.memory_space<hbm>>
      %dma_wait3A_102 = arith.constant 0 : i32
      %dma_wait3A_103 = arith.constant 0 : i32
      %dma_wait3A_104 = tpu.memref_slice %arg4[%add3A, %dma_wait3A_102, %dma_wait3A_103] : memref<32x160x64xi32, #tpu.memory_space<hbm>> -> memref<1x80x64xi32, #tpu.memory_space<hbm>>
      %dma_wait3A_105 = tpu.memref_squeeze %dma_wait3A_104 : memref<1x80x64xi32, #tpu.memory_space<hbm>> -> memref<80x64xi32, #tpu.memory_space<hbm>>
      tpu.wait_dma2 semaphore(%run_scoped3A_90 : memref<!tpu.dma_semaphore, #tpu.memory_space<semaphore_mem>>) src(%dma_wait3A_105 : memref<80x64xi32, #tpu.memory_space<hbm>>) dst(%arg8 : memref<80x64xi32, #tpu.memory_space<vmem>>)
      tpu.yield
    }) : () -> ()
    %dma_start3A = arith.constant 0 : i32
    %dma_start3A_51 = arith.constant 0 : i32
    %dma_start3A_52 = arith.constant 0 : i32
    %dma_start3A_53 = arith.constant 0 : i32
    %dma_start3A_54 = tpu.memref_slice %arg9[%dma_start3A_51, %dma_start3A_52, %dma_start3A_53] : memref<2x64x128xf32, #tpu.memory_space<vmem>> -> memref<1x64x128xf32, #tpu.memory_space<vmem>>
    %dma_start3A_55 = tpu.memref_squeeze %dma_start3A_54 : memref<1x64x128xf32, #tpu.memory_space<vmem>> -> memref<64x128xf32, #tpu.memory_space<vmem>>
    %dma_start3A_56 = arith.constant 0 : i32
    %dma_start3A_57 = tpu.memref_slice %arg7[%dma_start3A, %dma_start3A_56] : memref<80x64xi32, #tpu.memory_space<vmem>> -> memref<1x64xi32, #tpu.memory_space<vmem>>
    %dma_start3A_58 = tpu.memref_squeeze %dma_start3A_57 : memref<1x64xi32, #tpu.memory_space<vmem>> -> memref<64xi32, #tpu.memory_space<vmem>>
    %dma_start3A_59 = arith.constant 0 : i32
    %dma_start3A_60 = arith.constant 0 : i32
    %dma_start3A_61 = tpu.memref_slice %arg2[%dma_start3A_59, %dma_start3A_60] : memref<10000x128xf32, #tpu.memory_space<hbm>> -> memref<10000x128xf32, #tpu.memory_space<hbm>>
    tpu.enqueue_indirect_dma source(%dma_start3A_61 : memref<10000x128xf32, #tpu.memory_space<hbm>>) target(%dma_start3A_55 : memref<64x128xf32, #tpu.memory_space<vmem>>) offsets(%dma_start3A_58 : memref<64xi32, #tpu.memory_space<vmem>>) semaphore(%arg11 : memref<!tpu.dma_semaphore, #tpu.memory_space<semaphore_mem>>)
    %scan3A = arith.constant 0 : i32
    %scan3A_62 = arith.constant 0 : i32
    %scan3A_63 = arith.constant 40 : i32
    %scan3A_64 = arith.addi %scan3A_62, %scan3A_63 : i32
    %scan3A_65 = arith.constant 1 : i32
    scf.for %scan3A_90 = %scan3A_62 to %scan3A_64 step %scan3A_65  : i32 {
      %mul3A_91 = arith.constant 2 : i32
      %mul3A_92 = arith.muli %mul3A_91, %scan3A_90 : i32
      %add3A_93 = arith.constant 1 : i32
      %add3A_94 = arith.addi %mul3A_92, %add3A_93 : i32
      %dma_start3A_95 = arith.constant 1 : i32
      %dma_start3A_96 = arith.constant 0 : i32
      %dma_start3A_97 = arith.constant 0 : i32
      %dma_start3A_98 = tpu.memref_slice %arg9[%dma_start3A_95, %dma_start3A_96, %dma_start3A_97] : memref<2x64x128xf32, #tpu.memory_space<vmem>> -> memref<1x64x128xf32, #tpu.memory_space<vmem>>
      %dma_start3A_99 = tpu.memref_squeeze %dma_start3A_98 : memref<1x64x128xf32, #tpu.memory_space<vmem>> -> memref<64x128xf32, #tpu.memory_space<vmem>>
      %dma_start3A_100 = arith.constant 0 : i32
      %dma_start3A_101 = tpu.memref_slice %arg7[%add3A_94, %dma_start3A_100] : memref<80x64xi32, #tpu.memory_space<vmem>> -> memref<1x64xi32, #tpu.memory_space<vmem>>
      %dma_start3A_102 = tpu.memref_squeeze %dma_start3A_101 : memref<1x64xi32, #tpu.memory_space<vmem>> -> memref<64xi32, #tpu.memory_space<vmem>>
      %dma_start3A_103 = arith.constant 0 : i32
      %dma_start3A_104 = arith.constant 0 : i32
      %dma_start3A_105 = tpu.memref_slice %arg2[%dma_start3A_103, %dma_start3A_104] : memref<10000x128xf32, #tpu.memory_space<hbm>> -> memref<10000x128xf32, #tpu.memory_space<hbm>>
      tpu.enqueue_indirect_dma source(%dma_start3A_105 : memref<10000x128xf32, #tpu.memory_space<hbm>>) target(%dma_start3A_99 : memref<64x128xf32, #tpu.memory_space<vmem>>) offsets(%dma_start3A_102 : memref<64xi32, #tpu.memory_space<vmem>>) semaphore(%arg12 : memref<!tpu.dma_semaphore, #tpu.memory_space<semaphore_mem>>)
      %dma_wait3A = arith.constant 0 : i32
      %dma_wait3A_106 = arith.constant 0 : i32
      %dma_wait3A_107 = arith.constant 0 : i32
      %dma_wait3A_108 = tpu.memref_slice %arg9[%dma_wait3A, %dma_wait3A_106, %dma_wait3A_107] : memref<2x64x128xf32, #tpu.memory_space<vmem>> -> memref<1x64x128xf32, #tpu.memory_space<vmem>>
      %dma_wait3A_109 = tpu.memref_squeeze %dma_wait3A_108 : memref<1x64x128xf32, #tpu.memory_space<vmem>> -> memref<64x128xf32, #tpu.memory_space<vmem>>
      %dma_wait3A_110 = arith.constant 0 : i32
      %dma_wait3A_111 = tpu.memref_slice %arg7[%mul3A_92, %dma_wait3A_110] : memref<80x64xi32, #tpu.memory_space<vmem>> -> memref<1x64xi32, #tpu.memory_space<vmem>>
      %dma_wait3A_112 = tpu.memref_squeeze %dma_wait3A_111 : memref<1x64xi32, #tpu.memory_space<vmem>> -> memref<64xi32, #tpu.memory_space<vmem>>
      %dma_wait3A_113 = arith.constant 0 : i32
      %dma_wait3A_114 = arith.constant 0 : i32
      %dma_wait3A_115 = tpu.memref_slice %arg2[%dma_wait3A_113, %dma_wait3A_114] : memref<10000x128xf32, #tpu.memory_space<hbm>> -> memref<10000x128xf32, #tpu.memory_space<hbm>>
      tpu.wait_indirect_dma semaphore(%arg11 : memref<!tpu.dma_semaphore, #tpu.memory_space<semaphore_mem>>) src(%dma_wait3A_115 : memref<10000x128xf32, #tpu.memory_space<hbm>>) dst(%dma_wait3A_109 : memref<64x128xf32, #tpu.memory_space<vmem>>)
      %run_scoped3A_116 = arith.constant 0 : i32
      "tpu.region"() ({
        %run_scoped3A_137 = tpu.sem_alloc : memref<!tpu.dma_semaphore, #tpu.memory_space<semaphore_mem>>
        %dma_start3A_138 = arith.constant 0 : i32
        %dma_start3A_139 = arith.constant 0 : i32
        %dma_start3A_140 = tpu.memref_slice %arg9[%run_scoped3A_116, %dma_start3A_138, %dma_start3A_139] : memref<2x64x128xf32, #tpu.memory_space<vmem>> -> memref<1x64x128xf32, #tpu.memory_space<vmem>>
        %dma_start3A_141 = tpu.memref_squeeze %dma_start3A_140 : memref<1x64x128xf32, #tpu.memory_space<vmem>> -> memref<64x128xf32, #tpu.memory_space<vmem>>
        %dma_start3A_142 = arith.constant 0 : i32
        %dma_start3A_143 = tpu.memref_slice %arg8[%mul3A_92, %dma_start3A_142] : memref<80x64xi32, #tpu.memory_space<vmem>> -> memref<1x64xi32, #tpu.memory_space<vmem>>
        %dma_start3A_144 = tpu.memref_squeeze %dma_start3A_143 : memref<1x64xi32, #tpu.memory_space<vmem>> -> memref<64xi32, #tpu.memory_space<vmem>>
        %dma_start3A_145 = arith.constant 0 : i32
        %dma_start3A_146 = arith.constant 0 : i32
        %dma_start3A_147 = tpu.memref_slice %arg10[%dma_start3A_145, %dma_start3A_146] : memref<10240x128xf32, #tpu.memory_space<vmem_shared>> -> memref<10240x128xf32, #tpu.memory_space<vmem_shared>>
        tpu.enqueue_indirect_dma source(%dma_start3A_141 : memref<64x128xf32, #tpu.memory_space<vmem>>) target(%dma_start3A_147 : memref<10240x128xf32, #tpu.memory_space<vmem_shared>>) offsets(%dma_start3A_144 : memref<64xi32, #tpu.memory_space<vmem>>) semaphore(%run_scoped3A_137 : memref<!tpu.dma_semaphore, #tpu.memory_space<semaphore_mem>>) {add = true}
        %dma_wait3A_148 = arith.constant 0 : i32
        %dma_wait3A_149 = arith.constant 0 : i32
        %dma_wait3A_150 = tpu.memref_slice %arg9[%run_scoped3A_116, %dma_wait3A_148, %dma_wait3A_149] : memref<2x64x128xf32, #tpu.memory_space<vmem>> -> memref<1x64x128xf32, #tpu.memory_space<vmem>>
        %dma_wait3A_151 = tpu.memref_squeeze %dma_wait3A_150 : memref<1x64x128xf32, #tpu.memory_space<vmem>> -> memref<64x128xf32, #tpu.memory_space<vmem>>
        %dma_wait3A_152 = arith.constant 0 : i32
        %dma_wait3A_153 = tpu.memref_slice %arg8[%mul3A_92, %dma_wait3A_152] : memref<80x64xi32, #tpu.memory_space<vmem>> -> memref<1x64xi32, #tpu.memory_space<vmem>>
        %dma_wait3A_154 = tpu.memref_squeeze %dma_wait3A_153 : memref<1x64xi32, #tpu.memory_space<vmem>> -> memref<64xi32, #tpu.memory_space<vmem>>
        %dma_wait3A_155 = arith.constant 0 : i32
        %dma_wait3A_156 = arith.constant 0 : i32
        %dma_wait3A_157 = tpu.memref_slice %arg10[%dma_wait3A_155, %dma_wait3A_156] : memref<10240x128xf32, #tpu.memory_space<vmem_shared>> -> memref<10240x128xf32, #tpu.memory_space<vmem_shared>>
        tpu.wait_indirect_dma semaphore(%run_scoped3A_137 : memref<!tpu.dma_semaphore, #tpu.memory_space<semaphore_mem>>) src(%dma_wait3A_151 : memref<64x128xf32, #tpu.memory_space<vmem>>) dst(%dma_wait3A_157 : memref<10240x128xf32, #tpu.memory_space<vmem_shared>>)
        tpu.yield
      }) : () -> ()
      %add3A_117 = arith.constant 2 : i32
      %add3A_118 = arith.addi %mul3A_92, %add3A_117 : i32
      %lt3A = arith.constant 80 : i32
      %lt3A_119 = arith.cmpi slt, %add3A_118, %lt3A : i32
      %convert_element_type3A = arith.extui %lt3A_119 : i1 to i32
      %cond3A = arith.constant 0 : i32
      %cond3A_120 = arith.cmpi ne, %convert_element_type3A, %cond3A : i32
      scf.if %cond3A_120 {
        %add3A_137 = arith.constant 2 : i32
        %add3A_138 = arith.addi %mul3A_92, %add3A_137 : i32
        %dma_start3A_139 = arith.constant 0 : i32
        %dma_start3A_140 = arith.constant 0 : i32
        %dma_start3A_141 = arith.constant 0 : i32
        %dma_start3A_142 = tpu.memref_slice %arg9[%dma_start3A_139, %dma_start3A_140, %dma_start3A_141] : memref<2x64x128xf32, #tpu.memory_space<vmem>> -> memref<1x64x128xf32, #tpu.memory_space<vmem>>
        %dma_start3A_143 = tpu.memref_squeeze %dma_start3A_142 : memref<1x64x128xf32, #tpu.memory_space<vmem>> -> memref<64x128xf32, #tpu.memory_space<vmem>>
        %dma_start3A_144 = arith.constant 0 : i32
        %dma_start3A_145 = tpu.memref_slice %arg7[%add3A_138, %dma_start3A_144] : memref<80x64xi32, #tpu.memory_space<vmem>> -> memref<1x64xi32, #tpu.memory_space<vmem>>
        %dma_start3A_146 = tpu.memref_squeeze %dma_start3A_145 : memref<1x64xi32, #tpu.memory_space<vmem>> -> memref<64xi32, #tpu.memory_space<vmem>>
        %dma_start3A_147 = arith.constant 0 : i32
        %dma_start3A_148 = arith.constant 0 : i32
        %dma_start3A_149 = tpu.memref_slice %arg2[%dma_start3A_147, %dma_start3A_148] : memref<10000x128xf32, #tpu.memory_space<hbm>> -> memref<10000x128xf32, #tpu.memory_space<hbm>>
        tpu.enqueue_indirect_dma source(%dma_start3A_149 : memref<10000x128xf32, #tpu.memory_space<hbm>>) target(%dma_start3A_143 : memref<64x128xf32, #tpu.memory_space<vmem>>) offsets(%dma_start3A_146 : memref<64xi32, #tpu.memory_space<vmem>>) semaphore(%arg11 : memref<!tpu.dma_semaphore, #tpu.memory_space<semaphore_mem>>)
      } else {
      }
      %add3A_121 = arith.constant 1 : i32
      %add3A_122 = arith.addi %mul3A_92, %add3A_121 : i32
      %dma_wait3A_123 = arith.constant 1 : i32
      %dma_wait3A_124 = arith.constant 0 : i32
      %dma_wait3A_125 = arith.constant 0 : i32
      %dma_wait3A_126 = tpu.memref_slice %arg9[%dma_wait3A_123, %dma_wait3A_124, %dma_wait3A_125] : memref<2x64x128xf32, #tpu.memory_space<vmem>> -> memref<1x64x128xf32, #tpu.memory_space<vmem>>
      %dma_wait3A_127 = tpu.memref_squeeze %dma_wait3A_126 : memref<1x64x128xf32, #tpu.memory_space<vmem>> -> memref<64x128xf32, #tpu.memory_space<vmem>>
      %dma_wait3A_128 = arith.constant 0 : i32
      %dma_wait3A_129 = tpu.memref_slice %arg7[%add3A_122, %dma_wait3A_128] : memref<80x64xi32, #tpu.memory_space<vmem>> -> memref<1x64xi32, #tpu.memory_space<vmem>>
      %dma_wait3A_130 = tpu.memref_squeeze %dma_wait3A_129 : memref<1x64xi32, #tpu.memory_space<vmem>> -> memref<64xi32, #tpu.memory_space<vmem>>
      %dma_wait3A_131 = arith.constant 0 : i32
      %dma_wait3A_132 = arith.constant 0 : i32
      %dma_wait3A_133 = tpu.memref_slice %arg2[%dma_wait3A_131, %dma_wait3A_132] : memref<10000x128xf32, #tpu.memory_space<hbm>> -> memref<10000x128xf32, #tpu.memory_space<hbm>>
      tpu.wait_indirect_dma semaphore(%arg12 : memref<!tpu.dma_semaphore, #tpu.memory_space<semaphore_mem>>) src(%dma_wait3A_133 : memref<10000x128xf32, #tpu.memory_space<hbm>>) dst(%dma_wait3A_127 : memref<64x128xf32, #tpu.memory_space<vmem>>)
      %add3A_134 = arith.constant 1 : i32
      %add3A_135 = arith.addi %mul3A_92, %add3A_134 : i32
      %run_scoped3A_136 = arith.constant 1 : i32
      "tpu.region"() ({
        %run_scoped3A_137 = tpu.sem_alloc : memref<!tpu.dma_semaphore, #tpu.memory_space<semaphore_mem>>
        %dma_start3A_138 = arith.constant 0 : i32
        %dma_start3A_139 = arith.constant 0 : i32
        %dma_start3A_140 = tpu.memref_slice %arg9[%run_scoped3A_136, %dma_start3A_138, %dma_start3A_139] : memref<2x64x128xf32, #tpu.memory_space<vmem>> -> memref<1x64x128xf32, #tpu.memory_space<vmem>>
        %dma_start3A_141 = tpu.memref_squeeze %dma_start3A_140 : memref<1x64x128xf32, #tpu.memory_space<vmem>> -> memref<64x128xf32, #tpu.memory_space<vmem>>
        %dma_start3A_142 = arith.constant 0 : i32
        %dma_start3A_143 = tpu.memref_slice %arg8[%add3A_135, %dma_start3A_142] : memref<80x64xi32, #tpu.memory_space<vmem>> -> memref<1x64xi32, #tpu.memory_space<vmem>>
        %dma_start3A_144 = tpu.memref_squeeze %dma_start3A_143 : memref<1x64xi32, #tpu.memory_space<vmem>> -> memref<64xi32, #tpu.memory_space<vmem>>
        %dma_start3A_145 = arith.constant 0 : i32
        %dma_start3A_146 = arith.constant 0 : i32
        %dma_start3A_147 = tpu.memref_slice %arg10[%dma_start3A_145, %dma_start3A_146] : memref<10240x128xf32, #tpu.memory_space<vmem_shared>> -> memref<10240x128xf32, #tpu.memory_space<vmem_shared>>
        tpu.enqueue_indirect_dma source(%dma_start3A_141 : memref<64x128xf32, #tpu.memory_space<vmem>>) target(%dma_start3A_147 : memref<10240x128xf32, #tpu.memory_space<vmem_shared>>) offsets(%dma_start3A_144 : memref<64xi32, #tpu.memory_space<vmem>>) semaphore(%run_scoped3A_137 : memref<!tpu.dma_semaphore, #tpu.memory_space<semaphore_mem>>) {add = true}
        %dma_wait3A_148 = arith.constant 0 : i32
        %dma_wait3A_149 = arith.constant 0 : i32
        %dma_wait3A_150 = tpu.memref_slice %arg9[%run_scoped3A_136, %dma_wait3A_148, %dma_wait3A_149] : memref<2x64x128xf32, #tpu.memory_space<vmem>> -> memref<1x64x128xf32, #tpu.memory_space<vmem>>
        %dma_wait3A_151 = tpu.memref_squeeze %dma_wait3A_150 : memref<1x64x128xf32, #tpu.memory_space<vmem>> -> memref<64x128xf32, #tpu.memory_space<vmem>>
        %dma_wait3A_152 = arith.constant 0 : i32
        %dma_wait3A_153 = tpu.memref_slice %arg8[%add3A_135, %dma_wait3A_152] : memref<80x64xi32, #tpu.memory_space<vmem>> -> memref<1x64xi32, #tpu.memory_space<vmem>>
        %dma_wait3A_154 = tpu.memref_squeeze %dma_wait3A_153 : memref<1x64xi32, #tpu.memory_space<vmem>> -> memref<64xi32, #tpu.memory_space<vmem>>
        %dma_wait3A_155 = arith.constant 0 : i32
        %dma_wait3A_156 = arith.constant 0 : i32
        %dma_wait3A_157 = tpu.memref_slice %arg10[%dma_wait3A_155, %dma_wait3A_156] : memref<10240x128xf32, #tpu.memory_space<vmem_shared>> -> memref<10240x128xf32, #tpu.memory_space<vmem_shared>>
        tpu.wait_indirect_dma semaphore(%run_scoped3A_137 : memref<!tpu.dma_semaphore, #tpu.memory_space<semaphore_mem>>) src(%dma_wait3A_151 : memref<64x128xf32, #tpu.memory_space<vmem>>) dst(%dma_wait3A_157 : memref<10240x128xf32, #tpu.memory_space<vmem_shared>>)
        tpu.yield
      }) : () -> ()
    }
    %scan3A_66 = arith.constant 40 : i32
    "tpu.region"() ({
      %run_scoped3A_90 = tpu.sem_alloc : memref<!tpu.dma_semaphore, #tpu.memory_space<semaphore_mem>>
      %dma_start3A_91 = arith.constant 80 : i32
      %dma_start3A_92 = arith.constant 0 : i32
      %dma_start3A_93 = tpu.memref_slice %arg3[%add3A, %dma_start3A_91, %dma_start3A_92] : memref<32x160x64xi32, #tpu.memory_space<hbm>> -> memref<1x80x64xi32, #tpu.memory_space<hbm>>
      %dma_start3A_94 = tpu.memref_squeeze %dma_start3A_93 : memref<1x80x64xi32, #tpu.memory_space<hbm>> -> memref<80x64xi32, #tpu.memory_space<hbm>>
      %dma_start3A_95 = arith.constant 80 : i32
      %dma_start3A_96 = arith.constant 0 : i32
      %dma_start3A_97 = tpu.memref_slice %arg3[%add3A, %dma_start3A_95, %dma_start3A_96] : memref<32x160x64xi32, #tpu.memory_space<hbm>> -> memref<1x80x64xi32, #tpu.memory_space<hbm>>
      %dma_start3A_98 = tpu.memref_squeeze %dma_start3A_97 : memref<1x80x64xi32, #tpu.memory_space<hbm>> -> memref<80x64xi32, #tpu.memory_space<hbm>>
      tpu.enqueue_dma source(%dma_start3A_98 : memref<80x64xi32, #tpu.memory_space<hbm>>) target(%arg7 : memref<80x64xi32, #tpu.memory_space<vmem>>) target_semaphore(%run_scoped3A_90 : memref<!tpu.dma_semaphore, #tpu.memory_space<semaphore_mem>>)
      %dma_wait3A = arith.constant 80 : i32
      %dma_wait3A_99 = arith.constant 0 : i32
      %dma_wait3A_100 = tpu.memref_slice %arg3[%add3A, %dma_wait3A, %dma_wait3A_99] : memref<32x160x64xi32, #tpu.memory_space<hbm>> -> memref<1x80x64xi32, #tpu.memory_space<hbm>>
      %dma_wait3A_101 = tpu.memref_squeeze %dma_wait3A_100 : memref<1x80x64xi32, #tpu.memory_space<hbm>> -> memref<80x64xi32, #tpu.memory_space<hbm>>
      %dma_wait3A_102 = arith.constant 80 : i32
      %dma_wait3A_103 = arith.constant 0 : i32
      %dma_wait3A_104 = tpu.memref_slice %arg3[%add3A, %dma_wait3A_102, %dma_wait3A_103] : memref<32x160x64xi32, #tpu.memory_space<hbm>> -> memref<1x80x64xi32, #tpu.memory_space<hbm>>
      %dma_wait3A_105 = tpu.memref_squeeze %dma_wait3A_104 : memref<1x80x64xi32, #tpu.memory_space<hbm>> -> memref<80x64xi32, #tpu.memory_space<hbm>>
      tpu.wait_dma2 semaphore(%run_scoped3A_90 : memref<!tpu.dma_semaphore, #tpu.memory_space<semaphore_mem>>) src(%dma_wait3A_105 : memref<80x64xi32, #tpu.memory_space<hbm>>) dst(%arg7 : memref<80x64xi32, #tpu.memory_space<vmem>>)
      tpu.yield
    }) : () -> ()
    "tpu.region"() ({
      %run_scoped3A_90 = tpu.sem_alloc : memref<!tpu.dma_semaphore, #tpu.memory_space<semaphore_mem>>
      %dma_start3A_91 = arith.constant 80 : i32
      %dma_start3A_92 = arith.constant 0 : i32
      %dma_start3A_93 = tpu.memref_slice %arg4[%add3A, %dma_start3A_91, %dma_start3A_92] : memref<32x160x64xi32, #tpu.memory_space<hbm>> -> memref<1x80x64xi32, #tpu.memory_space<hbm>>
      %dma_start3A_94 = tpu.memref_squeeze %dma_start3A_93 : memref<1x80x64xi32, #tpu.memory_space<hbm>> -> memref<80x64xi32, #tpu.memory_space<hbm>>
      %dma_start3A_95 = arith.constant 80 : i32
      %dma_start3A_96 = arith.constant 0 : i32
      %dma_start3A_97 = tpu.memref_slice %arg4[%add3A, %dma_start3A_95, %dma_start3A_96] : memref<32x160x64xi32, #tpu.memory_space<hbm>> -> memref<1x80x64xi32, #tpu.memory_space<hbm>>
      %dma_start3A_98 = tpu.memref_squeeze %dma_start3A_97 : memref<1x80x64xi32, #tpu.memory_space<hbm>> -> memref<80x64xi32, #tpu.memory_space<hbm>>
      tpu.enqueue_dma source(%dma_start3A_98 : memref<80x64xi32, #tpu.memory_space<hbm>>) target(%arg8 : memref<80x64xi32, #tpu.memory_space<vmem>>) target_semaphore(%run_scoped3A_90 : memref<!tpu.dma_semaphore, #tpu.memory_space<semaphore_mem>>)
      %dma_wait3A = arith.constant 80 : i32
      %dma_wait3A_99 = arith.constant 0 : i32
      %dma_wait3A_100 = tpu.memref_slice %arg4[%add3A, %dma_wait3A, %dma_wait3A_99] : memref<32x160x64xi32, #tpu.memory_space<hbm>> -> memref<1x80x64xi32, #tpu.memory_space<hbm>>
      %dma_wait3A_101 = tpu.memref_squeeze %dma_wait3A_100 : memref<1x80x64xi32, #tpu.memory_space<hbm>> -> memref<80x64xi32, #tpu.memory_space<hbm>>
      %dma_wait3A_102 = arith.constant 80 : i32
      %dma_wait3A_103 = arith.constant 0 : i32
      %dma_wait3A_104 = tpu.memref_slice %arg4[%add3A, %dma_wait3A_102, %dma_wait3A_103] : memref<32x160x64xi32, #tpu.memory_space<hbm>> -> memref<1x80x64xi32, #tpu.memory_space<hbm>>
      %dma_wait3A_105 = tpu.memref_squeeze %dma_wait3A_104 : memref<1x80x64xi32, #tpu.memory_space<hbm>> -> memref<80x64xi32, #tpu.memory_space<hbm>>
      tpu.wait_dma2 semaphore(%run_scoped3A_90 : memref<!tpu.dma_semaphore, #tpu.memory_space<semaphore_mem>>) src(%dma_wait3A_105 : memref<80x64xi32, #tpu.memory_space<hbm>>) dst(%arg8 : memref<80x64xi32, #tpu.memory_space<vmem>>)
      tpu.yield
    }) : () -> ()
    %dma_start3A_67 = arith.constant 0 : i32
    %dma_start3A_68 = arith.constant 0 : i32
    %dma_start3A_69 = arith.constant 0 : i32
    %dma_start3A_70 = arith.constant 0 : i32
    %dma_start3A_71 = tpu.memref_slice %arg9[%dma_start3A_68, %dma_start3A_69, %dma_start3A_70] : memref<2x64x128xf32, #tpu.memory_space<vmem>> -> memref<1x64x128xf32, #tpu.memory_space<vmem>>
    %dma_start3A_72 = tpu.memref_squeeze %dma_start3A_71 : memref<1x64x128xf32, #tpu.memory_space<vmem>> -> memref<64x128xf32, #tpu.memory_space<vmem>>
    %dma_start3A_73 = arith.constant 0 : i32
    %dma_start3A_74 = tpu.memref_slice %arg7[%dma_start3A_67, %dma_start3A_73] : memref<80x64xi32, #tpu.memory_space<vmem>> -> memref<1x64xi32, #tpu.memory_space<vmem>>
    %dma_start3A_75 = tpu.memref_squeeze %dma_start3A_74 : memref<1x64xi32, #tpu.memory_space<vmem>> -> memref<64xi32, #tpu.memory_space<vmem>>
    %dma_start3A_76 = arith.constant 0 : i32
    %dma_start3A_77 = arith.constant 0 : i32
    %dma_start3A_78 = tpu.memref_slice %arg2[%dma_start3A_76, %dma_start3A_77] : memref<10000x128xf32, #tpu.memory_space<hbm>> -> memref<10000x128xf32, #tpu.memory_space<hbm>>
    tpu.enqueue_indirect_dma source(%dma_start3A_78 : memref<10000x128xf32, #tpu.memory_space<hbm>>) target(%dma_start3A_72 : memref<64x128xf32, #tpu.memory_space<vmem>>) offsets(%dma_start3A_75 : memref<64xi32, #tpu.memory_space<vmem>>) semaphore(%arg11 : memref<!tpu.dma_semaphore, #tpu.memory_space<semaphore_mem>>)
    %scan3A_79 = arith.constant 0 : i32
    %scan3A_80 = arith.constant 0 : i32
    %scan3A_81 = arith.constant 40 : i32
    %scan3A_82 = arith.addi %scan3A_80, %scan3A_81 : i32
    %scan3A_83 = arith.constant 1 : i32
    scf.for %scan3A_90 = %scan3A_80 to %scan3A_82 step %scan3A_83  : i32 {
      %mul3A_91 = arith.constant 2 : i32
      %mul3A_92 = arith.muli %mul3A_91, %scan3A_90 : i32
      %add3A_93 = arith.constant 1 : i32
      %add3A_94 = arith.addi %mul3A_92, %add3A_93 : i32
      %dma_start3A_95 = arith.constant 1 : i32
      %dma_start3A_96 = arith.constant 0 : i32
      %dma_start3A_97 = arith.constant 0 : i32
      %dma_start3A_98 = tpu.memref_slice %arg9[%dma_start3A_95, %dma_start3A_96, %dma_start3A_97] : memref<2x64x128xf32, #tpu.memory_space<vmem>> -> memref<1x64x128xf32, #tpu.memory_space<vmem>>
      %dma_start3A_99 = tpu.memref_squeeze %dma_start3A_98 : memref<1x64x128xf32, #tpu.memory_space<vmem>> -> memref<64x128xf32, #tpu.memory_space<vmem>>
      %dma_start3A_100 = arith.constant 0 : i32
      %dma_start3A_101 = tpu.memref_slice %arg7[%add3A_94, %dma_start3A_100] : memref<80x64xi32, #tpu.memory_space<vmem>> -> memref<1x64xi32, #tpu.memory_space<vmem>>
      %dma_start3A_102 = tpu.memref_squeeze %dma_start3A_101 : memref<1x64xi32, #tpu.memory_space<vmem>> -> memref<64xi32, #tpu.memory_space<vmem>>
      %dma_start3A_103 = arith.constant 0 : i32
      %dma_start3A_104 = arith.constant 0 : i32
      %dma_start3A_105 = tpu.memref_slice %arg2[%dma_start3A_103, %dma_start3A_104] : memref<10000x128xf32, #tpu.memory_space<hbm>> -> memref<10000x128xf32, #tpu.memory_space<hbm>>
      tpu.enqueue_indirect_dma source(%dma_start3A_105 : memref<10000x128xf32, #tpu.memory_space<hbm>>) target(%dma_start3A_99 : memref<64x128xf32, #tpu.memory_space<vmem>>) offsets(%dma_start3A_102 : memref<64xi32, #tpu.memory_space<vmem>>) semaphore(%arg12 : memref<!tpu.dma_semaphore, #tpu.memory_space<semaphore_mem>>)
      %dma_wait3A = arith.constant 0 : i32
      %dma_wait3A_106 = arith.constant 0 : i32
      %dma_wait3A_107 = arith.constant 0 : i32
      %dma_wait3A_108 = tpu.memref_slice %arg9[%dma_wait3A, %dma_wait3A_106, %dma_wait3A_107] : memref<2x64x128xf32, #tpu.memory_space<vmem>> -> memref<1x64x128xf32, #tpu.memory_space<vmem>>
      %dma_wait3A_109 = tpu.memref_squeeze %dma_wait3A_108 : memref<1x64x128xf32, #tpu.memory_space<vmem>> -> memref<64x128xf32, #tpu.memory_space<vmem>>
      %dma_wait3A_110 = arith.constant 0 : i32
      %dma_wait3A_111 = tpu.memref_slice %arg7[%mul3A_92, %dma_wait3A_110] : memref<80x64xi32, #tpu.memory_space<vmem>> -> memref<1x64xi32, #tpu.memory_space<vmem>>
      %dma_wait3A_112 = tpu.memref_squeeze %dma_wait3A_111 : memref<1x64xi32, #tpu.memory_space<vmem>> -> memref<64xi32, #tpu.memory_space<vmem>>
      %dma_wait3A_113 = arith.constant 0 : i32
      %dma_wait3A_114 = arith.constant 0 : i32
      %dma_wait3A_115 = tpu.memref_slice %arg2[%dma_wait3A_113, %dma_wait3A_114] : memref<10000x128xf32, #tpu.memory_space<hbm>> -> memref<10000x128xf32, #tpu.memory_space<hbm>>
      tpu.wait_indirect_dma semaphore(%arg11 : memref<!tpu.dma_semaphore, #tpu.memory_space<semaphore_mem>>) src(%dma_wait3A_115 : memref<10000x128xf32, #tpu.memory_space<hbm>>) dst(%dma_wait3A_109 : memref<64x128xf32, #tpu.memory_space<vmem>>)
      %run_scoped3A_116 = arith.constant 0 : i32
      "tpu.region"() ({
        %run_scoped3A_137 = tpu.sem_alloc : memref<!tpu.dma_semaphore, #tpu.memory_space<semaphore_mem>>
        %dma_start3A_138 = arith.constant 0 : i32
        %dma_start3A_139 = arith.constant 0 : i32
        %dma_start3A_140 = tpu.memref_slice %arg9[%run_scoped3A_116, %dma_start3A_138, %dma_start3A_139] : memref<2x64x128xf32, #tpu.memory_space<vmem>> -> memref<1x64x128xf32, #tpu.memory_space<vmem>>
        %dma_start3A_141 = tpu.memref_squeeze %dma_start3A_140 : memref<1x64x128xf32, #tpu.memory_space<vmem>> -> memref<64x128xf32, #tpu.memory_space<vmem>>
        %dma_start3A_142 = arith.constant 0 : i32
        %dma_start3A_143 = tpu.memref_slice %arg8[%mul3A_92, %dma_start3A_142] : memref<80x64xi32, #tpu.memory_space<vmem>> -> memref<1x64xi32, #tpu.memory_space<vmem>>
        %dma_start3A_144 = tpu.memref_squeeze %dma_start3A_143 : memref<1x64xi32, #tpu.memory_space<vmem>> -> memref<64xi32, #tpu.memory_space<vmem>>
        %dma_start3A_145 = arith.constant 0 : i32
        %dma_start3A_146 = arith.constant 0 : i32
        %dma_start3A_147 = tpu.memref_slice %arg10[%dma_start3A_145, %dma_start3A_146] : memref<10240x128xf32, #tpu.memory_space<vmem_shared>> -> memref<10240x128xf32, #tpu.memory_space<vmem_shared>>
        tpu.enqueue_indirect_dma source(%dma_start3A_141 : memref<64x128xf32, #tpu.memory_space<vmem>>) target(%dma_start3A_147 : memref<10240x128xf32, #tpu.memory_space<vmem_shared>>) offsets(%dma_start3A_144 : memref<64xi32, #tpu.memory_space<vmem>>) semaphore(%run_scoped3A_137 : memref<!tpu.dma_semaphore, #tpu.memory_space<semaphore_mem>>) {add = true}
        %dma_wait3A_148 = arith.constant 0 : i32
        %dma_wait3A_149 = arith.constant 0 : i32
        %dma_wait3A_150 = tpu.memref_slice %arg9[%run_scoped3A_116, %dma_wait3A_148, %dma_wait3A_149] : memref<2x64x128xf32, #tpu.memory_space<vmem>> -> memref<1x64x128xf32, #tpu.memory_space<vmem>>
        %dma_wait3A_151 = tpu.memref_squeeze %dma_wait3A_150 : memref<1x64x128xf32, #tpu.memory_space<vmem>> -> memref<64x128xf32, #tpu.memory_space<vmem>>
        %dma_wait3A_152 = arith.constant 0 : i32
        %dma_wait3A_153 = tpu.memref_slice %arg8[%mul3A_92, %dma_wait3A_152] : memref<80x64xi32, #tpu.memory_space<vmem>> -> memref<1x64xi32, #tpu.memory_space<vmem>>
        %dma_wait3A_154 = tpu.memref_squeeze %dma_wait3A_153 : memref<1x64xi32, #tpu.memory_space<vmem>> -> memref<64xi32, #tpu.memory_space<vmem>>
        %dma_wait3A_155 = arith.constant 0 : i32
        %dma_wait3A_156 = arith.constant 0 : i32
        %dma_wait3A_157 = tpu.memref_slice %arg10[%dma_wait3A_155, %dma_wait3A_156] : memref<10240x128xf32, #tpu.memory_space<vmem_shared>> -> memref<10240x128xf32, #tpu.memory_space<vmem_shared>>
        tpu.wait_indirect_dma semaphore(%run_scoped3A_137 : memref<!tpu.dma_semaphore, #tpu.memory_space<semaphore_mem>>) src(%dma_wait3A_151 : memref<64x128xf32, #tpu.memory_space<vmem>>) dst(%dma_wait3A_157 : memref<10240x128xf32, #tpu.memory_space<vmem_shared>>)
        tpu.yield
      }) : () -> ()
      %add3A_117 = arith.constant 2 : i32
      %add3A_118 = arith.addi %mul3A_92, %add3A_117 : i32
      %lt3A = arith.constant 80 : i32
      %lt3A_119 = arith.cmpi slt, %add3A_118, %lt3A : i32
      %convert_element_type3A = arith.extui %lt3A_119 : i1 to i32
      %cond3A = arith.constant 0 : i32
      %cond3A_120 = arith.cmpi ne, %convert_element_type3A, %cond3A : i32
      scf.if %cond3A_120 {
        %add3A_137 = arith.constant 2 : i32
        %add3A_138 = arith.addi %mul3A_92, %add3A_137 : i32
        %dma_start3A_139 = arith.constant 0 : i32
        %dma_start3A_140 = arith.constant 0 : i32
        %dma_start3A_141 = arith.constant 0 : i32
        %dma_start3A_142 = tpu.memref_slice %arg9[%dma_start3A_139, %dma_start3A_140, %dma_start3A_141] : memref<2x64x128xf32, #tpu.memory_space<vmem>> -> memref<1x64x128xf32, #tpu.memory_space<vmem>>
        %dma_start3A_143 = tpu.memref_squeeze %dma_start3A_142 : memref<1x64x128xf32, #tpu.memory_space<vmem>> -> memref<64x128xf32, #tpu.memory_space<vmem>>
        %dma_start3A_144 = arith.constant 0 : i32
        %dma_start3A_145 = tpu.memref_slice %arg7[%add3A_138, %dma_start3A_144] : memref<80x64xi32, #tpu.memory_space<vmem>> -> memref<1x64xi32, #tpu.memory_space<vmem>>
        %dma_start3A_146 = tpu.memref_squeeze %dma_start3A_145 : memref<1x64xi32, #tpu.memory_space<vmem>> -> memref<64xi32, #tpu.memory_space<vmem>>
        %dma_start3A_147 = arith.constant 0 : i32
        %dma_start3A_148 = arith.constant 0 : i32
        %dma_start3A_149 = tpu.memref_slice %arg2[%dma_start3A_147, %dma_start3A_148] : memref<10000x128xf32, #tpu.memory_space<hbm>> -> memref<10000x128xf32, #tpu.memory_space<hbm>>
        tpu.enqueue_indirect_dma source(%dma_start3A_149 : memref<10000x128xf32, #tpu.memory_space<hbm>>) target(%dma_start3A_143 : memref<64x128xf32, #tpu.memory_space<vmem>>) offsets(%dma_start3A_146 : memref<64xi32, #tpu.memory_space<vmem>>) semaphore(%arg11 : memref<!tpu.dma_semaphore, #tpu.memory_space<semaphore_mem>>)
      } else {
      }
      %add3A_121 = arith.constant 1 : i32
      %add3A_122 = arith.addi %mul3A_92, %add3A_121 : i32
      %dma_wait3A_123 = arith.constant 1 : i32
      %dma_wait3A_124 = arith.constant 0 : i32
      %dma_wait3A_125 = arith.constant 0 : i32
      %dma_wait3A_126 = tpu.memref_slice %arg9[%dma_wait3A_123, %dma_wait3A_124, %dma_wait3A_125] : memref<2x64x128xf32, #tpu.memory_space<vmem>> -> memref<1x64x128xf32, #tpu.memory_space<vmem>>
      %dma_wait3A_127 = tpu.memref_squeeze %dma_wait3A_126 : memref<1x64x128xf32, #tpu.memory_space<vmem>> -> memref<64x128xf32, #tpu.memory_space<vmem>>
      %dma_wait3A_128 = arith.constant 0 : i32
      %dma_wait3A_129 = tpu.memref_slice %arg7[%add3A_122, %dma_wait3A_128] : memref<80x64xi32, #tpu.memory_space<vmem>> -> memref<1x64xi32, #tpu.memory_space<vmem>>
      %dma_wait3A_130 = tpu.memref_squeeze %dma_wait3A_129 : memref<1x64xi32, #tpu.memory_space<vmem>> -> memref<64xi32, #tpu.memory_space<vmem>>
      %dma_wait3A_131 = arith.constant 0 : i32
      %dma_wait3A_132 = arith.constant 0 : i32
      %dma_wait3A_133 = tpu.memref_slice %arg2[%dma_wait3A_131, %dma_wait3A_132] : memref<10000x128xf32, #tpu.memory_space<hbm>> -> memref<10000x128xf32, #tpu.memory_space<hbm>>
      tpu.wait_indirect_dma semaphore(%arg12 : memref<!tpu.dma_semaphore, #tpu.memory_space<semaphore_mem>>) src(%dma_wait3A_133 : memref<10000x128xf32, #tpu.memory_space<hbm>>) dst(%dma_wait3A_127 : memref<64x128xf32, #tpu.memory_space<vmem>>)
      %add3A_134 = arith.constant 1 : i32
      %add3A_135 = arith.addi %mul3A_92, %add3A_134 : i32
      %run_scoped3A_136 = arith.constant 1 : i32
      "tpu.region"() ({
        %run_scoped3A_137 = tpu.sem_alloc : memref<!tpu.dma_semaphore, #tpu.memory_space<semaphore_mem>>
        %dma_start3A_138 = arith.constant 0 : i32
        %dma_start3A_139 = arith.constant 0 : i32
        %dma_start3A_140 = tpu.memref_slice %arg9[%run_scoped3A_136, %dma_start3A_138, %dma_start3A_139] : memref<2x64x128xf32, #tpu.memory_space<vmem>> -> memref<1x64x128xf32, #tpu.memory_space<vmem>>
        %dma_start3A_141 = tpu.memref_squeeze %dma_start3A_140 : memref<1x64x128xf32, #tpu.memory_space<vmem>> -> memref<64x128xf32, #tpu.memory_space<vmem>>
        %dma_start3A_142 = arith.constant 0 : i32
        %dma_start3A_143 = tpu.memref_slice %arg8[%add3A_135, %dma_start3A_142] : memref<80x64xi32, #tpu.memory_space<vmem>> -> memref<1x64xi32, #tpu.memory_space<vmem>>
        %dma_start3A_144 = tpu.memref_squeeze %dma_start3A_143 : memref<1x64xi32, #tpu.memory_space<vmem>> -> memref<64xi32, #tpu.memory_space<vmem>>
        %dma_start3A_145 = arith.constant 0 : i32
        %dma_start3A_146 = arith.constant 0 : i32
        %dma_start3A_147 = tpu.memref_slice %arg10[%dma_start3A_145, %dma_start3A_146] : memref<10240x128xf32, #tpu.memory_space<vmem_shared>> -> memref<10240x128xf32, #tpu.memory_space<vmem_shared>>
        tpu.enqueue_indirect_dma source(%dma_start3A_141 : memref<64x128xf32, #tpu.memory_space<vmem>>) target(%dma_start3A_147 : memref<10240x128xf32, #tpu.memory_space<vmem_shared>>) offsets(%dma_start3A_144 : memref<64xi32, #tpu.memory_space<vmem>>) semaphore(%run_scoped3A_137 : memref<!tpu.dma_semaphore, #tpu.memory_space<semaphore_mem>>) {add = true}
        %dma_wait3A_148 = arith.constant 0 : i32
        %dma_wait3A_149 = arith.constant 0 : i32
        %dma_wait3A_150 = tpu.memref_slice %arg9[%run_scoped3A_136, %dma_wait3A_148, %dma_wait3A_149] : memref<2x64x128xf32, #tpu.memory_space<vmem>> -> memref<1x64x128xf32, #tpu.memory_space<vmem>>
        %dma_wait3A_151 = tpu.memref_squeeze %dma_wait3A_150 : memref<1x64x128xf32, #tpu.memory_space<vmem>> -> memref<64x128xf32, #tpu.memory_space<vmem>>
        %dma_wait3A_152 = arith.constant 0 : i32
        %dma_wait3A_153 = tpu.memref_slice %arg8[%add3A_135, %dma_wait3A_152] : memref<80x64xi32, #tpu.memory_space<vmem>> -> memref<1x64xi32, #tpu.memory_space<vmem>>
        %dma_wait3A_154 = tpu.memref_squeeze %dma_wait3A_153 : memref<1x64xi32, #tpu.memory_space<vmem>> -> memref<64xi32, #tpu.memory_space<vmem>>
        %dma_wait3A_155 = arith.constant 0 : i32
        %dma_wait3A_156 = arith.constant 0 : i32
        %dma_wait3A_157 = tpu.memref_slice %arg10[%dma_wait3A_155, %dma_wait3A_156] : memref<10240x128xf32, #tpu.memory_space<vmem_shared>> -> memref<10240x128xf32, #tpu.memory_space<vmem_shared>>
        tpu.wait_indirect_dma semaphore(%run_scoped3A_137 : memref<!tpu.dma_semaphore, #tpu.memory_space<semaphore_mem>>) src(%dma_wait3A_151 : memref<64x128xf32, #tpu.memory_space<vmem>>) dst(%dma_wait3A_157 : memref<10240x128xf32, #tpu.memory_space<vmem_shared>>)
        tpu.yield
      }) : () -> ()
    }
    %scan3A_84 = arith.constant 40 : i32
    %barrier3A_85 = arith.constant 0 : index
    tpu.barrier barrier_id(%barrier3A_85)
    %mul3A_86 = arith.constant 640 : i32
    %mul3A_87 = arith.muli %arg1, %mul3A_86 : i32
    %mul3A_88 = arith.constant 640 : i32
    %mul3A_89 = arith.muli %arg1, %mul3A_88 : i32
    "tpu.region"() ({
      %run_scoped3A_90 = tpu.sem_alloc : memref<!tpu.dma_semaphore, #tpu.memory_space<semaphore_mem>>
      %dma_start3A_91 = arith.constant 0 : i32
      %dma_start3A_92 = tpu.memref_slice %arg6[%arg0, %mul3A_89, %dma_start3A_91] : memref<2x10240x128xf32, #tpu.memory_space<hbm>> -> memref<1x640x128xf32, #tpu.memory_space<hbm>>
      %dma_start3A_93 = tpu.memref_squeeze %dma_start3A_92 : memref<1x640x128xf32, #tpu.memory_space<hbm>> -> memref<640x128xf32, #tpu.memory_space<hbm>>
      %dma_start3A_94 = arith.constant 0 : i32
      %dma_start3A_95 = tpu.memref_slice %arg10[%mul3A_87, %dma_start3A_94] : memref<10240x128xf32, #tpu.memory_space<vmem_shared>> -> memref<640x128xf32, #tpu.memory_space<vmem_shared>>
      tpu.enqueue_dma source(%dma_start3A_95 : memref<640x128xf32, #tpu.memory_space<vmem_shared>>) target(%dma_start3A_93 : memref<640x128xf32, #tpu.memory_space<hbm>>) target_semaphore(%run_scoped3A_90 : memref<!tpu.dma_semaphore, #tpu.memory_space<semaphore_mem>>)
      %dma_wait3A = arith.constant 0 : i32
      %dma_wait3A_96 = tpu.memref_slice %arg6[%arg0, %mul3A_89, %dma_wait3A] : memref<2x10240x128xf32, #tpu.memory_space<hbm>> -> memref<1x640x128xf32, #tpu.memory_space<hbm>>
      %dma_wait3A_97 = tpu.memref_squeeze %dma_wait3A_96 : memref<1x640x128xf32, #tpu.memory_space<hbm>> -> memref<640x128xf32, #tpu.memory_space<hbm>>
      %dma_wait3A_98 = arith.constant 0 : i32
      %dma_wait3A_99 = tpu.memref_slice %arg10[%mul3A_87, %dma_wait3A_98] : memref<10240x128xf32, #tpu.memory_space<vmem_shared>> -> memref<640x128xf32, #tpu.memory_space<vmem_shared>>
      tpu.wait_dma2 semaphore(%run_scoped3A_90 : memref<!tpu.dma_semaphore, #tpu.memory_space<semaphore_mem>>) src(%dma_wait3A_99 : memref<640x128xf32, #tpu.memory_space<vmem_shared>>) dst(%dma_wait3A_97 : memref<640x128xf32, #tpu.memory_space<hbm>>)
      tpu.yield
    }) : () -> ()
    return
  }
}

#map = affine_map<(d0, d1) -> (0, 0, 0)>
#map1 = affine_map<(d0, d1) -> (0, 0)>
module attributes {stable_mosaic.version = 14 : i64} {
  func.func @count(%arg0: i32, %arg1: i32, %arg2: memref<32x160x64xi32, #tpu.memory_space<hbm>>, %arg3: memref<64x128xf32, #tpu.memory_space<hbm>>, %arg4: memref<64x128xf32, #tpu.memory_space<hbm>>, %arg5: memref<2x10240x128xf32, #tpu.memory_space<hbm>>, %arg6: memref<160x64xi32, #tpu.memory_space<vmem>>, %arg7: memref<2x64x128xf32, #tpu.memory_space<vmem>>, %arg8: memref<10240x128xf32, #tpu.memory_space<vmem_shared>>) attributes {dimension_semantics = [#tpu.dimension_semantics<core_parallel>, #tpu.dimension_semantics<subcore_parallel>], iteration_bounds = array<i64: 2, 16>, scalar_prefetch = 0 : i64, scratch_operands = 3 : i64, tpu.core_type = #tpu.core_type<sc_vector_subcore>, window_params = [{transform_indices = #map}, {transform_indices = #map1}, {transform_indices = #map1}, {transform_indices = #map}]} {
    %mul3A = arith.constant 2 : i32
    %mul3A_0 = arith.muli %arg1, %mul3A : i32
    %add3A = arith.addi %mul3A_0, %arg0 : i32
    %run_scoped3A = arith.constant 0 : i32
    "tpu.region"() ({
      %run_scoped3A_62 = tpu.sem_alloc : memref<!tpu.dma_semaphore, #tpu.memory_space<semaphore_mem>>
      %dma_start3A = arith.constant 0 : i32
      %dma_start3A_63 = arith.constant 0 : i32
      %dma_start3A_64 = tpu.memref_slice %arg7[%run_scoped3A, %dma_start3A, %dma_start3A_63] : memref<2x64x128xf32, #tpu.memory_space<vmem>> -> memref<1x64x128xf32, #tpu.memory_space<vmem>>
      %dma_start3A_65 = tpu.memref_squeeze %dma_start3A_64 : memref<1x64x128xf32, #tpu.memory_space<vmem>> -> memref<64x128xf32, #tpu.memory_space<vmem>>
      %dma_start3A_66 = arith.constant 0 : i32
      %dma_start3A_67 = arith.constant 0 : i32
      %dma_start3A_68 = tpu.memref_slice %arg7[%run_scoped3A, %dma_start3A_66, %dma_start3A_67] : memref<2x64x128xf32, #tpu.memory_space<vmem>> -> memref<1x64x128xf32, #tpu.memory_space<vmem>>
      %dma_start3A_69 = tpu.memref_squeeze %dma_start3A_68 : memref<1x64x128xf32, #tpu.memory_space<vmem>> -> memref<64x128xf32, #tpu.memory_space<vmem>>
      tpu.enqueue_dma source(%arg3 : memref<64x128xf32, #tpu.memory_space<hbm>>) target(%dma_start3A_69 : memref<64x128xf32, #tpu.memory_space<vmem>>) target_semaphore(%run_scoped3A_62 : memref<!tpu.dma_semaphore, #tpu.memory_space<semaphore_mem>>)
      %dma_wait3A = arith.constant 0 : i32
      %dma_wait3A_70 = arith.constant 0 : i32
      %dma_wait3A_71 = tpu.memref_slice %arg7[%run_scoped3A, %dma_wait3A, %dma_wait3A_70] : memref<2x64x128xf32, #tpu.memory_space<vmem>> -> memref<1x64x128xf32, #tpu.memory_space<vmem>>
      %dma_wait3A_72 = tpu.memref_squeeze %dma_wait3A_71 : memref<1x64x128xf32, #tpu.memory_space<vmem>> -> memref<64x128xf32, #tpu.memory_space<vmem>>
      %dma_wait3A_73 = arith.constant 0 : i32
      %dma_wait3A_74 = arith.constant 0 : i32
      %dma_wait3A_75 = tpu.memref_slice %arg7[%run_scoped3A, %dma_wait3A_73, %dma_wait3A_74] : memref<2x64x128xf32, #tpu.memory_space<vmem>> -> memref<1x64x128xf32, #tpu.memory_space<vmem>>
      %dma_wait3A_76 = tpu.memref_squeeze %dma_wait3A_75 : memref<1x64x128xf32, #tpu.memory_space<vmem>> -> memref<64x128xf32, #tpu.memory_space<vmem>>
      tpu.wait_dma2 semaphore(%run_scoped3A_62 : memref<!tpu.dma_semaphore, #tpu.memory_space<semaphore_mem>>) src(%arg3 : memref<64x128xf32, #tpu.memory_space<hbm>>) dst(%dma_wait3A_76 : memref<64x128xf32, #tpu.memory_space<vmem>>)
      tpu.yield
    }) : () -> ()
    %run_scoped3A_1 = arith.constant 1 : i32
    "tpu.region"() ({
      %run_scoped3A_62 = tpu.sem_alloc : memref<!tpu.dma_semaphore, #tpu.memory_space<semaphore_mem>>
      %dma_start3A = arith.constant 0 : i32
      %dma_start3A_63 = arith.constant 0 : i32
      %dma_start3A_64 = tpu.memref_slice %arg7[%run_scoped3A_1, %dma_start3A, %dma_start3A_63] : memref<2x64x128xf32, #tpu.memory_space<vmem>> -> memref<1x64x128xf32, #tpu.memory_space<vmem>>
      %dma_start3A_65 = tpu.memref_squeeze %dma_start3A_64 : memref<1x64x128xf32, #tpu.memory_space<vmem>> -> memref<64x128xf32, #tpu.memory_space<vmem>>
      %dma_start3A_66 = arith.constant 0 : i32
      %dma_start3A_67 = arith.constant 0 : i32
      %dma_start3A_68 = tpu.memref_slice %arg7[%run_scoped3A_1, %dma_start3A_66, %dma_start3A_67] : memref<2x64x128xf32, #tpu.memory_space<vmem>> -> memref<1x64x128xf32, #tpu.memory_space<vmem>>
      %dma_start3A_69 = tpu.memref_squeeze %dma_start3A_68 : memref<1x64x128xf32, #tpu.memory_space<vmem>> -> memref<64x128xf32, #tpu.memory_space<vmem>>
      tpu.enqueue_dma source(%arg4 : memref<64x128xf32, #tpu.memory_space<hbm>>) target(%dma_start3A_69 : memref<64x128xf32, #tpu.memory_space<vmem>>) target_semaphore(%run_scoped3A_62 : memref<!tpu.dma_semaphore, #tpu.memory_space<semaphore_mem>>)
      %dma_wait3A = arith.constant 0 : i32
      %dma_wait3A_70 = arith.constant 0 : i32
      %dma_wait3A_71 = tpu.memref_slice %arg7[%run_scoped3A_1, %dma_wait3A, %dma_wait3A_70] : memref<2x64x128xf32, #tpu.memory_space<vmem>> -> memref<1x64x128xf32, #tpu.memory_space<vmem>>
      %dma_wait3A_72 = tpu.memref_squeeze %dma_wait3A_71 : memref<1x64x128xf32, #tpu.memory_space<vmem>> -> memref<64x128xf32, #tpu.memory_space<vmem>>
      %dma_wait3A_73 = arith.constant 0 : i32
      %dma_wait3A_74 = arith.constant 0 : i32
      %dma_wait3A_75 = tpu.memref_slice %arg7[%run_scoped3A_1, %dma_wait3A_73, %dma_wait3A_74] : memref<2x64x128xf32, #tpu.memory_space<vmem>> -> memref<1x64x128xf32, #tpu.memory_space<vmem>>
      %dma_wait3A_76 = tpu.memref_squeeze %dma_wait3A_75 : memref<1x64x128xf32, #tpu.memory_space<vmem>> -> memref<64x128xf32, #tpu.memory_space<vmem>>
      tpu.wait_dma2 semaphore(%run_scoped3A_62 : memref<!tpu.dma_semaphore, #tpu.memory_space<semaphore_mem>>) src(%arg4 : memref<64x128xf32, #tpu.memory_space<hbm>>) dst(%dma_wait3A_76 : memref<64x128xf32, #tpu.memory_space<vmem>>)
      tpu.yield
    }) : () -> ()
    %mul3A_2 = arith.constant 640 : i32
    %mul3A_3 = arith.muli %arg1, %mul3A_2 : i32
    %add3A_4 = arith.constant 0 : i32
    %add3A_5 = arith.addi %mul3A_3, %add3A_4 : i32
    %run_scoped3A_6 = arith.constant 0 : i32
    "tpu.region"() ({
      %run_scoped3A_62 = tpu.sem_alloc : memref<!tpu.dma_semaphore, #tpu.memory_space<semaphore_mem>>
      %dma_start3A = arith.constant 0 : i32
      %dma_start3A_63 = arith.constant 0 : i32
      %dma_start3A_64 = tpu.memref_slice %arg7[%run_scoped3A_6, %dma_start3A, %dma_start3A_63] : memref<2x64x128xf32, #tpu.memory_space<vmem>> -> memref<1x64x128xf32, #tpu.memory_space<vmem>>
      %dma_start3A_65 = tpu.memref_squeeze %dma_start3A_64 : memref<1x64x128xf32, #tpu.memory_space<vmem>> -> memref<64x128xf32, #tpu.memory_space<vmem>>
      %dma_start3A_66 = arith.constant 0 : i32
      %dma_start3A_67 = tpu.memref_slice %arg8[%add3A_5, %dma_start3A_66] : memref<10240x128xf32, #tpu.memory_space<vmem_shared>> -> memref<64x128xf32, #tpu.memory_space<vmem_shared>>
      %dma_start3A_68 = arith.constant 0 : i32
      %dma_start3A_69 = tpu.memref_slice %arg8[%add3A_5, %dma_start3A_68] : memref<10240x128xf32, #tpu.memory_space<vmem_shared>> -> memref<64x128xf32, #tpu.memory_space<vmem_shared>>
      %dma_start3A_70 = arith.constant 0 : i32
      %dma_start3A_71 = arith.constant 0 : i32
      %dma_start3A_72 = tpu.memref_slice %arg7[%run_scoped3A_6, %dma_start3A_70, %dma_start3A_71] : memref<2x64x128xf32, #tpu.memory_space<vmem>> -> memref<1x64x128xf32, #tpu.memory_space<vmem>>
      %dma_start3A_73 = tpu.memref_squeeze %dma_start3A_72 : memref<1x64x128xf32, #tpu.memory_space<vmem>> -> memref<64x128xf32, #tpu.memory_space<vmem>>
      tpu.enqueue_dma source(%dma_start3A_73 : memref<64x128xf32, #tpu.memory_space<vmem>>) target(%dma_start3A_69 : memref<64x128xf32, #tpu.memory_space<vmem_shared>>) target_semaphore(%run_scoped3A_62 : memref<!tpu.dma_semaphore, #tpu.memory_space<semaphore_mem>>)
      %dma_wait3A = arith.constant 0 : i32
      %dma_wait3A_74 = arith.constant 0 : i32
      %dma_wait3A_75 = tpu.memref_slice %arg7[%run_scoped3A_6, %dma_wait3A, %dma_wait3A_74] : memref<2x64x128xf32, #tpu.memory_space<vmem>> -> memref<1x64x128xf32, #tpu.memory_space<vmem>>
      %dma_wait3A_76 = tpu.memref_squeeze %dma_wait3A_75 : memref<1x64x128xf32, #tpu.memory_space<vmem>> -> memref<64x128xf32, #tpu.memory_space<vmem>>
      %dma_wait3A_77 = arith.constant 0 : i32
      %dma_wait3A_78 = tpu.memref_slice %arg8[%add3A_5, %dma_wait3A_77] : memref<10240x128xf32, #tpu.memory_space<vmem_shared>> -> memref<64x128xf32, #tpu.memory_space<vmem_shared>>
      %dma_wait3A_79 = arith.constant 0 : i32
      %dma_wait3A_80 = tpu.memref_slice %arg8[%add3A_5, %dma_wait3A_79] : memref<10240x128xf32, #tpu.memory_space<vmem_shared>> -> memref<64x128xf32, #tpu.memory_space<vmem_shared>>
      %dma_wait3A_81 = arith.constant 0 : i32
      %dma_wait3A_82 = arith.constant 0 : i32
      %dma_wait3A_83 = tpu.memref_slice %arg7[%run_scoped3A_6, %dma_wait3A_81, %dma_wait3A_82] : memref<2x64x128xf32, #tpu.memory_space<vmem>> -> memref<1x64x128xf32, #tpu.memory_space<vmem>>
      %dma_wait3A_84 = tpu.memref_squeeze %dma_wait3A_83 : memref<1x64x128xf32, #tpu.memory_space<vmem>> -> memref<64x128xf32, #tpu.memory_space<vmem>>
      tpu.wait_dma2 semaphore(%run_scoped3A_62 : memref<!tpu.dma_semaphore, #tpu.memory_space<semaphore_mem>>) src(%dma_wait3A_84 : memref<64x128xf32, #tpu.memory_space<vmem>>) dst(%dma_wait3A_80 : memref<64x128xf32, #tpu.memory_space<vmem_shared>>)
      tpu.yield
    }) : () -> ()
    %mul3A_7 = arith.constant 640 : i32
    %mul3A_8 = arith.muli %arg1, %mul3A_7 : i32
    %add3A_9 = arith.constant 64 : i32
    %add3A_10 = arith.addi %mul3A_8, %add3A_9 : i32
    %run_scoped3A_11 = arith.constant 0 : i32
    "tpu.region"() ({
      %run_scoped3A_62 = tpu.sem_alloc : memref<!tpu.dma_semaphore, #tpu.memory_space<semaphore_mem>>
      %dma_start3A = arith.constant 0 : i32
      %dma_start3A_63 = arith.constant 0 : i32
      %dma_start3A_64 = tpu.memref_slice %arg7[%run_scoped3A_11, %dma_start3A, %dma_start3A_63] : memref<2x64x128xf32, #tpu.memory_space<vmem>> -> memref<1x64x128xf32, #tpu.memory_space<vmem>>
      %dma_start3A_65 = tpu.memref_squeeze %dma_start3A_64 : memref<1x64x128xf32, #tpu.memory_space<vmem>> -> memref<64x128xf32, #tpu.memory_space<vmem>>
      %dma_start3A_66 = arith.constant 0 : i32
      %dma_start3A_67 = tpu.memref_slice %arg8[%add3A_10, %dma_start3A_66] : memref<10240x128xf32, #tpu.memory_space<vmem_shared>> -> memref<64x128xf32, #tpu.memory_space<vmem_shared>>
      %dma_start3A_68 = arith.constant 0 : i32
      %dma_start3A_69 = tpu.memref_slice %arg8[%add3A_10, %dma_start3A_68] : memref<10240x128xf32, #tpu.memory_space<vmem_shared>> -> memref<64x128xf32, #tpu.memory_space<vmem_shared>>
      %dma_start3A_70 = arith.constant 0 : i32
      %dma_start3A_71 = arith.constant 0 : i32
      %dma_start3A_72 = tpu.memref_slice %arg7[%run_scoped3A_11, %dma_start3A_70, %dma_start3A_71] : memref<2x64x128xf32, #tpu.memory_space<vmem>> -> memref<1x64x128xf32, #tpu.memory_space<vmem>>
      %dma_start3A_73 = tpu.memref_squeeze %dma_start3A_72 : memref<1x64x128xf32, #tpu.memory_space<vmem>> -> memref<64x128xf32, #tpu.memory_space<vmem>>
      tpu.enqueue_dma source(%dma_start3A_73 : memref<64x128xf32, #tpu.memory_space<vmem>>) target(%dma_start3A_69 : memref<64x128xf32, #tpu.memory_space<vmem_shared>>) target_semaphore(%run_scoped3A_62 : memref<!tpu.dma_semaphore, #tpu.memory_space<semaphore_mem>>)
      %dma_wait3A = arith.constant 0 : i32
      %dma_wait3A_74 = arith.constant 0 : i32
      %dma_wait3A_75 = tpu.memref_slice %arg7[%run_scoped3A_11, %dma_wait3A, %dma_wait3A_74] : memref<2x64x128xf32, #tpu.memory_space<vmem>> -> memref<1x64x128xf32, #tpu.memory_space<vmem>>
      %dma_wait3A_76 = tpu.memref_squeeze %dma_wait3A_75 : memref<1x64x128xf32, #tpu.memory_space<vmem>> -> memref<64x128xf32, #tpu.memory_space<vmem>>
      %dma_wait3A_77 = arith.constant 0 : i32
      %dma_wait3A_78 = tpu.memref_slice %arg8[%add3A_10, %dma_wait3A_77] : memref<10240x128xf32, #tpu.memory_space<vmem_shared>> -> memref<64x128xf32, #tpu.memory_space<vmem_shared>>
      %dma_wait3A_79 = arith.constant 0 : i32
      %dma_wait3A_80 = tpu.memref_slice %arg8[%add3A_10, %dma_wait3A_79] : memref<10240x128xf32, #tpu.memory_space<vmem_shared>> -> memref<64x128xf32, #tpu.memory_space<vmem_shared>>
      %dma_wait3A_81 = arith.constant 0 : i32
      %dma_wait3A_82 = arith.constant 0 : i32
      %dma_wait3A_83 = tpu.memref_slice %arg7[%run_scoped3A_11, %dma_wait3A_81, %dma_wait3A_82] : memref<2x64x128xf32, #tpu.memory_space<vmem>> -> memref<1x64x128xf32, #tpu.memory_space<vmem>>
      %dma_wait3A_84 = tpu.memref_squeeze %dma_wait3A_83 : memref<1x64x128xf32, #tpu.memory_space<vmem>> -> memref<64x128xf32, #tpu.memory_space<vmem>>
      tpu.wait_dma2 semaphore(%run_scoped3A_62 : memref<!tpu.dma_semaphore, #tpu.memory_space<semaphore_mem>>) src(%dma_wait3A_84 : memref<64x128xf32, #tpu.memory_space<vmem>>) dst(%dma_wait3A_80 : memref<64x128xf32, #tpu.memory_space<vmem_shared>>)
      tpu.yield
    }) : () -> ()
    %mul3A_12 = arith.constant 640 : i32
    %mul3A_13 = arith.muli %arg1, %mul3A_12 : i32
    %add3A_14 = arith.constant 128 : i32
    %add3A_15 = arith.addi %mul3A_13, %add3A_14 : i32
    %run_scoped3A_16 = arith.constant 0 : i32
    "tpu.region"() ({
      %run_scoped3A_62 = tpu.sem_alloc : memref<!tpu.dma_semaphore, #tpu.memory_space<semaphore_mem>>
      %dma_start3A = arith.constant 0 : i32
      %dma_start3A_63 = arith.constant 0 : i32
      %dma_start3A_64 = tpu.memref_slice %arg7[%run_scoped3A_16, %dma_start3A, %dma_start3A_63] : memref<2x64x128xf32, #tpu.memory_space<vmem>> -> memref<1x64x128xf32, #tpu.memory_space<vmem>>
      %dma_start3A_65 = tpu.memref_squeeze %dma_start3A_64 : memref<1x64x128xf32, #tpu.memory_space<vmem>> -> memref<64x128xf32, #tpu.memory_space<vmem>>
      %dma_start3A_66 = arith.constant 0 : i32
      %dma_start3A_67 = tpu.memref_slice %arg8[%add3A_15, %dma_start3A_66] : memref<10240x128xf32, #tpu.memory_space<vmem_shared>> -> memref<64x128xf32, #tpu.memory_space<vmem_shared>>
      %dma_start3A_68 = arith.constant 0 : i32
      %dma_start3A_69 = tpu.memref_slice %arg8[%add3A_15, %dma_start3A_68] : memref<10240x128xf32, #tpu.memory_space<vmem_shared>> -> memref<64x128xf32, #tpu.memory_space<vmem_shared>>
      %dma_start3A_70 = arith.constant 0 : i32
      %dma_start3A_71 = arith.constant 0 : i32
      %dma_start3A_72 = tpu.memref_slice %arg7[%run_scoped3A_16, %dma_start3A_70, %dma_start3A_71] : memref<2x64x128xf32, #tpu.memory_space<vmem>> -> memref<1x64x128xf32, #tpu.memory_space<vmem>>
      %dma_start3A_73 = tpu.memref_squeeze %dma_start3A_72 : memref<1x64x128xf32, #tpu.memory_space<vmem>> -> memref<64x128xf32, #tpu.memory_space<vmem>>
      tpu.enqueue_dma source(%dma_start3A_73 : memref<64x128xf32, #tpu.memory_space<vmem>>) target(%dma_start3A_69 : memref<64x128xf32, #tpu.memory_space<vmem_shared>>) target_semaphore(%run_scoped3A_62 : memref<!tpu.dma_semaphore, #tpu.memory_space<semaphore_mem>>)
      %dma_wait3A = arith.constant 0 : i32
      %dma_wait3A_74 = arith.constant 0 : i32
      %dma_wait3A_75 = tpu.memref_slice %arg7[%run_scoped3A_16, %dma_wait3A, %dma_wait3A_74] : memref<2x64x128xf32, #tpu.memory_space<vmem>> -> memref<1x64x128xf32, #tpu.memory_space<vmem>>
      %dma_wait3A_76 = tpu.memref_squeeze %dma_wait3A_75 : memref<1x64x128xf32, #tpu.memory_space<vmem>> -> memref<64x128xf32, #tpu.memory_space<vmem>>
      %dma_wait3A_77 = arith.constant 0 : i32
      %dma_wait3A_78 = tpu.memref_slice %arg8[%add3A_15, %dma_wait3A_77] : memref<10240x128xf32, #tpu.memory_space<vmem_shared>> -> memref<64x128xf32, #tpu.memory_space<vmem_shared>>
      %dma_wait3A_79 = arith.constant 0 : i32
      %dma_wait3A_80 = tpu.memref_slice %arg8[%add3A_15, %dma_wait3A_79] : memref<10240x128xf32, #tpu.memory_space<vmem_shared>> -> memref<64x128xf32, #tpu.memory_space<vmem_shared>>
      %dma_wait3A_81 = arith.constant 0 : i32
      %dma_wait3A_82 = arith.constant 0 : i32
      %dma_wait3A_83 = tpu.memref_slice %arg7[%run_scoped3A_16, %dma_wait3A_81, %dma_wait3A_82] : memref<2x64x128xf32, #tpu.memory_space<vmem>> -> memref<1x64x128xf32, #tpu.memory_space<vmem>>
      %dma_wait3A_84 = tpu.memref_squeeze %dma_wait3A_83 : memref<1x64x128xf32, #tpu.memory_space<vmem>> -> memref<64x128xf32, #tpu.memory_space<vmem>>
      tpu.wait_dma2 semaphore(%run_scoped3A_62 : memref<!tpu.dma_semaphore, #tpu.memory_space<semaphore_mem>>) src(%dma_wait3A_84 : memref<64x128xf32, #tpu.memory_space<vmem>>) dst(%dma_wait3A_80 : memref<64x128xf32, #tpu.memory_space<vmem_shared>>)
      tpu.yield
    }) : () -> ()
    %mul3A_17 = arith.constant 640 : i32
    %mul3A_18 = arith.muli %arg1, %mul3A_17 : i32
    %add3A_19 = arith.constant 192 : i32
    %add3A_20 = arith.addi %mul3A_18, %add3A_19 : i32
    %run_scoped3A_21 = arith.constant 0 : i32
    "tpu.region"() ({
      %run_scoped3A_62 = tpu.sem_alloc : memref<!tpu.dma_semaphore, #tpu.memory_space<semaphore_mem>>
      %dma_start3A = arith.constant 0 : i32
      %dma_start3A_63 = arith.constant 0 : i32
      %dma_start3A_64 = tpu.memref_slice %arg7[%run_scoped3A_21, %dma_start3A, %dma_start3A_63] : memref<2x64x128xf32, #tpu.memory_space<vmem>> -> memref<1x64x128xf32, #tpu.memory_space<vmem>>
      %dma_start3A_65 = tpu.memref_squeeze %dma_start3A_64 : memref<1x64x128xf32, #tpu.memory_space<vmem>> -> memref<64x128xf32, #tpu.memory_space<vmem>>
      %dma_start3A_66 = arith.constant 0 : i32
      %dma_start3A_67 = tpu.memref_slice %arg8[%add3A_20, %dma_start3A_66] : memref<10240x128xf32, #tpu.memory_space<vmem_shared>> -> memref<64x128xf32, #tpu.memory_space<vmem_shared>>
      %dma_start3A_68 = arith.constant 0 : i32
      %dma_start3A_69 = tpu.memref_slice %arg8[%add3A_20, %dma_start3A_68] : memref<10240x128xf32, #tpu.memory_space<vmem_shared>> -> memref<64x128xf32, #tpu.memory_space<vmem_shared>>
      %dma_start3A_70 = arith.constant 0 : i32
      %dma_start3A_71 = arith.constant 0 : i32
      %dma_start3A_72 = tpu.memref_slice %arg7[%run_scoped3A_21, %dma_start3A_70, %dma_start3A_71] : memref<2x64x128xf32, #tpu.memory_space<vmem>> -> memref<1x64x128xf32, #tpu.memory_space<vmem>>
      %dma_start3A_73 = tpu.memref_squeeze %dma_start3A_72 : memref<1x64x128xf32, #tpu.memory_space<vmem>> -> memref<64x128xf32, #tpu.memory_space<vmem>>
      tpu.enqueue_dma source(%dma_start3A_73 : memref<64x128xf32, #tpu.memory_space<vmem>>) target(%dma_start3A_69 : memref<64x128xf32, #tpu.memory_space<vmem_shared>>) target_semaphore(%run_scoped3A_62 : memref<!tpu.dma_semaphore, #tpu.memory_space<semaphore_mem>>)
      %dma_wait3A = arith.constant 0 : i32
      %dma_wait3A_74 = arith.constant 0 : i32
      %dma_wait3A_75 = tpu.memref_slice %arg7[%run_scoped3A_21, %dma_wait3A, %dma_wait3A_74] : memref<2x64x128xf32, #tpu.memory_space<vmem>> -> memref<1x64x128xf32, #tpu.memory_space<vmem>>
      %dma_wait3A_76 = tpu.memref_squeeze %dma_wait3A_75 : memref<1x64x128xf32, #tpu.memory_space<vmem>> -> memref<64x128xf32, #tpu.memory_space<vmem>>
      %dma_wait3A_77 = arith.constant 0 : i32
      %dma_wait3A_78 = tpu.memref_slice %arg8[%add3A_20, %dma_wait3A_77] : memref<10240x128xf32, #tpu.memory_space<vmem_shared>> -> memref<64x128xf32, #tpu.memory_space<vmem_shared>>
      %dma_wait3A_79 = arith.constant 0 : i32
      %dma_wait3A_80 = tpu.memref_slice %arg8[%add3A_20, %dma_wait3A_79] : memref<10240x128xf32, #tpu.memory_space<vmem_shared>> -> memref<64x128xf32, #tpu.memory_space<vmem_shared>>
      %dma_wait3A_81 = arith.constant 0 : i32
      %dma_wait3A_82 = arith.constant 0 : i32
      %dma_wait3A_83 = tpu.memref_slice %arg7[%run_scoped3A_21, %dma_wait3A_81, %dma_wait3A_82] : memref<2x64x128xf32, #tpu.memory_space<vmem>> -> memref<1x64x128xf32, #tpu.memory_space<vmem>>
      %dma_wait3A_84 = tpu.memref_squeeze %dma_wait3A_83 : memref<1x64x128xf32, #tpu.memory_space<vmem>> -> memref<64x128xf32, #tpu.memory_space<vmem>>
      tpu.wait_dma2 semaphore(%run_scoped3A_62 : memref<!tpu.dma_semaphore, #tpu.memory_space<semaphore_mem>>) src(%dma_wait3A_84 : memref<64x128xf32, #tpu.memory_space<vmem>>) dst(%dma_wait3A_80 : memref<64x128xf32, #tpu.memory_space<vmem_shared>>)
      tpu.yield
    }) : () -> ()
    %mul3A_22 = arith.constant 640 : i32
    %mul3A_23 = arith.muli %arg1, %mul3A_22 : i32
    %add3A_24 = arith.constant 256 : i32
    %add3A_25 = arith.addi %mul3A_23, %add3A_24 : i32
    %run_scoped3A_26 = arith.constant 0 : i32
    "tpu.region"() ({
      %run_scoped3A_62 = tpu.sem_alloc : memref<!tpu.dma_semaphore, #tpu.memory_space<semaphore_mem>>
      %dma_start3A = arith.constant 0 : i32
      %dma_start3A_63 = arith.constant 0 : i32
      %dma_start3A_64 = tpu.memref_slice %arg7[%run_scoped3A_26, %dma_start3A, %dma_start3A_63] : memref<2x64x128xf32, #tpu.memory_space<vmem>> -> memref<1x64x128xf32, #tpu.memory_space<vmem>>
      %dma_start3A_65 = tpu.memref_squeeze %dma_start3A_64 : memref<1x64x128xf32, #tpu.memory_space<vmem>> -> memref<64x128xf32, #tpu.memory_space<vmem>>
      %dma_start3A_66 = arith.constant 0 : i32
      %dma_start3A_67 = tpu.memref_slice %arg8[%add3A_25, %dma_start3A_66] : memref<10240x128xf32, #tpu.memory_space<vmem_shared>> -> memref<64x128xf32, #tpu.memory_space<vmem_shared>>
      %dma_start3A_68 = arith.constant 0 : i32
      %dma_start3A_69 = tpu.memref_slice %arg8[%add3A_25, %dma_start3A_68] : memref<10240x128xf32, #tpu.memory_space<vmem_shared>> -> memref<64x128xf32, #tpu.memory_space<vmem_shared>>
      %dma_start3A_70 = arith.constant 0 : i32
      %dma_start3A_71 = arith.constant 0 : i32
      %dma_start3A_72 = tpu.memref_slice %arg7[%run_scoped3A_26, %dma_start3A_70, %dma_start3A_71] : memref<2x64x128xf32, #tpu.memory_space<vmem>> -> memref<1x64x128xf32, #tpu.memory_space<vmem>>
      %dma_start3A_73 = tpu.memref_squeeze %dma_start3A_72 : memref<1x64x128xf32, #tpu.memory_space<vmem>> -> memref<64x128xf32, #tpu.memory_space<vmem>>
      tpu.enqueue_dma source(%dma_start3A_73 : memref<64x128xf32, #tpu.memory_space<vmem>>) target(%dma_start3A_69 : memref<64x128xf32, #tpu.memory_space<vmem_shared>>) target_semaphore(%run_scoped3A_62 : memref<!tpu.dma_semaphore, #tpu.memory_space<semaphore_mem>>)
      %dma_wait3A = arith.constant 0 : i32
      %dma_wait3A_74 = arith.constant 0 : i32
      %dma_wait3A_75 = tpu.memref_slice %arg7[%run_scoped3A_26, %dma_wait3A, %dma_wait3A_74] : memref<2x64x128xf32, #tpu.memory_space<vmem>> -> memref<1x64x128xf32, #tpu.memory_space<vmem>>
      %dma_wait3A_76 = tpu.memref_squeeze %dma_wait3A_75 : memref<1x64x128xf32, #tpu.memory_space<vmem>> -> memref<64x128xf32, #tpu.memory_space<vmem>>
      %dma_wait3A_77 = arith.constant 0 : i32
      %dma_wait3A_78 = tpu.memref_slice %arg8[%add3A_25, %dma_wait3A_77] : memref<10240x128xf32, #tpu.memory_space<vmem_shared>> -> memref<64x128xf32, #tpu.memory_space<vmem_shared>>
      %dma_wait3A_79 = arith.constant 0 : i32
      %dma_wait3A_80 = tpu.memref_slice %arg8[%add3A_25, %dma_wait3A_79] : memref<10240x128xf32, #tpu.memory_space<vmem_shared>> -> memref<64x128xf32, #tpu.memory_space<vmem_shared>>
      %dma_wait3A_81 = arith.constant 0 : i32
      %dma_wait3A_82 = arith.constant 0 : i32
      %dma_wait3A_83 = tpu.memref_slice %arg7[%run_scoped3A_26, %dma_wait3A_81, %dma_wait3A_82] : memref<2x64x128xf32, #tpu.memory_space<vmem>> -> memref<1x64x128xf32, #tpu.memory_space<vmem>>
      %dma_wait3A_84 = tpu.memref_squeeze %dma_wait3A_83 : memref<1x64x128xf32, #tpu.memory_space<vmem>> -> memref<64x128xf32, #tpu.memory_space<vmem>>
      tpu.wait_dma2 semaphore(%run_scoped3A_62 : memref<!tpu.dma_semaphore, #tpu.memory_space<semaphore_mem>>) src(%dma_wait3A_84 : memref<64x128xf32, #tpu.memory_space<vmem>>) dst(%dma_wait3A_80 : memref<64x128xf32, #tpu.memory_space<vmem_shared>>)
      tpu.yield
    }) : () -> ()
    %mul3A_27 = arith.constant 640 : i32
    %mul3A_28 = arith.muli %arg1, %mul3A_27 : i32
    %add3A_29 = arith.constant 320 : i32
    %add3A_30 = arith.addi %mul3A_28, %add3A_29 : i32
    %run_scoped3A_31 = arith.constant 0 : i32
    "tpu.region"() ({
      %run_scoped3A_62 = tpu.sem_alloc : memref<!tpu.dma_semaphore, #tpu.memory_space<semaphore_mem>>
      %dma_start3A = arith.constant 0 : i32
      %dma_start3A_63 = arith.constant 0 : i32
      %dma_start3A_64 = tpu.memref_slice %arg7[%run_scoped3A_31, %dma_start3A, %dma_start3A_63] : memref<2x64x128xf32, #tpu.memory_space<vmem>> -> memref<1x64x128xf32, #tpu.memory_space<vmem>>
      %dma_start3A_65 = tpu.memref_squeeze %dma_start3A_64 : memref<1x64x128xf32, #tpu.memory_space<vmem>> -> memref<64x128xf32, #tpu.memory_space<vmem>>
      %dma_start3A_66 = arith.constant 0 : i32
      %dma_start3A_67 = tpu.memref_slice %arg8[%add3A_30, %dma_start3A_66] : memref<10240x128xf32, #tpu.memory_space<vmem_shared>> -> memref<64x128xf32, #tpu.memory_space<vmem_shared>>
      %dma_start3A_68 = arith.constant 0 : i32
      %dma_start3A_69 = tpu.memref_slice %arg8[%add3A_30, %dma_start3A_68] : memref<10240x128xf32, #tpu.memory_space<vmem_shared>> -> memref<64x128xf32, #tpu.memory_space<vmem_shared>>
      %dma_start3A_70 = arith.constant 0 : i32
      %dma_start3A_71 = arith.constant 0 : i32
      %dma_start3A_72 = tpu.memref_slice %arg7[%run_scoped3A_31, %dma_start3A_70, %dma_start3A_71] : memref<2x64x128xf32, #tpu.memory_space<vmem>> -> memref<1x64x128xf32, #tpu.memory_space<vmem>>
      %dma_start3A_73 = tpu.memref_squeeze %dma_start3A_72 : memref<1x64x128xf32, #tpu.memory_space<vmem>> -> memref<64x128xf32, #tpu.memory_space<vmem>>
      tpu.enqueue_dma source(%dma_start3A_73 : memref<64x128xf32, #tpu.memory_space<vmem>>) target(%dma_start3A_69 : memref<64x128xf32, #tpu.memory_space<vmem_shared>>) target_semaphore(%run_scoped3A_62 : memref<!tpu.dma_semaphore, #tpu.memory_space<semaphore_mem>>)
      %dma_wait3A = arith.constant 0 : i32
      %dma_wait3A_74 = arith.constant 0 : i32
      %dma_wait3A_75 = tpu.memref_slice %arg7[%run_scoped3A_31, %dma_wait3A, %dma_wait3A_74] : memref<2x64x128xf32, #tpu.memory_space<vmem>> -> memref<1x64x128xf32, #tpu.memory_space<vmem>>
      %dma_wait3A_76 = tpu.memref_squeeze %dma_wait3A_75 : memref<1x64x128xf32, #tpu.memory_space<vmem>> -> memref<64x128xf32, #tpu.memory_space<vmem>>
      %dma_wait3A_77 = arith.constant 0 : i32
      %dma_wait3A_78 = tpu.memref_slice %arg8[%add3A_30, %dma_wait3A_77] : memref<10240x128xf32, #tpu.memory_space<vmem_shared>> -> memref<64x128xf32, #tpu.memory_space<vmem_shared>>
      %dma_wait3A_79 = arith.constant 0 : i32
      %dma_wait3A_80 = tpu.memref_slice %arg8[%add3A_30, %dma_wait3A_79] : memref<10240x128xf32, #tpu.memory_space<vmem_shared>> -> memref<64x128xf32, #tpu.memory_space<vmem_shared>>
      %dma_wait3A_81 = arith.constant 0 : i32
      %dma_wait3A_82 = arith.constant 0 : i32
      %dma_wait3A_83 = tpu.memref_slice %arg7[%run_scoped3A_31, %dma_wait3A_81, %dma_wait3A_82] : memref<2x64x128xf32, #tpu.memory_space<vmem>> -> memref<1x64x128xf32, #tpu.memory_space<vmem>>
      %dma_wait3A_84 = tpu.memref_squeeze %dma_wait3A_83 : memref<1x64x128xf32, #tpu.memory_space<vmem>> -> memref<64x128xf32, #tpu.memory_space<vmem>>
      tpu.wait_dma2 semaphore(%run_scoped3A_62 : memref<!tpu.dma_semaphore, #tpu.memory_space<semaphore_mem>>) src(%dma_wait3A_84 : memref<64x128xf32, #tpu.memory_space<vmem>>) dst(%dma_wait3A_80 : memref<64x128xf32, #tpu.memory_space<vmem_shared>>)
      tpu.yield
    }) : () -> ()
    %mul3A_32 = arith.constant 640 : i32
    %mul3A_33 = arith.muli %arg1, %mul3A_32 : i32
    %add3A_34 = arith.constant 384 : i32
    %add3A_35 = arith.addi %mul3A_33, %add3A_34 : i32
    %run_scoped3A_36 = arith.constant 0 : i32
    "tpu.region"() ({
      %run_scoped3A_62 = tpu.sem_alloc : memref<!tpu.dma_semaphore, #tpu.memory_space<semaphore_mem>>
      %dma_start3A = arith.constant 0 : i32
      %dma_start3A_63 = arith.constant 0 : i32
      %dma_start3A_64 = tpu.memref_slice %arg7[%run_scoped3A_36, %dma_start3A, %dma_start3A_63] : memref<2x64x128xf32, #tpu.memory_space<vmem>> -> memref<1x64x128xf32, #tpu.memory_space<vmem>>
      %dma_start3A_65 = tpu.memref_squeeze %dma_start3A_64 : memref<1x64x128xf32, #tpu.memory_space<vmem>> -> memref<64x128xf32, #tpu.memory_space<vmem>>
      %dma_start3A_66 = arith.constant 0 : i32
      %dma_start3A_67 = tpu.memref_slice %arg8[%add3A_35, %dma_start3A_66] : memref<10240x128xf32, #tpu.memory_space<vmem_shared>> -> memref<64x128xf32, #tpu.memory_space<vmem_shared>>
      %dma_start3A_68 = arith.constant 0 : i32
      %dma_start3A_69 = tpu.memref_slice %arg8[%add3A_35, %dma_start3A_68] : memref<10240x128xf32, #tpu.memory_space<vmem_shared>> -> memref<64x128xf32, #tpu.memory_space<vmem_shared>>
      %dma_start3A_70 = arith.constant 0 : i32
      %dma_start3A_71 = arith.constant 0 : i32
      %dma_start3A_72 = tpu.memref_slice %arg7[%run_scoped3A_36, %dma_start3A_70, %dma_start3A_71] : memref<2x64x128xf32, #tpu.memory_space<vmem>> -> memref<1x64x128xf32, #tpu.memory_space<vmem>>
      %dma_start3A_73 = tpu.memref_squeeze %dma_start3A_72 : memref<1x64x128xf32, #tpu.memory_space<vmem>> -> memref<64x128xf32, #tpu.memory_space<vmem>>
      tpu.enqueue_dma source(%dma_start3A_73 : memref<64x128xf32, #tpu.memory_space<vmem>>) target(%dma_start3A_69 : memref<64x128xf32, #tpu.memory_space<vmem_shared>>) target_semaphore(%run_scoped3A_62 : memref<!tpu.dma_semaphore, #tpu.memory_space<semaphore_mem>>)
      %dma_wait3A = arith.constant 0 : i32
      %dma_wait3A_74 = arith.constant 0 : i32
      %dma_wait3A_75 = tpu.memref_slice %arg7[%run_scoped3A_36, %dma_wait3A, %dma_wait3A_74] : memref<2x64x128xf32, #tpu.memory_space<vmem>> -> memref<1x64x128xf32, #tpu.memory_space<vmem>>
      %dma_wait3A_76 = tpu.memref_squeeze %dma_wait3A_75 : memref<1x64x128xf32, #tpu.memory_space<vmem>> -> memref<64x128xf32, #tpu.memory_space<vmem>>
      %dma_wait3A_77 = arith.constant 0 : i32
      %dma_wait3A_78 = tpu.memref_slice %arg8[%add3A_35, %dma_wait3A_77] : memref<10240x128xf32, #tpu.memory_space<vmem_shared>> -> memref<64x128xf32, #tpu.memory_space<vmem_shared>>
      %dma_wait3A_79 = arith.constant 0 : i32
      %dma_wait3A_80 = tpu.memref_slice %arg8[%add3A_35, %dma_wait3A_79] : memref<10240x128xf32, #tpu.memory_space<vmem_shared>> -> memref<64x128xf32, #tpu.memory_space<vmem_shared>>
      %dma_wait3A_81 = arith.constant 0 : i32
      %dma_wait3A_82 = arith.constant 0 : i32
      %dma_wait3A_83 = tpu.memref_slice %arg7[%run_scoped3A_36, %dma_wait3A_81, %dma_wait3A_82] : memref<2x64x128xf32, #tpu.memory_space<vmem>> -> memref<1x64x128xf32, #tpu.memory_space<vmem>>
      %dma_wait3A_84 = tpu.memref_squeeze %dma_wait3A_83 : memref<1x64x128xf32, #tpu.memory_space<vmem>> -> memref<64x128xf32, #tpu.memory_space<vmem>>
      tpu.wait_dma2 semaphore(%run_scoped3A_62 : memref<!tpu.dma_semaphore, #tpu.memory_space<semaphore_mem>>) src(%dma_wait3A_84 : memref<64x128xf32, #tpu.memory_space<vmem>>) dst(%dma_wait3A_80 : memref<64x128xf32, #tpu.memory_space<vmem_shared>>)
      tpu.yield
    }) : () -> ()
    %mul3A_37 = arith.constant 640 : i32
    %mul3A_38 = arith.muli %arg1, %mul3A_37 : i32
    %add3A_39 = arith.constant 448 : i32
    %add3A_40 = arith.addi %mul3A_38, %add3A_39 : i32
    %run_scoped3A_41 = arith.constant 0 : i32
    "tpu.region"() ({
      %run_scoped3A_62 = tpu.sem_alloc : memref<!tpu.dma_semaphore, #tpu.memory_space<semaphore_mem>>
      %dma_start3A = arith.constant 0 : i32
      %dma_start3A_63 = arith.constant 0 : i32
      %dma_start3A_64 = tpu.memref_slice %arg7[%run_scoped3A_41, %dma_start3A, %dma_start3A_63] : memref<2x64x128xf32, #tpu.memory_space<vmem>> -> memref<1x64x128xf32, #tpu.memory_space<vmem>>
      %dma_start3A_65 = tpu.memref_squeeze %dma_start3A_64 : memref<1x64x128xf32, #tpu.memory_space<vmem>> -> memref<64x128xf32, #tpu.memory_space<vmem>>
      %dma_start3A_66 = arith.constant 0 : i32
      %dma_start3A_67 = tpu.memref_slice %arg8[%add3A_40, %dma_start3A_66] : memref<10240x128xf32, #tpu.memory_space<vmem_shared>> -> memref<64x128xf32, #tpu.memory_space<vmem_shared>>
      %dma_start3A_68 = arith.constant 0 : i32
      %dma_start3A_69 = tpu.memref_slice %arg8[%add3A_40, %dma_start3A_68] : memref<10240x128xf32, #tpu.memory_space<vmem_shared>> -> memref<64x128xf32, #tpu.memory_space<vmem_shared>>
      %dma_start3A_70 = arith.constant 0 : i32
      %dma_start3A_71 = arith.constant 0 : i32
      %dma_start3A_72 = tpu.memref_slice %arg7[%run_scoped3A_41, %dma_start3A_70, %dma_start3A_71] : memref<2x64x128xf32, #tpu.memory_space<vmem>> -> memref<1x64x128xf32, #tpu.memory_space<vmem>>
      %dma_start3A_73 = tpu.memref_squeeze %dma_start3A_72 : memref<1x64x128xf32, #tpu.memory_space<vmem>> -> memref<64x128xf32, #tpu.memory_space<vmem>>
      tpu.enqueue_dma source(%dma_start3A_73 : memref<64x128xf32, #tpu.memory_space<vmem>>) target(%dma_start3A_69 : memref<64x128xf32, #tpu.memory_space<vmem_shared>>) target_semaphore(%run_scoped3A_62 : memref<!tpu.dma_semaphore, #tpu.memory_space<semaphore_mem>>)
      %dma_wait3A = arith.constant 0 : i32
      %dma_wait3A_74 = arith.constant 0 : i32
      %dma_wait3A_75 = tpu.memref_slice %arg7[%run_scoped3A_41, %dma_wait3A, %dma_wait3A_74] : memref<2x64x128xf32, #tpu.memory_space<vmem>> -> memref<1x64x128xf32, #tpu.memory_space<vmem>>
      %dma_wait3A_76 = tpu.memref_squeeze %dma_wait3A_75 : memref<1x64x128xf32, #tpu.memory_space<vmem>> -> memref<64x128xf32, #tpu.memory_space<vmem>>
      %dma_wait3A_77 = arith.constant 0 : i32
      %dma_wait3A_78 = tpu.memref_slice %arg8[%add3A_40, %dma_wait3A_77] : memref<10240x128xf32, #tpu.memory_space<vmem_shared>> -> memref<64x128xf32, #tpu.memory_space<vmem_shared>>
      %dma_wait3A_79 = arith.constant 0 : i32
      %dma_wait3A_80 = tpu.memref_slice %arg8[%add3A_40, %dma_wait3A_79] : memref<10240x128xf32, #tpu.memory_space<vmem_shared>> -> memref<64x128xf32, #tpu.memory_space<vmem_shared>>
      %dma_wait3A_81 = arith.constant 0 : i32
      %dma_wait3A_82 = arith.constant 0 : i32
      %dma_wait3A_83 = tpu.memref_slice %arg7[%run_scoped3A_41, %dma_wait3A_81, %dma_wait3A_82] : memref<2x64x128xf32, #tpu.memory_space<vmem>> -> memref<1x64x128xf32, #tpu.memory_space<vmem>>
      %dma_wait3A_84 = tpu.memref_squeeze %dma_wait3A_83 : memref<1x64x128xf32, #tpu.memory_space<vmem>> -> memref<64x128xf32, #tpu.memory_space<vmem>>
      tpu.wait_dma2 semaphore(%run_scoped3A_62 : memref<!tpu.dma_semaphore, #tpu.memory_space<semaphore_mem>>) src(%dma_wait3A_84 : memref<64x128xf32, #tpu.memory_space<vmem>>) dst(%dma_wait3A_80 : memref<64x128xf32, #tpu.memory_space<vmem_shared>>)
      tpu.yield
    }) : () -> ()
    %mul3A_42 = arith.constant 640 : i32
    %mul3A_43 = arith.muli %arg1, %mul3A_42 : i32
    %add3A_44 = arith.constant 512 : i32
    %add3A_45 = arith.addi %mul3A_43, %add3A_44 : i32
    %run_scoped3A_46 = arith.constant 0 : i32
    "tpu.region"() ({
      %run_scoped3A_62 = tpu.sem_alloc : memref<!tpu.dma_semaphore, #tpu.memory_space<semaphore_mem>>
      %dma_start3A = arith.constant 0 : i32
      %dma_start3A_63 = arith.constant 0 : i32
      %dma_start3A_64 = tpu.memref_slice %arg7[%run_scoped3A_46, %dma_start3A, %dma_start3A_63] : memref<2x64x128xf32, #tpu.memory_space<vmem>> -> memref<1x64x128xf32, #tpu.memory_space<vmem>>
      %dma_start3A_65 = tpu.memref_squeeze %dma_start3A_64 : memref<1x64x128xf32, #tpu.memory_space<vmem>> -> memref<64x128xf32, #tpu.memory_space<vmem>>
      %dma_start3A_66 = arith.constant 0 : i32
      %dma_start3A_67 = tpu.memref_slice %arg8[%add3A_45, %dma_start3A_66] : memref<10240x128xf32, #tpu.memory_space<vmem_shared>> -> memref<64x128xf32, #tpu.memory_space<vmem_shared>>
      %dma_start3A_68 = arith.constant 0 : i32
      %dma_start3A_69 = tpu.memref_slice %arg8[%add3A_45, %dma_start3A_68] : memref<10240x128xf32, #tpu.memory_space<vmem_shared>> -> memref<64x128xf32, #tpu.memory_space<vmem_shared>>
      %dma_start3A_70 = arith.constant 0 : i32
      %dma_start3A_71 = arith.constant 0 : i32
      %dma_start3A_72 = tpu.memref_slice %arg7[%run_scoped3A_46, %dma_start3A_70, %dma_start3A_71] : memref<2x64x128xf32, #tpu.memory_space<vmem>> -> memref<1x64x128xf32, #tpu.memory_space<vmem>>
      %dma_start3A_73 = tpu.memref_squeeze %dma_start3A_72 : memref<1x64x128xf32, #tpu.memory_space<vmem>> -> memref<64x128xf32, #tpu.memory_space<vmem>>
      tpu.enqueue_dma source(%dma_start3A_73 : memref<64x128xf32, #tpu.memory_space<vmem>>) target(%dma_start3A_69 : memref<64x128xf32, #tpu.memory_space<vmem_shared>>) target_semaphore(%run_scoped3A_62 : memref<!tpu.dma_semaphore, #tpu.memory_space<semaphore_mem>>)
      %dma_wait3A = arith.constant 0 : i32
      %dma_wait3A_74 = arith.constant 0 : i32
      %dma_wait3A_75 = tpu.memref_slice %arg7[%run_scoped3A_46, %dma_wait3A, %dma_wait3A_74] : memref<2x64x128xf32, #tpu.memory_space<vmem>> -> memref<1x64x128xf32, #tpu.memory_space<vmem>>
      %dma_wait3A_76 = tpu.memref_squeeze %dma_wait3A_75 : memref<1x64x128xf32, #tpu.memory_space<vmem>> -> memref<64x128xf32, #tpu.memory_space<vmem>>
      %dma_wait3A_77 = arith.constant 0 : i32
      %dma_wait3A_78 = tpu.memref_slice %arg8[%add3A_45, %dma_wait3A_77] : memref<10240x128xf32, #tpu.memory_space<vmem_shared>> -> memref<64x128xf32, #tpu.memory_space<vmem_shared>>
      %dma_wait3A_79 = arith.constant 0 : i32
      %dma_wait3A_80 = tpu.memref_slice %arg8[%add3A_45, %dma_wait3A_79] : memref<10240x128xf32, #tpu.memory_space<vmem_shared>> -> memref<64x128xf32, #tpu.memory_space<vmem_shared>>
      %dma_wait3A_81 = arith.constant 0 : i32
      %dma_wait3A_82 = arith.constant 0 : i32
      %dma_wait3A_83 = tpu.memref_slice %arg7[%run_scoped3A_46, %dma_wait3A_81, %dma_wait3A_82] : memref<2x64x128xf32, #tpu.memory_space<vmem>> -> memref<1x64x128xf32, #tpu.memory_space<vmem>>
      %dma_wait3A_84 = tpu.memref_squeeze %dma_wait3A_83 : memref<1x64x128xf32, #tpu.memory_space<vmem>> -> memref<64x128xf32, #tpu.memory_space<vmem>>
      tpu.wait_dma2 semaphore(%run_scoped3A_62 : memref<!tpu.dma_semaphore, #tpu.memory_space<semaphore_mem>>) src(%dma_wait3A_84 : memref<64x128xf32, #tpu.memory_space<vmem>>) dst(%dma_wait3A_80 : memref<64x128xf32, #tpu.memory_space<vmem_shared>>)
      tpu.yield
    }) : () -> ()
    %mul3A_47 = arith.constant 640 : i32
    %mul3A_48 = arith.muli %arg1, %mul3A_47 : i32
    %add3A_49 = arith.constant 576 : i32
    %add3A_50 = arith.addi %mul3A_48, %add3A_49 : i32
    %run_scoped3A_51 = arith.constant 0 : i32
    "tpu.region"() ({
      %run_scoped3A_62 = tpu.sem_alloc : memref<!tpu.dma_semaphore, #tpu.memory_space<semaphore_mem>>
      %dma_start3A = arith.constant 0 : i32
      %dma_start3A_63 = arith.constant 0 : i32
      %dma_start3A_64 = tpu.memref_slice %arg7[%run_scoped3A_51, %dma_start3A, %dma_start3A_63] : memref<2x64x128xf32, #tpu.memory_space<vmem>> -> memref<1x64x128xf32, #tpu.memory_space<vmem>>
      %dma_start3A_65 = tpu.memref_squeeze %dma_start3A_64 : memref<1x64x128xf32, #tpu.memory_space<vmem>> -> memref<64x128xf32, #tpu.memory_space<vmem>>
      %dma_start3A_66 = arith.constant 0 : i32
      %dma_start3A_67 = tpu.memref_slice %arg8[%add3A_50, %dma_start3A_66] : memref<10240x128xf32, #tpu.memory_space<vmem_shared>> -> memref<64x128xf32, #tpu.memory_space<vmem_shared>>
      %dma_start3A_68 = arith.constant 0 : i32
      %dma_start3A_69 = tpu.memref_slice %arg8[%add3A_50, %dma_start3A_68] : memref<10240x128xf32, #tpu.memory_space<vmem_shared>> -> memref<64x128xf32, #tpu.memory_space<vmem_shared>>
      %dma_start3A_70 = arith.constant 0 : i32
      %dma_start3A_71 = arith.constant 0 : i32
      %dma_start3A_72 = tpu.memref_slice %arg7[%run_scoped3A_51, %dma_start3A_70, %dma_start3A_71] : memref<2x64x128xf32, #tpu.memory_space<vmem>> -> memref<1x64x128xf32, #tpu.memory_space<vmem>>
      %dma_start3A_73 = tpu.memref_squeeze %dma_start3A_72 : memref<1x64x128xf32, #tpu.memory_space<vmem>> -> memref<64x128xf32, #tpu.memory_space<vmem>>
      tpu.enqueue_dma source(%dma_start3A_73 : memref<64x128xf32, #tpu.memory_space<vmem>>) target(%dma_start3A_69 : memref<64x128xf32, #tpu.memory_space<vmem_shared>>) target_semaphore(%run_scoped3A_62 : memref<!tpu.dma_semaphore, #tpu.memory_space<semaphore_mem>>)
      %dma_wait3A = arith.constant 0 : i32
      %dma_wait3A_74 = arith.constant 0 : i32
      %dma_wait3A_75 = tpu.memref_slice %arg7[%run_scoped3A_51, %dma_wait3A, %dma_wait3A_74] : memref<2x64x128xf32, #tpu.memory_space<vmem>> -> memref<1x64x128xf32, #tpu.memory_space<vmem>>
      %dma_wait3A_76 = tpu.memref_squeeze %dma_wait3A_75 : memref<1x64x128xf32, #tpu.memory_space<vmem>> -> memref<64x128xf32, #tpu.memory_space<vmem>>
      %dma_wait3A_77 = arith.constant 0 : i32
      %dma_wait3A_78 = tpu.memref_slice %arg8[%add3A_50, %dma_wait3A_77] : memref<10240x128xf32, #tpu.memory_space<vmem_shared>> -> memref<64x128xf32, #tpu.memory_space<vmem_shared>>
      %dma_wait3A_79 = arith.constant 0 : i32
      %dma_wait3A_80 = tpu.memref_slice %arg8[%add3A_50, %dma_wait3A_79] : memref<10240x128xf32, #tpu.memory_space<vmem_shared>> -> memref<64x128xf32, #tpu.memory_space<vmem_shared>>
      %dma_wait3A_81 = arith.constant 0 : i32
      %dma_wait3A_82 = arith.constant 0 : i32
      %dma_wait3A_83 = tpu.memref_slice %arg7[%run_scoped3A_51, %dma_wait3A_81, %dma_wait3A_82] : memref<2x64x128xf32, #tpu.memory_space<vmem>> -> memref<1x64x128xf32, #tpu.memory_space<vmem>>
      %dma_wait3A_84 = tpu.memref_squeeze %dma_wait3A_83 : memref<1x64x128xf32, #tpu.memory_space<vmem>> -> memref<64x128xf32, #tpu.memory_space<vmem>>
      tpu.wait_dma2 semaphore(%run_scoped3A_62 : memref<!tpu.dma_semaphore, #tpu.memory_space<semaphore_mem>>) src(%dma_wait3A_84 : memref<64x128xf32, #tpu.memory_space<vmem>>) dst(%dma_wait3A_80 : memref<64x128xf32, #tpu.memory_space<vmem_shared>>)
      tpu.yield
    }) : () -> ()
    %barrier3A = arith.constant 0 : index
    tpu.barrier barrier_id(%barrier3A)
    "tpu.region"() ({
      %run_scoped3A_62 = tpu.sem_alloc : memref<!tpu.dma_semaphore, #tpu.memory_space<semaphore_mem>>
      %dma_start3A = arith.constant 0 : i32
      %dma_start3A_63 = arith.constant 0 : i32
      %dma_start3A_64 = tpu.memref_slice %arg2[%add3A, %dma_start3A, %dma_start3A_63] : memref<32x160x64xi32, #tpu.memory_space<hbm>> -> memref<1x160x64xi32, #tpu.memory_space<hbm>>
      %dma_start3A_65 = tpu.memref_squeeze %dma_start3A_64 : memref<1x160x64xi32, #tpu.memory_space<hbm>> -> memref<160x64xi32, #tpu.memory_space<hbm>>
      %dma_start3A_66 = arith.constant 0 : i32
      %dma_start3A_67 = arith.constant 0 : i32
      %dma_start3A_68 = tpu.memref_slice %arg2[%add3A, %dma_start3A_66, %dma_start3A_67] : memref<32x160x64xi32, #tpu.memory_space<hbm>> -> memref<1x160x64xi32, #tpu.memory_space<hbm>>
      %dma_start3A_69 = tpu.memref_squeeze %dma_start3A_68 : memref<1x160x64xi32, #tpu.memory_space<hbm>> -> memref<160x64xi32, #tpu.memory_space<hbm>>
      tpu.enqueue_dma source(%dma_start3A_69 : memref<160x64xi32, #tpu.memory_space<hbm>>) target(%arg6 : memref<160x64xi32, #tpu.memory_space<vmem>>) target_semaphore(%run_scoped3A_62 : memref<!tpu.dma_semaphore, #tpu.memory_space<semaphore_mem>>)
      %dma_wait3A = arith.constant 0 : i32
      %dma_wait3A_70 = arith.constant 0 : i32
      %dma_wait3A_71 = tpu.memref_slice %arg2[%add3A, %dma_wait3A, %dma_wait3A_70] : memref<32x160x64xi32, #tpu.memory_space<hbm>> -> memref<1x160x64xi32, #tpu.memory_space<hbm>>
      %dma_wait3A_72 = tpu.memref_squeeze %dma_wait3A_71 : memref<1x160x64xi32, #tpu.memory_space<hbm>> -> memref<160x64xi32, #tpu.memory_space<hbm>>
      %dma_wait3A_73 = arith.constant 0 : i32
      %dma_wait3A_74 = arith.constant 0 : i32
      %dma_wait3A_75 = tpu.memref_slice %arg2[%add3A, %dma_wait3A_73, %dma_wait3A_74] : memref<32x160x64xi32, #tpu.memory_space<hbm>> -> memref<1x160x64xi32, #tpu.memory_space<hbm>>
      %dma_wait3A_76 = tpu.memref_squeeze %dma_wait3A_75 : memref<1x160x64xi32, #tpu.memory_space<hbm>> -> memref<160x64xi32, #tpu.memory_space<hbm>>
      tpu.wait_dma2 semaphore(%run_scoped3A_62 : memref<!tpu.dma_semaphore, #tpu.memory_space<semaphore_mem>>) src(%dma_wait3A_76 : memref<160x64xi32, #tpu.memory_space<hbm>>) dst(%arg6 : memref<160x64xi32, #tpu.memory_space<vmem>>)
      tpu.yield
    }) : () -> ()
    %scan3A = arith.constant 0 : i32
    %scan3A_52 = arith.constant 0 : i32
    %scan3A_53 = arith.constant 160 : i32
    %scan3A_54 = arith.addi %scan3A_52, %scan3A_53 : i32
    %scan3A_55 = arith.constant 1 : i32
    scf.for %scan3A_62 = %scan3A_52 to %scan3A_54 step %scan3A_55  : i32 {
      %run_scoped3A_63 = arith.constant 1 : i32
      "tpu.region"() ({
        %run_scoped3A_64 = tpu.sem_alloc : memref<!tpu.dma_semaphore, #tpu.memory_space<semaphore_mem>>
        %dma_start3A = arith.constant 0 : i32
        %dma_start3A_65 = arith.constant 0 : i32
        %dma_start3A_66 = tpu.memref_slice %arg7[%run_scoped3A_63, %dma_start3A, %dma_start3A_65] : memref<2x64x128xf32, #tpu.memory_space<vmem>> -> memref<1x64x128xf32, #tpu.memory_space<vmem>>
        %dma_start3A_67 = tpu.memref_squeeze %dma_start3A_66 : memref<1x64x128xf32, #tpu.memory_space<vmem>> -> memref<64x128xf32, #tpu.memory_space<vmem>>
        %dma_start3A_68 = arith.constant 0 : i32
        %dma_start3A_69 = tpu.memref_slice %arg6[%scan3A_62, %dma_start3A_68] : memref<160x64xi32, #tpu.memory_space<vmem>> -> memref<1x64xi32, #tpu.memory_space<vmem>>
        %dma_start3A_70 = tpu.memref_squeeze %dma_start3A_69 : memref<1x64xi32, #tpu.memory_space<vmem>> -> memref<64xi32, #tpu.memory_space<vmem>>
        %dma_start3A_71 = arith.constant 0 : i32
        %dma_start3A_72 = arith.constant 0 : i32
        %dma_start3A_73 = tpu.memref_slice %arg8[%dma_start3A_71, %dma_start3A_72] : memref<10240x128xf32, #tpu.memory_space<vmem_shared>> -> memref<10240x128xf32, #tpu.memory_space<vmem_shared>>
        tpu.enqueue_indirect_dma source(%dma_start3A_67 : memref<64x128xf32, #tpu.memory_space<vmem>>) target(%dma_start3A_73 : memref<10240x128xf32, #tpu.memory_space<vmem_shared>>) offsets(%dma_start3A_70 : memref<64xi32, #tpu.memory_space<vmem>>) semaphore(%run_scoped3A_64 : memref<!tpu.dma_semaphore, #tpu.memory_space<semaphore_mem>>) {add = true}
        %dma_wait3A = arith.constant 0 : i32
        %dma_wait3A_74 = arith.constant 0 : i32
        %dma_wait3A_75 = tpu.memref_slice %arg7[%run_scoped3A_63, %dma_wait3A, %dma_wait3A_74] : memref<2x64x128xf32, #tpu.memory_space<vmem>> -> memref<1x64x128xf32, #tpu.memory_space<vmem>>
        %dma_wait3A_76 = tpu.memref_squeeze %dma_wait3A_75 : memref<1x64x128xf32, #tpu.memory_space<vmem>> -> memref<64x128xf32, #tpu.memory_space<vmem>>
        %dma_wait3A_77 = arith.constant 0 : i32
        %dma_wait3A_78 = tpu.memref_slice %arg6[%scan3A_62, %dma_wait3A_77] : memref<160x64xi32, #tpu.memory_space<vmem>> -> memref<1x64xi32, #tpu.memory_space<vmem>>
        %dma_wait3A_79 = tpu.memref_squeeze %dma_wait3A_78 : memref<1x64xi32, #tpu.memory_space<vmem>> -> memref<64xi32, #tpu.memory_space<vmem>>
        %dma_wait3A_80 = arith.constant 0 : i32
        %dma_wait3A_81 = arith.constant 0 : i32
        %dma_wait3A_82 = tpu.memref_slice %arg8[%dma_wait3A_80, %dma_wait3A_81] : memref<10240x128xf32, #tpu.memory_space<vmem_shared>> -> memref<10240x128xf32, #tpu.memory_space<vmem_shared>>
        tpu.wait_indirect_dma semaphore(%run_scoped3A_64 : memref<!tpu.dma_semaphore, #tpu.memory_space<semaphore_mem>>) src(%dma_wait3A_76 : memref<64x128xf32, #tpu.memory_space<vmem>>) dst(%dma_wait3A_82 : memref<10240x128xf32, #tpu.memory_space<vmem_shared>>)
        tpu.yield
      }) : () -> ()
    }
    %scan3A_56 = arith.constant 160 : i32
    %barrier3A_57 = arith.constant 0 : index
    tpu.barrier barrier_id(%barrier3A_57)
    %mul3A_58 = arith.constant 640 : i32
    %mul3A_59 = arith.muli %arg1, %mul3A_58 : i32
    %mul3A_60 = arith.constant 640 : i32
    %mul3A_61 = arith.muli %arg1, %mul3A_60 : i32
    "tpu.region"() ({
      %run_scoped3A_62 = tpu.sem_alloc : memref<!tpu.dma_semaphore, #tpu.memory_space<semaphore_mem>>
      %dma_start3A = arith.constant 0 : i32
      %dma_start3A_63 = tpu.memref_slice %arg5[%arg0, %mul3A_61, %dma_start3A] : memref<2x10240x128xf32, #tpu.memory_space<hbm>> -> memref<1x640x128xf32, #tpu.memory_space<hbm>>
      %dma_start3A_64 = tpu.memref_squeeze %dma_start3A_63 : memref<1x640x128xf32, #tpu.memory_space<hbm>> -> memref<640x128xf32, #tpu.memory_space<hbm>>
      %dma_start3A_65 = arith.constant 0 : i32
      %dma_start3A_66 = tpu.memref_slice %arg8[%mul3A_59, %dma_start3A_65] : memref<10240x128xf32, #tpu.memory_space<vmem_shared>> -> memref<640x128xf32, #tpu.memory_space<vmem_shared>>
      tpu.enqueue_dma source(%dma_start3A_66 : memref<640x128xf32, #tpu.memory_space<vmem_shared>>) target(%dma_start3A_64 : memref<640x128xf32, #tpu.memory_space<hbm>>) target_semaphore(%run_scoped3A_62 : memref<!tpu.dma_semaphore, #tpu.memory_space<semaphore_mem>>)
      %dma_wait3A = arith.constant 0 : i32
      %dma_wait3A_67 = tpu.memref_slice %arg5[%arg0, %mul3A_61, %dma_wait3A] : memref<2x10240x128xf32, #tpu.memory_space<hbm>> -> memref<1x640x128xf32, #tpu.memory_space<hbm>>
      %dma_wait3A_68 = tpu.memref_squeeze %dma_wait3A_67 : memref<1x640x128xf32, #tpu.memory_space<hbm>> -> memref<640x128xf32, #tpu.memory_space<hbm>>
      %dma_wait3A_69 = arith.constant 0 : i32
      %dma_wait3A_70 = tpu.memref_slice %arg8[%mul3A_59, %dma_wait3A_69] : memref<10240x128xf32, #tpu.memory_space<vmem_shared>> -> memref<640x128xf32, #tpu.memory_space<vmem_shared>>
      tpu.wait_dma2 semaphore(%run_scoped3A_62 : memref<!tpu.dma_semaphore, #tpu.memory_space<semaphore_mem>>) src(%dma_wait3A_70 : memref<640x128xf32, #tpu.memory_space<vmem_shared>>) dst(%dma_wait3A_68 : memref<640x128xf32, #tpu.memory_space<hbm>>)
      tpu.yield
    }) : () -> ()
    return
  }
}

#map = affine_map<(d0, d1) -> (0, 0)>
#map1 = affine_map<(d0, d1) -> (0, 0, 0)>
module attributes {stable_mosaic.version = 14 : i64} {
  func.func @prop(%arg0: i32, %arg1: i32, %arg2: memref<10000x128xf32, #tpu.memory_space<hbm>>, %arg3: memref<32x160x64xi32, #tpu.memory_space<hbm>>, %arg4: memref<32x160x64xi32, #tpu.memory_space<hbm>>, %arg5: memref<64x128xf32, #tpu.memory_space<hbm>>, %arg6: memref<2x10240x128xf32, #tpu.memory_space<hbm>>, %arg7: memref<80x64xi32, #tpu.memory_space<vmem>>, %arg8: memref<80x64xi32, #tpu.memory_space<vmem>>, %arg9: memref<2x64x128xf32, #tpu.memory_space<vmem>>, %arg10: memref<10240x128xf32, #tpu.memory_space<vmem_shared>>, %arg11: memref<!tpu.dma_semaphore, #tpu.memory_space<semaphore_mem>>, %arg12: memref<!tpu.dma_semaphore, #tpu.memory_space<semaphore_mem>>) attributes {dimension_semantics = [#tpu.dimension_semantics<core_parallel>, #tpu.dimension_semantics<subcore_parallel>], iteration_bounds = array<i64: 2, 16>, scalar_prefetch = 0 : i64, scratch_operands = 6 : i64, tpu.core_type = #tpu.core_type<sc_vector_subcore>, window_params = [{transform_indices = #map}, {transform_indices = #map1}, {transform_indices = #map1}, {transform_indices = #map}, {transform_indices = #map1}]} {
    %mul3A = arith.constant 2 : i32
    %mul3A_0 = arith.muli %arg1, %mul3A : i32
    %add3A = arith.addi %mul3A_0, %arg0 : i32
    %run_scoped3A = arith.constant 0 : i32
    "tpu.region"() ({
      %run_scoped3A_90 = tpu.sem_alloc : memref<!tpu.dma_semaphore, #tpu.memory_space<semaphore_mem>>
      %dma_start3A_91 = arith.constant 0 : i32
      %dma_start3A_92 = arith.constant 0 : i32
      %dma_start3A_93 = tpu.memref_slice %arg9[%run_scoped3A, %dma_start3A_91, %dma_start3A_92] : memref<2x64x128xf32, #tpu.memory_space<vmem>> -> memref<1x64x128xf32, #tpu.memory_space<vmem>>
      %dma_start3A_94 = tpu.memref_squeeze %dma_start3A_93 : memref<1x64x128xf32, #tpu.memory_space<vmem>> -> memref<64x128xf32, #tpu.memory_space<vmem>>
      %dma_start3A_95 = arith.constant 0 : i32
      %dma_start3A_96 = arith.constant 0 : i32
      %dma_start3A_97 = tpu.memref_slice %arg9[%run_scoped3A, %dma_start3A_95, %dma_start3A_96] : memref<2x64x128xf32, #tpu.memory_space<vmem>> -> memref<1x64x128xf32, #tpu.memory_space<vmem>>
      %dma_start3A_98 = tpu.memref_squeeze %dma_start3A_97 : memref<1x64x128xf32, #tpu.memory_space<vmem>> -> memref<64x128xf32, #tpu.memory_space<vmem>>
      tpu.enqueue_dma source(%arg5 : memref<64x128xf32, #tpu.memory_space<hbm>>) target(%dma_start3A_98 : memref<64x128xf32, #tpu.memory_space<vmem>>) target_semaphore(%run_scoped3A_90 : memref<!tpu.dma_semaphore, #tpu.memory_space<semaphore_mem>>)
      %dma_wait3A = arith.constant 0 : i32
      %dma_wait3A_99 = arith.constant 0 : i32
      %dma_wait3A_100 = tpu.memref_slice %arg9[%run_scoped3A, %dma_wait3A, %dma_wait3A_99] : memref<2x64x128xf32, #tpu.memory_space<vmem>> -> memref<1x64x128xf32, #tpu.memory_space<vmem>>
      %dma_wait3A_101 = tpu.memref_squeeze %dma_wait3A_100 : memref<1x64x128xf32, #tpu.memory_space<vmem>> -> memref<64x128xf32, #tpu.memory_space<vmem>>
      %dma_wait3A_102 = arith.constant 0 : i32
      %dma_wait3A_103 = arith.constant 0 : i32
      %dma_wait3A_104 = tpu.memref_slice %arg9[%run_scoped3A, %dma_wait3A_102, %dma_wait3A_103] : memref<2x64x128xf32, #tpu.memory_space<vmem>> -> memref<1x64x128xf32, #tpu.memory_space<vmem>>
      %dma_wait3A_105 = tpu.memref_squeeze %dma_wait3A_104 : memref<1x64x128xf32, #tpu.memory_space<vmem>> -> memref<64x128xf32, #tpu.memory_space<vmem>>
      tpu.wait_dma2 semaphore(%run_scoped3A_90 : memref<!tpu.dma_semaphore, #tpu.memory_space<semaphore_mem>>) src(%arg5 : memref<64x128xf32, #tpu.memory_space<hbm>>) dst(%dma_wait3A_105 : memref<64x128xf32, #tpu.memory_space<vmem>>)
      tpu.yield
    }) : () -> ()
    %mul3A_1 = arith.constant 640 : i32
    %mul3A_2 = arith.muli %arg1, %mul3A_1 : i32
    %add3A_3 = arith.constant 0 : i32
    %add3A_4 = arith.addi %mul3A_2, %add3A_3 : i32
    %run_scoped3A_5 = arith.constant 0 : i32
    "tpu.region"() ({
      %run_scoped3A_90 = tpu.sem_alloc : memref<!tpu.dma_semaphore, #tpu.memory_space<semaphore_mem>>
      %dma_start3A_91 = arith.constant 0 : i32
      %dma_start3A_92 = arith.constant 0 : i32
      %dma_start3A_93 = tpu.memref_slice %arg9[%run_scoped3A_5, %dma_start3A_91, %dma_start3A_92] : memref<2x64x128xf32, #tpu.memory_space<vmem>> -> memref<1x64x128xf32, #tpu.memory_space<vmem>>
      %dma_start3A_94 = tpu.memref_squeeze %dma_start3A_93 : memref<1x64x128xf32, #tpu.memory_space<vmem>> -> memref<64x128xf32, #tpu.memory_space<vmem>>
      %dma_start3A_95 = arith.constant 0 : i32
      %dma_start3A_96 = tpu.memref_slice %arg10[%add3A_4, %dma_start3A_95] : memref<10240x128xf32, #tpu.memory_space<vmem_shared>> -> memref<64x128xf32, #tpu.memory_space<vmem_shared>>
      %dma_start3A_97 = arith.constant 0 : i32
      %dma_start3A_98 = tpu.memref_slice %arg10[%add3A_4, %dma_start3A_97] : memref<10240x128xf32, #tpu.memory_space<vmem_shared>> -> memref<64x128xf32, #tpu.memory_space<vmem_shared>>
      %dma_start3A_99 = arith.constant 0 : i32
      %dma_start3A_100 = arith.constant 0 : i32
      %dma_start3A_101 = tpu.memref_slice %arg9[%run_scoped3A_5, %dma_start3A_99, %dma_start3A_100] : memref<2x64x128xf32, #tpu.memory_space<vmem>> -> memref<1x64x128xf32, #tpu.memory_space<vmem>>
      %dma_start3A_102 = tpu.memref_squeeze %dma_start3A_101 : memref<1x64x128xf32, #tpu.memory_space<vmem>> -> memref<64x128xf32, #tpu.memory_space<vmem>>
      tpu.enqueue_dma source(%dma_start3A_102 : memref<64x128xf32, #tpu.memory_space<vmem>>) target(%dma_start3A_98 : memref<64x128xf32, #tpu.memory_space<vmem_shared>>) target_semaphore(%run_scoped3A_90 : memref<!tpu.dma_semaphore, #tpu.memory_space<semaphore_mem>>)
      %dma_wait3A = arith.constant 0 : i32
      %dma_wait3A_103 = arith.constant 0 : i32
      %dma_wait3A_104 = tpu.memref_slice %arg9[%run_scoped3A_5, %dma_wait3A, %dma_wait3A_103] : memref<2x64x128xf32, #tpu.memory_space<vmem>> -> memref<1x64x128xf32, #tpu.memory_space<vmem>>
      %dma_wait3A_105 = tpu.memref_squeeze %dma_wait3A_104 : memref<1x64x128xf32, #tpu.memory_space<vmem>> -> memref<64x128xf32, #tpu.memory_space<vmem>>
      %dma_wait3A_106 = arith.constant 0 : i32
      %dma_wait3A_107 = tpu.memref_slice %arg10[%add3A_4, %dma_wait3A_106] : memref<10240x128xf32, #tpu.memory_space<vmem_shared>> -> memref<64x128xf32, #tpu.memory_space<vmem_shared>>
      %dma_wait3A_108 = arith.constant 0 : i32
      %dma_wait3A_109 = tpu.memref_slice %arg10[%add3A_4, %dma_wait3A_108] : memref<10240x128xf32, #tpu.memory_space<vmem_shared>> -> memref<64x128xf32, #tpu.memory_space<vmem_shared>>
      %dma_wait3A_110 = arith.constant 0 : i32
      %dma_wait3A_111 = arith.constant 0 : i32
      %dma_wait3A_112 = tpu.memref_slice %arg9[%run_scoped3A_5, %dma_wait3A_110, %dma_wait3A_111] : memref<2x64x128xf32, #tpu.memory_space<vmem>> -> memref<1x64x128xf32, #tpu.memory_space<vmem>>
      %dma_wait3A_113 = tpu.memref_squeeze %dma_wait3A_112 : memref<1x64x128xf32, #tpu.memory_space<vmem>> -> memref<64x128xf32, #tpu.memory_space<vmem>>
      tpu.wait_dma2 semaphore(%run_scoped3A_90 : memref<!tpu.dma_semaphore, #tpu.memory_space<semaphore_mem>>) src(%dma_wait3A_113 : memref<64x128xf32, #tpu.memory_space<vmem>>) dst(%dma_wait3A_109 : memref<64x128xf32, #tpu.memory_space<vmem_shared>>)
      tpu.yield
    }) : () -> ()
    %mul3A_6 = arith.constant 640 : i32
    %mul3A_7 = arith.muli %arg1, %mul3A_6 : i32
    %add3A_8 = arith.constant 64 : i32
    %add3A_9 = arith.addi %mul3A_7, %add3A_8 : i32
    %run_scoped3A_10 = arith.constant 0 : i32
    "tpu.region"() ({
      %run_scoped3A_90 = tpu.sem_alloc : memref<!tpu.dma_semaphore, #tpu.memory_space<semaphore_mem>>
      %dma_start3A_91 = arith.constant 0 : i32
      %dma_start3A_92 = arith.constant 0 : i32
      %dma_start3A_93 = tpu.memref_slice %arg9[%run_scoped3A_10, %dma_start3A_91, %dma_start3A_92] : memref<2x64x128xf32, #tpu.memory_space<vmem>> -> memref<1x64x128xf32, #tpu.memory_space<vmem>>
      %dma_start3A_94 = tpu.memref_squeeze %dma_start3A_93 : memref<1x64x128xf32, #tpu.memory_space<vmem>> -> memref<64x128xf32, #tpu.memory_space<vmem>>
      %dma_start3A_95 = arith.constant 0 : i32
      %dma_start3A_96 = tpu.memref_slice %arg10[%add3A_9, %dma_start3A_95] : memref<10240x128xf32, #tpu.memory_space<vmem_shared>> -> memref<64x128xf32, #tpu.memory_space<vmem_shared>>
      %dma_start3A_97 = arith.constant 0 : i32
      %dma_start3A_98 = tpu.memref_slice %arg10[%add3A_9, %dma_start3A_97] : memref<10240x128xf32, #tpu.memory_space<vmem_shared>> -> memref<64x128xf32, #tpu.memory_space<vmem_shared>>
      %dma_start3A_99 = arith.constant 0 : i32
      %dma_start3A_100 = arith.constant 0 : i32
      %dma_start3A_101 = tpu.memref_slice %arg9[%run_scoped3A_10, %dma_start3A_99, %dma_start3A_100] : memref<2x64x128xf32, #tpu.memory_space<vmem>> -> memref<1x64x128xf32, #tpu.memory_space<vmem>>
      %dma_start3A_102 = tpu.memref_squeeze %dma_start3A_101 : memref<1x64x128xf32, #tpu.memory_space<vmem>> -> memref<64x128xf32, #tpu.memory_space<vmem>>
      tpu.enqueue_dma source(%dma_start3A_102 : memref<64x128xf32, #tpu.memory_space<vmem>>) target(%dma_start3A_98 : memref<64x128xf32, #tpu.memory_space<vmem_shared>>) target_semaphore(%run_scoped3A_90 : memref<!tpu.dma_semaphore, #tpu.memory_space<semaphore_mem>>)
      %dma_wait3A = arith.constant 0 : i32
      %dma_wait3A_103 = arith.constant 0 : i32
      %dma_wait3A_104 = tpu.memref_slice %arg9[%run_scoped3A_10, %dma_wait3A, %dma_wait3A_103] : memref<2x64x128xf32, #tpu.memory_space<vmem>> -> memref<1x64x128xf32, #tpu.memory_space<vmem>>
      %dma_wait3A_105 = tpu.memref_squeeze %dma_wait3A_104 : memref<1x64x128xf32, #tpu.memory_space<vmem>> -> memref<64x128xf32, #tpu.memory_space<vmem>>
      %dma_wait3A_106 = arith.constant 0 : i32
      %dma_wait3A_107 = tpu.memref_slice %arg10[%add3A_9, %dma_wait3A_106] : memref<10240x128xf32, #tpu.memory_space<vmem_shared>> -> memref<64x128xf32, #tpu.memory_space<vmem_shared>>
      %dma_wait3A_108 = arith.constant 0 : i32
      %dma_wait3A_109 = tpu.memref_slice %arg10[%add3A_9, %dma_wait3A_108] : memref<10240x128xf32, #tpu.memory_space<vmem_shared>> -> memref<64x128xf32, #tpu.memory_space<vmem_shared>>
      %dma_wait3A_110 = arith.constant 0 : i32
      %dma_wait3A_111 = arith.constant 0 : i32
      %dma_wait3A_112 = tpu.memref_slice %arg9[%run_scoped3A_10, %dma_wait3A_110, %dma_wait3A_111] : memref<2x64x128xf32, #tpu.memory_space<vmem>> -> memref<1x64x128xf32, #tpu.memory_space<vmem>>
      %dma_wait3A_113 = tpu.memref_squeeze %dma_wait3A_112 : memref<1x64x128xf32, #tpu.memory_space<vmem>> -> memref<64x128xf32, #tpu.memory_space<vmem>>
      tpu.wait_dma2 semaphore(%run_scoped3A_90 : memref<!tpu.dma_semaphore, #tpu.memory_space<semaphore_mem>>) src(%dma_wait3A_113 : memref<64x128xf32, #tpu.memory_space<vmem>>) dst(%dma_wait3A_109 : memref<64x128xf32, #tpu.memory_space<vmem_shared>>)
      tpu.yield
    }) : () -> ()
    %mul3A_11 = arith.constant 640 : i32
    %mul3A_12 = arith.muli %arg1, %mul3A_11 : i32
    %add3A_13 = arith.constant 128 : i32
    %add3A_14 = arith.addi %mul3A_12, %add3A_13 : i32
    %run_scoped3A_15 = arith.constant 0 : i32
    "tpu.region"() ({
      %run_scoped3A_90 = tpu.sem_alloc : memref<!tpu.dma_semaphore, #tpu.memory_space<semaphore_mem>>
      %dma_start3A_91 = arith.constant 0 : i32
      %dma_start3A_92 = arith.constant 0 : i32
      %dma_start3A_93 = tpu.memref_slice %arg9[%run_scoped3A_15, %dma_start3A_91, %dma_start3A_92] : memref<2x64x128xf32, #tpu.memory_space<vmem>> -> memref<1x64x128xf32, #tpu.memory_space<vmem>>
      %dma_start3A_94 = tpu.memref_squeeze %dma_start3A_93 : memref<1x64x128xf32, #tpu.memory_space<vmem>> -> memref<64x128xf32, #tpu.memory_space<vmem>>
      %dma_start3A_95 = arith.constant 0 : i32
      %dma_start3A_96 = tpu.memref_slice %arg10[%add3A_14, %dma_start3A_95] : memref<10240x128xf32, #tpu.memory_space<vmem_shared>> -> memref<64x128xf32, #tpu.memory_space<vmem_shared>>
      %dma_start3A_97 = arith.constant 0 : i32
      %dma_start3A_98 = tpu.memref_slice %arg10[%add3A_14, %dma_start3A_97] : memref<10240x128xf32, #tpu.memory_space<vmem_shared>> -> memref<64x128xf32, #tpu.memory_space<vmem_shared>>
      %dma_start3A_99 = arith.constant 0 : i32
      %dma_start3A_100 = arith.constant 0 : i32
      %dma_start3A_101 = tpu.memref_slice %arg9[%run_scoped3A_15, %dma_start3A_99, %dma_start3A_100] : memref<2x64x128xf32, #tpu.memory_space<vmem>> -> memref<1x64x128xf32, #tpu.memory_space<vmem>>
      %dma_start3A_102 = tpu.memref_squeeze %dma_start3A_101 : memref<1x64x128xf32, #tpu.memory_space<vmem>> -> memref<64x128xf32, #tpu.memory_space<vmem>>
      tpu.enqueue_dma source(%dma_start3A_102 : memref<64x128xf32, #tpu.memory_space<vmem>>) target(%dma_start3A_98 : memref<64x128xf32, #tpu.memory_space<vmem_shared>>) target_semaphore(%run_scoped3A_90 : memref<!tpu.dma_semaphore, #tpu.memory_space<semaphore_mem>>)
      %dma_wait3A = arith.constant 0 : i32
      %dma_wait3A_103 = arith.constant 0 : i32
      %dma_wait3A_104 = tpu.memref_slice %arg9[%run_scoped3A_15, %dma_wait3A, %dma_wait3A_103] : memref<2x64x128xf32, #tpu.memory_space<vmem>> -> memref<1x64x128xf32, #tpu.memory_space<vmem>>
      %dma_wait3A_105 = tpu.memref_squeeze %dma_wait3A_104 : memref<1x64x128xf32, #tpu.memory_space<vmem>> -> memref<64x128xf32, #tpu.memory_space<vmem>>
      %dma_wait3A_106 = arith.constant 0 : i32
      %dma_wait3A_107 = tpu.memref_slice %arg10[%add3A_14, %dma_wait3A_106] : memref<10240x128xf32, #tpu.memory_space<vmem_shared>> -> memref<64x128xf32, #tpu.memory_space<vmem_shared>>
      %dma_wait3A_108 = arith.constant 0 : i32
      %dma_wait3A_109 = tpu.memref_slice %arg10[%add3A_14, %dma_wait3A_108] : memref<10240x128xf32, #tpu.memory_space<vmem_shared>> -> memref<64x128xf32, #tpu.memory_space<vmem_shared>>
      %dma_wait3A_110 = arith.constant 0 : i32
      %dma_wait3A_111 = arith.constant 0 : i32
      %dma_wait3A_112 = tpu.memref_slice %arg9[%run_scoped3A_15, %dma_wait3A_110, %dma_wait3A_111] : memref<2x64x128xf32, #tpu.memory_space<vmem>> -> memref<1x64x128xf32, #tpu.memory_space<vmem>>
      %dma_wait3A_113 = tpu.memref_squeeze %dma_wait3A_112 : memref<1x64x128xf32, #tpu.memory_space<vmem>> -> memref<64x128xf32, #tpu.memory_space<vmem>>
      tpu.wait_dma2 semaphore(%run_scoped3A_90 : memref<!tpu.dma_semaphore, #tpu.memory_space<semaphore_mem>>) src(%dma_wait3A_113 : memref<64x128xf32, #tpu.memory_space<vmem>>) dst(%dma_wait3A_109 : memref<64x128xf32, #tpu.memory_space<vmem_shared>>)
      tpu.yield
    }) : () -> ()
    %mul3A_16 = arith.constant 640 : i32
    %mul3A_17 = arith.muli %arg1, %mul3A_16 : i32
    %add3A_18 = arith.constant 192 : i32
    %add3A_19 = arith.addi %mul3A_17, %add3A_18 : i32
    %run_scoped3A_20 = arith.constant 0 : i32
    "tpu.region"() ({
      %run_scoped3A_90 = tpu.sem_alloc : memref<!tpu.dma_semaphore, #tpu.memory_space<semaphore_mem>>
      %dma_start3A_91 = arith.constant 0 : i32
      %dma_start3A_92 = arith.constant 0 : i32
      %dma_start3A_93 = tpu.memref_slice %arg9[%run_scoped3A_20, %dma_start3A_91, %dma_start3A_92] : memref<2x64x128xf32, #tpu.memory_space<vmem>> -> memref<1x64x128xf32, #tpu.memory_space<vmem>>
      %dma_start3A_94 = tpu.memref_squeeze %dma_start3A_93 : memref<1x64x128xf32, #tpu.memory_space<vmem>> -> memref<64x128xf32, #tpu.memory_space<vmem>>
      %dma_start3A_95 = arith.constant 0 : i32
      %dma_start3A_96 = tpu.memref_slice %arg10[%add3A_19, %dma_start3A_95] : memref<10240x128xf32, #tpu.memory_space<vmem_shared>> -> memref<64x128xf32, #tpu.memory_space<vmem_shared>>
      %dma_start3A_97 = arith.constant 0 : i32
      %dma_start3A_98 = tpu.memref_slice %arg10[%add3A_19, %dma_start3A_97] : memref<10240x128xf32, #tpu.memory_space<vmem_shared>> -> memref<64x128xf32, #tpu.memory_space<vmem_shared>>
      %dma_start3A_99 = arith.constant 0 : i32
      %dma_start3A_100 = arith.constant 0 : i32
      %dma_start3A_101 = tpu.memref_slice %arg9[%run_scoped3A_20, %dma_start3A_99, %dma_start3A_100] : memref<2x64x128xf32, #tpu.memory_space<vmem>> -> memref<1x64x128xf32, #tpu.memory_space<vmem>>
      %dma_start3A_102 = tpu.memref_squeeze %dma_start3A_101 : memref<1x64x128xf32, #tpu.memory_space<vmem>> -> memref<64x128xf32, #tpu.memory_space<vmem>>
      tpu.enqueue_dma source(%dma_start3A_102 : memref<64x128xf32, #tpu.memory_space<vmem>>) target(%dma_start3A_98 : memref<64x128xf32, #tpu.memory_space<vmem_shared>>) target_semaphore(%run_scoped3A_90 : memref<!tpu.dma_semaphore, #tpu.memory_space<semaphore_mem>>)
      %dma_wait3A = arith.constant 0 : i32
      %dma_wait3A_103 = arith.constant 0 : i32
      %dma_wait3A_104 = tpu.memref_slice %arg9[%run_scoped3A_20, %dma_wait3A, %dma_wait3A_103] : memref<2x64x128xf32, #tpu.memory_space<vmem>> -> memref<1x64x128xf32, #tpu.memory_space<vmem>>
      %dma_wait3A_105 = tpu.memref_squeeze %dma_wait3A_104 : memref<1x64x128xf32, #tpu.memory_space<vmem>> -> memref<64x128xf32, #tpu.memory_space<vmem>>
      %dma_wait3A_106 = arith.constant 0 : i32
      %dma_wait3A_107 = tpu.memref_slice %arg10[%add3A_19, %dma_wait3A_106] : memref<10240x128xf32, #tpu.memory_space<vmem_shared>> -> memref<64x128xf32, #tpu.memory_space<vmem_shared>>
      %dma_wait3A_108 = arith.constant 0 : i32
      %dma_wait3A_109 = tpu.memref_slice %arg10[%add3A_19, %dma_wait3A_108] : memref<10240x128xf32, #tpu.memory_space<vmem_shared>> -> memref<64x128xf32, #tpu.memory_space<vmem_shared>>
      %dma_wait3A_110 = arith.constant 0 : i32
      %dma_wait3A_111 = arith.constant 0 : i32
      %dma_wait3A_112 = tpu.memref_slice %arg9[%run_scoped3A_20, %dma_wait3A_110, %dma_wait3A_111] : memref<2x64x128xf32, #tpu.memory_space<vmem>> -> memref<1x64x128xf32, #tpu.memory_space<vmem>>
      %dma_wait3A_113 = tpu.memref_squeeze %dma_wait3A_112 : memref<1x64x128xf32, #tpu.memory_space<vmem>> -> memref<64x128xf32, #tpu.memory_space<vmem>>
      tpu.wait_dma2 semaphore(%run_scoped3A_90 : memref<!tpu.dma_semaphore, #tpu.memory_space<semaphore_mem>>) src(%dma_wait3A_113 : memref<64x128xf32, #tpu.memory_space<vmem>>) dst(%dma_wait3A_109 : memref<64x128xf32, #tpu.memory_space<vmem_shared>>)
      tpu.yield
    }) : () -> ()
    %mul3A_21 = arith.constant 640 : i32
    %mul3A_22 = arith.muli %arg1, %mul3A_21 : i32
    %add3A_23 = arith.constant 256 : i32
    %add3A_24 = arith.addi %mul3A_22, %add3A_23 : i32
    %run_scoped3A_25 = arith.constant 0 : i32
    "tpu.region"() ({
      %run_scoped3A_90 = tpu.sem_alloc : memref<!tpu.dma_semaphore, #tpu.memory_space<semaphore_mem>>
      %dma_start3A_91 = arith.constant 0 : i32
      %dma_start3A_92 = arith.constant 0 : i32
      %dma_start3A_93 = tpu.memref_slice %arg9[%run_scoped3A_25, %dma_start3A_91, %dma_start3A_92] : memref<2x64x128xf32, #tpu.memory_space<vmem>> -> memref<1x64x128xf32, #tpu.memory_space<vmem>>
      %dma_start3A_94 = tpu.memref_squeeze %dma_start3A_93 : memref<1x64x128xf32, #tpu.memory_space<vmem>> -> memref<64x128xf32, #tpu.memory_space<vmem>>
      %dma_start3A_95 = arith.constant 0 : i32
      %dma_start3A_96 = tpu.memref_slice %arg10[%add3A_24, %dma_start3A_95] : memref<10240x128xf32, #tpu.memory_space<vmem_shared>> -> memref<64x128xf32, #tpu.memory_space<vmem_shared>>
      %dma_start3A_97 = arith.constant 0 : i32
      %dma_start3A_98 = tpu.memref_slice %arg10[%add3A_24, %dma_start3A_97] : memref<10240x128xf32, #tpu.memory_space<vmem_shared>> -> memref<64x128xf32, #tpu.memory_space<vmem_shared>>
      %dma_start3A_99 = arith.constant 0 : i32
      %dma_start3A_100 = arith.constant 0 : i32
      %dma_start3A_101 = tpu.memref_slice %arg9[%run_scoped3A_25, %dma_start3A_99, %dma_start3A_100] : memref<2x64x128xf32, #tpu.memory_space<vmem>> -> memref<1x64x128xf32, #tpu.memory_space<vmem>>
      %dma_start3A_102 = tpu.memref_squeeze %dma_start3A_101 : memref<1x64x128xf32, #tpu.memory_space<vmem>> -> memref<64x128xf32, #tpu.memory_space<vmem>>
      tpu.enqueue_dma source(%dma_start3A_102 : memref<64x128xf32, #tpu.memory_space<vmem>>) target(%dma_start3A_98 : memref<64x128xf32, #tpu.memory_space<vmem_shared>>) target_semaphore(%run_scoped3A_90 : memref<!tpu.dma_semaphore, #tpu.memory_space<semaphore_mem>>)
      %dma_wait3A = arith.constant 0 : i32
      %dma_wait3A_103 = arith.constant 0 : i32
      %dma_wait3A_104 = tpu.memref_slice %arg9[%run_scoped3A_25, %dma_wait3A, %dma_wait3A_103] : memref<2x64x128xf32, #tpu.memory_space<vmem>> -> memref<1x64x128xf32, #tpu.memory_space<vmem>>
      %dma_wait3A_105 = tpu.memref_squeeze %dma_wait3A_104 : memref<1x64x128xf32, #tpu.memory_space<vmem>> -> memref<64x128xf32, #tpu.memory_space<vmem>>
      %dma_wait3A_106 = arith.constant 0 : i32
      %dma_wait3A_107 = tpu.memref_slice %arg10[%add3A_24, %dma_wait3A_106] : memref<10240x128xf32, #tpu.memory_space<vmem_shared>> -> memref<64x128xf32, #tpu.memory_space<vmem_shared>>
      %dma_wait3A_108 = arith.constant 0 : i32
      %dma_wait3A_109 = tpu.memref_slice %arg10[%add3A_24, %dma_wait3A_108] : memref<10240x128xf32, #tpu.memory_space<vmem_shared>> -> memref<64x128xf32, #tpu.memory_space<vmem_shared>>
      %dma_wait3A_110 = arith.constant 0 : i32
      %dma_wait3A_111 = arith.constant 0 : i32
      %dma_wait3A_112 = tpu.memref_slice %arg9[%run_scoped3A_25, %dma_wait3A_110, %dma_wait3A_111] : memref<2x64x128xf32, #tpu.memory_space<vmem>> -> memref<1x64x128xf32, #tpu.memory_space<vmem>>
      %dma_wait3A_113 = tpu.memref_squeeze %dma_wait3A_112 : memref<1x64x128xf32, #tpu.memory_space<vmem>> -> memref<64x128xf32, #tpu.memory_space<vmem>>
      tpu.wait_dma2 semaphore(%run_scoped3A_90 : memref<!tpu.dma_semaphore, #tpu.memory_space<semaphore_mem>>) src(%dma_wait3A_113 : memref<64x128xf32, #tpu.memory_space<vmem>>) dst(%dma_wait3A_109 : memref<64x128xf32, #tpu.memory_space<vmem_shared>>)
      tpu.yield
    }) : () -> ()
    %mul3A_26 = arith.constant 640 : i32
    %mul3A_27 = arith.muli %arg1, %mul3A_26 : i32
    %add3A_28 = arith.constant 320 : i32
    %add3A_29 = arith.addi %mul3A_27, %add3A_28 : i32
    %run_scoped3A_30 = arith.constant 0 : i32
    "tpu.region"() ({
      %run_scoped3A_90 = tpu.sem_alloc : memref<!tpu.dma_semaphore, #tpu.memory_space<semaphore_mem>>
      %dma_start3A_91 = arith.constant 0 : i32
      %dma_start3A_92 = arith.constant 0 : i32
      %dma_start3A_93 = tpu.memref_slice %arg9[%run_scoped3A_30, %dma_start3A_91, %dma_start3A_92] : memref<2x64x128xf32, #tpu.memory_space<vmem>> -> memref<1x64x128xf32, #tpu.memory_space<vmem>>
      %dma_start3A_94 = tpu.memref_squeeze %dma_start3A_93 : memref<1x64x128xf32, #tpu.memory_space<vmem>> -> memref<64x128xf32, #tpu.memory_space<vmem>>
      %dma_start3A_95 = arith.constant 0 : i32
      %dma_start3A_96 = tpu.memref_slice %arg10[%add3A_29, %dma_start3A_95] : memref<10240x128xf32, #tpu.memory_space<vmem_shared>> -> memref<64x128xf32, #tpu.memory_space<vmem_shared>>
      %dma_start3A_97 = arith.constant 0 : i32
      %dma_start3A_98 = tpu.memref_slice %arg10[%add3A_29, %dma_start3A_97] : memref<10240x128xf32, #tpu.memory_space<vmem_shared>> -> memref<64x128xf32, #tpu.memory_space<vmem_shared>>
      %dma_start3A_99 = arith.constant 0 : i32
      %dma_start3A_100 = arith.constant 0 : i32
      %dma_start3A_101 = tpu.memref_slice %arg9[%run_scoped3A_30, %dma_start3A_99, %dma_start3A_100] : memref<2x64x128xf32, #tpu.memory_space<vmem>> -> memref<1x64x128xf32, #tpu.memory_space<vmem>>
      %dma_start3A_102 = tpu.memref_squeeze %dma_start3A_101 : memref<1x64x128xf32, #tpu.memory_space<vmem>> -> memref<64x128xf32, #tpu.memory_space<vmem>>
      tpu.enqueue_dma source(%dma_start3A_102 : memref<64x128xf32, #tpu.memory_space<vmem>>) target(%dma_start3A_98 : memref<64x128xf32, #tpu.memory_space<vmem_shared>>) target_semaphore(%run_scoped3A_90 : memref<!tpu.dma_semaphore, #tpu.memory_space<semaphore_mem>>)
      %dma_wait3A = arith.constant 0 : i32
      %dma_wait3A_103 = arith.constant 0 : i32
      %dma_wait3A_104 = tpu.memref_slice %arg9[%run_scoped3A_30, %dma_wait3A, %dma_wait3A_103] : memref<2x64x128xf32, #tpu.memory_space<vmem>> -> memref<1x64x128xf32, #tpu.memory_space<vmem>>
      %dma_wait3A_105 = tpu.memref_squeeze %dma_wait3A_104 : memref<1x64x128xf32, #tpu.memory_space<vmem>> -> memref<64x128xf32, #tpu.memory_space<vmem>>
      %dma_wait3A_106 = arith.constant 0 : i32
      %dma_wait3A_107 = tpu.memref_slice %arg10[%add3A_29, %dma_wait3A_106] : memref<10240x128xf32, #tpu.memory_space<vmem_shared>> -> memref<64x128xf32, #tpu.memory_space<vmem_shared>>
      %dma_wait3A_108 = arith.constant 0 : i32
      %dma_wait3A_109 = tpu.memref_slice %arg10[%add3A_29, %dma_wait3A_108] : memref<10240x128xf32, #tpu.memory_space<vmem_shared>> -> memref<64x128xf32, #tpu.memory_space<vmem_shared>>
      %dma_wait3A_110 = arith.constant 0 : i32
      %dma_wait3A_111 = arith.constant 0 : i32
      %dma_wait3A_112 = tpu.memref_slice %arg9[%run_scoped3A_30, %dma_wait3A_110, %dma_wait3A_111] : memref<2x64x128xf32, #tpu.memory_space<vmem>> -> memref<1x64x128xf32, #tpu.memory_space<vmem>>
      %dma_wait3A_113 = tpu.memref_squeeze %dma_wait3A_112 : memref<1x64x128xf32, #tpu.memory_space<vmem>> -> memref<64x128xf32, #tpu.memory_space<vmem>>
      tpu.wait_dma2 semaphore(%run_scoped3A_90 : memref<!tpu.dma_semaphore, #tpu.memory_space<semaphore_mem>>) src(%dma_wait3A_113 : memref<64x128xf32, #tpu.memory_space<vmem>>) dst(%dma_wait3A_109 : memref<64x128xf32, #tpu.memory_space<vmem_shared>>)
      tpu.yield
    }) : () -> ()
    %mul3A_31 = arith.constant 640 : i32
    %mul3A_32 = arith.muli %arg1, %mul3A_31 : i32
    %add3A_33 = arith.constant 384 : i32
    %add3A_34 = arith.addi %mul3A_32, %add3A_33 : i32
    %run_scoped3A_35 = arith.constant 0 : i32
    "tpu.region"() ({
      %run_scoped3A_90 = tpu.sem_alloc : memref<!tpu.dma_semaphore, #tpu.memory_space<semaphore_mem>>
      %dma_start3A_91 = arith.constant 0 : i32
      %dma_start3A_92 = arith.constant 0 : i32
      %dma_start3A_93 = tpu.memref_slice %arg9[%run_scoped3A_35, %dma_start3A_91, %dma_start3A_92] : memref<2x64x128xf32, #tpu.memory_space<vmem>> -> memref<1x64x128xf32, #tpu.memory_space<vmem>>
      %dma_start3A_94 = tpu.memref_squeeze %dma_start3A_93 : memref<1x64x128xf32, #tpu.memory_space<vmem>> -> memref<64x128xf32, #tpu.memory_space<vmem>>
      %dma_start3A_95 = arith.constant 0 : i32
      %dma_start3A_96 = tpu.memref_slice %arg10[%add3A_34, %dma_start3A_95] : memref<10240x128xf32, #tpu.memory_space<vmem_shared>> -> memref<64x128xf32, #tpu.memory_space<vmem_shared>>
      %dma_start3A_97 = arith.constant 0 : i32
      %dma_start3A_98 = tpu.memref_slice %arg10[%add3A_34, %dma_start3A_97] : memref<10240x128xf32, #tpu.memory_space<vmem_shared>> -> memref<64x128xf32, #tpu.memory_space<vmem_shared>>
      %dma_start3A_99 = arith.constant 0 : i32
      %dma_start3A_100 = arith.constant 0 : i32
      %dma_start3A_101 = tpu.memref_slice %arg9[%run_scoped3A_35, %dma_start3A_99, %dma_start3A_100] : memref<2x64x128xf32, #tpu.memory_space<vmem>> -> memref<1x64x128xf32, #tpu.memory_space<vmem>>
      %dma_start3A_102 = tpu.memref_squeeze %dma_start3A_101 : memref<1x64x128xf32, #tpu.memory_space<vmem>> -> memref<64x128xf32, #tpu.memory_space<vmem>>
      tpu.enqueue_dma source(%dma_start3A_102 : memref<64x128xf32, #tpu.memory_space<vmem>>) target(%dma_start3A_98 : memref<64x128xf32, #tpu.memory_space<vmem_shared>>) target_semaphore(%run_scoped3A_90 : memref<!tpu.dma_semaphore, #tpu.memory_space<semaphore_mem>>)
      %dma_wait3A = arith.constant 0 : i32
      %dma_wait3A_103 = arith.constant 0 : i32
      %dma_wait3A_104 = tpu.memref_slice %arg9[%run_scoped3A_35, %dma_wait3A, %dma_wait3A_103] : memref<2x64x128xf32, #tpu.memory_space<vmem>> -> memref<1x64x128xf32, #tpu.memory_space<vmem>>
      %dma_wait3A_105 = tpu.memref_squeeze %dma_wait3A_104 : memref<1x64x128xf32, #tpu.memory_space<vmem>> -> memref<64x128xf32, #tpu.memory_space<vmem>>
      %dma_wait3A_106 = arith.constant 0 : i32
      %dma_wait3A_107 = tpu.memref_slice %arg10[%add3A_34, %dma_wait3A_106] : memref<10240x128xf32, #tpu.memory_space<vmem_shared>> -> memref<64x128xf32, #tpu.memory_space<vmem_shared>>
      %dma_wait3A_108 = arith.constant 0 : i32
      %dma_wait3A_109 = tpu.memref_slice %arg10[%add3A_34, %dma_wait3A_108] : memref<10240x128xf32, #tpu.memory_space<vmem_shared>> -> memref<64x128xf32, #tpu.memory_space<vmem_shared>>
      %dma_wait3A_110 = arith.constant 0 : i32
      %dma_wait3A_111 = arith.constant 0 : i32
      %dma_wait3A_112 = tpu.memref_slice %arg9[%run_scoped3A_35, %dma_wait3A_110, %dma_wait3A_111] : memref<2x64x128xf32, #tpu.memory_space<vmem>> -> memref<1x64x128xf32, #tpu.memory_space<vmem>>
      %dma_wait3A_113 = tpu.memref_squeeze %dma_wait3A_112 : memref<1x64x128xf32, #tpu.memory_space<vmem>> -> memref<64x128xf32, #tpu.memory_space<vmem>>
      tpu.wait_dma2 semaphore(%run_scoped3A_90 : memref<!tpu.dma_semaphore, #tpu.memory_space<semaphore_mem>>) src(%dma_wait3A_113 : memref<64x128xf32, #tpu.memory_space<vmem>>) dst(%dma_wait3A_109 : memref<64x128xf32, #tpu.memory_space<vmem_shared>>)
      tpu.yield
    }) : () -> ()
    %mul3A_36 = arith.constant 640 : i32
    %mul3A_37 = arith.muli %arg1, %mul3A_36 : i32
    %add3A_38 = arith.constant 448 : i32
    %add3A_39 = arith.addi %mul3A_37, %add3A_38 : i32
    %run_scoped3A_40 = arith.constant 0 : i32
    "tpu.region"() ({
      %run_scoped3A_90 = tpu.sem_alloc : memref<!tpu.dma_semaphore, #tpu.memory_space<semaphore_mem>>
      %dma_start3A_91 = arith.constant 0 : i32
      %dma_start3A_92 = arith.constant 0 : i32
      %dma_start3A_93 = tpu.memref_slice %arg9[%run_scoped3A_40, %dma_start3A_91, %dma_start3A_92] : memref<2x64x128xf32, #tpu.memory_space<vmem>> -> memref<1x64x128xf32, #tpu.memory_space<vmem>>
      %dma_start3A_94 = tpu.memref_squeeze %dma_start3A_93 : memref<1x64x128xf32, #tpu.memory_space<vmem>> -> memref<64x128xf32, #tpu.memory_space<vmem>>
      %dma_start3A_95 = arith.constant 0 : i32
      %dma_start3A_96 = tpu.memref_slice %arg10[%add3A_39, %dma_start3A_95] : memref<10240x128xf32, #tpu.memory_space<vmem_shared>> -> memref<64x128xf32, #tpu.memory_space<vmem_shared>>
      %dma_start3A_97 = arith.constant 0 : i32
      %dma_start3A_98 = tpu.memref_slice %arg10[%add3A_39, %dma_start3A_97] : memref<10240x128xf32, #tpu.memory_space<vmem_shared>> -> memref<64x128xf32, #tpu.memory_space<vmem_shared>>
      %dma_start3A_99 = arith.constant 0 : i32
      %dma_start3A_100 = arith.constant 0 : i32
      %dma_start3A_101 = tpu.memref_slice %arg9[%run_scoped3A_40, %dma_start3A_99, %dma_start3A_100] : memref<2x64x128xf32, #tpu.memory_space<vmem>> -> memref<1x64x128xf32, #tpu.memory_space<vmem>>
      %dma_start3A_102 = tpu.memref_squeeze %dma_start3A_101 : memref<1x64x128xf32, #tpu.memory_space<vmem>> -> memref<64x128xf32, #tpu.memory_space<vmem>>
      tpu.enqueue_dma source(%dma_start3A_102 : memref<64x128xf32, #tpu.memory_space<vmem>>) target(%dma_start3A_98 : memref<64x128xf32, #tpu.memory_space<vmem_shared>>) target_semaphore(%run_scoped3A_90 : memref<!tpu.dma_semaphore, #tpu.memory_space<semaphore_mem>>)
      %dma_wait3A = arith.constant 0 : i32
      %dma_wait3A_103 = arith.constant 0 : i32
      %dma_wait3A_104 = tpu.memref_slice %arg9[%run_scoped3A_40, %dma_wait3A, %dma_wait3A_103] : memref<2x64x128xf32, #tpu.memory_space<vmem>> -> memref<1x64x128xf32, #tpu.memory_space<vmem>>
      %dma_wait3A_105 = tpu.memref_squeeze %dma_wait3A_104 : memref<1x64x128xf32, #tpu.memory_space<vmem>> -> memref<64x128xf32, #tpu.memory_space<vmem>>
      %dma_wait3A_106 = arith.constant 0 : i32
      %dma_wait3A_107 = tpu.memref_slice %arg10[%add3A_39, %dma_wait3A_106] : memref<10240x128xf32, #tpu.memory_space<vmem_shared>> -> memref<64x128xf32, #tpu.memory_space<vmem_shared>>
      %dma_wait3A_108 = arith.constant 0 : i32
      %dma_wait3A_109 = tpu.memref_slice %arg10[%add3A_39, %dma_wait3A_108] : memref<10240x128xf32, #tpu.memory_space<vmem_shared>> -> memref<64x128xf32, #tpu.memory_space<vmem_shared>>
      %dma_wait3A_110 = arith.constant 0 : i32
      %dma_wait3A_111 = arith.constant 0 : i32
      %dma_wait3A_112 = tpu.memref_slice %arg9[%run_scoped3A_40, %dma_wait3A_110, %dma_wait3A_111] : memref<2x64x128xf32, #tpu.memory_space<vmem>> -> memref<1x64x128xf32, #tpu.memory_space<vmem>>
      %dma_wait3A_113 = tpu.memref_squeeze %dma_wait3A_112 : memref<1x64x128xf32, #tpu.memory_space<vmem>> -> memref<64x128xf32, #tpu.memory_space<vmem>>
      tpu.wait_dma2 semaphore(%run_scoped3A_90 : memref<!tpu.dma_semaphore, #tpu.memory_space<semaphore_mem>>) src(%dma_wait3A_113 : memref<64x128xf32, #tpu.memory_space<vmem>>) dst(%dma_wait3A_109 : memref<64x128xf32, #tpu.memory_space<vmem_shared>>)
      tpu.yield
    }) : () -> ()
    %mul3A_41 = arith.constant 640 : i32
    %mul3A_42 = arith.muli %arg1, %mul3A_41 : i32
    %add3A_43 = arith.constant 512 : i32
    %add3A_44 = arith.addi %mul3A_42, %add3A_43 : i32
    %run_scoped3A_45 = arith.constant 0 : i32
    "tpu.region"() ({
      %run_scoped3A_90 = tpu.sem_alloc : memref<!tpu.dma_semaphore, #tpu.memory_space<semaphore_mem>>
      %dma_start3A_91 = arith.constant 0 : i32
      %dma_start3A_92 = arith.constant 0 : i32
      %dma_start3A_93 = tpu.memref_slice %arg9[%run_scoped3A_45, %dma_start3A_91, %dma_start3A_92] : memref<2x64x128xf32, #tpu.memory_space<vmem>> -> memref<1x64x128xf32, #tpu.memory_space<vmem>>
      %dma_start3A_94 = tpu.memref_squeeze %dma_start3A_93 : memref<1x64x128xf32, #tpu.memory_space<vmem>> -> memref<64x128xf32, #tpu.memory_space<vmem>>
      %dma_start3A_95 = arith.constant 0 : i32
      %dma_start3A_96 = tpu.memref_slice %arg10[%add3A_44, %dma_start3A_95] : memref<10240x128xf32, #tpu.memory_space<vmem_shared>> -> memref<64x128xf32, #tpu.memory_space<vmem_shared>>
      %dma_start3A_97 = arith.constant 0 : i32
      %dma_start3A_98 = tpu.memref_slice %arg10[%add3A_44, %dma_start3A_97] : memref<10240x128xf32, #tpu.memory_space<vmem_shared>> -> memref<64x128xf32, #tpu.memory_space<vmem_shared>>
      %dma_start3A_99 = arith.constant 0 : i32
      %dma_start3A_100 = arith.constant 0 : i32
      %dma_start3A_101 = tpu.memref_slice %arg9[%run_scoped3A_45, %dma_start3A_99, %dma_start3A_100] : memref<2x64x128xf32, #tpu.memory_space<vmem>> -> memref<1x64x128xf32, #tpu.memory_space<vmem>>
      %dma_start3A_102 = tpu.memref_squeeze %dma_start3A_101 : memref<1x64x128xf32, #tpu.memory_space<vmem>> -> memref<64x128xf32, #tpu.memory_space<vmem>>
      tpu.enqueue_dma source(%dma_start3A_102 : memref<64x128xf32, #tpu.memory_space<vmem>>) target(%dma_start3A_98 : memref<64x128xf32, #tpu.memory_space<vmem_shared>>) target_semaphore(%run_scoped3A_90 : memref<!tpu.dma_semaphore, #tpu.memory_space<semaphore_mem>>)
      %dma_wait3A = arith.constant 0 : i32
      %dma_wait3A_103 = arith.constant 0 : i32
      %dma_wait3A_104 = tpu.memref_slice %arg9[%run_scoped3A_45, %dma_wait3A, %dma_wait3A_103] : memref<2x64x128xf32, #tpu.memory_space<vmem>> -> memref<1x64x128xf32, #tpu.memory_space<vmem>>
      %dma_wait3A_105 = tpu.memref_squeeze %dma_wait3A_104 : memref<1x64x128xf32, #tpu.memory_space<vmem>> -> memref<64x128xf32, #tpu.memory_space<vmem>>
      %dma_wait3A_106 = arith.constant 0 : i32
      %dma_wait3A_107 = tpu.memref_slice %arg10[%add3A_44, %dma_wait3A_106] : memref<10240x128xf32, #tpu.memory_space<vmem_shared>> -> memref<64x128xf32, #tpu.memory_space<vmem_shared>>
      %dma_wait3A_108 = arith.constant 0 : i32
      %dma_wait3A_109 = tpu.memref_slice %arg10[%add3A_44, %dma_wait3A_108] : memref<10240x128xf32, #tpu.memory_space<vmem_shared>> -> memref<64x128xf32, #tpu.memory_space<vmem_shared>>
      %dma_wait3A_110 = arith.constant 0 : i32
      %dma_wait3A_111 = arith.constant 0 : i32
      %dma_wait3A_112 = tpu.memref_slice %arg9[%run_scoped3A_45, %dma_wait3A_110, %dma_wait3A_111] : memref<2x64x128xf32, #tpu.memory_space<vmem>> -> memref<1x64x128xf32, #tpu.memory_space<vmem>>
      %dma_wait3A_113 = tpu.memref_squeeze %dma_wait3A_112 : memref<1x64x128xf32, #tpu.memory_space<vmem>> -> memref<64x128xf32, #tpu.memory_space<vmem>>
      tpu.wait_dma2 semaphore(%run_scoped3A_90 : memref<!tpu.dma_semaphore, #tpu.memory_space<semaphore_mem>>) src(%dma_wait3A_113 : memref<64x128xf32, #tpu.memory_space<vmem>>) dst(%dma_wait3A_109 : memref<64x128xf32, #tpu.memory_space<vmem_shared>>)
      tpu.yield
    }) : () -> ()
    %mul3A_46 = arith.constant 640 : i32
    %mul3A_47 = arith.muli %arg1, %mul3A_46 : i32
    %add3A_48 = arith.constant 576 : i32
    %add3A_49 = arith.addi %mul3A_47, %add3A_48 : i32
    %run_scoped3A_50 = arith.constant 0 : i32
    "tpu.region"() ({
      %run_scoped3A_90 = tpu.sem_alloc : memref<!tpu.dma_semaphore, #tpu.memory_space<semaphore_mem>>
      %dma_start3A_91 = arith.constant 0 : i32
      %dma_start3A_92 = arith.constant 0 : i32
      %dma_start3A_93 = tpu.memref_slice %arg9[%run_scoped3A_50, %dma_start3A_91, %dma_start3A_92] : memref<2x64x128xf32, #tpu.memory_space<vmem>> -> memref<1x64x128xf32, #tpu.memory_space<vmem>>
      %dma_start3A_94 = tpu.memref_squeeze %dma_start3A_93 : memref<1x64x128xf32, #tpu.memory_space<vmem>> -> memref<64x128xf32, #tpu.memory_space<vmem>>
      %dma_start3A_95 = arith.constant 0 : i32
      %dma_start3A_96 = tpu.memref_slice %arg10[%add3A_49, %dma_start3A_95] : memref<10240x128xf32, #tpu.memory_space<vmem_shared>> -> memref<64x128xf32, #tpu.memory_space<vmem_shared>>
      %dma_start3A_97 = arith.constant 0 : i32
      %dma_start3A_98 = tpu.memref_slice %arg10[%add3A_49, %dma_start3A_97] : memref<10240x128xf32, #tpu.memory_space<vmem_shared>> -> memref<64x128xf32, #tpu.memory_space<vmem_shared>>
      %dma_start3A_99 = arith.constant 0 : i32
      %dma_start3A_100 = arith.constant 0 : i32
      %dma_start3A_101 = tpu.memref_slice %arg9[%run_scoped3A_50, %dma_start3A_99, %dma_start3A_100] : memref<2x64x128xf32, #tpu.memory_space<vmem>> -> memref<1x64x128xf32, #tpu.memory_space<vmem>>
      %dma_start3A_102 = tpu.memref_squeeze %dma_start3A_101 : memref<1x64x128xf32, #tpu.memory_space<vmem>> -> memref<64x128xf32, #tpu.memory_space<vmem>>
      tpu.enqueue_dma source(%dma_start3A_102 : memref<64x128xf32, #tpu.memory_space<vmem>>) target(%dma_start3A_98 : memref<64x128xf32, #tpu.memory_space<vmem_shared>>) target_semaphore(%run_scoped3A_90 : memref<!tpu.dma_semaphore, #tpu.memory_space<semaphore_mem>>)
      %dma_wait3A = arith.constant 0 : i32
      %dma_wait3A_103 = arith.constant 0 : i32
      %dma_wait3A_104 = tpu.memref_slice %arg9[%run_scoped3A_50, %dma_wait3A, %dma_wait3A_103] : memref<2x64x128xf32, #tpu.memory_space<vmem>> -> memref<1x64x128xf32, #tpu.memory_space<vmem>>
      %dma_wait3A_105 = tpu.memref_squeeze %dma_wait3A_104 : memref<1x64x128xf32, #tpu.memory_space<vmem>> -> memref<64x128xf32, #tpu.memory_space<vmem>>
      %dma_wait3A_106 = arith.constant 0 : i32
      %dma_wait3A_107 = tpu.memref_slice %arg10[%add3A_49, %dma_wait3A_106] : memref<10240x128xf32, #tpu.memory_space<vmem_shared>> -> memref<64x128xf32, #tpu.memory_space<vmem_shared>>
      %dma_wait3A_108 = arith.constant 0 : i32
      %dma_wait3A_109 = tpu.memref_slice %arg10[%add3A_49, %dma_wait3A_108] : memref<10240x128xf32, #tpu.memory_space<vmem_shared>> -> memref<64x128xf32, #tpu.memory_space<vmem_shared>>
      %dma_wait3A_110 = arith.constant 0 : i32
      %dma_wait3A_111 = arith.constant 0 : i32
      %dma_wait3A_112 = tpu.memref_slice %arg9[%run_scoped3A_50, %dma_wait3A_110, %dma_wait3A_111] : memref<2x64x128xf32, #tpu.memory_space<vmem>> -> memref<1x64x128xf32, #tpu.memory_space<vmem>>
      %dma_wait3A_113 = tpu.memref_squeeze %dma_wait3A_112 : memref<1x64x128xf32, #tpu.memory_space<vmem>> -> memref<64x128xf32, #tpu.memory_space<vmem>>
      tpu.wait_dma2 semaphore(%run_scoped3A_90 : memref<!tpu.dma_semaphore, #tpu.memory_space<semaphore_mem>>) src(%dma_wait3A_113 : memref<64x128xf32, #tpu.memory_space<vmem>>) dst(%dma_wait3A_109 : memref<64x128xf32, #tpu.memory_space<vmem_shared>>)
      tpu.yield
    }) : () -> ()
    %barrier3A = arith.constant 0 : index
    tpu.barrier barrier_id(%barrier3A)
    "tpu.region"() ({
      %run_scoped3A_90 = tpu.sem_alloc : memref<!tpu.dma_semaphore, #tpu.memory_space<semaphore_mem>>
      %dma_start3A_91 = arith.constant 0 : i32
      %dma_start3A_92 = arith.constant 0 : i32
      %dma_start3A_93 = tpu.memref_slice %arg3[%add3A, %dma_start3A_91, %dma_start3A_92] : memref<32x160x64xi32, #tpu.memory_space<hbm>> -> memref<1x80x64xi32, #tpu.memory_space<hbm>>
      %dma_start3A_94 = tpu.memref_squeeze %dma_start3A_93 : memref<1x80x64xi32, #tpu.memory_space<hbm>> -> memref<80x64xi32, #tpu.memory_space<hbm>>
      %dma_start3A_95 = arith.constant 0 : i32
      %dma_start3A_96 = arith.constant 0 : i32
      %dma_start3A_97 = tpu.memref_slice %arg3[%add3A, %dma_start3A_95, %dma_start3A_96] : memref<32x160x64xi32, #tpu.memory_space<hbm>> -> memref<1x80x64xi32, #tpu.memory_space<hbm>>
      %dma_start3A_98 = tpu.memref_squeeze %dma_start3A_97 : memref<1x80x64xi32, #tpu.memory_space<hbm>> -> memref<80x64xi32, #tpu.memory_space<hbm>>
      tpu.enqueue_dma source(%dma_start3A_98 : memref<80x64xi32, #tpu.memory_space<hbm>>) target(%arg7 : memref<80x64xi32, #tpu.memory_space<vmem>>) target_semaphore(%run_scoped3A_90 : memref<!tpu.dma_semaphore, #tpu.memory_space<semaphore_mem>>)
      %dma_wait3A = arith.constant 0 : i32
      %dma_wait3A_99 = arith.constant 0 : i32
      %dma_wait3A_100 = tpu.memref_slice %arg3[%add3A, %dma_wait3A, %dma_wait3A_99] : memref<32x160x64xi32, #tpu.memory_space<hbm>> -> memref<1x80x64xi32, #tpu.memory_space<hbm>>
      %dma_wait3A_101 = tpu.memref_squeeze %dma_wait3A_100 : memref<1x80x64xi32, #tpu.memory_space<hbm>> -> memref<80x64xi32, #tpu.memory_space<hbm>>
      %dma_wait3A_102 = arith.constant 0 : i32
      %dma_wait3A_103 = arith.constant 0 : i32
      %dma_wait3A_104 = tpu.memref_slice %arg3[%add3A, %dma_wait3A_102, %dma_wait3A_103] : memref<32x160x64xi32, #tpu.memory_space<hbm>> -> memref<1x80x64xi32, #tpu.memory_space<hbm>>
      %dma_wait3A_105 = tpu.memref_squeeze %dma_wait3A_104 : memref<1x80x64xi32, #tpu.memory_space<hbm>> -> memref<80x64xi32, #tpu.memory_space<hbm>>
      tpu.wait_dma2 semaphore(%run_scoped3A_90 : memref<!tpu.dma_semaphore, #tpu.memory_space<semaphore_mem>>) src(%dma_wait3A_105 : memref<80x64xi32, #tpu.memory_space<hbm>>) dst(%arg7 : memref<80x64xi32, #tpu.memory_space<vmem>>)
      tpu.yield
    }) : () -> ()
    "tpu.region"() ({
      %run_scoped3A_90 = tpu.sem_alloc : memref<!tpu.dma_semaphore, #tpu.memory_space<semaphore_mem>>
      %dma_start3A_91 = arith.constant 0 : i32
      %dma_start3A_92 = arith.constant 0 : i32
      %dma_start3A_93 = tpu.memref_slice %arg4[%add3A, %dma_start3A_91, %dma_start3A_92] : memref<32x160x64xi32, #tpu.memory_space<hbm>> -> memref<1x80x64xi32, #tpu.memory_space<hbm>>
      %dma_start3A_94 = tpu.memref_squeeze %dma_start3A_93 : memref<1x80x64xi32, #tpu.memory_space<hbm>> -> memref<80x64xi32, #tpu.memory_space<hbm>>
      %dma_start3A_95 = arith.constant 0 : i32
      %dma_start3A_96 = arith.constant 0 : i32
      %dma_start3A_97 = tpu.memref_slice %arg4[%add3A, %dma_start3A_95, %dma_start3A_96] : memref<32x160x64xi32, #tpu.memory_space<hbm>> -> memref<1x80x64xi32, #tpu.memory_space<hbm>>
      %dma_start3A_98 = tpu.memref_squeeze %dma_start3A_97 : memref<1x80x64xi32, #tpu.memory_space<hbm>> -> memref<80x64xi32, #tpu.memory_space<hbm>>
      tpu.enqueue_dma source(%dma_start3A_98 : memref<80x64xi32, #tpu.memory_space<hbm>>) target(%arg8 : memref<80x64xi32, #tpu.memory_space<vmem>>) target_semaphore(%run_scoped3A_90 : memref<!tpu.dma_semaphore, #tpu.memory_space<semaphore_mem>>)
      %dma_wait3A = arith.constant 0 : i32
      %dma_wait3A_99 = arith.constant 0 : i32
      %dma_wait3A_100 = tpu.memref_slice %arg4[%add3A, %dma_wait3A, %dma_wait3A_99] : memref<32x160x64xi32, #tpu.memory_space<hbm>> -> memref<1x80x64xi32, #tpu.memory_space<hbm>>
      %dma_wait3A_101 = tpu.memref_squeeze %dma_wait3A_100 : memref<1x80x64xi32, #tpu.memory_space<hbm>> -> memref<80x64xi32, #tpu.memory_space<hbm>>
      %dma_wait3A_102 = arith.constant 0 : i32
      %dma_wait3A_103 = arith.constant 0 : i32
      %dma_wait3A_104 = tpu.memref_slice %arg4[%add3A, %dma_wait3A_102, %dma_wait3A_103] : memref<32x160x64xi32, #tpu.memory_space<hbm>> -> memref<1x80x64xi32, #tpu.memory_space<hbm>>
      %dma_wait3A_105 = tpu.memref_squeeze %dma_wait3A_104 : memref<1x80x64xi32, #tpu.memory_space<hbm>> -> memref<80x64xi32, #tpu.memory_space<hbm>>
      tpu.wait_dma2 semaphore(%run_scoped3A_90 : memref<!tpu.dma_semaphore, #tpu.memory_space<semaphore_mem>>) src(%dma_wait3A_105 : memref<80x64xi32, #tpu.memory_space<hbm>>) dst(%arg8 : memref<80x64xi32, #tpu.memory_space<vmem>>)
      tpu.yield
    }) : () -> ()
    %dma_start3A = arith.constant 0 : i32
    %dma_start3A_51 = arith.constant 0 : i32
    %dma_start3A_52 = arith.constant 0 : i32
    %dma_start3A_53 = arith.constant 0 : i32
    %dma_start3A_54 = tpu.memref_slice %arg9[%dma_start3A_51, %dma_start3A_52, %dma_start3A_53] : memref<2x64x128xf32, #tpu.memory_space<vmem>> -> memref<1x64x128xf32, #tpu.memory_space<vmem>>
    %dma_start3A_55 = tpu.memref_squeeze %dma_start3A_54 : memref<1x64x128xf32, #tpu.memory_space<vmem>> -> memref<64x128xf32, #tpu.memory_space<vmem>>
    %dma_start3A_56 = arith.constant 0 : i32
    %dma_start3A_57 = tpu.memref_slice %arg7[%dma_start3A, %dma_start3A_56] : memref<80x64xi32, #tpu.memory_space<vmem>> -> memref<1x64xi32, #tpu.memory_space<vmem>>
    %dma_start3A_58 = tpu.memref_squeeze %dma_start3A_57 : memref<1x64xi32, #tpu.memory_space<vmem>> -> memref<64xi32, #tpu.memory_space<vmem>>
    %dma_start3A_59 = arith.constant 0 : i32
    %dma_start3A_60 = arith.constant 0 : i32
    %dma_start3A_61 = tpu.memref_slice %arg2[%dma_start3A_59, %dma_start3A_60] : memref<10000x128xf32, #tpu.memory_space<hbm>> -> memref<10000x128xf32, #tpu.memory_space<hbm>>
    tpu.enqueue_indirect_dma source(%dma_start3A_61 : memref<10000x128xf32, #tpu.memory_space<hbm>>) target(%dma_start3A_55 : memref<64x128xf32, #tpu.memory_space<vmem>>) offsets(%dma_start3A_58 : memref<64xi32, #tpu.memory_space<vmem>>) semaphore(%arg11 : memref<!tpu.dma_semaphore, #tpu.memory_space<semaphore_mem>>)
    %scan3A = arith.constant 0 : i32
    %scan3A_62 = arith.constant 0 : i32
    %scan3A_63 = arith.constant 40 : i32
    %scan3A_64 = arith.addi %scan3A_62, %scan3A_63 : i32
    %scan3A_65 = arith.constant 1 : i32
    scf.for %scan3A_90 = %scan3A_62 to %scan3A_64 step %scan3A_65  : i32 {
      %mul3A_91 = arith.constant 2 : i32
      %mul3A_92 = arith.muli %mul3A_91, %scan3A_90 : i32
      %add3A_93 = arith.constant 1 : i32
      %add3A_94 = arith.addi %mul3A_92, %add3A_93 : i32
      %dma_start3A_95 = arith.constant 1 : i32
      %dma_start3A_96 = arith.constant 0 : i32
      %dma_start3A_97 = arith.constant 0 : i32
      %dma_start3A_98 = tpu.memref_slice %arg9[%dma_start3A_95, %dma_start3A_96, %dma_start3A_97] : memref<2x64x128xf32, #tpu.memory_space<vmem>> -> memref<1x64x128xf32, #tpu.memory_space<vmem>>
      %dma_start3A_99 = tpu.memref_squeeze %dma_start3A_98 : memref<1x64x128xf32, #tpu.memory_space<vmem>> -> memref<64x128xf32, #tpu.memory_space<vmem>>
      %dma_start3A_100 = arith.constant 0 : i32
      %dma_start3A_101 = tpu.memref_slice %arg7[%add3A_94, %dma_start3A_100] : memref<80x64xi32, #tpu.memory_space<vmem>> -> memref<1x64xi32, #tpu.memory_space<vmem>>
      %dma_start3A_102 = tpu.memref_squeeze %dma_start3A_101 : memref<1x64xi32, #tpu.memory_space<vmem>> -> memref<64xi32, #tpu.memory_space<vmem>>
      %dma_start3A_103 = arith.constant 0 : i32
      %dma_start3A_104 = arith.constant 0 : i32
      %dma_start3A_105 = tpu.memref_slice %arg2[%dma_start3A_103, %dma_start3A_104] : memref<10000x128xf32, #tpu.memory_space<hbm>> -> memref<10000x128xf32, #tpu.memory_space<hbm>>
      tpu.enqueue_indirect_dma source(%dma_start3A_105 : memref<10000x128xf32, #tpu.memory_space<hbm>>) target(%dma_start3A_99 : memref<64x128xf32, #tpu.memory_space<vmem>>) offsets(%dma_start3A_102 : memref<64xi32, #tpu.memory_space<vmem>>) semaphore(%arg12 : memref<!tpu.dma_semaphore, #tpu.memory_space<semaphore_mem>>)
      %dma_wait3A = arith.constant 0 : i32
      %dma_wait3A_106 = arith.constant 0 : i32
      %dma_wait3A_107 = arith.constant 0 : i32
      %dma_wait3A_108 = tpu.memref_slice %arg9[%dma_wait3A, %dma_wait3A_106, %dma_wait3A_107] : memref<2x64x128xf32, #tpu.memory_space<vmem>> -> memref<1x64x128xf32, #tpu.memory_space<vmem>>
      %dma_wait3A_109 = tpu.memref_squeeze %dma_wait3A_108 : memref<1x64x128xf32, #tpu.memory_space<vmem>> -> memref<64x128xf32, #tpu.memory_space<vmem>>
      %dma_wait3A_110 = arith.constant 0 : i32
      %dma_wait3A_111 = tpu.memref_slice %arg7[%mul3A_92, %dma_wait3A_110] : memref<80x64xi32, #tpu.memory_space<vmem>> -> memref<1x64xi32, #tpu.memory_space<vmem>>
      %dma_wait3A_112 = tpu.memref_squeeze %dma_wait3A_111 : memref<1x64xi32, #tpu.memory_space<vmem>> -> memref<64xi32, #tpu.memory_space<vmem>>
      %dma_wait3A_113 = arith.constant 0 : i32
      %dma_wait3A_114 = arith.constant 0 : i32
      %dma_wait3A_115 = tpu.memref_slice %arg2[%dma_wait3A_113, %dma_wait3A_114] : memref<10000x128xf32, #tpu.memory_space<hbm>> -> memref<10000x128xf32, #tpu.memory_space<hbm>>
      tpu.wait_indirect_dma semaphore(%arg11 : memref<!tpu.dma_semaphore, #tpu.memory_space<semaphore_mem>>) src(%dma_wait3A_115 : memref<10000x128xf32, #tpu.memory_space<hbm>>) dst(%dma_wait3A_109 : memref<64x128xf32, #tpu.memory_space<vmem>>)
      %run_scoped3A_116 = arith.constant 0 : i32
      "tpu.region"() ({
        %run_scoped3A_137 = tpu.sem_alloc : memref<!tpu.dma_semaphore, #tpu.memory_space<semaphore_mem>>
        %dma_start3A_138 = arith.constant 0 : i32
        %dma_start3A_139 = arith.constant 0 : i32
        %dma_start3A_140 = tpu.memref_slice %arg9[%run_scoped3A_116, %dma_start3A_138, %dma_start3A_139] : memref<2x64x128xf32, #tpu.memory_space<vmem>> -> memref<1x64x128xf32, #tpu.memory_space<vmem>>
        %dma_start3A_141 = tpu.memref_squeeze %dma_start3A_140 : memref<1x64x128xf32, #tpu.memory_space<vmem>> -> memref<64x128xf32, #tpu.memory_space<vmem>>
        %dma_start3A_142 = arith.constant 0 : i32
        %dma_start3A_143 = tpu.memref_slice %arg8[%mul3A_92, %dma_start3A_142] : memref<80x64xi32, #tpu.memory_space<vmem>> -> memref<1x64xi32, #tpu.memory_space<vmem>>
        %dma_start3A_144 = tpu.memref_squeeze %dma_start3A_143 : memref<1x64xi32, #tpu.memory_space<vmem>> -> memref<64xi32, #tpu.memory_space<vmem>>
        %dma_start3A_145 = arith.constant 0 : i32
        %dma_start3A_146 = arith.constant 0 : i32
        %dma_start3A_147 = tpu.memref_slice %arg10[%dma_start3A_145, %dma_start3A_146] : memref<10240x128xf32, #tpu.memory_space<vmem_shared>> -> memref<10240x128xf32, #tpu.memory_space<vmem_shared>>
        tpu.enqueue_indirect_dma source(%dma_start3A_141 : memref<64x128xf32, #tpu.memory_space<vmem>>) target(%dma_start3A_147 : memref<10240x128xf32, #tpu.memory_space<vmem_shared>>) offsets(%dma_start3A_144 : memref<64xi32, #tpu.memory_space<vmem>>) semaphore(%run_scoped3A_137 : memref<!tpu.dma_semaphore, #tpu.memory_space<semaphore_mem>>) {add = true}
        %dma_wait3A_148 = arith.constant 0 : i32
        %dma_wait3A_149 = arith.constant 0 : i32
        %dma_wait3A_150 = tpu.memref_slice %arg9[%run_scoped3A_116, %dma_wait3A_148, %dma_wait3A_149] : memref<2x64x128xf32, #tpu.memory_space<vmem>> -> memref<1x64x128xf32, #tpu.memory_space<vmem>>
        %dma_wait3A_151 = tpu.memref_squeeze %dma_wait3A_150 : memref<1x64x128xf32, #tpu.memory_space<vmem>> -> memref<64x128xf32, #tpu.memory_space<vmem>>
        %dma_wait3A_152 = arith.constant 0 : i32
        %dma_wait3A_153 = tpu.memref_slice %arg8[%mul3A_92, %dma_wait3A_152] : memref<80x64xi32, #tpu.memory_space<vmem>> -> memref<1x64xi32, #tpu.memory_space<vmem>>
        %dma_wait3A_154 = tpu.memref_squeeze %dma_wait3A_153 : memref<1x64xi32, #tpu.memory_space<vmem>> -> memref<64xi32, #tpu.memory_space<vmem>>
        %dma_wait3A_155 = arith.constant 0 : i32
        %dma_wait3A_156 = arith.constant 0 : i32
        %dma_wait3A_157 = tpu.memref_slice %arg10[%dma_wait3A_155, %dma_wait3A_156] : memref<10240x128xf32, #tpu.memory_space<vmem_shared>> -> memref<10240x128xf32, #tpu.memory_space<vmem_shared>>
        tpu.wait_indirect_dma semaphore(%run_scoped3A_137 : memref<!tpu.dma_semaphore, #tpu.memory_space<semaphore_mem>>) src(%dma_wait3A_151 : memref<64x128xf32, #tpu.memory_space<vmem>>) dst(%dma_wait3A_157 : memref<10240x128xf32, #tpu.memory_space<vmem_shared>>)
        tpu.yield
      }) : () -> ()
      %add3A_117 = arith.constant 2 : i32
      %add3A_118 = arith.addi %mul3A_92, %add3A_117 : i32
      %lt3A = arith.constant 80 : i32
      %lt3A_119 = arith.cmpi slt, %add3A_118, %lt3A : i32
      %convert_element_type3A = arith.extui %lt3A_119 : i1 to i32
      %cond3A = arith.constant 0 : i32
      %cond3A_120 = arith.cmpi ne, %convert_element_type3A, %cond3A : i32
      scf.if %cond3A_120 {
        %add3A_137 = arith.constant 2 : i32
        %add3A_138 = arith.addi %mul3A_92, %add3A_137 : i32
        %dma_start3A_139 = arith.constant 0 : i32
        %dma_start3A_140 = arith.constant 0 : i32
        %dma_start3A_141 = arith.constant 0 : i32
        %dma_start3A_142 = tpu.memref_slice %arg9[%dma_start3A_139, %dma_start3A_140, %dma_start3A_141] : memref<2x64x128xf32, #tpu.memory_space<vmem>> -> memref<1x64x128xf32, #tpu.memory_space<vmem>>
        %dma_start3A_143 = tpu.memref_squeeze %dma_start3A_142 : memref<1x64x128xf32, #tpu.memory_space<vmem>> -> memref<64x128xf32, #tpu.memory_space<vmem>>
        %dma_start3A_144 = arith.constant 0 : i32
        %dma_start3A_145 = tpu.memref_slice %arg7[%add3A_138, %dma_start3A_144] : memref<80x64xi32, #tpu.memory_space<vmem>> -> memref<1x64xi32, #tpu.memory_space<vmem>>
        %dma_start3A_146 = tpu.memref_squeeze %dma_start3A_145 : memref<1x64xi32, #tpu.memory_space<vmem>> -> memref<64xi32, #tpu.memory_space<vmem>>
        %dma_start3A_147 = arith.constant 0 : i32
        %dma_start3A_148 = arith.constant 0 : i32
        %dma_start3A_149 = tpu.memref_slice %arg2[%dma_start3A_147, %dma_start3A_148] : memref<10000x128xf32, #tpu.memory_space<hbm>> -> memref<10000x128xf32, #tpu.memory_space<hbm>>
        tpu.enqueue_indirect_dma source(%dma_start3A_149 : memref<10000x128xf32, #tpu.memory_space<hbm>>) target(%dma_start3A_143 : memref<64x128xf32, #tpu.memory_space<vmem>>) offsets(%dma_start3A_146 : memref<64xi32, #tpu.memory_space<vmem>>) semaphore(%arg11 : memref<!tpu.dma_semaphore, #tpu.memory_space<semaphore_mem>>)
      } else {
      }
      %add3A_121 = arith.constant 1 : i32
      %add3A_122 = arith.addi %mul3A_92, %add3A_121 : i32
      %dma_wait3A_123 = arith.constant 1 : i32
      %dma_wait3A_124 = arith.constant 0 : i32
      %dma_wait3A_125 = arith.constant 0 : i32
      %dma_wait3A_126 = tpu.memref_slice %arg9[%dma_wait3A_123, %dma_wait3A_124, %dma_wait3A_125] : memref<2x64x128xf32, #tpu.memory_space<vmem>> -> memref<1x64x128xf32, #tpu.memory_space<vmem>>
      %dma_wait3A_127 = tpu.memref_squeeze %dma_wait3A_126 : memref<1x64x128xf32, #tpu.memory_space<vmem>> -> memref<64x128xf32, #tpu.memory_space<vmem>>
      %dma_wait3A_128 = arith.constant 0 : i32
      %dma_wait3A_129 = tpu.memref_slice %arg7[%add3A_122, %dma_wait3A_128] : memref<80x64xi32, #tpu.memory_space<vmem>> -> memref<1x64xi32, #tpu.memory_space<vmem>>
      %dma_wait3A_130 = tpu.memref_squeeze %dma_wait3A_129 : memref<1x64xi32, #tpu.memory_space<vmem>> -> memref<64xi32, #tpu.memory_space<vmem>>
      %dma_wait3A_131 = arith.constant 0 : i32
      %dma_wait3A_132 = arith.constant 0 : i32
      %dma_wait3A_133 = tpu.memref_slice %arg2[%dma_wait3A_131, %dma_wait3A_132] : memref<10000x128xf32, #tpu.memory_space<hbm>> -> memref<10000x128xf32, #tpu.memory_space<hbm>>
      tpu.wait_indirect_dma semaphore(%arg12 : memref<!tpu.dma_semaphore, #tpu.memory_space<semaphore_mem>>) src(%dma_wait3A_133 : memref<10000x128xf32, #tpu.memory_space<hbm>>) dst(%dma_wait3A_127 : memref<64x128xf32, #tpu.memory_space<vmem>>)
      %add3A_134 = arith.constant 1 : i32
      %add3A_135 = arith.addi %mul3A_92, %add3A_134 : i32
      %run_scoped3A_136 = arith.constant 1 : i32
      "tpu.region"() ({
        %run_scoped3A_137 = tpu.sem_alloc : memref<!tpu.dma_semaphore, #tpu.memory_space<semaphore_mem>>
        %dma_start3A_138 = arith.constant 0 : i32
        %dma_start3A_139 = arith.constant 0 : i32
        %dma_start3A_140 = tpu.memref_slice %arg9[%run_scoped3A_136, %dma_start3A_138, %dma_start3A_139] : memref<2x64x128xf32, #tpu.memory_space<vmem>> -> memref<1x64x128xf32, #tpu.memory_space<vmem>>
        %dma_start3A_141 = tpu.memref_squeeze %dma_start3A_140 : memref<1x64x128xf32, #tpu.memory_space<vmem>> -> memref<64x128xf32, #tpu.memory_space<vmem>>
        %dma_start3A_142 = arith.constant 0 : i32
        %dma_start3A_143 = tpu.memref_slice %arg8[%add3A_135, %dma_start3A_142] : memref<80x64xi32, #tpu.memory_space<vmem>> -> memref<1x64xi32, #tpu.memory_space<vmem>>
        %dma_start3A_144 = tpu.memref_squeeze %dma_start3A_143 : memref<1x64xi32, #tpu.memory_space<vmem>> -> memref<64xi32, #tpu.memory_space<vmem>>
        %dma_start3A_145 = arith.constant 0 : i32
        %dma_start3A_146 = arith.constant 0 : i32
        %dma_start3A_147 = tpu.memref_slice %arg10[%dma_start3A_145, %dma_start3A_146] : memref<10240x128xf32, #tpu.memory_space<vmem_shared>> -> memref<10240x128xf32, #tpu.memory_space<vmem_shared>>
        tpu.enqueue_indirect_dma source(%dma_start3A_141 : memref<64x128xf32, #tpu.memory_space<vmem>>) target(%dma_start3A_147 : memref<10240x128xf32, #tpu.memory_space<vmem_shared>>) offsets(%dma_start3A_144 : memref<64xi32, #tpu.memory_space<vmem>>) semaphore(%run_scoped3A_137 : memref<!tpu.dma_semaphore, #tpu.memory_space<semaphore_mem>>) {add = true}
        %dma_wait3A_148 = arith.constant 0 : i32
        %dma_wait3A_149 = arith.constant 0 : i32
        %dma_wait3A_150 = tpu.memref_slice %arg9[%run_scoped3A_136, %dma_wait3A_148, %dma_wait3A_149] : memref<2x64x128xf32, #tpu.memory_space<vmem>> -> memref<1x64x128xf32, #tpu.memory_space<vmem>>
        %dma_wait3A_151 = tpu.memref_squeeze %dma_wait3A_150 : memref<1x64x128xf32, #tpu.memory_space<vmem>> -> memref<64x128xf32, #tpu.memory_space<vmem>>
        %dma_wait3A_152 = arith.constant 0 : i32
        %dma_wait3A_153 = tpu.memref_slice %arg8[%add3A_135, %dma_wait3A_152] : memref<80x64xi32, #tpu.memory_space<vmem>> -> memref<1x64xi32, #tpu.memory_space<vmem>>
        %dma_wait3A_154 = tpu.memref_squeeze %dma_wait3A_153 : memref<1x64xi32, #tpu.memory_space<vmem>> -> memref<64xi32, #tpu.memory_space<vmem>>
        %dma_wait3A_155 = arith.constant 0 : i32
        %dma_wait3A_156 = arith.constant 0 : i32
        %dma_wait3A_157 = tpu.memref_slice %arg10[%dma_wait3A_155, %dma_wait3A_156] : memref<10240x128xf32, #tpu.memory_space<vmem_shared>> -> memref<10240x128xf32, #tpu.memory_space<vmem_shared>>
        tpu.wait_indirect_dma semaphore(%run_scoped3A_137 : memref<!tpu.dma_semaphore, #tpu.memory_space<semaphore_mem>>) src(%dma_wait3A_151 : memref<64x128xf32, #tpu.memory_space<vmem>>) dst(%dma_wait3A_157 : memref<10240x128xf32, #tpu.memory_space<vmem_shared>>)
        tpu.yield
      }) : () -> ()
    }
    %scan3A_66 = arith.constant 40 : i32
    "tpu.region"() ({
      %run_scoped3A_90 = tpu.sem_alloc : memref<!tpu.dma_semaphore, #tpu.memory_space<semaphore_mem>>
      %dma_start3A_91 = arith.constant 80 : i32
      %dma_start3A_92 = arith.constant 0 : i32
      %dma_start3A_93 = tpu.memref_slice %arg3[%add3A, %dma_start3A_91, %dma_start3A_92] : memref<32x160x64xi32, #tpu.memory_space<hbm>> -> memref<1x80x64xi32, #tpu.memory_space<hbm>>
      %dma_start3A_94 = tpu.memref_squeeze %dma_start3A_93 : memref<1x80x64xi32, #tpu.memory_space<hbm>> -> memref<80x64xi32, #tpu.memory_space<hbm>>
      %dma_start3A_95 = arith.constant 80 : i32
      %dma_start3A_96 = arith.constant 0 : i32
      %dma_start3A_97 = tpu.memref_slice %arg3[%add3A, %dma_start3A_95, %dma_start3A_96] : memref<32x160x64xi32, #tpu.memory_space<hbm>> -> memref<1x80x64xi32, #tpu.memory_space<hbm>>
      %dma_start3A_98 = tpu.memref_squeeze %dma_start3A_97 : memref<1x80x64xi32, #tpu.memory_space<hbm>> -> memref<80x64xi32, #tpu.memory_space<hbm>>
      tpu.enqueue_dma source(%dma_start3A_98 : memref<80x64xi32, #tpu.memory_space<hbm>>) target(%arg7 : memref<80x64xi32, #tpu.memory_space<vmem>>) target_semaphore(%run_scoped3A_90 : memref<!tpu.dma_semaphore, #tpu.memory_space<semaphore_mem>>)
      %dma_wait3A = arith.constant 80 : i32
      %dma_wait3A_99 = arith.constant 0 : i32
      %dma_wait3A_100 = tpu.memref_slice %arg3[%add3A, %dma_wait3A, %dma_wait3A_99] : memref<32x160x64xi32, #tpu.memory_space<hbm>> -> memref<1x80x64xi32, #tpu.memory_space<hbm>>
      %dma_wait3A_101 = tpu.memref_squeeze %dma_wait3A_100 : memref<1x80x64xi32, #tpu.memory_space<hbm>> -> memref<80x64xi32, #tpu.memory_space<hbm>>
      %dma_wait3A_102 = arith.constant 80 : i32
      %dma_wait3A_103 = arith.constant 0 : i32
      %dma_wait3A_104 = tpu.memref_slice %arg3[%add3A, %dma_wait3A_102, %dma_wait3A_103] : memref<32x160x64xi32, #tpu.memory_space<hbm>> -> memref<1x80x64xi32, #tpu.memory_space<hbm>>
      %dma_wait3A_105 = tpu.memref_squeeze %dma_wait3A_104 : memref<1x80x64xi32, #tpu.memory_space<hbm>> -> memref<80x64xi32, #tpu.memory_space<hbm>>
      tpu.wait_dma2 semaphore(%run_scoped3A_90 : memref<!tpu.dma_semaphore, #tpu.memory_space<semaphore_mem>>) src(%dma_wait3A_105 : memref<80x64xi32, #tpu.memory_space<hbm>>) dst(%arg7 : memref<80x64xi32, #tpu.memory_space<vmem>>)
      tpu.yield
    }) : () -> ()
    "tpu.region"() ({
      %run_scoped3A_90 = tpu.sem_alloc : memref<!tpu.dma_semaphore, #tpu.memory_space<semaphore_mem>>
      %dma_start3A_91 = arith.constant 80 : i32
      %dma_start3A_92 = arith.constant 0 : i32
      %dma_start3A_93 = tpu.memref_slice %arg4[%add3A, %dma_start3A_91, %dma_start3A_92] : memref<32x160x64xi32, #tpu.memory_space<hbm>> -> memref<1x80x64xi32, #tpu.memory_space<hbm>>
      %dma_start3A_94 = tpu.memref_squeeze %dma_start3A_93 : memref<1x80x64xi32, #tpu.memory_space<hbm>> -> memref<80x64xi32, #tpu.memory_space<hbm>>
      %dma_start3A_95 = arith.constant 80 : i32
      %dma_start3A_96 = arith.constant 0 : i32
      %dma_start3A_97 = tpu.memref_slice %arg4[%add3A, %dma_start3A_95, %dma_start3A_96] : memref<32x160x64xi32, #tpu.memory_space<hbm>> -> memref<1x80x64xi32, #tpu.memory_space<hbm>>
      %dma_start3A_98 = tpu.memref_squeeze %dma_start3A_97 : memref<1x80x64xi32, #tpu.memory_space<hbm>> -> memref<80x64xi32, #tpu.memory_space<hbm>>
      tpu.enqueue_dma source(%dma_start3A_98 : memref<80x64xi32, #tpu.memory_space<hbm>>) target(%arg8 : memref<80x64xi32, #tpu.memory_space<vmem>>) target_semaphore(%run_scoped3A_90 : memref<!tpu.dma_semaphore, #tpu.memory_space<semaphore_mem>>)
      %dma_wait3A = arith.constant 80 : i32
      %dma_wait3A_99 = arith.constant 0 : i32
      %dma_wait3A_100 = tpu.memref_slice %arg4[%add3A, %dma_wait3A, %dma_wait3A_99] : memref<32x160x64xi32, #tpu.memory_space<hbm>> -> memref<1x80x64xi32, #tpu.memory_space<hbm>>
      %dma_wait3A_101 = tpu.memref_squeeze %dma_wait3A_100 : memref<1x80x64xi32, #tpu.memory_space<hbm>> -> memref<80x64xi32, #tpu.memory_space<hbm>>
      %dma_wait3A_102 = arith.constant 80 : i32
      %dma_wait3A_103 = arith.constant 0 : i32
      %dma_wait3A_104 = tpu.memref_slice %arg4[%add3A, %dma_wait3A_102, %dma_wait3A_103] : memref<32x160x64xi32, #tpu.memory_space<hbm>> -> memref<1x80x64xi32, #tpu.memory_space<hbm>>
      %dma_wait3A_105 = tpu.memref_squeeze %dma_wait3A_104 : memref<1x80x64xi32, #tpu.memory_space<hbm>> -> memref<80x64xi32, #tpu.memory_space<hbm>>
      tpu.wait_dma2 semaphore(%run_scoped3A_90 : memref<!tpu.dma_semaphore, #tpu.memory_space<semaphore_mem>>) src(%dma_wait3A_105 : memref<80x64xi32, #tpu.memory_space<hbm>>) dst(%arg8 : memref<80x64xi32, #tpu.memory_space<vmem>>)
      tpu.yield
    }) : () -> ()
    %dma_start3A_67 = arith.constant 0 : i32
    %dma_start3A_68 = arith.constant 0 : i32
    %dma_start3A_69 = arith.constant 0 : i32
    %dma_start3A_70 = arith.constant 0 : i32
    %dma_start3A_71 = tpu.memref_slice %arg9[%dma_start3A_68, %dma_start3A_69, %dma_start3A_70] : memref<2x64x128xf32, #tpu.memory_space<vmem>> -> memref<1x64x128xf32, #tpu.memory_space<vmem>>
    %dma_start3A_72 = tpu.memref_squeeze %dma_start3A_71 : memref<1x64x128xf32, #tpu.memory_space<vmem>> -> memref<64x128xf32, #tpu.memory_space<vmem>>
    %dma_start3A_73 = arith.constant 0 : i32
    %dma_start3A_74 = tpu.memref_slice %arg7[%dma_start3A_67, %dma_start3A_73] : memref<80x64xi32, #tpu.memory_space<vmem>> -> memref<1x64xi32, #tpu.memory_space<vmem>>
    %dma_start3A_75 = tpu.memref_squeeze %dma_start3A_74 : memref<1x64xi32, #tpu.memory_space<vmem>> -> memref<64xi32, #tpu.memory_space<vmem>>
    %dma_start3A_76 = arith.constant 0 : i32
    %dma_start3A_77 = arith.constant 0 : i32
    %dma_start3A_78 = tpu.memref_slice %arg2[%dma_start3A_76, %dma_start3A_77] : memref<10000x128xf32, #tpu.memory_space<hbm>> -> memref<10000x128xf32, #tpu.memory_space<hbm>>
    tpu.enqueue_indirect_dma source(%dma_start3A_78 : memref<10000x128xf32, #tpu.memory_space<hbm>>) target(%dma_start3A_72 : memref<64x128xf32, #tpu.memory_space<vmem>>) offsets(%dma_start3A_75 : memref<64xi32, #tpu.memory_space<vmem>>) semaphore(%arg11 : memref<!tpu.dma_semaphore, #tpu.memory_space<semaphore_mem>>)
    %scan3A_79 = arith.constant 0 : i32
    %scan3A_80 = arith.constant 0 : i32
    %scan3A_81 = arith.constant 40 : i32
    %scan3A_82 = arith.addi %scan3A_80, %scan3A_81 : i32
    %scan3A_83 = arith.constant 1 : i32
    scf.for %scan3A_90 = %scan3A_80 to %scan3A_82 step %scan3A_83  : i32 {
      %mul3A_91 = arith.constant 2 : i32
      %mul3A_92 = arith.muli %mul3A_91, %scan3A_90 : i32
      %add3A_93 = arith.constant 1 : i32
      %add3A_94 = arith.addi %mul3A_92, %add3A_93 : i32
      %dma_start3A_95 = arith.constant 1 : i32
      %dma_start3A_96 = arith.constant 0 : i32
      %dma_start3A_97 = arith.constant 0 : i32
      %dma_start3A_98 = tpu.memref_slice %arg9[%dma_start3A_95, %dma_start3A_96, %dma_start3A_97] : memref<2x64x128xf32, #tpu.memory_space<vmem>> -> memref<1x64x128xf32, #tpu.memory_space<vmem>>
      %dma_start3A_99 = tpu.memref_squeeze %dma_start3A_98 : memref<1x64x128xf32, #tpu.memory_space<vmem>> -> memref<64x128xf32, #tpu.memory_space<vmem>>
      %dma_start3A_100 = arith.constant 0 : i32
      %dma_start3A_101 = tpu.memref_slice %arg7[%add3A_94, %dma_start3A_100] : memref<80x64xi32, #tpu.memory_space<vmem>> -> memref<1x64xi32, #tpu.memory_space<vmem>>
      %dma_start3A_102 = tpu.memref_squeeze %dma_start3A_101 : memref<1x64xi32, #tpu.memory_space<vmem>> -> memref<64xi32, #tpu.memory_space<vmem>>
      %dma_start3A_103 = arith.constant 0 : i32
      %dma_start3A_104 = arith.constant 0 : i32
      %dma_start3A_105 = tpu.memref_slice %arg2[%dma_start3A_103, %dma_start3A_104] : memref<10000x128xf32, #tpu.memory_space<hbm>> -> memref<10000x128xf32, #tpu.memory_space<hbm>>
      tpu.enqueue_indirect_dma source(%dma_start3A_105 : memref<10000x128xf32, #tpu.memory_space<hbm>>) target(%dma_start3A_99 : memref<64x128xf32, #tpu.memory_space<vmem>>) offsets(%dma_start3A_102 : memref<64xi32, #tpu.memory_space<vmem>>) semaphore(%arg12 : memref<!tpu.dma_semaphore, #tpu.memory_space<semaphore_mem>>)
      %dma_wait3A = arith.constant 0 : i32
      %dma_wait3A_106 = arith.constant 0 : i32
      %dma_wait3A_107 = arith.constant 0 : i32
      %dma_wait3A_108 = tpu.memref_slice %arg9[%dma_wait3A, %dma_wait3A_106, %dma_wait3A_107] : memref<2x64x128xf32, #tpu.memory_space<vmem>> -> memref<1x64x128xf32, #tpu.memory_space<vmem>>
      %dma_wait3A_109 = tpu.memref_squeeze %dma_wait3A_108 : memref<1x64x128xf32, #tpu.memory_space<vmem>> -> memref<64x128xf32, #tpu.memory_space<vmem>>
      %dma_wait3A_110 = arith.constant 0 : i32
      %dma_wait3A_111 = tpu.memref_slice %arg7[%mul3A_92, %dma_wait3A_110] : memref<80x64xi32, #tpu.memory_space<vmem>> -> memref<1x64xi32, #tpu.memory_space<vmem>>
      %dma_wait3A_112 = tpu.memref_squeeze %dma_wait3A_111 : memref<1x64xi32, #tpu.memory_space<vmem>> -> memref<64xi32, #tpu.memory_space<vmem>>
      %dma_wait3A_113 = arith.constant 0 : i32
      %dma_wait3A_114 = arith.constant 0 : i32
      %dma_wait3A_115 = tpu.memref_slice %arg2[%dma_wait3A_113, %dma_wait3A_114] : memref<10000x128xf32, #tpu.memory_space<hbm>> -> memref<10000x128xf32, #tpu.memory_space<hbm>>
      tpu.wait_indirect_dma semaphore(%arg11 : memref<!tpu.dma_semaphore, #tpu.memory_space<semaphore_mem>>) src(%dma_wait3A_115 : memref<10000x128xf32, #tpu.memory_space<hbm>>) dst(%dma_wait3A_109 : memref<64x128xf32, #tpu.memory_space<vmem>>)
      %run_scoped3A_116 = arith.constant 0 : i32
      "tpu.region"() ({
        %run_scoped3A_137 = tpu.sem_alloc : memref<!tpu.dma_semaphore, #tpu.memory_space<semaphore_mem>>
        %dma_start3A_138 = arith.constant 0 : i32
        %dma_start3A_139 = arith.constant 0 : i32
        %dma_start3A_140 = tpu.memref_slice %arg9[%run_scoped3A_116, %dma_start3A_138, %dma_start3A_139] : memref<2x64x128xf32, #tpu.memory_space<vmem>> -> memref<1x64x128xf32, #tpu.memory_space<vmem>>
        %dma_start3A_141 = tpu.memref_squeeze %dma_start3A_140 : memref<1x64x128xf32, #tpu.memory_space<vmem>> -> memref<64x128xf32, #tpu.memory_space<vmem>>
        %dma_start3A_142 = arith.constant 0 : i32
        %dma_start3A_143 = tpu.memref_slice %arg8[%mul3A_92, %dma_start3A_142] : memref<80x64xi32, #tpu.memory_space<vmem>> -> memref<1x64xi32, #tpu.memory_space<vmem>>
        %dma_start3A_144 = tpu.memref_squeeze %dma_start3A_143 : memref<1x64xi32, #tpu.memory_space<vmem>> -> memref<64xi32, #tpu.memory_space<vmem>>
        %dma_start3A_145 = arith.constant 0 : i32
        %dma_start3A_146 = arith.constant 0 : i32
        %dma_start3A_147 = tpu.memref_slice %arg10[%dma_start3A_145, %dma_start3A_146] : memref<10240x128xf32, #tpu.memory_space<vmem_shared>> -> memref<10240x128xf32, #tpu.memory_space<vmem_shared>>
        tpu.enqueue_indirect_dma source(%dma_start3A_141 : memref<64x128xf32, #tpu.memory_space<vmem>>) target(%dma_start3A_147 : memref<10240x128xf32, #tpu.memory_space<vmem_shared>>) offsets(%dma_start3A_144 : memref<64xi32, #tpu.memory_space<vmem>>) semaphore(%run_scoped3A_137 : memref<!tpu.dma_semaphore, #tpu.memory_space<semaphore_mem>>) {add = true}
        %dma_wait3A_148 = arith.constant 0 : i32
        %dma_wait3A_149 = arith.constant 0 : i32
        %dma_wait3A_150 = tpu.memref_slice %arg9[%run_scoped3A_116, %dma_wait3A_148, %dma_wait3A_149] : memref<2x64x128xf32, #tpu.memory_space<vmem>> -> memref<1x64x128xf32, #tpu.memory_space<vmem>>
        %dma_wait3A_151 = tpu.memref_squeeze %dma_wait3A_150 : memref<1x64x128xf32, #tpu.memory_space<vmem>> -> memref<64x128xf32, #tpu.memory_space<vmem>>
        %dma_wait3A_152 = arith.constant 0 : i32
        %dma_wait3A_153 = tpu.memref_slice %arg8[%mul3A_92, %dma_wait3A_152] : memref<80x64xi32, #tpu.memory_space<vmem>> -> memref<1x64xi32, #tpu.memory_space<vmem>>
        %dma_wait3A_154 = tpu.memref_squeeze %dma_wait3A_153 : memref<1x64xi32, #tpu.memory_space<vmem>> -> memref<64xi32, #tpu.memory_space<vmem>>
        %dma_wait3A_155 = arith.constant 0 : i32
        %dma_wait3A_156 = arith.constant 0 : i32
        %dma_wait3A_157 = tpu.memref_slice %arg10[%dma_wait3A_155, %dma_wait3A_156] : memref<10240x128xf32, #tpu.memory_space<vmem_shared>> -> memref<10240x128xf32, #tpu.memory_space<vmem_shared>>
        tpu.wait_indirect_dma semaphore(%run_scoped3A_137 : memref<!tpu.dma_semaphore, #tpu.memory_space<semaphore_mem>>) src(%dma_wait3A_151 : memref<64x128xf32, #tpu.memory_space<vmem>>) dst(%dma_wait3A_157 : memref<10240x128xf32, #tpu.memory_space<vmem_shared>>)
        tpu.yield
      }) : () -> ()
      %add3A_117 = arith.constant 2 : i32
      %add3A_118 = arith.addi %mul3A_92, %add3A_117 : i32
      %lt3A = arith.constant 80 : i32
      %lt3A_119 = arith.cmpi slt, %add3A_118, %lt3A : i32
      %convert_element_type3A = arith.extui %lt3A_119 : i1 to i32
      %cond3A = arith.constant 0 : i32
      %cond3A_120 = arith.cmpi ne, %convert_element_type3A, %cond3A : i32
      scf.if %cond3A_120 {
        %add3A_137 = arith.constant 2 : i32
        %add3A_138 = arith.addi %mul3A_92, %add3A_137 : i32
        %dma_start3A_139 = arith.constant 0 : i32
        %dma_start3A_140 = arith.constant 0 : i32
        %dma_start3A_141 = arith.constant 0 : i32
        %dma_start3A_142 = tpu.memref_slice %arg9[%dma_start3A_139, %dma_start3A_140, %dma_start3A_141] : memref<2x64x128xf32, #tpu.memory_space<vmem>> -> memref<1x64x128xf32, #tpu.memory_space<vmem>>
        %dma_start3A_143 = tpu.memref_squeeze %dma_start3A_142 : memref<1x64x128xf32, #tpu.memory_space<vmem>> -> memref<64x128xf32, #tpu.memory_space<vmem>>
        %dma_start3A_144 = arith.constant 0 : i32
        %dma_start3A_145 = tpu.memref_slice %arg7[%add3A_138, %dma_start3A_144] : memref<80x64xi32, #tpu.memory_space<vmem>> -> memref<1x64xi32, #tpu.memory_space<vmem>>
        %dma_start3A_146 = tpu.memref_squeeze %dma_start3A_145 : memref<1x64xi32, #tpu.memory_space<vmem>> -> memref<64xi32, #tpu.memory_space<vmem>>
        %dma_start3A_147 = arith.constant 0 : i32
        %dma_start3A_148 = arith.constant 0 : i32
        %dma_start3A_149 = tpu.memref_slice %arg2[%dma_start3A_147, %dma_start3A_148] : memref<10000x128xf32, #tpu.memory_space<hbm>> -> memref<10000x128xf32, #tpu.memory_space<hbm>>
        tpu.enqueue_indirect_dma source(%dma_start3A_149 : memref<10000x128xf32, #tpu.memory_space<hbm>>) target(%dma_start3A_143 : memref<64x128xf32, #tpu.memory_space<vmem>>) offsets(%dma_start3A_146 : memref<64xi32, #tpu.memory_space<vmem>>) semaphore(%arg11 : memref<!tpu.dma_semaphore, #tpu.memory_space<semaphore_mem>>)
      } else {
      }
      %add3A_121 = arith.constant 1 : i32
      %add3A_122 = arith.addi %mul3A_92, %add3A_121 : i32
      %dma_wait3A_123 = arith.constant 1 : i32
      %dma_wait3A_124 = arith.constant 0 : i32
      %dma_wait3A_125 = arith.constant 0 : i32
      %dma_wait3A_126 = tpu.memref_slice %arg9[%dma_wait3A_123, %dma_wait3A_124, %dma_wait3A_125] : memref<2x64x128xf32, #tpu.memory_space<vmem>> -> memref<1x64x128xf32, #tpu.memory_space<vmem>>
      %dma_wait3A_127 = tpu.memref_squeeze %dma_wait3A_126 : memref<1x64x128xf32, #tpu.memory_space<vmem>> -> memref<64x128xf32, #tpu.memory_space<vmem>>
      %dma_wait3A_128 = arith.constant 0 : i32
      %dma_wait3A_129 = tpu.memref_slice %arg7[%add3A_122, %dma_wait3A_128] : memref<80x64xi32, #tpu.memory_space<vmem>> -> memref<1x64xi32, #tpu.memory_space<vmem>>
      %dma_wait3A_130 = tpu.memref_squeeze %dma_wait3A_129 : memref<1x64xi32, #tpu.memory_space<vmem>> -> memref<64xi32, #tpu.memory_space<vmem>>
      %dma_wait3A_131 = arith.constant 0 : i32
      %dma_wait3A_132 = arith.constant 0 : i32
      %dma_wait3A_133 = tpu.memref_slice %arg2[%dma_wait3A_131, %dma_wait3A_132] : memref<10000x128xf32, #tpu.memory_space<hbm>> -> memref<10000x128xf32, #tpu.memory_space<hbm>>
      tpu.wait_indirect_dma semaphore(%arg12 : memref<!tpu.dma_semaphore, #tpu.memory_space<semaphore_mem>>) src(%dma_wait3A_133 : memref<10000x128xf32, #tpu.memory_space<hbm>>) dst(%dma_wait3A_127 : memref<64x128xf32, #tpu.memory_space<vmem>>)
      %add3A_134 = arith.constant 1 : i32
      %add3A_135 = arith.addi %mul3A_92, %add3A_134 : i32
      %run_scoped3A_136 = arith.constant 1 : i32
      "tpu.region"() ({
        %run_scoped3A_137 = tpu.sem_alloc : memref<!tpu.dma_semaphore, #tpu.memory_space<semaphore_mem>>
        %dma_start3A_138 = arith.constant 0 : i32
        %dma_start3A_139 = arith.constant 0 : i32
        %dma_start3A_140 = tpu.memref_slice %arg9[%run_scoped3A_136, %dma_start3A_138, %dma_start3A_139] : memref<2x64x128xf32, #tpu.memory_space<vmem>> -> memref<1x64x128xf32, #tpu.memory_space<vmem>>
        %dma_start3A_141 = tpu.memref_squeeze %dma_start3A_140 : memref<1x64x128xf32, #tpu.memory_space<vmem>> -> memref<64x128xf32, #tpu.memory_space<vmem>>
        %dma_start3A_142 = arith.constant 0 : i32
        %dma_start3A_143 = tpu.memref_slice %arg8[%add3A_135, %dma_start3A_142] : memref<80x64xi32, #tpu.memory_space<vmem>> -> memref<1x64xi32, #tpu.memory_space<vmem>>
        %dma_start3A_144 = tpu.memref_squeeze %dma_start3A_143 : memref<1x64xi32, #tpu.memory_space<vmem>> -> memref<64xi32, #tpu.memory_space<vmem>>
        %dma_start3A_145 = arith.constant 0 : i32
        %dma_start3A_146 = arith.constant 0 : i32
        %dma_start3A_147 = tpu.memref_slice %arg10[%dma_start3A_145, %dma_start3A_146] : memref<10240x128xf32, #tpu.memory_space<vmem_shared>> -> memref<10240x128xf32, #tpu.memory_space<vmem_shared>>
        tpu.enqueue_indirect_dma source(%dma_start3A_141 : memref<64x128xf32, #tpu.memory_space<vmem>>) target(%dma_start3A_147 : memref<10240x128xf32, #tpu.memory_space<vmem_shared>>) offsets(%dma_start3A_144 : memref<64xi32, #tpu.memory_space<vmem>>) semaphore(%run_scoped3A_137 : memref<!tpu.dma_semaphore, #tpu.memory_space<semaphore_mem>>) {add = true}
        %dma_wait3A_148 = arith.constant 0 : i32
        %dma_wait3A_149 = arith.constant 0 : i32
        %dma_wait3A_150 = tpu.memref_slice %arg9[%run_scoped3A_136, %dma_wait3A_148, %dma_wait3A_149] : memref<2x64x128xf32, #tpu.memory_space<vmem>> -> memref<1x64x128xf32, #tpu.memory_space<vmem>>
        %dma_wait3A_151 = tpu.memref_squeeze %dma_wait3A_150 : memref<1x64x128xf32, #tpu.memory_space<vmem>> -> memref<64x128xf32, #tpu.memory_space<vmem>>
        %dma_wait3A_152 = arith.constant 0 : i32
        %dma_wait3A_153 = tpu.memref_slice %arg8[%add3A_135, %dma_wait3A_152] : memref<80x64xi32, #tpu.memory_space<vmem>> -> memref<1x64xi32, #tpu.memory_space<vmem>>
        %dma_wait3A_154 = tpu.memref_squeeze %dma_wait3A_153 : memref<1x64xi32, #tpu.memory_space<vmem>> -> memref<64xi32, #tpu.memory_space<vmem>>
        %dma_wait3A_155 = arith.constant 0 : i32
        %dma_wait3A_156 = arith.constant 0 : i32
        %dma_wait3A_157 = tpu.memref_slice %arg10[%dma_wait3A_155, %dma_wait3A_156] : memref<10240x128xf32, #tpu.memory_space<vmem_shared>> -> memref<10240x128xf32, #tpu.memory_space<vmem_shared>>
        tpu.wait_indirect_dma semaphore(%run_scoped3A_137 : memref<!tpu.dma_semaphore, #tpu.memory_space<semaphore_mem>>) src(%dma_wait3A_151 : memref<64x128xf32, #tpu.memory_space<vmem>>) dst(%dma_wait3A_157 : memref<10240x128xf32, #tpu.memory_space<vmem_shared>>)
        tpu.yield
      }) : () -> ()
    }
    %scan3A_84 = arith.constant 40 : i32
    %barrier3A_85 = arith.constant 0 : index
    tpu.barrier barrier_id(%barrier3A_85)
    %mul3A_86 = arith.constant 640 : i32
    %mul3A_87 = arith.muli %arg1, %mul3A_86 : i32
    %mul3A_88 = arith.constant 640 : i32
    %mul3A_89 = arith.muli %arg1, %mul3A_88 : i32
    "tpu.region"() ({
      %run_scoped3A_90 = tpu.sem_alloc : memref<!tpu.dma_semaphore, #tpu.memory_space<semaphore_mem>>
      %dma_start3A_91 = arith.constant 0 : i32
      %dma_start3A_92 = tpu.memref_slice %arg6[%arg0, %mul3A_89, %dma_start3A_91] : memref<2x10240x128xf32, #tpu.memory_space<hbm>> -> memref<1x640x128xf32, #tpu.memory_space<hbm>>
      %dma_start3A_93 = tpu.memref_squeeze %dma_start3A_92 : memref<1x640x128xf32, #tpu.memory_space<hbm>> -> memref<640x128xf32, #tpu.memory_space<hbm>>
      %dma_start3A_94 = arith.constant 0 : i32
      %dma_start3A_95 = tpu.memref_slice %arg10[%mul3A_87, %dma_start3A_94] : memref<10240x128xf32, #tpu.memory_space<vmem_shared>> -> memref<640x128xf32, #tpu.memory_space<vmem_shared>>
      tpu.enqueue_dma source(%dma_start3A_95 : memref<640x128xf32, #tpu.memory_space<vmem_shared>>) target(%dma_start3A_93 : memref<640x128xf32, #tpu.memory_space<hbm>>) target_semaphore(%run_scoped3A_90 : memref<!tpu.dma_semaphore, #tpu.memory_space<semaphore_mem>>)
      %dma_wait3A = arith.constant 0 : i32
      %dma_wait3A_96 = tpu.memref_slice %arg6[%arg0, %mul3A_89, %dma_wait3A] : memref<2x10240x128xf32, #tpu.memory_space<hbm>> -> memref<1x640x128xf32, #tpu.memory_space<hbm>>
      %dma_wait3A_97 = tpu.memref_squeeze %dma_wait3A_96 : memref<1x640x128xf32, #tpu.memory_space<hbm>> -> memref<640x128xf32, #tpu.memory_space<hbm>>
      %dma_wait3A_98 = arith.constant 0 : i32
      %dma_wait3A_99 = tpu.memref_slice %arg10[%mul3A_87, %dma_wait3A_98] : memref<10240x128xf32, #tpu.memory_space<vmem_shared>> -> memref<640x128xf32, #tpu.memory_space<vmem_shared>>
      tpu.wait_dma2 semaphore(%run_scoped3A_90 : memref<!tpu.dma_semaphore, #tpu.memory_space<semaphore_mem>>) src(%dma_wait3A_99 : memref<640x128xf32, #tpu.memory_space<vmem_shared>>) dst(%dma_wait3A_97 : memref<640x128xf32, #tpu.memory_space<hbm>>)
      tpu.yield
    }) : () -> ()
    return
  }
}

module attributes {stable_mosaic.version = 14 : i64} {
  func.func @_tc_first(%arg0: i32, %arg1: memref<1000x128xf32, #tpu.memory_space<vmem>>, %arg2: memref<128x128xf32, #tpu.memory_space<vmem>>, %arg3: memref<2x1000x128xf32, #tpu.memory_space<vmem>>, %arg4: memref<1000x128xf32, #tpu.memory_space<vmem>>) attributes {dimension_semantics = [#tpu.dimension_semantics<arbitrary>], iteration_bounds = array<i64: 10>, scalar_prefetch = 0 : i64, scratch_operands = 0 : i64, tpu.core_type = #tpu.core_type<tc>, window_params = [{transform_indices = @transform_0, window_bounds = array<i64: 1000, 128>}, {pipeline_mode = #tpu.pipeline_mode<synchronous>, transform_indices = @transform_1, window_bounds = array<i64: 128, 128>}, {transform_indices = @transform_2, window_bounds = array<i64: 2, 1000, 128>}, {transform_indices = @transform_3, window_bounds = array<i64: 1000, 128>}]} {
    %get3A = arith.constant 0 : index
    %get3A_0 = arith.constant 0 : index
    %get3A_1 = arith.constant 0 : index
    %get3A_2 = vector.load %arg3[%get3A, %get3A_0, %get3A_1] : memref<2x1000x128xf32, #tpu.memory_space<vmem>>, vector<1x1000x1xf32>
    %get3A_3 = vector.shape_cast %get3A_2 : vector<1x1000x1xf32> to vector<1000x1xf32>
    %get3A_4 = arith.constant 1 : index
    %get3A_5 = arith.constant 0 : index
    %get3A_6 = arith.constant 0 : index
    %get3A_7 = vector.load %arg3[%get3A_4, %get3A_5, %get3A_6] : memref<2x1000x128xf32, #tpu.memory_space<vmem>>, vector<1x1000x1xf32>
    %get3A_8 = vector.shape_cast %get3A_7 : vector<1x1000x1xf32> to vector<1000x1xf32>
    %add3A = arith.addf %get3A_3, %get3A_8 : vector<1000x1xf32>
    %add3A_9 = arith.constant 1.000000e+00 : f32
    %add3A_10 = vector.broadcast %add3A_9 : f32 to vector<1000x1xf32>
    %add3A_11 = arith.addf %add3A, %add3A_10 : vector<1000x1xf32>
    %rsqrt3A = math.rsqrt %add3A_11 : vector<1000x1xf32>
    %get3A_12 = arith.constant 0 : index
    %get3A_13 = arith.constant 0 : index
    %get3A_14 = vector.load %arg1[%get3A_12, %get3A_13] : memref<1000x128xf32, #tpu.memory_space<vmem>>, vector<1000x128xf32>
    %get3A_15 = arith.constant 0 : index
    %get3A_16 = arith.constant 0 : index
    %get3A_17 = vector.load %arg2[%get3A_15, %get3A_16] : memref<128x128xf32, #tpu.memory_space<vmem>>, vector<128x128xf32>
    %dot_general3A = arith.constant dense<0.000000e+00> : vector<1000x128xf32>
    %dot_general3A_18 = tpu.matmul %get3A_14, %get3A_17, %dot_general3A {dimension_numbers = #tpu.dot_dimension_numbers<[1], [0], [0], [1], [0, 0, 1, 1], [], []>, transpose_lhs_hint = false} : vector<1000x128xf32>, vector<128x128xf32>, vector<1000x128xf32> -> vector<1000x128xf32>
    %mul3A = vector.broadcast %rsqrt3A : vector<1000x1xf32> to vector<1000x128xf32>
    %mul3A_19 = arith.mulf %dot_general3A_18, %mul3A : vector<1000x128xf32>
    %swap3A = arith.constant 0 : index
    %swap3A_20 = arith.constant 0 : index
    %swap3A_21 = vector.load %arg4[%swap3A, %swap3A_20] : memref<1000x128xf32, #tpu.memory_space<vmem>>, vector<1000x128xf32>
    tpu.vector_store %arg4[%swap3A, %swap3A_20], %mul3A_19 {strides = array<i32>} : memref<1000x128xf32, #tpu.memory_space<vmem>>, vector<1000x128xf32>,
    return
  }
  func.func @transform_0(%arg0: i32) -> (i32, i32) {
    %c0_i32 = arith.constant 0 : i32
    %c0_i32_0 = arith.constant 0 : i32
    return %arg0, %c0_i32 : i32, i32
  }
  func.func @transform_1(%arg0: i32) -> (i32, i32) {
    %c0_i32 = arith.constant 0 : i32
    %c0_i32_0 = arith.constant 0 : i32
    %c0_i32_1 = arith.constant 0 : i32
    return %c0_i32, %c0_i32_0 : i32, i32
  }
  func.func @transform_2(%arg0: i32) -> (i32, i32, i32) {
    %c0_i32 = arith.constant 0 : i32
    %c0_i32_0 = arith.constant 0 : i32
    %c0_i32_1 = arith.constant 0 : i32
    return %c0_i32, %arg0, %c0_i32_0 : i32, i32, i32
  }
  func.func @transform_3(%arg0: i32) -> (i32, i32) {
    %c0_i32 = arith.constant 0 : i32
    %c0_i32_0 = arith.constant 0 : i32
    return %arg0, %c0_i32 : i32, i32
  }
}

module attributes {stable_mosaic.version = 14 : i64} {
  func.func @_tc_mid(%arg0: i32, %arg1: memref<2x1000x128xf32, #tpu.memory_space<vmem>>, %arg2: memref<1000x128xf32, #tpu.memory_space<vmem>>, %arg3: memref<2x1000x128xf32, #tpu.memory_space<vmem>>, %arg4: memref<128x128xf32, #tpu.memory_space<vmem>>, %arg5: memref<1x128xf32, #tpu.memory_space<vmem>>, %arg6: memref<1000x128xf32, #tpu.memory_space<vmem>>) attributes {dimension_semantics = [#tpu.dimension_semantics<arbitrary>], iteration_bounds = array<i64: 10>, scalar_prefetch = 0 : i64, scratch_operands = 0 : i64, tpu.core_type = #tpu.core_type<tc>, window_params = [{transform_indices = @transform_0, window_bounds = array<i64: 2, 1000, 128>}, {transform_indices = @transform_1, window_bounds = array<i64: 1000, 128>}, {transform_indices = @transform_2, window_bounds = array<i64: 2, 1000, 128>}, {pipeline_mode = #tpu.pipeline_mode<synchronous>, transform_indices = @transform_3, window_bounds = array<i64: 128, 128>}, {pipeline_mode = #tpu.pipeline_mode<synchronous>, transform_indices = @transform_4, window_bounds = array<i64: 1, 128>}, {transform_indices = @transform_5, window_bounds = array<i64: 1000, 128>}]} {
    %get3A = arith.constant 0 : index
    %get3A_0 = arith.constant 0 : index
    %get3A_1 = arith.constant 0 : index
    %get3A_2 = vector.load %arg3[%get3A, %get3A_0, %get3A_1] : memref<2x1000x128xf32, #tpu.memory_space<vmem>>, vector<1x1000x1xf32>
    %get3A_3 = vector.shape_cast %get3A_2 : vector<1x1000x1xf32> to vector<1000x1xf32>
    %get3A_4 = arith.constant 1 : index
    %get3A_5 = arith.constant 0 : index
    %get3A_6 = arith.constant 0 : index
    %get3A_7 = vector.load %arg3[%get3A_4, %get3A_5, %get3A_6] : memref<2x1000x128xf32, #tpu.memory_space<vmem>>, vector<1x1000x1xf32>
    %get3A_8 = vector.shape_cast %get3A_7 : vector<1x1000x1xf32> to vector<1000x1xf32>
    %add3A = arith.addf %get3A_3, %get3A_8 : vector<1000x1xf32>
    %add3A_9 = arith.constant 1.000000e+00 : f32
    %add3A_10 = vector.broadcast %add3A_9 : f32 to vector<1000x1xf32>
    %add3A_11 = arith.addf %add3A, %add3A_10 : vector<1000x1xf32>
    %rsqrt3A = math.rsqrt %add3A_11 : vector<1000x1xf32>
    %get3A_12 = arith.constant 0 : index
    %get3A_13 = arith.constant 0 : index
    %get3A_14 = arith.constant 0 : index
    %get3A_15 = vector.load %arg1[%get3A_12, %get3A_13, %get3A_14] : memref<2x1000x128xf32, #tpu.memory_space<vmem>>, vector<1x1000x128xf32>
    %get3A_16 = vector.shape_cast %get3A_15 : vector<1x1000x128xf32> to vector<1000x128xf32>
    %get3A_17 = arith.constant 1 : index
    %get3A_18 = arith.constant 0 : index
    %get3A_19 = arith.constant 0 : index
    %get3A_20 = vector.load %arg1[%get3A_17, %get3A_18, %get3A_19] : memref<2x1000x128xf32, #tpu.memory_space<vmem>>, vector<1x1000x128xf32>
    %get3A_21 = vector.shape_cast %get3A_20 : vector<1x1000x128xf32> to vector<1000x128xf32>
    %add3A_22 = arith.addf %get3A_16, %get3A_21 : vector<1000x128xf32>
    %get3A_23 = arith.constant 0 : index
    %get3A_24 = arith.constant 0 : index
    %get3A_25 = vector.load %arg2[%get3A_23, %get3A_24] : memref<1000x128xf32, #tpu.memory_space<vmem>>, vector<1000x128xf32>
    %add3A_26 = arith.addf %add3A_22, %get3A_25 : vector<1000x128xf32>
    %mul3A = vector.broadcast %rsqrt3A : vector<1000x1xf32> to vector<1000x128xf32>
    %mul3A_27 = arith.mulf %add3A_26, %mul3A : vector<1000x128xf32>
    %get3A_28 = arith.constant 0 : index
    %get3A_29 = arith.constant 0 : index
    %get3A_30 = vector.load %arg5[%get3A_28, %get3A_29] : memref<1x128xf32, #tpu.memory_space<vmem>>, vector<1x128xf32>
    %add3A_31 = vector.broadcast %get3A_30 : vector<1x128xf32> to vector<1000x128xf32>
    %add3A_32 = arith.addf %mul3A_27, %add3A_31 : vector<1000x128xf32>
    %max3A = arith.constant 0.000000e+00 : f32
    %max3A_33 = vector.broadcast %max3A : f32 to vector<1000x128xf32>
    %max3A_34 = arith.maximumf %add3A_32, %max3A_33 : vector<1000x128xf32>
    %get3A_35 = arith.constant 0 : index
    %get3A_36 = arith.constant 0 : index
    %get3A_37 = vector.load %arg4[%get3A_35, %get3A_36] : memref<128x128xf32, #tpu.memory_space<vmem>>, vector<128x128xf32>
    %dot_general3A = arith.constant dense<0.000000e+00> : vector<1000x128xf32>
    %dot_general3A_38 = tpu.matmul %max3A_34, %get3A_37, %dot_general3A {dimension_numbers = #tpu.dot_dimension_numbers<[1], [0], [0], [1], [0, 0, 1, 1], [], []>, transpose_lhs_hint = false} : vector<1000x128xf32>, vector<128x128xf32>, vector<1000x128xf32> -> vector<1000x128xf32>
    %mul3A_39 = vector.broadcast %rsqrt3A : vector<1000x1xf32> to vector<1000x128xf32>
    %mul3A_40 = arith.mulf %dot_general3A_38, %mul3A_39 : vector<1000x128xf32>
    %swap3A = arith.constant 0 : index
    %swap3A_41 = arith.constant 0 : index
    %swap3A_42 = vector.load %arg6[%swap3A, %swap3A_41] : memref<1000x128xf32, #tpu.memory_space<vmem>>, vector<1000x128xf32>
    tpu.vector_store %arg6[%swap3A, %swap3A_41], %mul3A_40 {strides = array<i32>} : memref<1000x128xf32, #tpu.memory_space<vmem>>, vector<1000x128xf32>,
    return
  }
  func.func @transform_0(%arg0: i32) -> (i32, i32, i32) {
    %c0_i32 = arith.constant 0 : i32
    %c0_i32_0 = arith.constant 0 : i32
    %c0_i32_1 = arith.constant 0 : i32
    return %c0_i32, %arg0, %c0_i32_0 : i32, i32, i32
  }
  func.func @transform_1(%arg0: i32) -> (i32, i32) {
    %c0_i32 = arith.constant 0 : i32
    %c0_i32_0 = arith.constant 0 : i32
    return %arg0, %c0_i32 : i32, i32
  }
  func.func @transform_2(%arg0: i32) -> (i32, i32, i32) {
    %c0_i32 = arith.constant 0 : i32
    %c0_i32_0 = arith.constant 0 : i32
    %c0_i32_1 = arith.constant 0 : i32
    return %c0_i32, %arg0, %c0_i32_0 : i32, i32, i32
  }
  func.func @transform_3(%arg0: i32) -> (i32, i32) {
    %c0_i32 = arith.constant 0 : i32
    %c0_i32_0 = arith.constant 0 : i32
    %c0_i32_1 = arith.constant 0 : i32
    return %c0_i32, %c0_i32_0 : i32, i32
  }
  func.func @transform_4(%arg0: i32) -> (i32, i32) {
    %c0_i32 = arith.constant 0 : i32
    %c0_i32_0 = arith.constant 0 : i32
    %c0_i32_1 = arith.constant 0 : i32
    return %c0_i32, %c0_i32_0 : i32, i32
  }
  func.func @transform_5(%arg0: i32) -> (i32, i32) {
    %c0_i32 = arith.constant 0 : i32
    %c0_i32_0 = arith.constant 0 : i32
    return %arg0, %c0_i32 : i32, i32
  }
}

module attributes {stable_mosaic.version = 14 : i64} {
  func.func @_tc_pre3(%arg0: i32, %arg1: memref<2x1000x128xf32, #tpu.memory_space<vmem>>, %arg2: memref<1000x128xf32, #tpu.memory_space<vmem>>, %arg3: memref<2x1000x128xf32, #tpu.memory_space<vmem>>, %arg4: memref<1x128xf32, #tpu.memory_space<vmem>>, %arg5: memref<1000x128xf32, #tpu.memory_space<vmem>>) attributes {dimension_semantics = [#tpu.dimension_semantics<arbitrary>], iteration_bounds = array<i64: 10>, scalar_prefetch = 0 : i64, scratch_operands = 0 : i64, tpu.core_type = #tpu.core_type<tc>, window_params = [{transform_indices = @transform_0, window_bounds = array<i64: 2, 1000, 128>}, {transform_indices = @transform_1, window_bounds = array<i64: 1000, 128>}, {transform_indices = @transform_2, window_bounds = array<i64: 2, 1000, 128>}, {pipeline_mode = #tpu.pipeline_mode<synchronous>, transform_indices = @transform_3, window_bounds = array<i64: 1, 128>}, {transform_indices = @transform_4, window_bounds = array<i64: 1000, 128>}]} {
    %get3A = arith.constant 0 : index
    %get3A_0 = arith.constant 0 : index
    %get3A_1 = arith.constant 0 : index
    %get3A_2 = vector.load %arg3[%get3A, %get3A_0, %get3A_1] : memref<2x1000x128xf32, #tpu.memory_space<vmem>>, vector<1x1000x1xf32>
    %get3A_3 = vector.shape_cast %get3A_2 : vector<1x1000x1xf32> to vector<1000x1xf32>
    %get3A_4 = arith.constant 1 : index
    %get3A_5 = arith.constant 0 : index
    %get3A_6 = arith.constant 0 : index
    %get3A_7 = vector.load %arg3[%get3A_4, %get3A_5, %get3A_6] : memref<2x1000x128xf32, #tpu.memory_space<vmem>>, vector<1x1000x1xf32>
    %get3A_8 = vector.shape_cast %get3A_7 : vector<1x1000x1xf32> to vector<1000x1xf32>
    %add3A = arith.addf %get3A_3, %get3A_8 : vector<1000x1xf32>
    %add3A_9 = arith.constant 1.000000e+00 : f32
    %add3A_10 = vector.broadcast %add3A_9 : f32 to vector<1000x1xf32>
    %add3A_11 = arith.addf %add3A, %add3A_10 : vector<1000x1xf32>
    %rsqrt3A = math.rsqrt %add3A_11 : vector<1000x1xf32>
    %get3A_12 = arith.constant 0 : index
    %get3A_13 = arith.constant 0 : index
    %get3A_14 = arith.constant 0 : index
    %get3A_15 = vector.load %arg1[%get3A_12, %get3A_13, %get3A_14] : memref<2x1000x128xf32, #tpu.memory_space<vmem>>, vector<1x1000x128xf32>
    %get3A_16 = vector.shape_cast %get3A_15 : vector<1x1000x128xf32> to vector<1000x128xf32>
    %get3A_17 = arith.constant 1 : index
    %get3A_18 = arith.constant 0 : index
    %get3A_19 = arith.constant 0 : index
    %get3A_20 = vector.load %arg1[%get3A_17, %get3A_18, %get3A_19] : memref<2x1000x128xf32, #tpu.memory_space<vmem>>, vector<1x1000x128xf32>
    %get3A_21 = vector.shape_cast %get3A_20 : vector<1x1000x128xf32> to vector<1000x128xf32>
    %add3A_22 = arith.addf %get3A_16, %get3A_21 : vector<1000x128xf32>
    %get3A_23 = arith.constant 0 : index
    %get3A_24 = arith.constant 0 : index
    %get3A_25 = vector.load %arg2[%get3A_23, %get3A_24] : memref<1000x128xf32, #tpu.memory_space<vmem>>, vector<1000x128xf32>
    %add3A_26 = arith.addf %add3A_22, %get3A_25 : vector<1000x128xf32>
    %mul3A = vector.broadcast %rsqrt3A : vector<1000x1xf32> to vector<1000x128xf32>
    %mul3A_27 = arith.mulf %add3A_26, %mul3A : vector<1000x128xf32>
    %get3A_28 = arith.constant 0 : index
    %get3A_29 = arith.constant 0 : index
    %get3A_30 = vector.load %arg4[%get3A_28, %get3A_29] : memref<1x128xf32, #tpu.memory_space<vmem>>, vector<1x128xf32>
    %add3A_31 = vector.broadcast %get3A_30 : vector<1x128xf32> to vector<1000x128xf32>
    %add3A_32 = arith.addf %mul3A_27, %add3A_31 : vector<1000x128xf32>
    %max3A = arith.constant 0.000000e+00 : f32
    %max3A_33 = vector.broadcast %max3A : f32 to vector<1000x128xf32>
    %max3A_34 = arith.maximumf %add3A_32, %max3A_33 : vector<1000x128xf32>
    %mul3A_35 = vector.broadcast %rsqrt3A : vector<1000x1xf32> to vector<1000x128xf32>
    %mul3A_36 = arith.mulf %max3A_34, %mul3A_35 : vector<1000x128xf32>
    %swap3A = arith.constant 0 : index
    %swap3A_37 = arith.constant 0 : index
    %swap3A_38 = vector.load %arg5[%swap3A, %swap3A_37] : memref<1000x128xf32, #tpu.memory_space<vmem>>, vector<1000x128xf32>
    tpu.vector_store %arg5[%swap3A, %swap3A_37], %mul3A_36 {strides = array<i32>} : memref<1000x128xf32, #tpu.memory_space<vmem>>, vector<1000x128xf32>,
    return
  }
  func.func @transform_0(%arg0: i32) -> (i32, i32, i32) {
    %c0_i32 = arith.constant 0 : i32
    %c0_i32_0 = arith.constant 0 : i32
    %c0_i32_1 = arith.constant 0 : i32
    return %c0_i32, %arg0, %c0_i32_0 : i32, i32, i32
  }
  func.func @transform_1(%arg0: i32) -> (i32, i32) {
    %c0_i32 = arith.constant 0 : i32
    %c0_i32_0 = arith.constant 0 : i32
    return %arg0, %c0_i32 : i32, i32
  }
  func.func @transform_2(%arg0: i32) -> (i32, i32, i32) {
    %c0_i32 = arith.constant 0 : i32
    %c0_i32_0 = arith.constant 0 : i32
    %c0_i32_1 = arith.constant 0 : i32
    return %c0_i32, %arg0, %c0_i32_0 : i32, i32, i32
  }
  func.func @transform_3(%arg0: i32) -> (i32, i32) {
    %c0_i32 = arith.constant 0 : i32
    %c0_i32_0 = arith.constant 0 : i32
    %c0_i32_1 = arith.constant 0 : i32
    return %c0_i32, %c0_i32_0 : i32, i32
  }
  func.func @transform_4(%arg0: i32) -> (i32, i32) {
    %c0_i32 = arith.constant 0 : i32
    %c0_i32_0 = arith.constant 0 : i32
    return %arg0, %c0_i32 : i32, i32
  }
}

module attributes {stable_mosaic.version = 14 : i64} {
  func.func @_tc_last(%arg0: i32, %arg1: memref<2x1000x128xf32, #tpu.memory_space<vmem>>, %arg2: memref<1000x128xf32, #tpu.memory_space<vmem>>, %arg3: memref<2x1000x128xf32, #tpu.memory_space<vmem>>, %arg4: memref<128x40xf32, #tpu.memory_space<vmem>>, %arg5: memref<1x40xf32, #tpu.memory_space<vmem>>, %arg6: memref<1000x40xf32, #tpu.memory_space<vmem>>) attributes {dimension_semantics = [#tpu.dimension_semantics<arbitrary>], iteration_bounds = array<i64: 10>, scalar_prefetch = 0 : i64, scratch_operands = 0 : i64, tpu.core_type = #tpu.core_type<tc>, window_params = [{transform_indices = @transform_0, window_bounds = array<i64: 2, 1000, 128>}, {transform_indices = @transform_1, window_bounds = array<i64: 1000, 128>}, {transform_indices = @transform_2, window_bounds = array<i64: 2, 1000, 128>}, {pipeline_mode = #tpu.pipeline_mode<synchronous>, transform_indices = @transform_3, window_bounds = array<i64: 128, 40>}, {pipeline_mode = #tpu.pipeline_mode<synchronous>, transform_indices = @transform_4, window_bounds = array<i64: 1, 40>}, {transform_indices = @transform_5, window_bounds = array<i64: 1000, 40>}]} {
    %get3A = arith.constant 0 : index
    %get3A_0 = arith.constant 0 : index
    %get3A_1 = arith.constant 0 : index
    %get3A_2 = vector.load %arg3[%get3A, %get3A_0, %get3A_1] : memref<2x1000x128xf32, #tpu.memory_space<vmem>>, vector<1x1000x1xf32>
    %get3A_3 = vector.shape_cast %get3A_2 : vector<1x1000x1xf32> to vector<1000x1xf32>
    %get3A_4 = arith.constant 1 : index
    %get3A_5 = arith.constant 0 : index
    %get3A_6 = arith.constant 0 : index
    %get3A_7 = vector.load %arg3[%get3A_4, %get3A_5, %get3A_6] : memref<2x1000x128xf32, #tpu.memory_space<vmem>>, vector<1x1000x1xf32>
    %get3A_8 = vector.shape_cast %get3A_7 : vector<1x1000x1xf32> to vector<1000x1xf32>
    %add3A = arith.addf %get3A_3, %get3A_8 : vector<1000x1xf32>
    %add3A_9 = arith.constant 1.000000e+00 : f32
    %add3A_10 = vector.broadcast %add3A_9 : f32 to vector<1000x1xf32>
    %add3A_11 = arith.addf %add3A, %add3A_10 : vector<1000x1xf32>
    %rsqrt3A = math.rsqrt %add3A_11 : vector<1000x1xf32>
    %get3A_12 = arith.constant 0 : index
    %get3A_13 = arith.constant 0 : index
    %get3A_14 = arith.constant 0 : index
    %get3A_15 = vector.load %arg1[%get3A_12, %get3A_13, %get3A_14] : memref<2x1000x128xf32, #tpu.memory_space<vmem>>, vector<1x1000x128xf32>
    %get3A_16 = vector.shape_cast %get3A_15 : vector<1x1000x128xf32> to vector<1000x128xf32>
    %get3A_17 = arith.constant 1 : index
    %get3A_18 = arith.constant 0 : index
    %get3A_19 = arith.constant 0 : index
    %get3A_20 = vector.load %arg1[%get3A_17, %get3A_18, %get3A_19] : memref<2x1000x128xf32, #tpu.memory_space<vmem>>, vector<1x1000x128xf32>
    %get3A_21 = vector.shape_cast %get3A_20 : vector<1x1000x128xf32> to vector<1000x128xf32>
    %add3A_22 = arith.addf %get3A_16, %get3A_21 : vector<1000x128xf32>
    %get3A_23 = arith.constant 0 : index
    %get3A_24 = arith.constant 0 : index
    %get3A_25 = vector.load %arg2[%get3A_23, %get3A_24] : memref<1000x128xf32, #tpu.memory_space<vmem>>, vector<1000x128xf32>
    %add3A_26 = arith.addf %add3A_22, %get3A_25 : vector<1000x128xf32>
    %mul3A = vector.broadcast %rsqrt3A : vector<1000x1xf32> to vector<1000x128xf32>
    %mul3A_27 = arith.mulf %add3A_26, %mul3A : vector<1000x128xf32>
    %get3A_28 = arith.constant 0 : index
    %get3A_29 = arith.constant 0 : index
    %get3A_30 = vector.load %arg4[%get3A_28, %get3A_29] : memref<128x40xf32, #tpu.memory_space<vmem>>, vector<128x40xf32>
    %dot_general3A = arith.constant dense<0.000000e+00> : vector<1000x40xf32>
    %dot_general3A_31 = tpu.matmul %mul3A_27, %get3A_30, %dot_general3A {dimension_numbers = #tpu.dot_dimension_numbers<[1], [0], [0], [1], [0, 0, 1, 1], [], []>, transpose_lhs_hint = false} : vector<1000x128xf32>, vector<128x40xf32>, vector<1000x40xf32> -> vector<1000x40xf32>
    %get3A_32 = arith.constant 0 : index
    %get3A_33 = arith.constant 0 : index
    %get3A_34 = vector.load %arg5[%get3A_32, %get3A_33] : memref<1x40xf32, #tpu.memory_space<vmem>>, vector<1x40xf32>
    %add3A_35 = vector.broadcast %get3A_34 : vector<1x40xf32> to vector<1000x40xf32>
    %add3A_36 = arith.addf %dot_general3A_31, %add3A_35 : vector<1000x40xf32>
    %reduce_max3A = arith.constant dense<0xFF800000> : vector<1000xf32>
    %reduce_max3A_37 = vector.multi_reduction <maximumf>, %add3A_36, %reduce_max3A [1] : vector<1000x40xf32> to vector<1000xf32>
    %broadcast_in_dim3A = vector.shape_cast %reduce_max3A_37 : vector<1000xf32> to vector<1000x1xf32>
    %sub3A = vector.broadcast %broadcast_in_dim3A : vector<1000x1xf32> to vector<1000x40xf32>
    %sub3A_38 = arith.subf %add3A_36, %sub3A : vector<1000x40xf32>
    %exp3A = math.exp %sub3A_38 : vector<1000x40xf32>
    %reduce_sum3A = arith.constant dense<0.000000e+00> : vector<1000xf32>
    %reduce_sum3A_39 = vector.multi_reduction <add>, %exp3A, %reduce_sum3A [1] : vector<1000x40xf32> to vector<1000xf32>
    %broadcast_in_dim3A_40 = vector.shape_cast %reduce_sum3A_39 : vector<1000xf32> to vector<1000x1xf32>
    %log3A = math.log %broadcast_in_dim3A_40 : vector<1000x1xf32>
    %sub3A_41 = vector.broadcast %broadcast_in_dim3A : vector<1000x1xf32> to vector<1000x40xf32>
    %sub3A_42 = arith.subf %add3A_36, %sub3A_41 : vector<1000x40xf32>
    %sub3A_43 = vector.broadcast %log3A : vector<1000x1xf32> to vector<1000x40xf32>
    %sub3A_44 = arith.subf %sub3A_42, %sub3A_43 : vector<1000x40xf32>
    %swap3A = arith.constant 0 : index
    %swap3A_45 = arith.constant 0 : index
    %swap3A_46 = vector.load %arg6[%swap3A, %swap3A_45] : memref<1000x40xf32, #tpu.memory_space<vmem>>, vector<1000x40xf32>
    tpu.vector_store %arg6[%swap3A, %swap3A_45], %sub3A_44 {strides = array<i32>} : memref<1000x40xf32, #tpu.memory_space<vmem>>, vector<1000x40xf32>,
    return
  }
  func.func @transform_0(%arg0: i32) -> (i32, i32, i32) {
    %c0_i32 = arith.constant 0 : i32
    %c0_i32_0 = arith.constant 0 : i32
    %c0_i32_1 = arith.constant 0 : i32
    return %c0_i32, %arg0, %c0_i32_0 : i32, i32, i32
  }
  func.func @transform_1(%arg0: i32) -> (i32, i32) {
    %c0_i32 = arith.constant 0 : i32
    %c0_i32_0 = arith.constant 0 : i32
    return %arg0, %c0_i32 : i32, i32
  }
  func.func @transform_2(%arg0: i32) -> (i32, i32, i32) {
    %c0_i32 = arith.constant 0 : i32
    %c0_i32_0 = arith.constant 0 : i32
    %c0_i32_1 = arith.constant 0 : i32
    return %c0_i32, %arg0, %c0_i32_0 : i32, i32, i32
  }
  func.func @transform_3(%arg0: i32) -> (i32, i32) {
    %c0_i32 = arith.constant 0 : i32
    %c0_i32_0 = arith.constant 0 : i32
    %c0_i32_1 = arith.constant 0 : i32
    return %c0_i32, %c0_i32_0 : i32, i32
  }
  func.func @transform_4(%arg0: i32) -> (i32, i32) {
    %c0_i32 = arith.constant 0 : i32
    %c0_i32_0 = arith.constant 0 : i32
    %c0_i32_1 = arith.constant 0 : i32
    return %c0_i32, %c0_i32_0 : i32, i32
  }
  func.func @transform_5(%arg0: i32) -> (i32, i32) {
    %c0_i32 = arith.constant 0 : i32
    %c0_i32_0 = arith.constant 0 : i32
    return %arg0, %c0_i32 : i32, i32
  }
}

</mosaic_0001>

<sc_bundles>
// kernel: kernel.10.cloned.1.call-start
scs
__scs_entry_jumppad:
0x0: {  	(pc) =	sbr.rel $0x88, $3  }
0x1: {  	(tag) =	ssettag $0x0;
	lr =	simm.s32 $0x1  }
0x2: {  	[smem:$0x3F99] =	sst lr;
	_ =	strace $0xD0000000  }
0x3: {  	_ = 	snop  }
0x4: {  	_ = 	snop  }
0x5: {  	_ = 	snop  }
0x6: {  	_ = 	snop  }
0x7: {  	_ = 	snop  }
__scs_overlays_trampoline_lowered:
0x8: {  	[smem:$0x3FA8] =	sst s0  }
0x9: {  	[smem:$0x3FA9] =	sst s1  }
0xa: {  	[smem:$0x3FAA] =	sst s2  }
0xb: {  	[smem:$0x3FAB] =	sst s3  }
0xc: {  	[smem:$0x3FAC] =	sst s4  }
0xd: {  	[smem:$0x3FAD] =	sst s5  }
0xe: {  	[smem:$0x3FAE] =	sst s6  }
0xf: {  	[smem:$0x3FAF] =	sst s7  }
0x10: {  	[smem:$0x3FB0] =	sst s8  }
0x11: {  	[smem:$0x3FB1] =	sst s9;
	s0 =	simm.s32 @!p0 $0x0  }
0x12: {  	s1 =	sld [smem:$0x3F97];
	s0 =	simm.s32 @p0 $0x1  }
0x13: {  	[smem:$0x3FB2] =	sst s0;
	s0 =	simm.s32 @!p1 $0x0  }
0x14: {  	s2 =	sld [smem:$0x3F96];
	s0 =	simm.s32 @p1 $0x1  }
0x15: {  	[smem:$0x3FB3] =	sst s0;
	s0 =	simm.s32 @!p2 $0x0  }
0x16: {  	s3 =	sld [smem:$0x3FDB];
	s0 =	simm.s32 @p2 $0x1  }
0x17: {  	s4 =	simm.s32 $0x1BF5;
	[smem:$0x3FB5] =	sst s0  }
0x18: {  	s0 =	sld [smem:$0x3F98];
	_ =	swait.ge [sflag:s4], $0x0  }
0x19: {  	s7 =	sld [smem:$0x3F99]  }
0x1a: {  	s8 =	sadd.s32 $0xFFFFE003, lr  }
0x1b: {  	s9 =	sadd.s32 $0xFFFFFEF7, lr;
	s5 =	simm.s32 $0xFFFFFFFF;
	p2 =	slt.u32 s8, $0xFFFFF086  }
0x1c: {  	p1 =	slt.u32 s9, $0xF7A;
	s5 =	simm.s32 @!p2 $0x0  }
0x1d: {  	s5 =	simm.s32 @p1 $0x1;
	p0 =	seq.s32 s7, s2  }
0x1e: {  	s7 =	smul.u32 @!p0 $0xF7A, s2;
	p2 =	seq.s32 @!p0 s5, $0x0  }
0x1f: {  	s9 =	smul.u32 $0xF7A, s1;
	s8 =	simm.s32 @!p0 $0x1BF5;
	p2 =	por !p2, p0  }
0x20: {  	[sflag:s8] =	ssyncset.s32 @!p0 $0xFFFFF086;
	s6 =	sadd.s32 @!p0 s3, s7;
	s7 =	simm.s32 @!p0 $0x108  }
0x21: {  	s3 =	sadd.s32 s3, s9;
	s6 =	sadd.s32 @!p0 $0x88, s6;
	s7 =	simm.s32 @p2 $0x1082  }
0x22: {  	[simem:s7], [sflag:s8] =	dma.local @!p0 [hbm:s6], $0xF7A  }
0x23: {  	s9 =	sor.u32 $0xD0000000, s2;
	s6 =	simm.s32 $0x108;
	_ =	swait.ge @!p0 [sflag:s8], $0x0  }
0x24: {  	s3 =	sadd.s32 $0x88, s3;
	s6 =	simm.s32 @!p1 $0x1082;
	[sflag:s4] =	ssyncset.s32 $0xFFFFF086  }
0x25: {  	[simem:s6], [sflag:s4] =	dma.local [hbm:s3], $0xF7A  }
0x26: {  	[smem:$0x3F99] =	sst s1;
	(tag) =	ssettag s2;
	_ =	strace s9  }
0x27: {  	s1 =	sld [smem:$0x3FA9]  }
0x28: {  	s2 =	sld [smem:$0x3FAA]  }
0x29: {  	s4 =	sld [smem:$0x3FAC]  }
0x2a: {  	p0 =	seq.s32 s5, $0x0;
	s5 =	sld [smem:$0x3FAD]  }
0x2b: {  	s6 =	sld [smem:$0x3FAE]  }
0x2c: {  	s7 =	sld [smem:$0x3FAF]  }
0x2d: {  	s3 =	simm.s32 $0x108;
	s8 =	sld [smem:$0x3FB0]  }
0x2e: {  	s3 =	simm.s32 @!p0 $0x1082;
	s9 =	sld [smem:$0x3FB1]  }
0x2f: {  	lr =	sadd.s32 s0, s3;
	s0 =	sld [smem:$0x3FA8]  }
0x30: {  	s3 =	sld [smem:$0x3FAB]  }
0x31: {  	[smem:$0x3FB4] =	sst s10  }
0x32: {  	s10 =	sld [smem:$0x3FB2];
	_ =	sdelay $0x3  }
0x33: {  	p0 =	seq.s32 s10, $0x1;
	s10 =	sld [smem:$0x3FB4];
	_ =	sdelay $0x3  }
0x34: {  	[smem:$0x3FB4] =	sst s10  }
0x35: {  	s10 =	sld [smem:$0x3FB3];
	_ =	sdelay $0x3  }
0x36: {  	p1 =	seq.s32 s10, $0x1;
	s10 =	sld [smem:$0x3FB4];
	_ =	sdelay $0x3  }
0x37: {  	[smem:$0x3FB4] =	sst s10  }
0x38: {  	s10 =	sld [smem:$0x3FB5]  }
0x39: {  	_ = 	snop;
	(pc) =	sbr.ind lr, $3  }
0x3a: {  	_ = 	snop  }
0x3b: {  	_ = 	snop  }
0x3c: {  	p2 =	seq.s32 s10, $0x1;
	s10 =	sld [smem:$0x3FB4]  }
0x3d: {  	_ =	shalt  }
0x3e: {  	_ =	shalt  }
0x3f: {  	_ =	shalt  }
0x40: {  	_ =	shalt  }
0x41: {  	_ =	shalt  }
0x42: {  	_ =	shalt  }
0x43: {  	_ =	shalt  }
0x44: {  	_ =	shalt  }
0x45: {  	_ =	shalt  }
0x46: {  	_ =	shalt  }
0x47: {  	_ =	shalt  }
0x48: {  	_ =	shalt  }
0x49: {  	_ =	shalt  }
0x4a: {  	_ =	shalt  }
0x4b: {  	_ =	shalt  }
0x4c: {  	_ =	shalt  }
0x4d: {  	_ =	shalt  }
0x4e: {  	_ =	shalt  }
0x4f: {  	_ =	shalt  }
0x50: {  	_ =	shalt  }
0x51: {  	_ =	shalt  }
0x52: {  	_ =	shalt  }
0x53: {  	_ =	shalt  }
0x54: {  	_ =	shalt  }
0x55: {  	_ =	shalt  }
0x56: {  	_ =	shalt  }
0x57: {  	_ =	shalt  }
0x58: {  	_ =	shalt  }
0x59: {  	_ =	shalt  }
0x5a: {  	_ =	shalt  }
0x5b: {  	_ =	shalt  }
0x5c: {  	_ =	shalt  }
0x5d: {  	_ =	shalt  }
0x5e: {  	_ =	shalt  }
0x5f: {  	_ =	shalt  }
0x60: {  	_ =	shalt  }
0x61: {  	_ =	shalt  }
0x62: {  	_ =	shalt  }
0x63: {  	_ =	shalt  }
0x64: {  	_ =	shalt  }
0x65: {  	_ =	shalt  }
0x66: {  	_ =	shalt  }
0x67: {  	_ =	shalt  }
0x68: {  	_ =	shalt  }
0x69: {  	_ =	shalt  }
0x6a: {  	_ =	shalt  }
0x6b: {  	_ =	shalt  }
0x6c: {  	_ =	shalt  }
0x6d: {  	_ =	shalt  }
0x6e: {  	_ =	shalt  }
0x6f: {  	_ =	shalt  }
0x70: {  	_ =	shalt  }
0x71: {  	_ =	shalt  }
0x72: {  	_ =	shalt  }
0x73: {  	_ =	shalt  }
0x74: {  	_ =	shalt  }
0x75: {  	_ =	shalt  }
0x76: {  	_ =	shalt  }
0x77: {  	_ =	shalt  }
0x78: {  	_ =	shalt  }
0x79: {  	_ =	shalt  }
0x7a: {  	_ =	shalt  }
0x7b: {  	_ =	shalt  }
0x7c: {  	_ =	shalt  }
0x7d: {  	_ =	shalt  }
0x7e: {  	_ =	shalt  }
0x7f: {  	_ =	shalt  }
0x80: {  	_ =	shalt  }
0x81: {  	_ =	shalt  }
0x82: {  	_ =	shalt  }
0x83: {  	_ =	shalt  }
0x84: {  	_ =	shalt  }
0x85: {  	_ =	shalt  }
0x86: {  	_ =	shalt  }
0x87: {  	_ =	shalt  }
.Lfunc_end0:
.L_simem_size_0:
called_computation_lowered:
.L_overlay_start_0:
0x88: {  	s2 =	sld [smem:$0x3FD9]  }
0x89: {  	s3 =	sld [smem:$0x3FFE];
	_ =	sdelay $0x1  }
0x8a: {  	s1 =	srdreg.scid  }
0x8b: {  	s0 =	sand.u32 $0x1, s1  }
0x8c: {  	s17 =	sshll.u32 s0, $0xA;
	s2 =	sadd.s32 s3, s2  }
0x8d: {  	s2 =	sadd.s32 s2, s17  }
0x8e: {  	[smem:$0x3FC0] =	sst s2  }
0x8f: {  	_ = 	snop  }
0x90: {  	s2 =	sld [smem:$0x3FD0];
	(tm) =	ssettm $0x1  }
0x91: {  	s18 =	sld [smem:$0x3FFB];
	_ =	sdelay $0x3  }
0x92: {  	_ =	strace s18  }
0x93: {  	s3 =	sld [smem:$0x3FFC];
	_ =	sdelay $0x3  }
0x94: {  	_ =	strace s3  }
0x95: {  	s3 =	sld [smem:$0x3FFD];
	_ =	sdelay $0x3  }
0x96: {  	_ =	strace s3  }
0x97: {  	_ =	strace $0x8FFFFFFF  }
0x98: {  	s19 =	sld [smem:$0x3FDB];
	_ =	sdelay $0x1  }
0x99: {  	s4 =	simm.s32 $_scs_section_size  }
0x9a: {  	s5 =	simm.s32 $_size__tile_overlayer_lowered;
	s6 =	simm.s32 $_tile_overlayer_lowered  }
0x9b: {  	s22 =	simm.s32 $0x1BFF;
	s21 =	sshll.u32 s6, $0x1;
	s3 =	sadd.s32 s4, s19  }
0x9c: {  	s7 =	simm.s32 $0x0;
	s20 =	sshll.u32 s5, $0x1;
	s5 =	sadd.s32 s21, s3  }
0x9d: {  	[timem:s7], [sflag:s22] =	dma.local [hbm:s5], s20  }
0x9e: {  	_ =	swait.ge [sflag:s22], s20  }
0x9f: {  	s4 =	ssub.s32 $0x0, s20;
	[sflag:s22] =	ssyncset.done $0x0  }
0xa0: {  	[sflag:s22] =	ssyncadd.s32 s4;
	_ =	sdelay $0x1  }
0xa1: {  	s23 =	simm.s32 $0x1B8B  }
0xa2: {  	_ =	swait.ge [sflag:s23], $0x1  }
0xa3: {  	[sflag:s23] =	ssyncset.done $0x0  }
0xa4: {  	s25 =	simm.s32 $0x1B8E;
	s24 =	sld [smem:$0x3FFE];
	[sflag:s23] =	ssyncadd.s32 $0xFFFFFFFF  }
0xa5: {  	s26 =	simm.s32 $execute0_lowered;
	[smem:$0x3FD2] =	sst s25  }
0xa6: {  	s5 =	sshll.u32 s26, $0x1;
	_ =	strace $0x80000046;
	[dreg:$0x1] =	wrdreg $0xFFFFFFFF  }
0xa7: {  	s28 =	simm.s32 $_size_execute0_lowered;
	s3 =	sadd.s32 s3, s5;
	[dreg:$0x0] =	wrdreg $0x0  }
0xa8: {  	s5 =	sshll.u32 s28, $0x1;
	[dreg:$0x2] =	wrdreg s3  }
0xa9: {  	[dreg:$0x3] =	wrdreg s5  }
0xaa: {  	[dreg:$0x4] =	wrdreg $0xC0  }
0xab: {  	_ =	task [dreg:s7], $0x5FFFF  }
0xac: {  	[dreg:$0x1] =	wrdreg $0xFFFFFFFF  }
0xad: {  	[dreg:$0x0] =	wrdreg $0x60  }
0xae: {  	[dreg:$0x2] =	wrdreg s24  }
0xaf: {  	[dreg:$0x3] =	wrdreg s2  }
0xb0: {  	[dreg:$0x4] =	wrdreg $0x90000  }
0xb1: {  	[dreg:$0x5] =	wrdreg $0x9  }
0xb2: {  	_ =	task.clear_ibuf [dreg:s7], $0x6FFFF;
	_ =	strace $0x90000046  }
0xb3: {  	s29 =	simm.s32 $0x9;
	_ =	strace $0x80000048  }
0xb4: {  	_ =	swait.ge [sflag:s29], $0x1  }
0xb5: {  	[sflag:s29] =	ssyncadd.s32 $0xFFFFFFFF  }
0xb6: {  	_ =	strace $0x90000048  }
0xb7: {  	_ =	sfence  }
0xb8: {  	s30 =	sld [smem:$0x0];
	_ =	sdelay $0x2  }
0xb9: {  	s31 =	sshll.u32 s1, $0xD;
	s1 =	sshrl.u32 s1, $0x2  }
0xba: {  	s3 =	sand.u32 $0x4000, s31;
	s1 =	sadd.s32 s1, s30  }
0xbb: {  	s0 =	sor.u32 s3, s0;
	s1 =	sshll.u32 s1, $0x11  }
0xbc: {  	s0 =	sor.u32 s1, s0  }
0xbd: {  	s0 =	sadd.s32 $0x8F2B, s0  }
0xbe: {  	[sflag:s0] =	ssyncadd.remote.s32 $0x1  }
0xbf: {  	_ =	sfence.sel $0xFFFF  }
0xc0: {  	[dreg:$0x0] =	wrdreg $0xFFFFFFFF;
	(pc) =	sbr.abs _section_cstart, $3  }
0xc1: {  	[dreg:$0x1] =	wrdreg $0xFFFFFFFF  }
0xc2: {  	_ =	task.clear_ibuf [dreg:s7], $0x2FFFF;
	_ =	strace $0x9FFFFFFF  }
0xc3: {  	(tm) =	ssettm $0x7FFFFFFF  }
tec
execute0_lowered:
.L_overlay_start_1:
0x0: {  	(tag) =	ssettag $0x1  }
0x1: {  	s1 =	srdreg.scid;
	s6 =	rddreg [dreg:$0x0]  }
0x2: {  	s0 =	stileid.u32;
	s2 =	rddreg [dreg:$0x1]  }
0x3: {  	s3 =	rddreg [dreg:$0x2];
	s4 =	simm.s32 $0x0;
	s19 =	simm.s32 $0x5000  }
0x4: {  	s20 =	simm.s32 $0x1;
	s21 =	simm.s32 $0x7000;
	s22 =	simm.s32 $0x40  }
0x5: {  	s25 =	simm.s32 $0x0;
	s7 =	sand.u32 $0x1, s1;
	s9 =	smul.u32 $0x14000, s0  }
0x6: {  	s29 =	sshll.u32 s0, $0x1;
	[smem:$0x7FF] =	sst s4;
	s10 =	smul.u32 $0x50000, s0  }
0x7: {  	s23 =	sshll.u32 s0, $0x6;
	s1 =	sor.u32 s7, s29;
	s8 =	smul.u32 $0x140000, s7  }
0x8: {  	s7 =	ssub.s32 $0x2, s7;
	s23 =	sor.u32 $0x1C01, s23;
	s5 =	smul.u32 $0xA00, s1  }
0x9: {  	s1 =	rddreg [dreg:$0x3];
	_ =	strace $0x80000047;
	s31 =	sshrl.u32 s7, $0x1  }
0xa: {  	s30 =	sshrl.u32 s10, $0x2;
	s8 =	sadd.s32 s9, s8;
	s18 =	ssub.s32 s7, s31  }
0xb: {  	s16 =	sadd.s32 s5, s6;
	s5 =	sadd.s32 $0x17000, s6;
	s8 =	sshrl.u32 s8, $0x3  }
0xc: {  	s18 =	smax.u32 s18, $0x1;
	s17 =	sadd.s32 s8, s6;
	s6 =	sadd.s32 s30, s3  }
0xd: {  	s16 =	sadd.s32 $0x3000, s16;
	s7 =	sadd.s32 $0x2000, s6;
	s8 =	sadd.s32 $0x4000, s6  }
0xe: {  	s9 =	sadd.s32 $0x6000, s6;
	s10 =	sadd.s32 $0x8000, s6;
	s11 =	sadd.s32 $0xA000, s6  }
0xf: {  	s12 =	sadd.s32 $0xC000, s6;
	s13 =	sadd.s32 $0xE000, s6;
	s14 =	sadd.s32 $0x10000, s6  }
0x10: {  	s15 =	sadd.s32 $0x12000, s6;
	s17 =	sadd.s32 $0x17400, s17;
	s24 =	sshrl.u32 s6, $0x3  }
.LBB2_1:
0x11: {  	[tilespmem:s19], [sflag:$0x1] =	stream.linear.gather [hbm4b:s2+s4], $0x2000, $0x38;
	[tilespmem:$0x1D000] =	vst v63  }
0x12: {  	_ =	swait.ge [sflag:s20], $0x2000  }
0x13: {  	[sflag:s20] =	ssyncset.done $0x0  }
0x14: {  	[sflag:s20] =	ssyncadd.s32 $0xFFFFE000  }
0x15: {  	[tilespmem:s21], [sflag:$0x1] =	stream.linear.gather [hbm4b:s5+s4], $0x2000, $0x38;
	[tilespmem:$0x1D000] =	vst v63  }
0x16: {  	_ =	swait.ge [sflag:s20], $0x2000  }
0x17: {  	[sflag:s20] =	ssyncset.done $0x0  }
0x18: {  	[sflag:s20] =	ssyncadd.s32 $0xFFFFE000  }
0x19: {  	[spmem:s6] =	stream.linear.scatter [tilespmem:s19], [sflag:$0x1], $0x2000, $0x38;
	[tilespmem:$0x1D000] =	vst v63  }
0x1a: {  	_ =	swait.ge [sflag:s20], $0x2000  }
0x1b: {  	[sflag:s20] =	ssyncset.done $0x0  }
0x1c: {  	[sflag:s20] =	ssyncadd.s32 $0xFFFFE000  }
0x1d: {  	[spmem:s7] =	stream.linear.scatter [tilespmem:s19], [sflag:$0x1], $0x2000, $0x38;
	[tilespmem:$0x1D000] =	vst v63  }
0x1e: {  	_ =	swait.ge [sflag:s20], $0x2000  }
0x1f: {  	[sflag:s20] =	ssyncset.done $0x0  }
0x20: {  	[sflag:s20] =	ssyncadd.s32 $0xFFFFE000  }
0x21: {  	[spmem:s8] =	stream.linear.scatter [tilespmem:s19], [sflag:$0x1], $0x2000, $0x38;
	[tilespmem:$0x1D000] =	vst v63  }
0x22: {  	_ =	swait.ge [sflag:s20], $0x2000  }
0x23: {  	[sflag:s20] =	ssyncset.done $0x0  }
0x24: {  	[sflag:s20] =	ssyncadd.s32 $0xFFFFE000  }
0x25: {  	[spmem:s9] =	stream.linear.scatter [tilespmem:s19], [sflag:$0x1], $0x2000, $0x38;
	[tilespmem:$0x1D000] =	vst v63  }
0x26: {  	_ =	swait.ge [sflag:s20], $0x2000  }
0x27: {  	[sflag:s20] =	ssyncset.done $0x0  }
0x28: {  	[sflag:s20] =	ssyncadd.s32 $0xFFFFE000  }
0x29: {  	[spmem:s10] =	stream.linear.scatter [tilespmem:s19], [sflag:$0x1], $0x2000, $0x38;
	[tilespmem:$0x1D000] =	vst v63  }
0x2a: {  	_ =	swait.ge [sflag:s20], $0x2000  }
0x2b: {  	[sflag:s20] =	ssyncset.done $0x0  }
0x2c: {  	[sflag:s20] =	ssyncadd.s32 $0xFFFFE000  }
0x2d: {  	[spmem:s11] =	stream.linear.scatter [tilespmem:s19], [sflag:$0x1], $0x2000, $0x38;
	[tilespmem:$0x1D000] =	vst v63  }
0x2e: {  	_ =	swait.ge [sflag:s20], $0x2000  }
0x2f: {  	[sflag:s20] =	ssyncset.done $0x0  }
0x30: {  	[sflag:s20] =	ssyncadd.s32 $0xFFFFE000  }
0x31: {  	[spmem:s12] =	stream.linear.scatter [tilespmem:s19], [sflag:$0x1], $0x2000, $0x38;
	[tilespmem:$0x1D000] =	vst v63  }
0x32: {  	_ =	swait.ge [sflag:s20], $0x2000  }
0x33: {  	[sflag:s20] =	ssyncset.done $0x0  }
0x34: {  	[sflag:s20] =	ssyncadd.s32 $0xFFFFE000  }
0x35: {  	[spmem:s13] =	stream.linear.scatter [tilespmem:s19], [sflag:$0x1], $0x2000, $0x38;
	[tilespmem:$0x1D000] =	vst v63  }
0x36: {  	_ =	swait.ge [sflag:s20], $0x2000  }
0x37: {  	[sflag:s20] =	ssyncset.done $0x0  }
0x38: {  	[sflag:s20] =	ssyncadd.s32 $0xFFFFE000  }
0x39: {  	[spmem:s14] =	stream.linear.scatter [tilespmem:s19], [sflag:$0x1], $0x2000, $0x38;
	[tilespmem:$0x1D000] =	vst v63  }
0x3a: {  	_ =	swait.ge [sflag:s20], $0x2000  }
0x3b: {  	[sflag:s20] =	ssyncset.done $0x0  }
0x3c: {  	[sflag:s20] =	ssyncadd.s32 $0xFFFFE000  }
0x3d: {  	[spmem:s15] =	stream.linear.scatter [tilespmem:s19], [sflag:$0x1], $0x2000, $0x38;
	[tilespmem:$0x1D000] =	vst v63  }
0x3e: {  	_ =	swait.ge [sflag:s20], $0x2000  }
0x3f: {  	[sflag:s20] =	ssyncset.done $0x0  }
0x40: {  	[sflag:s20] =	ssyncadd.s32 $0xFFFFE000  }
0x41: {  	[bflag:$0x0] =	sbarrier.arrive $0xFFFF  }
0x42: {  	[tilespmem:s4], [sflag:$0x1] =	stream.linear.gather [hbm4b:s16+s4], $0x5000, $0x38;
	[tilespmem:$0x1D000] =	vst v63  }
0x43: {  	_ =	swait.ge [sflag:s20], $0x5000  }
0x44: {  	[sflag:s20] =	ssyncset.done $0x0  }
0x45: {  	s26 =	simm.s32 $0x0;
	[sflag:s20] =	ssyncadd.s32 $0xFFFFB000  }
0x46: {  	[spmem:s3] =	stream.indirect.scatter.add.f32 [tilespmem:s21], [sflag:$0x1], $0x80, s26, s22, $0xb8;
	[tilespmem:$0x1D000] =	vst v63  }
0x47: {  	_ =	swait.ge [sflag:s20], $0x2000  }
0x48: {  	s26 =	simm.s32 $0x200;
	[sflag:s20] =	ssyncset.done $0x0  }
.LBB2_2:
0x49: {  	s28 =	sshra.s32 s26, $0x2;
	[sflag:s20] =	ssyncadd.s32 $0xFFFFE000;
	p0 =	sne.s32 s26, $0x13E00  }
0x4a: {  	[spmem:s3] =	stream.indirect.scatter.add.f32 [tilespmem:s21], [sflag:$0x1], $0x80, s28, s22, $0xb8;
	[tilespmem:$0x1D000] =	vst v63  }
.Ltmp0:
0x4b: {  	_ = 	snop;
	(pc) =	sbr.rel @p0 .LBB2_2-.Ltmp0, $4  }
0x4c: {  	_ = 	snop  }
0x4d: {  	s26 =	sadd.s32 $0x200, s26  }
0x4e: {  	_ =	swait.ge [sflag:s20], $0x2000  }
0x4f: {  	[sflag:s20] =	ssyncset.done $0x0  }
0x50: {  	s25 =	sadd.s32 $0x1, s25  }
0x51: {  	[sflag:s20] =	ssyncadd.s32 $0xFFFFE000;
	p0 =	sne.s32 s25, s18  }
.Ltmp1:
0x52: {  	[bflag:$0x0] =	sbarrier.arrive $0xFFFF;
	(pc) =	sbr.rel @p0 .LBB2_1-.Ltmp1, $4  }
0x53: {  	[hbm:s17], [sflag:s23] =	dma.local [spmem:s24], $0x2800  }
0x54: {  	_ =	swait.ge [sflag:s20], $0x2800  }
0x55: {  	[sflag:s20] =	ssyncset.done $0x0  }
0x56: {  	[sflag:s20] =	ssyncadd.s32 $0xFFFFD800  }
0x57: {  	_ =	sfence.sel $0x180000  }
0x58: {  	[bflag:$0x0] =	sbarrier.arrive $0xFFFF  }
0x59: {  	p0 =	sne.s32 s0, $0x0;
	_ =	strace $0x90000047  }
0x5a: {  	s0 =	sadd.s32 @!p0 $0x100000, s1;
	[bflag:$0x2] =	sbarrier.arrive $0xFFFF  }
0x5b: {  	[sflag:s0] =	ssyncadd.tile.s32 @!p0 $0x1;
	_ =	shalt  }
.Lfunc_end2:
_tile_overlayer_lowered:
.L_overlay_start_2:
0x5c: {  	(tag) =	ssettag $0x2  }
0x5d: {  	s0 =	rddreg [dreg:$0x0];
	s2 =	stileid.u32  }
0x5e: {  	s1 =	rddreg [dreg:$0x1];
	p0 =	sne.s32 s2, $0x0  }
0x5f: {  	s3 =	rddreg [dreg:$0x2];
	[bflag:$0x3] =	sbarrier.arrive $0xFFFF;
	s2 =	simm.s32 @!p0 $0x1C01  }
0x60: {  	[timem:s3], [sflag:s2] =	dma.local @!p0 [hbm:s0], s1  }
0x61: {  	s0 =	simm.s32 @!p0 $0x1  }
0x62: {  	_ =	swait.ge @!p0 [sflag:s0], s1  }
0x63: {  	s1 =	ssub.s32 @!p0 $0x0, s1;
	[sflag:s0] =	ssyncset.done @!p0 $0x0  }
0x64: {  	[sflag:s0] =	ssyncadd.s32 @!p0 s1  }
0x65: {  	[bflag:$0x3] =	sbarrier.arrive $0xFFFF  }
0x66: {  	_ =	shalt  }

// kernel: kernel.13.cloned.1.call-start
scs
__scs_entry_jumppad:
0x0: {  	(pc) =	sbr.rel $0x88, $3  }
0x1: {  	(tag) =	ssettag $0x0;
	lr =	simm.s32 $0x1  }
0x2: {  	[smem:$0x3F99] =	sst lr;
	_ =	strace $0xD0000000  }
0x3: {  	_ = 	snop  }
0x4: {  	_ = 	snop  }
0x5: {  	_ = 	snop  }
0x6: {  	_ = 	snop  }
0x7: {  	_ = 	snop  }
__scs_overlays_trampoline_lowered:
0x8: {  	[smem:$0x3FA8] =	sst s0  }
0x9: {  	[smem:$0x3FA9] =	sst s1  }
0xa: {  	[smem:$0x3FAA] =	sst s2  }
0xb: {  	[smem:$0x3FAB] =	sst s3  }
0xc: {  	[smem:$0x3FAC] =	sst s4  }
0xd: {  	[smem:$0x3FAD] =	sst s5  }
0xe: {  	[smem:$0x3FAE] =	sst s6  }
0xf: {  	[smem:$0x3FAF] =	sst s7  }
0x10: {  	[smem:$0x3FB0] =	sst s8  }
0x11: {  	[smem:$0x3FB1] =	sst s9;
	s0 =	simm.s32 @!p0 $0x0  }
0x12: {  	s1 =	sld [smem:$0x3F97];
	s0 =	simm.s32 @p0 $0x1  }
0x13: {  	[smem:$0x3FB2] =	sst s0;
	s0 =	simm.s32 @!p1 $0x0  }
0x14: {  	s2 =	sld [smem:$0x3F96];
	s0 =	simm.s32 @p1 $0x1  }
0x15: {  	[smem:$0x3FB3] =	sst s0;
	s0 =	simm.s32 @!p2 $0x0  }
0x16: {  	s3 =	sld [smem:$0x3FDB];
	s0 =	simm.s32 @p2 $0x1  }
0x17: {  	s4 =	simm.s32 $0x1BF5;
	[smem:$0x3FB5] =	sst s0  }
0x18: {  	s0 =	sld [smem:$0x3F98];
	_ =	swait.ge [sflag:s4], $0x0  }
0x19: {  	s7 =	sld [smem:$0x3F99]  }
0x1a: {  	s8 =	sadd.s32 $0xFFFFE003, lr  }
0x1b: {  	s9 =	sadd.s32 $0xFFFFFEF7, lr;
	s5 =	simm.s32 $0xFFFFFFFF;
	p2 =	slt.u32 s8, $0xFFFFF086  }
0x1c: {  	p1 =	slt.u32 s9, $0xF7A;
	s5 =	simm.s32 @!p2 $0x0  }
0x1d: {  	s5 =	simm.s32 @p1 $0x1;
	p0 =	seq.s32 s7, s2  }
0x1e: {  	s7 =	smul.u32 @!p0 $0xF7A, s2;
	p2 =	seq.s32 @!p0 s5, $0x0  }
0x1f: {  	s9 =	smul.u32 $0xF7A, s1;
	s8 =	simm.s32 @!p0 $0x1BF5;
	p2 =	por !p2, p0  }
0x20: {  	[sflag:s8] =	ssyncset.s32 @!p0 $0xFFFFF086;
	s6 =	sadd.s32 @!p0 s3, s7;
	s7 =	simm.s32 @!p0 $0x108  }
0x21: {  	s3 =	sadd.s32 s3, s9;
	s6 =	sadd.s32 @!p0 $0x88, s6;
	s7 =	simm.s32 @p2 $0x1082  }
0x22: {  	[simem:s7], [sflag:s8] =	dma.local @!p0 [hbm:s6], $0xF7A  }
0x23: {  	s9 =	sor.u32 $0xD0000000, s2;
	s6 =	simm.s32 $0x108;
	_ =	swait.ge @!p0 [sflag:s8], $0x0  }
0x24: {  	s3 =	sadd.s32 $0x88, s3;
	s6 =	simm.s32 @!p1 $0x1082;
	[sflag:s4] =	ssyncset.s32 $0xFFFFF086  }
0x25: {  	[simem:s6], [sflag:s4] =	dma.local [hbm:s3], $0xF7A  }
0x26: {  	[smem:$0x3F99] =	sst s1;
	(tag) =	ssettag s2;
	_ =	strace s9  }
0x27: {  	s1 =	sld [smem:$0x3FA9]  }
0x28: {  	s2 =	sld [smem:$0x3FAA]  }
0x29: {  	s4 =	sld [smem:$0x3FAC]  }
0x2a: {  	p0 =	seq.s32 s5, $0x0;
	s5 =	sld [smem:$0x3FAD]  }
0x2b: {  	s6 =	sld [smem:$0x3FAE]  }
0x2c: {  	s7 =	sld [smem:$0x3FAF]  }
0x2d: {  	s3 =	simm.s32 $0x108;
	s8 =	sld [smem:$0x3FB0]  }
0x2e: {  	s3 =	simm.s32 @!p0 $0x1082;
	s9 =	sld [smem:$0x3FB1]  }
0x2f: {  	lr =	sadd.s32 s0, s3;
	s0 =	sld [smem:$0x3FA8]  }
0x30: {  	s3 =	sld [smem:$0x3FAB]  }
0x31: {  	[smem:$0x3FB4] =	sst s10  }
0x32: {  	s10 =	sld [smem:$0x3FB2];
	_ =	sdelay $0x3  }
0x33: {  	p0 =	seq.s32 s10, $0x1;
	s10 =	sld [smem:$0x3FB4];
	_ =	sdelay $0x3  }
0x34: {  	[smem:$0x3FB4] =	sst s10  }
0x35: {  	s10 =	sld [smem:$0x3FB3];
	_ =	sdelay $0x3  }
0x36: {  	p1 =	seq.s32 s10, $0x1;
	s10 =	sld [smem:$0x3FB4];
	_ =	sdelay $0x3  }
0x37: {  	[smem:$0x3FB4] =	sst s10  }
0x38: {  	s10 =	sld [smem:$0x3FB5]  }
0x39: {  	_ = 	snop;
	(pc) =	sbr.ind lr, $3  }
0x3a: {  	_ = 	snop  }
0x3b: {  	_ = 	snop  }
0x3c: {  	p2 =	seq.s32 s10, $0x1;
	s10 =	sld [smem:$0x3FB4]  }
0x3d: {  	_ =	shalt  }
0x3e: {  	_ =	shalt  }
0x3f: {  	_ =	shalt  }
0x40: {  	_ =	shalt  }
0x41: {  	_ =	shalt  }
0x42: {  	_ =	shalt  }
0x43: {  	_ =	shalt  }
0x44: {  	_ =	shalt  }
0x45: {  	_ =	shalt  }
0x46: {  	_ =	shalt  }
0x47: {  	_ =	shalt  }
0x48: {  	_ =	shalt  }
0x49: {  	_ =	shalt  }
0x4a: {  	_ =	shalt  }
0x4b: {  	_ =	shalt  }
0x4c: {  	_ =	shalt  }
0x4d: {  	_ =	shalt  }
0x4e: {  	_ =	shalt  }
0x4f: {  	_ =	shalt  }
0x50: {  	_ =	shalt  }
0x51: {  	_ =	shalt  }
0x52: {  	_ =	shalt  }
0x53: {  	_ =	shalt  }
0x54: {  	_ =	shalt  }
0x55: {  	_ =	shalt  }
0x56: {  	_ =	shalt  }
0x57: {  	_ =	shalt  }
0x58: {  	_ =	shalt  }
0x59: {  	_ =	shalt  }
0x5a: {  	_ =	shalt  }
0x5b: {  	_ =	shalt  }
0x5c: {  	_ =	shalt  }
0x5d: {  	_ =	shalt  }
0x5e: {  	_ =	shalt  }
0x5f: {  	_ =	shalt  }
0x60: {  	_ =	shalt  }
0x61: {  	_ =	shalt  }
0x62: {  	_ =	shalt  }
0x63: {  	_ =	shalt  }
0x64: {  	_ =	shalt  }
0x65: {  	_ =	shalt  }
0x66: {  	_ =	shalt  }
0x67: {  	_ =	shalt  }
0x68: {  	_ =	shalt  }
0x69: {  	_ =	shalt  }
0x6a: {  	_ =	shalt  }
0x6b: {  	_ =	shalt  }
0x6c: {  	_ =	shalt  }
0x6d: {  	_ =	shalt  }
0x6e: {  	_ =	shalt  }
0x6f: {  	_ =	shalt  }
0x70: {  	_ =	shalt  }
0x71: {  	_ =	shalt  }
0x72: {  	_ =	shalt  }
0x73: {  	_ =	shalt  }
0x74: {  	_ =	shalt  }
0x75: {  	_ =	shalt  }
0x76: {  	_ =	shalt  }
0x77: {  	_ =	shalt  }
0x78: {  	_ =	shalt  }
0x79: {  	_ =	shalt  }
0x7a: {  	_ =	shalt  }
0x7b: {  	_ =	shalt  }
0x7c: {  	_ =	shalt  }
0x7d: {  	_ =	shalt  }
0x7e: {  	_ =	shalt  }
0x7f: {  	_ =	shalt  }
0x80: {  	_ =	shalt  }
0x81: {  	_ =	shalt  }
0x82: {  	_ =	shalt  }
0x83: {  	_ =	shalt  }
0x84: {  	_ =	shalt  }
0x85: {  	_ =	shalt  }
0x86: {  	_ =	shalt  }
0x87: {  	_ =	shalt  }
.Lfunc_end0:
.L_simem_size_0:
called_computation.1_lowered:
.L_overlay_start_0:
0x88: {  	s2 =	sld [smem:$0x3FD9]  }
0x89: {  	s3 =	sld [smem:$0x3FFE];
	_ =	sdelay $0x1  }
0x8a: {  	s1 =	srdreg.scid  }
0x8b: {  	s0 =	sand.u32 $0x1, s1  }
0x8c: {  	s17 =	sshll.u32 s0, $0xA;
	s2 =	sadd.s32 s3, s2  }
0x8d: {  	s2 =	sadd.s32 s2, s17  }
0x8e: {  	[smem:$0x3FC0] =	sst s2  }
0x8f: {  	_ = 	snop  }
0x90: {  	s2 =	sld [smem:$0x3FD0];
	(tm) =	ssettm $0x1  }
0x91: {  	s18 =	sld [smem:$0x3FFB];
	_ =	sdelay $0x3  }
0x92: {  	_ =	strace s18  }
0x93: {  	s3 =	sld [smem:$0x3FFC];
	_ =	sdelay $0x3  }
0x94: {  	_ =	strace s3  }
0x95: {  	s3 =	sld [smem:$0x3FFD];
	_ =	sdelay $0x3  }
0x96: {  	_ =	strace s3  }
0x97: {  	_ =	strace $0x8FFFFFFF  }
0x98: {  	s19 =	sld [smem:$0x3FDB];
	_ =	sdelay $0x1  }
0x99: {  	s4 =	simm.s32 $_scs_section_size  }
0x9a: {  	s5 =	simm.s32 $_size__tile_overlayer_lowered;
	s6 =	simm.s32 $_tile_overlayer_lowered  }
0x9b: {  	s22 =	simm.s32 $0x1BFF;
	s21 =	sshll.u32 s6, $0x1;
	s3 =	sadd.s32 s4, s19  }
0x9c: {  	s7 =	simm.s32 $0x0;
	s20 =	sshll.u32 s5, $0x1;
	s5 =	sadd.s32 s21, s3  }
0x9d: {  	[timem:s7], [sflag:s22] =	dma.local [hbm:s5], s20  }
0x9e: {  	_ =	swait.ge [sflag:s22], s20  }
0x9f: {  	s4 =	ssub.s32 $0x0, s20;
	[sflag:s22] =	ssyncset.done $0x0  }
0xa0: {  	[sflag:s22] =	ssyncadd.s32 s4;
	_ =	sdelay $0x1  }
0xa1: {  	s23 =	simm.s32 $0x1B8B  }
0xa2: {  	_ =	swait.ge [sflag:s23], $0x1  }
0xa3: {  	[sflag:s23] =	ssyncset.done $0x0  }
0xa4: {  	s25 =	simm.s32 $0x1B8E;
	s24 =	sld [smem:$0x3FFE];
	[sflag:s23] =	ssyncadd.s32 $0xFFFFFFFF  }
0xa5: {  	s26 =	simm.s32 $execute0_lowered;
	[smem:$0x3FD2] =	sst s25  }
0xa6: {  	s5 =	sshll.u32 s26, $0x1;
	_ =	strace $0x80000049;
	[dreg:$0x1] =	wrdreg $0xFFFFFFFF  }
0xa7: {  	s28 =	simm.s32 $_size_execute0_lowered;
	s3 =	sadd.s32 s3, s5;
	[dreg:$0x0] =	wrdreg $0x0  }
0xa8: {  	s5 =	sshll.u32 s28, $0x1;
	[dreg:$0x2] =	wrdreg s3  }
0xa9: {  	[dreg:$0x3] =	wrdreg s5  }
0xaa: {  	[dreg:$0x4] =	wrdreg $0xC0  }
0xab: {  	_ =	task [dreg:s7], $0x5FFFF  }
0xac: {  	[dreg:$0x1] =	wrdreg $0xFFFFFFFF  }
0xad: {  	[dreg:$0x0] =	wrdreg $0x60  }
0xae: {  	[dreg:$0x2] =	wrdreg s24  }
0xaf: {  	[dreg:$0x3] =	wrdreg s2  }
0xb0: {  	[dreg:$0x4] =	wrdreg $0x90000  }
0xb1: {  	[dreg:$0x5] =	wrdreg $0x9  }
0xb2: {  	_ =	task.clear_ibuf [dreg:s7], $0x6FFFF;
	_ =	strace $0x90000049  }
0xb3: {  	s29 =	simm.s32 $0x9;
	_ =	strace $0x8000004B  }
0xb4: {  	_ =	swait.ge [sflag:s29], $0x1  }
0xb5: {  	[sflag:s29] =	ssyncadd.s32 $0xFFFFFFFF  }
0xb6: {  	_ =	strace $0x9000004B  }
0xb7: {  	_ =	sfence  }
0xb8: {  	s30 =	sld [smem:$0x0];
	_ =	sdelay $0x2  }
0xb9: {  	s31 =	sshll.u32 s1, $0xD;
	s1 =	sshrl.u32 s1, $0x2  }
0xba: {  	s3 =	sand.u32 $0x4000, s31;
	s1 =	sadd.s32 s1, s30  }
0xbb: {  	s0 =	sor.u32 s3, s0;
	s1 =	sshll.u32 s1, $0x11  }
0xbc: {  	s0 =	sor.u32 s1, s0  }
0xbd: {  	s0 =	sadd.s32 $0x8F2B, s0  }
0xbe: {  	[sflag:s0] =	ssyncadd.remote.s32 $0x1  }
0xbf: {  	_ =	sfence.sel $0xFFFF  }
0xc0: {  	[dreg:$0x0] =	wrdreg $0xFFFFFFFF;
	(pc) =	sbr.abs _section_cstart, $3  }
0xc1: {  	[dreg:$0x1] =	wrdreg $0xFFFFFFFF  }
0xc2: {  	_ =	task.clear_ibuf [dreg:s7], $0x2FFFF;
	_ =	strace $0x9FFFFFFF  }
0xc3: {  	(tm) =	ssettm $0x7FFFFFFF  }
tec
execute0_lowered:
.L_overlay_start_1:
0x0: {  	(tag) =	ssettag $0x1  }
0x1: {  	s0 =	rddreg [dreg:$0x0]  }
0x2: {  	s2 =	rddreg [dreg:$0x2];
	s1 =	srdreg.scid  }
0x3: {  	s4 =	simm.s32 $0x0;
	s9 =	stileid.u32;
	s28 =	simm.s32 $0x1  }
0x4: {  	s29 =	simm.s32 $0x2;
	s30 =	simm.s32 $0x2780;
	s31 =	simm.s32 $0x4F00  }
0x5: {  	s1 =	sand.u32 $0x1, s1;
	[smem:$0x7FF] =	sst s4;
	s6 =	smul.u32 $0x14000, s9  }
0x6: {  	s5 =	sadd.s32 $0x7B400, s0;
	s7 =	sadd.s32 $0x67400, s0;
	s20 =	smul.u32 $0x50000, s9  }
0x7: {  	s19 =	sadd.s32 $0x3000, s0;
	s22 =	sshll.u32 s9, $0x1;
	s3 =	smul.u32 $0x140000, s1  }
0x8: {  	_ =	strace $0x8000004A;
	s8 =	ssub.s32 $0x2, s1;
	s1 =	sor.u32 s1, s22  }
0x9: {  	s22 =	simm.s32 $0x5000;
	s1 =	smul.u32 $0x5000, s1;
	s3 =	sadd.s32 s6, s3  }
0xa: {  	s21 =	sshrl.u32 s8, $0x1;
	s6 =	sshrl.u32 s20, $0x2;
	s3 =	sshrl.u32 s3, $0x3  }
0xb: {  	s6 =	sadd.s32 s6, s2;
	s1 =	sshrl.u32 s1, $0x3;
	s0 =	sadd.s32 s3, s0  }
0xc: {  	s3 =	ssub.s32 s8, s21;
	s23 =	sadd.s32 $0x2000, s6;
	s24 =	sadd.s32 $0x4000, s6  }
0xd: {  	s25 =	sadd.s32 $0x6000, s6;
	s26 =	sadd.s32 $0x8000, s6;
	s11 =	sadd.s32 $0xA000, s6  }
0xe: {  	s12 =	sadd.s32 $0xC000, s6;
	s13 =	sadd.s32 $0xE000, s6;
	[dreg:$0x4] =	wrdreg s23  }
0xf: {  	s14 =	sadd.s32 $0x10000, s6;
	s16 =	sadd.s32 s7, s1;
	[dreg:$0x5] =	wrdreg s24  }
0x10: {  	s17 =	sadd.s32 s19, s1;
	s1 =	sadd.s32 $0x500, s1;
	[dreg:$0x6] =	wrdreg s25  }
0x11: {  	s15 =	sadd.s32 $0x12000, s6;
	[dreg:$0x7] =	wrdreg s26;
	s18 =	sadd.s32 s7, s1  }
0x12: {  	s19 =	sadd.s32 s19, s1;
	s20 =	sadd.s32 $0xA2600, s0;
	s21 =	smax.u32 s3, $0x1  }
0x13: {  	s23 =	simm.s32 $0x3;
	s24 =	simm.s32 $0x2800;
	s25 =	simm.s32 $0x40  }
0x14: {  	s26 =	simm.s32 $0x7000;
	s0 =	simm.s32 $0x4F80;
	s1 =	simm.s32 $0x0  }
.LBB2_1:
0x15: {  	s3 =	rddreg [dreg:$0x1]  }
0x16: {  	[tilespmem:s22], [sflag:$0x3] =	stream.linear.gather [hbm4b:s3+s4], $0x2000, $0x38;
	[tilespmem:$0x1D000] =	vst v63  }
0x17: {  	_ =	swait.ge [sflag:s23], $0x2000  }
0x18: {  	[sflag:s23] =	ssyncset.done $0x0  }
0x19: {  	[sflag:s23] =	ssyncadd.s32 $0xFFFFE000  }
0x1a: {  	[spmem:s6] =	stream.linear.scatter [tilespmem:s22], [sflag:$0x3], $0x2000, $0x38;
	[tilespmem:$0x1D000] =	vst v63  }
0x1b: {  	_ =	swait.ge [sflag:s23], $0x2000  }
0x1c: {  	[sflag:s23] =	ssyncset.done $0x0  }
0x1d: {  	s7 =	rddreg [dreg:$0x4];
	[sflag:s23] =	ssyncadd.s32 $0xFFFFE000  }
0x1e: {  	[spmem:s7] =	stream.linear.scatter [tilespmem:s22], [sflag:$0x3], $0x2000, $0x38;
	[tilespmem:$0x1D000] =	vst v63  }
0x1f: {  	_ =	swait.ge [sflag:s23], $0x2000  }
0x20: {  	[sflag:s23] =	ssyncset.done $0x0  }
0x21: {  	s8 =	rddreg [dreg:$0x5];
	[sflag:s23] =	ssyncadd.s32 $0xFFFFE000  }
0x22: {  	[spmem:s8] =	stream.linear.scatter [tilespmem:s22], [sflag:$0x3], $0x2000, $0x38;
	[tilespmem:$0x1D000] =	vst v63  }
0x23: {  	_ =	swait.ge [sflag:s23], $0x2000  }
0x24: {  	[sflag:s23] =	ssyncset.done $0x0  }
0x25: {  	s9 =	rddreg [dreg:$0x6];
	[sflag:s23] =	ssyncadd.s32 $0xFFFFE000  }
0x26: {  	[spmem:s9] =	stream.linear.scatter [tilespmem:s22], [sflag:$0x3], $0x2000, $0x38;
	[tilespmem:$0x1D000] =	vst v63  }
0x27: {  	_ =	swait.ge [sflag:s23], $0x2000  }
0x28: {  	[sflag:s23] =	ssyncset.done $0x0  }
0x29: {  	s10 =	rddreg [dreg:$0x7];
	[sflag:s23] =	ssyncadd.s32 $0xFFFFE000  }
0x2a: {  	[spmem:s10] =	stream.linear.scatter [tilespmem:s22], [sflag:$0x3], $0x2000, $0x38;
	[tilespmem:$0x1D000] =	vst v63  }
0x2b: {  	_ =	swait.ge [sflag:s23], $0x2000  }
0x2c: {  	[sflag:s23] =	ssyncset.done $0x0  }
0x2d: {  	[sflag:s23] =	ssyncadd.s32 $0xFFFFE000  }
0x2e: {  	[spmem:s11] =	stream.linear.scatter [tilespmem:s22], [sflag:$0x3], $0x2000, $0x38;
	[tilespmem:$0x1D000] =	vst v63  }
0x2f: {  	_ =	swait.ge [sflag:s23], $0x2000  }
0x30: {  	[sflag:s23] =	ssyncset.done $0x0  }
0x31: {  	[sflag:s23] =	ssyncadd.s32 $0xFFFFE000  }
0x32: {  	[spmem:s12] =	stream.linear.scatter [tilespmem:s22], [sflag:$0x3], $0x2000, $0x38;
	[tilespmem:$0x1D000] =	vst v63  }
0x33: {  	_ =	swait.ge [sflag:s23], $0x2000  }
0x34: {  	[sflag:s23] =	ssyncset.done $0x0  }
0x35: {  	[sflag:s23] =	ssyncadd.s32 $0xFFFFE000  }
0x36: {  	[spmem:s13] =	stream.linear.scatter [tilespmem:s22], [sflag:$0x3], $0x2000, $0x38;
	[tilespmem:$0x1D000] =	vst v63  }
0x37: {  	_ =	swait.ge [sflag:s23], $0x2000  }
0x38: {  	[sflag:s23] =	ssyncset.done $0x0  }
0x39: {  	[sflag:s23] =	ssyncadd.s32 $0xFFFFE000  }
0x3a: {  	[spmem:s14] =	stream.linear.scatter [tilespmem:s22], [sflag:$0x3], $0x2000, $0x38;
	[tilespmem:$0x1D000] =	vst v63  }
0x3b: {  	_ =	swait.ge [sflag:s23], $0x2000  }
0x3c: {  	[sflag:s23] =	ssyncset.done $0x0  }
0x3d: {  	[sflag:s23] =	ssyncadd.s32 $0xFFFFE000  }
0x3e: {  	[spmem:s15] =	stream.linear.scatter [tilespmem:s22], [sflag:$0x3], $0x2000, $0x38;
	[tilespmem:$0x1D000] =	vst v63  }
0x3f: {  	_ =	swait.ge [sflag:s23], $0x2000  }
0x40: {  	[sflag:s23] =	ssyncset.done $0x0  }
0x41: {  	[sflag:s23] =	ssyncadd.s32 $0xFFFFE000  }
0x42: {  	[bflag:$0x0] =	sbarrier.arrive $0xFFFF  }
0x43: {  	[tilespmem:s4], [sflag:$0x3] =	stream.linear.gather [hbm4b:s16+s4], $0x2800, $0x38;
	[tilespmem:$0x1D000] =	vst v63  }
0x44: {  	_ =	swait.ge [sflag:s23], $0x2800  }
0x45: {  	[sflag:s23] =	ssyncset.done $0x0  }
0x46: {  	[sflag:s23] =	ssyncadd.s32 $0xFFFFD800  }
0x47: {  	[tilespmem:s24], [sflag:$0x3] =	stream.linear.gather [hbm4b:s17+s4], $0x2800, $0x38;
	[tilespmem:$0x1D000] =	vst v63  }
0x48: {  	_ =	swait.ge [sflag:s23], $0x2800  }
0x49: {  	[sflag:s23] =	ssyncset.done $0x0  }
0x4a: {  	[sflag:s23] =	ssyncadd.s32 $0xFFFFD800  }
0x4b: {  	[tilespmem:s22], [sflag:$0x1] =	stream.indirect.gather [hbm4b:s5+s25], $0x80, s4, s25, $0xb8;
	[tilespmem:$0x1D000] =	vst v63  }
0x4c: {  	s7 =	simm.s32 $0x80  }
0x4d: {  	[tilespmem:s26], [sflag:$0x2] =	stream.indirect.gather [hbm4b:s5+s25], $0x80, s7, s25, $0xb8;
	[tilespmem:$0x1D000] =	vst v63  }
0x4e: {  	_ =	swait.ge [sflag:s28], $0x2000  }
0x4f: {  	[sflag:s28] =	ssyncset.done $0x0  }
0x50: {  	s8 =	simm.s32 $0x2800;
	[sflag:s28] =	ssyncadd.s32 $0xFFFFE000  }
0x51: {  	[spmem:s2] =	stream.indirect.scatter.add.f32 [tilespmem:s22], [sflag:$0x3], $0x80, s8, s25, $0xb8;
	[tilespmem:$0x1D000] =	vst v63  }
0x52: {  	_ =	swait.ge [sflag:s23], $0x2000  }
0x53: {  	[sflag:s23] =	ssyncset.done $0x0  }
0x54: {  	s9 =	simm.s32 $0x100;
	[sflag:s23] =	ssyncadd.s32 $0xFFFFE000  }
0x55: {  	[tilespmem:s22], [sflag:$0x1] =	stream.indirect.gather [hbm4b:s5+s25], $0x80, s9, s25, $0xb8;
	[tilespmem:$0x1D000] =	vst v63  }
0x56: {  	_ =	swait.ge [sflag:s29], $0x2000  }
0x57: {  	[sflag:s29] =	ssyncset.done $0x0  }
0x58: {  	s10 =	simm.s32 $0x2880;
	[sflag:s29] =	ssyncadd.s32 $0xFFFFE000  }
0x59: {  	[spmem:s2] =	stream.indirect.scatter.add.f32 [tilespmem:s26], [sflag:$0x3], $0x80, s10, s25, $0xb8;
	[tilespmem:$0x1D000] =	vst v63  }
0x5a: {  	_ =	swait.ge [sflag:s23], $0x2000  }
0x5b: {  	s3 =	simm.s32 $0x100;
	s7 =	simm.s32 $0x800;
	[sflag:s23] =	ssyncset.done $0x0  }
.LBB2_2:
0x5c: {  	s8 =	sadd.s32 $0x80, s3  }
0x5d: {  	[sflag:s23] =	ssyncadd.s32 $0xFFFFE000;
	s9 =	smov.u32 s7;
	s10 =	sadd.s32 $0x400, s7  }
0x5e: {  	[tilespmem:s26], [sflag:$0x2] =	stream.indirect.gather [hbm4b:s5+s25], $0x80, s8, s25, $0xb8;
	[tilespmem:$0x1D000] =	vst v63  }
0x5f: {  	p0 =	sne.s32 s7, $0x9800;
	_ =	swait.ge [sflag:s28], $0x2000  }
0x60: {  	[sflag:s28] =	ssyncset.done $0x0  }
0x61: {  	s7 =	sadd.s32 $0x2800, s3;
	[sflag:s28] =	ssyncadd.s32 $0xFFFFE000  }
0x62: {  	[spmem:s2] =	stream.indirect.scatter.add.f32 [tilespmem:s22], [sflag:$0x3], $0x80, s7, s25, $0xb8;
	[tilespmem:$0x1D000] =	vst v63  }
0x63: {  	_ =	swait.ge [sflag:s23], $0x2000  }
0x64: {  	[sflag:s23] =	ssyncset.done $0x0  }
0x65: {  	s7 =	sadd.s32 $0x100, s3;
	[sflag:s23] =	ssyncadd.s32 $0xFFFFE000  }
0x66: {  	[tilespmem:s22], [sflag:$0x1] =	stream.indirect.gather [hbm4b:s5+s25], $0x80, s7, s25, $0xb8;
	[tilespmem:$0x1D000] =	vst v63  }
0x67: {  	_ =	swait.ge [sflag:s29], $0x2000  }
.Ltmp0:
0x68: {  	[sflag:s29] =	ssyncset.done $0x0;
	(pc) =	sbr.rel @p0 .LBB2_2-.Ltmp0, $4  }
0x69: {  	s3 =	sadd.s32 $0x2880, s3;
	[sflag:s29] =	ssyncadd.s32 $0xFFFFE000  }
0x6a: {  	[spmem:s2] =	stream.indirect.scatter.add.f32 [tilespmem:s26], [sflag:$0x3], $0x80, s3, s25, $0xb8;
	[tilespmem:$0x1D000] =	vst v63  }
0x6b: {  	_ =	swait.ge [sflag:s23], $0x2000  }
0x6c: {  	s7 =	smov.u32 s10;
	s3 =	sshra.s32 s9, $0x2;
	[sflag:s23] =	ssyncset.done $0x0  }
0x6d: {  	s7 =	sadd.s32 $0x80, s3;
	[sflag:s23] =	ssyncadd.s32 $0xFFFFE000  }
0x6e: {  	[tilespmem:s26], [sflag:$0x2] =	stream.indirect.gather [hbm4b:s5+s25], $0x80, s7, s25, $0xb8;
	[tilespmem:$0x1D000] =	vst v63  }
0x6f: {  	_ =	swait.ge [sflag:s28], $0x2000  }
0x70: {  	[sflag:s28] =	ssyncset.done $0x0  }
0x71: {  	s10 =	sadd.s32 $0x2800, s3;
	[sflag:s28] =	ssyncadd.s32 $0xFFFFE000  }
0x72: {  	[spmem:s2] =	stream.indirect.scatter.add.f32 [tilespmem:s22], [sflag:$0x3], $0x80, s10, s25, $0xb8;
	[tilespmem:$0x1D000] =	vst v63  }
0x73: {  	_ =	swait.ge [sflag:s23], $0x2000  }
0x74: {  	[sflag:s23] =	ssyncset.done $0x0  }
0x75: {  	s8 =	sadd.s32 $0x100, s3;
	[sflag:s23] =	ssyncadd.s32 $0xFFFFE000  }
0x76: {  	[tilespmem:s22], [sflag:$0x1] =	stream.indirect.gather [hbm4b:s5+s25], $0x80, s8, s25, $0xb8;
	[tilespmem:$0x1D000] =	vst v63  }
0x77: {  	_ =	swait.ge [sflag:s29], $0x2000  }
0x78: {  	[sflag:s29] =	ssyncset.done $0x0  }
0x79: {  	s9 =	sadd.s32 $0x2880, s3;
	[sflag:s29] =	ssyncadd.s32 $0xFFFFE000  }
0x7a: {  	[spmem:s2] =	stream.indirect.scatter.add.f32 [tilespmem:s26], [sflag:$0x3], $0x80, s9, s25, $0xb8;
	[tilespmem:$0x1D000] =	vst v63  }
0x7b: {  	_ =	swait.ge [sflag:s23], $0x2000  }
0x7c: {  	[sflag:s23] =	ssyncset.done $0x0  }
0x7d: {  	[sflag:s23] =	ssyncadd.s32 $0xFFFFE000  }
0x7e: {  	[tilespmem:s26], [sflag:$0x2] =	stream.indirect.gather [hbm4b:s5+s25], $0x80, s30, s25, $0xb8;
	[tilespmem:$0x1D000] =	vst v63  }
0x7f: {  	_ =	swait.ge [sflag:s28], $0x2000  }
0x80: {  	[sflag:s28] =	ssyncset.done $0x0  }
0x81: {  	[sflag:s28] =	ssyncadd.s32 $0xFFFFE000  }
0x82: {  	[spmem:s2] =	stream.indirect.scatter.add.f32 [tilespmem:s22], [sflag:$0x3], $0x80, s31, s25, $0xb8;
	[tilespmem:$0x1D000] =	vst v63  }
0x83: {  	_ =	swait.ge [sflag:s23], $0x2000  }
0x84: {  	[sflag:s23] =	ssyncset.done $0x0  }
0x85: {  	[sflag:s23] =	ssyncadd.s32 $0xFFFFE000  }
0x86: {  	_ =	swait.ge [sflag:s29], $0x2000  }
0x87: {  	[sflag:s29] =	ssyncset.done $0x0  }
0x88: {  	[sflag:s29] =	ssyncadd.s32 $0xFFFFE000  }
0x89: {  	[spmem:s2] =	stream.indirect.scatter.add.f32 [tilespmem:s26], [sflag:$0x3], $0x80, s0, s25, $0xb8;
	[tilespmem:$0x1D000] =	vst v63  }
0x8a: {  	_ =	swait.ge [sflag:s23], $0x2000  }
0x8b: {  	[sflag:s23] =	ssyncset.done $0x0  }
0x8c: {  	s10 =	simm.s32 $0x0;
	[sflag:s23] =	ssyncadd.s32 $0xFFFFE000  }
0x8d: {  	[tilespmem:s10], [sflag:$0x3] =	stream.linear.gather [hbm4b:s18+s10], $0x2800, $0x38;
	[tilespmem:$0x1D000] =	vst v63  }
0x8e: {  	_ =	swait.ge [sflag:s23], $0x2800  }
0x8f: {  	[sflag:s23] =	ssyncset.done $0x0  }
0x90: {  	[sflag:s23] =	ssyncadd.s32 $0xFFFFD800  }
0x91: {  	[tilespmem:s24], [sflag:$0x3] =	stream.linear.gather [hbm4b:s19+s10], $0x2800, $0x38;
	[tilespmem:$0x1D000] =	vst v63  }
0x92: {  	_ =	swait.ge [sflag:s23], $0x2800  }
0x93: {  	[sflag:s23] =	ssyncset.done $0x0  }
0x94: {  	[sflag:s23] =	ssyncadd.s32 $0xFFFFD800  }
0x95: {  	[tilespmem:s22], [sflag:$0x1] =	stream.indirect.gather [hbm4b:s5+s25], $0x80, s10, s25, $0xb8;
	[tilespmem:$0x1D000] =	vst v63  }
0x96: {  	s7 =	simm.s32 $0x80  }
0x97: {  	[tilespmem:s26], [sflag:$0x2] =	stream.indirect.gather [hbm4b:s5+s25], $0x80, s7, s25, $0xb8;
	[tilespmem:$0x1D000] =	vst v63  }
0x98: {  	_ =	swait.ge [sflag:s28], $0x2000  }
0x99: {  	[sflag:s28] =	ssyncset.done $0x0  }
0x9a: {  	s8 =	simm.s32 $0x2800;
	[sflag:s28] =	ssyncadd.s32 $0xFFFFE000  }
0x9b: {  	[spmem:s2] =	stream.indirect.scatter.add.f32 [tilespmem:s22], [sflag:$0x3], $0x80, s8, s25, $0xb8;
	[tilespmem:$0x1D000] =	vst v63  }
0x9c: {  	_ =	swait.ge [sflag:s23], $0x2000  }
0x9d: {  	[sflag:s23] =	ssyncset.done $0x0  }
0x9e: {  	s9 =	simm.s32 $0x100;
	[sflag:s23] =	ssyncadd.s32 $0xFFFFE000  }
0x9f: {  	[tilespmem:s22], [sflag:$0x1] =	stream.indirect.gather [hbm4b:s5+s25], $0x80, s9, s25, $0xb8;
	[tilespmem:$0x1D000] =	vst v63  }
0xa0: {  	_ =	swait.ge [sflag:s29], $0x2000  }
0xa1: {  	[sflag:s29] =	ssyncset.done $0x0  }
0xa2: {  	s10 =	simm.s32 $0x2880;
	[sflag:s29] =	ssyncadd.s32 $0xFFFFE000  }
0xa3: {  	[spmem:s2] =	stream.indirect.scatter.add.f32 [tilespmem:s26], [sflag:$0x3], $0x80, s10, s25, $0xb8;
	[tilespmem:$0x1D000] =	vst v63  }
0xa4: {  	_ =	swait.ge [sflag:s23], $0x2000  }
0xa5: {  	s3 =	simm.s32 $0x100;
	s7 =	simm.s32 $0x800;
	[sflag:s23] =	ssyncset.done $0x0  }
.LBB2_4:
0xa6: {  	s8 =	sadd.s32 $0x80, s3  }
0xa7: {  	[sflag:s23] =	ssyncadd.s32 $0xFFFFE000;
	s9 =	smov.u32 s7;
	s10 =	sadd.s32 $0x400, s7  }
0xa8: {  	[tilespmem:s26], [sflag:$0x2] =	stream.indirect.gather [hbm4b:s5+s25], $0x80, s8, s25, $0xb8;
	[tilespmem:$0x1D000] =	vst v63  }
0xa9: {  	p0 =	sne.s32 s7, $0x9800;
	_ =	swait.ge [sflag:s28], $0x2000  }
0xaa: {  	[sflag:s28] =	ssyncset.done $0x0  }
0xab: {  	s7 =	sadd.s32 $0x2800, s3;
	[sflag:s28] =	ssyncadd.s32 $0xFFFFE000  }
0xac: {  	[spmem:s2] =	stream.indirect.scatter.add.f32 [tilespmem:s22], [sflag:$0x3], $0x80, s7, s25, $0xb8;
	[tilespmem:$0x1D000] =	vst v63  }
0xad: {  	_ =	swait.ge [sflag:s23], $0x2000  }
0xae: {  	[sflag:s23] =	ssyncset.done $0x0  }
0xaf: {  	s7 =	sadd.s32 $0x100, s3;
	[sflag:s23] =	ssyncadd.s32 $0xFFFFE000  }
0xb0: {  	[tilespmem:s22], [sflag:$0x1] =	stream.indirect.gather [hbm4b:s5+s25], $0x80, s7, s25, $0xb8;
	[tilespmem:$0x1D000] =	vst v63  }
0xb1: {  	_ =	swait.ge [sflag:s29], $0x2000  }
.Ltmp1:
0xb2: {  	[sflag:s29] =	ssyncset.done $0x0;
	(pc) =	sbr.rel @p0 .LBB2_4-.Ltmp1, $4  }
0xb3: {  	s3 =	sadd.s32 $0x2880, s3;
	[sflag:s29] =	ssyncadd.s32 $0xFFFFE000  }
0xb4: {  	[spmem:s2] =	stream.indirect.scatter.add.f32 [tilespmem:s26], [sflag:$0x3], $0x80, s3, s25, $0xb8;
	[tilespmem:$0x1D000] =	vst v63  }
0xb5: {  	_ =	swait.ge [sflag:s23], $0x2000  }
0xb6: {  	s7 =	smov.u32 s10;
	s3 =	sshra.s32 s9, $0x2;
	[sflag:s23] =	ssyncset.done $0x0  }
0xb7: {  	s7 =	sadd.s32 $0x80, s3;
	[sflag:s23] =	ssyncadd.s32 $0xFFFFE000  }
0xb8: {  	[tilespmem:s26], [sflag:$0x2] =	stream.indirect.gather [hbm4b:s5+s25], $0x80, s7, s25, $0xb8;
	[tilespmem:$0x1D000] =	vst v63  }
0xb9: {  	_ =	swait.ge [sflag:s28], $0x2000  }
0xba: {  	[sflag:s28] =	ssyncset.done $0x0  }
0xbb: {  	s9 =	sadd.s32 $0x2800, s3;
	[sflag:s28] =	ssyncadd.s32 $0xFFFFE000  }
0xbc: {  	[spmem:s2] =	stream.indirect.scatter.add.f32 [tilespmem:s22], [sflag:$0x3], $0x80, s9, s25, $0xb8;
	[tilespmem:$0x1D000] =	vst v63  }
0xbd: {  	_ =	swait.ge [sflag:s23], $0x2000  }
0xbe: {  	[sflag:s23] =	ssyncset.done $0x0  }
0xbf: {  	s10 =	sadd.s32 $0x100, s3;
	[sflag:s23] =	ssyncadd.s32 $0xFFFFE000  }
0xc0: {  	[tilespmem:s22], [sflag:$0x1] =	stream.indirect.gather [hbm4b:s5+s25], $0x80, s10, s25, $0xb8;
	[tilespmem:$0x1D000] =	vst v63  }
0xc1: {  	_ =	swait.ge [sflag:s29], $0x2000  }
0xc2: {  	[sflag:s29] =	ssyncset.done $0x0  }
0xc3: {  	s8 =	sadd.s32 $0x2880, s3;
	[sflag:s29] =	ssyncadd.s32 $0xFFFFE000  }
0xc4: {  	[spmem:s2] =	stream.indirect.scatter.add.f32 [tilespmem:s26], [sflag:$0x3], $0x80, s8, s25, $0xb8;
	[tilespmem:$0x1D000] =	vst v63  }
0xc5: {  	_ =	swait.ge [sflag:s23], $0x2000  }
0xc6: {  	[sflag:s23] =	ssyncset.done $0x0  }
0xc7: {  	[sflag:s23] =	ssyncadd.s32 $0xFFFFE000  }
0xc8: {  	[tilespmem:s26], [sflag:$0x2] =	stream.indirect.gather [hbm4b:s5+s25], $0x80, s30, s25, $0xb8;
	[tilespmem:$0x1D000] =	vst v63  }
0xc9: {  	_ =	swait.ge [sflag:s28], $0x2000  }
0xca: {  	[sflag:s28] =	ssyncset.done $0x0  }
0xcb: {  	[sflag:s28] =	ssyncadd.s32 $0xFFFFE000  }
0xcc: {  	[spmem:s2] =	stream.indirect.scatter.add.f32 [tilespmem:s22], [sflag:$0x3], $0x80, s31, s25, $0xb8;
	[tilespmem:$0x1D000] =	vst v63  }
0xcd: {  	_ =	swait.ge [sflag:s23], $0x2000  }
0xce: {  	[sflag:s23] =	ssyncset.done $0x0  }
0xcf: {  	[sflag:s23] =	ssyncadd.s32 $0xFFFFE000  }
0xd0: {  	_ =	swait.ge [sflag:s29], $0x2000  }
0xd1: {  	[sflag:s29] =	ssyncset.done $0x0  }
0xd2: {  	[sflag:s29] =	ssyncadd.s32 $0xFFFFE000  }
0xd3: {  	[spmem:s2] =	stream.indirect.scatter.add.f32 [tilespmem:s26], [sflag:$0x3], $0x80, s0, s25, $0xb8;
	[tilespmem:$0x1D000] =	vst v63  }
0xd4: {  	s9 =	stileid.u32;
	_ =	swait.ge [sflag:s23], $0x2000  }
0xd5: {  	s1 =	sadd.s32 $0x1, s1;
	s3 =	sshll.u32 s9, $0x6;
	[sflag:s23] =	ssyncset.done $0x0  }
0xd6: {  	p0 =	sne.s32 s1, s21;
	s3 =	sor.u32 $0x1C03, s3;
	[sflag:s23] =	ssyncadd.s32 $0xFFFFE000  }
.Ltmp2:
0xd7: {  	s10 =	sshrl.u32 s6, $0x3;
	[bflag:$0x0] =	sbarrier.arrive $0xFFFF;
	(pc) =	sbr.rel @p0 .LBB2_1-.Ltmp2, $4  }
0xd8: {  	[hbm:s20], [sflag:s3] =	dma.local [spmem:s10], $0x2800  }
0xd9: {  	_ =	swait.ge [sflag:s23], $0x2800  }
0xda: {  	[sflag:s23] =	ssyncset.done $0x0  }
0xdb: {  	[sflag:s23] =	ssyncadd.s32 $0xFFFFD800  }
0xdc: {  	_ =	sfence.sel $0x180000  }
0xdd: {  	[bflag:$0x0] =	sbarrier.arrive $0xFFFF  }
0xde: {  	_ =	strace $0x9000004A  }
0xdf: {  	s0 =	stileid.u32;
	[bflag:$0x2] =	sbarrier.arrive $0xFFFF  }
0xe0: {  	p0 =	sne.s32 s0, $0x0;
	s0 =	rddreg [dreg:$0x3]  }
0xe1: {  	s0 =	sadd.s32 @!p0 $0x100000, s0  }
0xe2: {  	[sflag:s0] =	ssyncadd.tile.s32 @!p0 $0x1;
	_ =	shalt  }
.Lfunc_end2:
_tile_overlayer_lowered:
.L_overlay_start_2:
0xe3: {  	(tag) =	ssettag $0x2  }
0xe4: {  	s0 =	rddreg [dreg:$0x0];
	s2 =	stileid.u32  }
0xe5: {  	s1 =	rddreg [dreg:$0x1];
	p0 =	sne.s32 s2, $0x0  }
0xe6: {  	s3 =	rddreg [dreg:$0x2];
	[bflag:$0x3] =	sbarrier.arrive $0xFFFF;
	s2 =	simm.s32 @!p0 $0x1C03  }
0xe7: {  	[timem:s3], [sflag:s2] =	dma.local @!p0 [hbm:s0], s1  }
0xe8: {  	s0 =	simm.s32 @!p0 $0x3  }
0xe9: {  	_ =	swait.ge @!p0 [sflag:s0], s1  }
0xea: {  	s1 =	ssub.s32 @!p0 $0x0, s1;
	[sflag:s0] =	ssyncset.done @!p0 $0x0  }
0xeb: {  	[sflag:s0] =	ssyncadd.s32 @!p0 s1  }
0xec: {  	[bflag:$0x3] =	sbarrier.arrive $0xFFFF  }
0xed: {  	_ =	shalt  }

// kernel: kernel.16.cloned.1.call-start
scs
__scs_entry_jumppad:
0x0: {  	(pc) =	sbr.rel $0x88, $3  }
0x1: {  	(tag) =	ssettag $0x0;
	lr =	simm.s32 $0x1  }
0x2: {  	[smem:$0x3F99] =	sst lr;
	_ =	strace $0xD0000000  }
0x3: {  	_ = 	snop  }
0x4: {  	_ = 	snop  }
0x5: {  	_ = 	snop  }
0x6: {  	_ = 	snop  }
0x7: {  	_ = 	snop  }
__scs_overlays_trampoline_lowered:
0x8: {  	[smem:$0x3FA8] =	sst s0  }
0x9: {  	[smem:$0x3FA9] =	sst s1  }
0xa: {  	[smem:$0x3FAA] =	sst s2  }
0xb: {  	[smem:$0x3FAB] =	sst s3  }
0xc: {  	[smem:$0x3FAC] =	sst s4  }
0xd: {  	[smem:$0x3FAD] =	sst s5  }
0xe: {  	[smem:$0x3FAE] =	sst s6  }
0xf: {  	[smem:$0x3FAF] =	sst s7  }
0x10: {  	[smem:$0x3FB0] =	sst s8  }
0x11: {  	[smem:$0x3FB1] =	sst s9;
	s0 =	simm.s32 @!p0 $0x0  }
0x12: {  	s1 =	sld [smem:$0x3F97];
	s0 =	simm.s32 @p0 $0x1  }
0x13: {  	[smem:$0x3FB2] =	sst s0;
	s0 =	simm.s32 @!p1 $0x0  }
0x14: {  	s2 =	sld [smem:$0x3F96];
	s0 =	simm.s32 @p1 $0x1  }
0x15: {  	[smem:$0x3FB3] =	sst s0;
	s0 =	simm.s32 @!p2 $0x0  }
0x16: {  	s3 =	sld [smem:$0x3FDB];
	s0 =	simm.s32 @p2 $0x1  }
0x17: {  	s4 =	simm.s32 $0x1BF5;
	[smem:$0x3FB5] =	sst s0  }
0x18: {  	s0 =	sld [smem:$0x3F98];
	_ =	swait.ge [sflag:s4], $0x0  }
0x19: {  	s7 =	sld [smem:$0x3F99]  }
0x1a: {  	s8 =	sadd.s32 $0xFFFFE003, lr  }
0x1b: {  	s9 =	sadd.s32 $0xFFFFFEF7, lr;
	s5 =	simm.s32 $0xFFFFFFFF;
	p2 =	slt.u32 s8, $0xFFFFF086  }
0x1c: {  	p1 =	slt.u32 s9, $0xF7A;
	s5 =	simm.s32 @!p2 $0x0  }
0x1d: {  	s5 =	simm.s32 @p1 $0x1;
	p0 =	seq.s32 s7, s2  }
0x1e: {  	s7 =	smul.u32 @!p0 $0xF7A, s2;
	p2 =	seq.s32 @!p0 s5, $0x0  }
0x1f: {  	s9 =	smul.u32 $0xF7A, s1;
	s8 =	simm.s32 @!p0 $0x1BF5;
	p2 =	por !p2, p0  }
0x20: {  	[sflag:s8] =	ssyncset.s32 @!p0 $0xFFFFF086;
	s6 =	sadd.s32 @!p0 s3, s7;
	s7 =	simm.s32 @!p0 $0x108  }
0x21: {  	s3 =	sadd.s32 s3, s9;
	s6 =	sadd.s32 @!p0 $0x88, s6;
	s7 =	simm.s32 @p2 $0x1082  }
0x22: {  	[simem:s7], [sflag:s8] =	dma.local @!p0 [hbm:s6], $0xF7A  }
0x23: {  	s9 =	sor.u32 $0xD0000000, s2;
	s6 =	simm.s32 $0x108;
	_ =	swait.ge @!p0 [sflag:s8], $0x0  }
0x24: {  	s3 =	sadd.s32 $0x88, s3;
	s6 =	simm.s32 @!p1 $0x1082;
	[sflag:s4] =	ssyncset.s32 $0xFFFFF086  }
0x25: {  	[simem:s6], [sflag:s4] =	dma.local [hbm:s3], $0xF7A  }
0x26: {  	[smem:$0x3F99] =	sst s1;
	(tag) =	ssettag s2;
	_ =	strace s9  }
0x27: {  	s1 =	sld [smem:$0x3FA9]  }
0x28: {  	s2 =	sld [smem:$0x3FAA]  }
0x29: {  	s4 =	sld [smem:$0x3FAC]  }
0x2a: {  	p0 =	seq.s32 s5, $0x0;
	s5 =	sld [smem:$0x3FAD]  }
0x2b: {  	s6 =	sld [smem:$0x3FAE]  }
0x2c: {  	s7 =	sld [smem:$0x3FAF]  }
0x2d: {  	s3 =	simm.s32 $0x108;
	s8 =	sld [smem:$0x3FB0]  }
0x2e: {  	s3 =	simm.s32 @!p0 $0x1082;
	s9 =	sld [smem:$0x3FB1]  }
0x2f: {  	lr =	sadd.s32 s0, s3;
	s0 =	sld [smem:$0x3FA8]  }
0x30: {  	s3 =	sld [smem:$0x3FAB]  }
0x31: {  	[smem:$0x3FB4] =	sst s10  }
0x32: {  	s10 =	sld [smem:$0x3FB2];
	_ =	sdelay $0x3  }
0x33: {  	p0 =	seq.s32 s10, $0x1;
	s10 =	sld [smem:$0x3FB4];
	_ =	sdelay $0x3  }
0x34: {  	[smem:$0x3FB4] =	sst s10  }
0x35: {  	s10 =	sld [smem:$0x3FB3];
	_ =	sdelay $0x3  }
0x36: {  	p1 =	seq.s32 s10, $0x1;
	s10 =	sld [smem:$0x3FB4];
	_ =	sdelay $0x3  }
0x37: {  	[smem:$0x3FB4] =	sst s10  }
0x38: {  	s10 =	sld [smem:$0x3FB5]  }
0x39: {  	_ = 	snop;
	(pc) =	sbr.ind lr, $3  }
0x3a: {  	_ = 	snop  }
0x3b: {  	_ = 	snop  }
0x3c: {  	p2 =	seq.s32 s10, $0x1;
	s10 =	sld [smem:$0x3FB4]  }
0x3d: {  	_ =	shalt  }
0x3e: {  	_ =	shalt  }
0x3f: {  	_ =	shalt  }
0x40: {  	_ =	shalt  }
0x41: {  	_ =	shalt  }
0x42: {  	_ =	shalt  }
0x43: {  	_ =	shalt  }
0x44: {  	_ =	shalt  }
0x45: {  	_ =	shalt  }
0x46: {  	_ =	shalt  }
0x47: {  	_ =	shalt  }
0x48: {  	_ =	shalt  }
0x49: {  	_ =	shalt  }
0x4a: {  	_ =	shalt  }
0x4b: {  	_ =	shalt  }
0x4c: {  	_ =	shalt  }
0x4d: {  	_ =	shalt  }
0x4e: {  	_ =	shalt  }
0x4f: {  	_ =	shalt  }
0x50: {  	_ =	shalt  }
0x51: {  	_ =	shalt  }
0x52: {  	_ =	shalt  }
0x53: {  	_ =	shalt  }
0x54: {  	_ =	shalt  }
0x55: {  	_ =	shalt  }
0x56: {  	_ =	shalt  }
0x57: {  	_ =	shalt  }
0x58: {  	_ =	shalt  }
0x59: {  	_ =	shalt  }
0x5a: {  	_ =	shalt  }
0x5b: {  	_ =	shalt  }
0x5c: {  	_ =	shalt  }
0x5d: {  	_ =	shalt  }
0x5e: {  	_ =	shalt  }
0x5f: {  	_ =	shalt  }
0x60: {  	_ =	shalt  }
0x61: {  	_ =	shalt  }
0x62: {  	_ =	shalt  }
0x63: {  	_ =	shalt  }
0x64: {  	_ =	shalt  }
0x65: {  	_ =	shalt  }
0x66: {  	_ =	shalt  }
0x67: {  	_ =	shalt  }
0x68: {  	_ =	shalt  }
0x69: {  	_ =	shalt  }
0x6a: {  	_ =	shalt  }
0x6b: {  	_ =	shalt  }
0x6c: {  	_ =	shalt  }
0x6d: {  	_ =	shalt  }
0x6e: {  	_ =	shalt  }
0x6f: {  	_ =	shalt  }
0x70: {  	_ =	shalt  }
0x71: {  	_ =	shalt  }
0x72: {  	_ =	shalt  }
0x73: {  	_ =	shalt  }
0x74: {  	_ =	shalt  }
0x75: {  	_ =	shalt  }
0x76: {  	_ =	shalt  }
0x77: {  	_ =	shalt  }
0x78: {  	_ =	shalt  }
0x79: {  	_ =	shalt  }
0x7a: {  	_ =	shalt  }
0x7b: {  	_ =	shalt  }
0x7c: {  	_ =	shalt  }
0x7d: {  	_ =	shalt  }
0x7e: {  	_ =	shalt  }
0x7f: {  	_ =	shalt  }
0x80: {  	_ =	shalt  }
0x81: {  	_ =	shalt  }
0x82: {  	_ =	shalt  }
0x83: {  	_ =	shalt  }
0x84: {  	_ =	shalt  }
0x85: {  	_ =	shalt  }
0x86: {  	_ =	shalt  }
0x87: {  	_ =	shalt  }
.Lfunc_end0:
.L_simem_size_0:
called_computation.2_lowered:
.L_overlay_start_0:
0x88: {  	s2 =	sld [smem:$0x3FD9]  }
0x89: {  	s3 =	sld [smem:$0x3FFE];
	_ =	sdelay $0x1  }
0x8a: {  	s1 =	srdreg.scid  }
0x8b: {  	s0 =	sand.u32 $0x1, s1  }
0x8c: {  	s17 =	sshll.u32 s0, $0xA;
	s2 =	sadd.s32 s3, s2  }
0x8d: {  	s2 =	sadd.s32 s2, s17  }
0x8e: {  	[smem:$0x3FC0] =	sst s2  }
0x8f: {  	_ = 	snop  }
0x90: {  	s2 =	sld [smem:$0x3FD0];
	(tm) =	ssettm $0x1  }
0x91: {  	s18 =	sld [smem:$0x3FFB];
	_ =	sdelay $0x3  }
0x92: {  	_ =	strace s18  }
0x93: {  	s3 =	sld [smem:$0x3FFC];
	_ =	sdelay $0x3  }
0x94: {  	_ =	strace s3  }
0x95: {  	s3 =	sld [smem:$0x3FFD];
	_ =	sdelay $0x3  }
0x96: {  	_ =	strace s3  }
0x97: {  	_ =	strace $0x8FFFFFFF  }
0x98: {  	s19 =	sld [smem:$0x3FDB];
	_ =	sdelay $0x1  }
0x99: {  	s4 =	simm.s32 $_scs_section_size  }
0x9a: {  	s5 =	simm.s32 $_size__tile_overlayer_lowered;
	s6 =	simm.s32 $_tile_overlayer_lowered  }
0x9b: {  	s22 =	simm.s32 $0x1BFF;
	s21 =	sshll.u32 s6, $0x1;
	s3 =	sadd.s32 s4, s19  }
0x9c: {  	s7 =	simm.s32 $0x0;
	s20 =	sshll.u32 s5, $0x1;
	s5 =	sadd.s32 s21, s3  }
0x9d: {  	[timem:s7], [sflag:s22] =	dma.local [hbm:s5], s20  }
0x9e: {  	_ =	swait.ge [sflag:s22], s20  }
0x9f: {  	s4 =	ssub.s32 $0x0, s20;
	[sflag:s22] =	ssyncset.done $0x0  }
0xa0: {  	[sflag:s22] =	ssyncadd.s32 s4;
	_ =	sdelay $0x1  }
0xa1: {  	s23 =	simm.s32 $0x1B8B  }
0xa2: {  	_ =	swait.ge [sflag:s23], $0x1  }
0xa3: {  	[sflag:s23] =	ssyncset.done $0x0  }
0xa4: {  	s25 =	simm.s32 $0x1B8E;
	s24 =	sld [smem:$0x3FFE];
	[sflag:s23] =	ssyncadd.s32 $0xFFFFFFFF  }
0xa5: {  	s26 =	simm.s32 $execute0_lowered;
	[smem:$0x3FD2] =	sst s25  }
0xa6: {  	s5 =	sshll.u32 s26, $0x1;
	_ =	strace $0x8000004C;
	[dreg:$0x1] =	wrdreg $0xFFFFFFFF  }
0xa7: {  	s28 =	simm.s32 $_size_execute0_lowered;
	s3 =	sadd.s32 s3, s5;
	[dreg:$0x0] =	wrdreg $0x0  }
0xa8: {  	s5 =	sshll.u32 s28, $0x1;
	[dreg:$0x2] =	wrdreg s3  }
0xa9: {  	[dreg:$0x3] =	wrdreg s5  }
0xaa: {  	[dreg:$0x4] =	wrdreg $0xC0  }
0xab: {  	_ =	task [dreg:s7], $0x5FFFF  }
0xac: {  	[dreg:$0x1] =	wrdreg $0xFFFFFFFF  }
0xad: {  	[dreg:$0x0] =	wrdreg $0x60  }
0xae: {  	[dreg:$0x2] =	wrdreg s24  }
0xaf: {  	[dreg:$0x3] =	wrdreg s2  }
0xb0: {  	[dreg:$0x4] =	wrdreg $0x90000  }
0xb1: {  	[dreg:$0x5] =	wrdreg $0x9  }
0xb2: {  	_ =	task.clear_ibuf [dreg:s7], $0x6FFFF;
	_ =	strace $0x9000004C  }
0xb3: {  	s29 =	simm.s32 $0x9;
	_ =	strace $0x8000004E  }
0xb4: {  	_ =	swait.ge [sflag:s29], $0x1  }
0xb5: {  	[sflag:s29] =	ssyncadd.s32 $0xFFFFFFFF  }
0xb6: {  	_ =	strace $0x9000004E  }
0xb7: {  	_ =	sfence  }
0xb8: {  	s30 =	sld [smem:$0x0];
	_ =	sdelay $0x2  }
0xb9: {  	s31 =	sshll.u32 s1, $0xD;
	s1 =	sshrl.u32 s1, $0x2  }
0xba: {  	s3 =	sand.u32 $0x4000, s31;
	s1 =	sadd.s32 s1, s30  }
0xbb: {  	s0 =	sor.u32 s3, s0;
	s1 =	sshll.u32 s1, $0x11  }
0xbc: {  	s0 =	sor.u32 s1, s0  }
0xbd: {  	s0 =	sadd.s32 $0x8F2B, s0  }
0xbe: {  	[sflag:s0] =	ssyncadd.remote.s32 $0x1  }
0xbf: {  	_ =	sfence.sel $0xFFFF  }
0xc0: {  	[dreg:$0x0] =	wrdreg $0xFFFFFFFF;
	(pc) =	sbr.abs _section_cstart, $3  }
0xc1: {  	[dreg:$0x1] =	wrdreg $0xFFFFFFFF  }
0xc2: {  	_ =	task.clear_ibuf [dreg:s7], $0x2FFFF;
	_ =	strace $0x9FFFFFFF  }
0xc3: {  	(tm) =	ssettm $0x7FFFFFFF  }
tec
execute0_lowered:
.L_overlay_start_1:
0x0: {  	(tag) =	ssettag $0x1  }
0x1: {  	s0 =	rddreg [dreg:$0x0]  }
0x2: {  	s2 =	rddreg [dreg:$0x2];
	s1 =	srdreg.scid  }
0x3: {  	s4 =	simm.s32 $0x0;
	s9 =	stileid.u32;
	s28 =	simm.s32 $0x1  }
0x4: {  	s29 =	simm.s32 $0x2;
	s30 =	simm.s32 $0x2780;
	s31 =	simm.s32 $0x4F00  }
0x5: {  	s1 =	sand.u32 $0x1, s1;
	[smem:$0x7FF] =	sst s4;
	s6 =	smul.u32 $0x14000, s9  }
0x6: {  	s5 =	sadd.s32 $0x7B400, s0;
	s7 =	sadd.s32 $0x67400, s0;
	s20 =	smul.u32 $0x50000, s9  }
0x7: {  	s19 =	sadd.s32 $0x3000, s0;
	s22 =	sshll.u32 s9, $0x1;
	s3 =	smul.u32 $0x140000, s1  }
0x8: {  	_ =	strace $0x8000004D;
	s8 =	ssub.s32 $0x2, s1;
	s1 =	sor.u32 s1, s22  }
0x9: {  	s22 =	simm.s32 $0x5000;
	s1 =	smul.u32 $0x5000, s1;
	s3 =	sadd.s32 s6, s3  }
0xa: {  	s21 =	sshrl.u32 s8, $0x1;
	s6 =	sshrl.u32 s20, $0x2;
	s3 =	sshrl.u32 s3, $0x3  }
0xb: {  	s6 =	sadd.s32 s6, s2;
	s1 =	sshrl.u32 s1, $0x3;
	s0 =	sadd.s32 s3, s0  }
0xc: {  	s3 =	ssub.s32 s8, s21;
	s23 =	sadd.s32 $0x2000, s6;
	s24 =	sadd.s32 $0x4000, s6  }
0xd: {  	s25 =	sadd.s32 $0x6000, s6;
	s26 =	sadd.s32 $0x8000, s6;
	s11 =	sadd.s32 $0xA000, s6  }
0xe: {  	s12 =	sadd.s32 $0xC000, s6;
	s13 =	sadd.s32 $0xE000, s6;
	[dreg:$0x4] =	wrdreg s23  }
0xf: {  	s14 =	sadd.s32 $0x10000, s6;
	s16 =	sadd.s32 s7, s1;
	[dreg:$0x5] =	wrdreg s24  }
0x10: {  	s17 =	sadd.s32 s19, s1;
	s1 =	sadd.s32 $0x500, s1;
	[dreg:$0x6] =	wrdreg s25  }
0x11: {  	s15 =	sadd.s32 $0x12000, s6;
	[dreg:$0x7] =	wrdreg s26;
	s18 =	sadd.s32 s7, s1  }
0x12: {  	s19 =	sadd.s32 s19, s1;
	s20 =	sadd.s32 $0xA2600, s0;
	s21 =	smax.u32 s3, $0x1  }
0x13: {  	s23 =	simm.s32 $0x3;
	s24 =	simm.s32 $0x2800;
	s25 =	simm.s32 $0x40  }
0x14: {  	s26 =	simm.s32 $0x7000;
	s0 =	simm.s32 $0x4F80;
	s1 =	simm.s32 $0x0  }
.LBB2_1:
0x15: {  	s3 =	rddreg [dreg:$0x1]  }
0x16: {  	[tilespmem:s22], [sflag:$0x3] =	stream.linear.gather [hbm4b:s3+s4], $0x2000, $0x38;
	[tilespmem:$0x1D000] =	vst v63  }
0x17: {  	_ =	swait.ge [sflag:s23], $0x2000  }
0x18: {  	[sflag:s23] =	ssyncset.done $0x0  }
0x19: {  	[sflag:s23] =	ssyncadd.s32 $0xFFFFE000  }
0x1a: {  	[spmem:s6] =	stream.linear.scatter [tilespmem:s22], [sflag:$0x3], $0x2000, $0x38;
	[tilespmem:$0x1D000] =	vst v63  }
0x1b: {  	_ =	swait.ge [sflag:s23], $0x2000  }
0x1c: {  	[sflag:s23] =	ssyncset.done $0x0  }
0x1d: {  	s7 =	rddreg [dreg:$0x4];
	[sflag:s23] =	ssyncadd.s32 $0xFFFFE000  }
0x1e: {  	[spmem:s7] =	stream.linear.scatter [tilespmem:s22], [sflag:$0x3], $0x2000, $0x38;
	[tilespmem:$0x1D000] =	vst v63  }
0x1f: {  	_ =	swait.ge [sflag:s23], $0x2000  }
0x20: {  	[sflag:s23] =	ssyncset.done $0x0  }
0x21: {  	s8 =	rddreg [dreg:$0x5];
	[sflag:s23] =	ssyncadd.s32 $0xFFFFE000  }
0x22: {  	[spmem:s8] =	stream.linear.scatter [tilespmem:s22], [sflag:$0x3], $0x2000, $0x38;
	[tilespmem:$0x1D000] =	vst v63  }
0x23: {  	_ =	swait.ge [sflag:s23], $0x2000  }
0x24: {  	[sflag:s23] =	ssyncset.done $0x0  }
0x25: {  	s9 =	rddreg [dreg:$0x6];
	[sflag:s23] =	ssyncadd.s32 $0xFFFFE000  }
0x26: {  	[spmem:s9] =	stream.linear.scatter [tilespmem:s22], [sflag:$0x3], $0x2000, $0x38;
	[tilespmem:$0x1D000] =	vst v63  }
0x27: {  	_ =	swait.ge [sflag:s23], $0x2000  }
0x28: {  	[sflag:s23] =	ssyncset.done $0x0  }
0x29: {  	s10 =	rddreg [dreg:$0x7];
	[sflag:s23] =	ssyncadd.s32 $0xFFFFE000  }
0x2a: {  	[spmem:s10] =	stream.linear.scatter [tilespmem:s22], [sflag:$0x3], $0x2000, $0x38;
	[tilespmem:$0x1D000] =	vst v63  }
0x2b: {  	_ =	swait.ge [sflag:s23], $0x2000  }
0x2c: {  	[sflag:s23] =	ssyncset.done $0x0  }
0x2d: {  	[sflag:s23] =	ssyncadd.s32 $0xFFFFE000  }
0x2e: {  	[spmem:s11] =	stream.linear.scatter [tilespmem:s22], [sflag:$0x3], $0x2000, $0x38;
	[tilespmem:$0x1D000] =	vst v63  }
0x2f: {  	_ =	swait.ge [sflag:s23], $0x2000  }
0x30: {  	[sflag:s23] =	ssyncset.done $0x0  }
0x31: {  	[sflag:s23] =	ssyncadd.s32 $0xFFFFE000  }
0x32: {  	[spmem:s12] =	stream.linear.scatter [tilespmem:s22], [sflag:$0x3], $0x2000, $0x38;
	[tilespmem:$0x1D000] =	vst v63  }
0x33: {  	_ =	swait.ge [sflag:s23], $0x2000  }
0x34: {  	[sflag:s23] =	ssyncset.done $0x0  }
0x35: {  	[sflag:s23] =	ssyncadd.s32 $0xFFFFE000  }
0x36: {  	[spmem:s13] =	stream.linear.scatter [tilespmem:s22], [sflag:$0x3], $0x2000, $0x38;
	[tilespmem:$0x1D000] =	vst v63  }
0x37: {  	_ =	swait.ge [sflag:s23], $0x2000  }
0x38: {  	[sflag:s23] =	ssyncset.done $0x0  }
0x39: {  	[sflag:s23] =	ssyncadd.s32 $0xFFFFE000  }
0x3a: {  	[spmem:s14] =	stream.linear.scatter [tilespmem:s22], [sflag:$0x3], $0x2000, $0x38;
	[tilespmem:$0x1D000] =	vst v63  }
0x3b: {  	_ =	swait.ge [sflag:s23], $0x2000  }
0x3c: {  	[sflag:s23] =	ssyncset.done $0x0  }
0x3d: {  	[sflag:s23] =	ssyncadd.s32 $0xFFFFE000  }
0x3e: {  	[spmem:s15] =	stream.linear.scatter [tilespmem:s22], [sflag:$0x3], $0x2000, $0x38;
	[tilespmem:$0x1D000] =	vst v63  }
0x3f: {  	_ =	swait.ge [sflag:s23], $0x2000  }
0x40: {  	[sflag:s23] =	ssyncset.done $0x0  }
0x41: {  	[sflag:s23] =	ssyncadd.s32 $0xFFFFE000  }
0x42: {  	[bflag:$0x0] =	sbarrier.arrive $0xFFFF  }
0x43: {  	[tilespmem:s4], [sflag:$0x3] =	stream.linear.gather [hbm4b:s16+s4], $0x2800, $0x38;
	[tilespmem:$0x1D000] =	vst v63  }
0x44: {  	_ =	swait.ge [sflag:s23], $0x2800  }
0x45: {  	[sflag:s23] =	ssyncset.done $0x0  }
0x46: {  	[sflag:s23] =	ssyncadd.s32 $0xFFFFD800  }
0x47: {  	[tilespmem:s24], [sflag:$0x3] =	stream.linear.gather [hbm4b:s17+s4], $0x2800, $0x38;
	[tilespmem:$0x1D000] =	vst v63  }
0x48: {  	_ =	swait.ge [sflag:s23], $0x2800  }
0x49: {  	[sflag:s23] =	ssyncset.done $0x0  }
0x4a: {  	[sflag:s23] =	ssyncadd.s32 $0xFFFFD800  }
0x4b: {  	[tilespmem:s22], [sflag:$0x1] =	stream.indirect.gather [hbm4b:s5+s25], $0x80, s4, s25, $0xb8;
	[tilespmem:$0x1D000] =	vst v63  }
0x4c: {  	s7 =	simm.s32 $0x80  }
0x4d: {  	[tilespmem:s26], [sflag:$0x2] =	stream.indirect.gather [hbm4b:s5+s25], $0x80, s7, s25, $0xb8;
	[tilespmem:$0x1D000] =	vst v63  }
0x4e: {  	_ =	swait.ge [sflag:s28], $0x2000  }
0x4f: {  	[sflag:s28] =	ssyncset.done $0x0  }
0x50: {  	s8 =	simm.s32 $0x2800;
	[sflag:s28] =	ssyncadd.s32 $0xFFFFE000  }
0x51: {  	[spmem:s2] =	stream.indirect.scatter.add.f32 [tilespmem:s22], [sflag:$0x3], $0x80, s8, s25, $0xb8;
	[tilespmem:$0x1D000] =	vst v63  }
0x52: {  	_ =	swait.ge [sflag:s23], $0x2000  }
0x53: {  	[sflag:s23] =	ssyncset.done $0x0  }
0x54: {  	s9 =	simm.s32 $0x100;
	[sflag:s23] =	ssyncadd.s32 $0xFFFFE000  }
0x55: {  	[tilespmem:s22], [sflag:$0x1] =	stream.indirect.gather [hbm4b:s5+s25], $0x80, s9, s25, $0xb8;
	[tilespmem:$0x1D000] =	vst v63  }
0x56: {  	_ =	swait.ge [sflag:s29], $0x2000  }
0x57: {  	[sflag:s29] =	ssyncset.done $0x0  }
0x58: {  	s10 =	simm.s32 $0x2880;
	[sflag:s29] =	ssyncadd.s32 $0xFFFFE000  }
0x59: {  	[spmem:s2] =	stream.indirect.scatter.add.f32 [tilespmem:s26], [sflag:$0x3], $0x80, s10, s25, $0xb8;
	[tilespmem:$0x1D000] =	vst v63  }
0x5a: {  	_ =	swait.ge [sflag:s23], $0x2000  }
0x5b: {  	s3 =	simm.s32 $0x100;
	s7 =	simm.s32 $0x800;
	[sflag:s23] =	ssyncset.done $0x0  }
.LBB2_2:
0x5c: {  	s8 =	sadd.s32 $0x80, s3  }
0x5d: {  	[sflag:s23] =	ssyncadd.s32 $0xFFFFE000;
	s9 =	smov.u32 s7;
	s10 =	sadd.s32 $0x400, s7  }
0x5e: {  	[tilespmem:s26], [sflag:$0x2] =	stream.indirect.gather [hbm4b:s5+s25], $0x80, s8, s25, $0xb8;
	[tilespmem:$0x1D000] =	vst v63  }
0x5f: {  	p0 =	sne.s32 s7, $0x9800;
	_ =	swait.ge [sflag:s28], $0x2000  }
0x60: {  	[sflag:s28] =	ssyncset.done $0x0  }
0x61: {  	s7 =	sadd.s32 $0x2800, s3;
	[sflag:s28] =	ssyncadd.s32 $0xFFFFE000  }
0x62: {  	[spmem:s2] =	stream.indirect.scatter.add.f32 [tilespmem:s22], [sflag:$0x3], $0x80, s7, s25, $0xb8;
	[tilespmem:$0x1D000] =	vst v63  }
0x63: {  	_ =	swait.ge [sflag:s23], $0x2000  }
0x64: {  	[sflag:s23] =	ssyncset.done $0x0  }
0x65: {  	s7 =	sadd.s32 $0x100, s3;
	[sflag:s23] =	ssyncadd.s32 $0xFFFFE000  }
0x66: {  	[tilespmem:s22], [sflag:$0x1] =	stream.indirect.gather [hbm4b:s5+s25], $0x80, s7, s25, $0xb8;
	[tilespmem:$0x1D000] =	vst v63  }
0x67: {  	_ =	swait.ge [sflag:s29], $0x2000  }
.Ltmp0:
0x68: {  	[sflag:s29] =	ssyncset.done $0x0;
	(pc) =	sbr.rel @p0 .LBB2_2-.Ltmp0, $4  }
0x69: {  	s3 =	sadd.s32 $0x2880, s3;
	[sflag:s29] =	ssyncadd.s32 $0xFFFFE000  }
0x6a: {  	[spmem:s2] =	stream.indirect.scatter.add.f32 [tilespmem:s26], [sflag:$0x3], $0x80, s3, s25, $0xb8;
	[tilespmem:$0x1D000] =	vst v63  }
0x6b: {  	_ =	swait.ge [sflag:s23], $0x2000  }
0x6c: {  	s7 =	smov.u32 s10;
	s3 =	sshra.s32 s9, $0x2;
	[sflag:s23] =	ssyncset.done $0x0  }
0x6d: {  	s7 =	sadd.s32 $0x80, s3;
	[sflag:s23] =	ssyncadd.s32 $0xFFFFE000  }
0x6e: {  	[tilespmem:s26], [sflag:$0x2] =	stream.indirect.gather [hbm4b:s5+s25], $0x80, s7, s25, $0xb8;
	[tilespmem:$0x1D000] =	vst v63  }
0x6f: {  	_ =	swait.ge [sflag:s28], $0x2000  }
0x70: {  	[sflag:s28] =	ssyncset.done $0x0  }
0x71: {  	s10 =	sadd.s32 $0x2800, s3;
	[sflag:s28] =	ssyncadd.s32 $0xFFFFE000  }
0x72: {  	[spmem:s2] =	stream.indirect.scatter.add.f32 [tilespmem:s22], [sflag:$0x3], $0x80, s10, s25, $0xb8;
	[tilespmem:$0x1D000] =	vst v63  }
0x73: {  	_ =	swait.ge [sflag:s23], $0x2000  }
0x74: {  	[sflag:s23] =	ssyncset.done $0x0  }
0x75: {  	s8 =	sadd.s32 $0x100, s3;
	[sflag:s23] =	ssyncadd.s32 $0xFFFFE000  }
0x76: {  	[tilespmem:s22], [sflag:$0x1] =	stream.indirect.gather [hbm4b:s5+s25], $0x80, s8, s25, $0xb8;
	[tilespmem:$0x1D000] =	vst v63  }
0x77: {  	_ =	swait.ge [sflag:s29], $0x2000  }
0x78: {  	[sflag:s29] =	ssyncset.done $0x0  }
0x79: {  	s9 =	sadd.s32 $0x2880, s3;
	[sflag:s29] =	ssyncadd.s32 $0xFFFFE000  }
0x7a: {  	[spmem:s2] =	stream.indirect.scatter.add.f32 [tilespmem:s26], [sflag:$0x3], $0x80, s9, s25, $0xb8;
	[tilespmem:$0x1D000] =	vst v63  }
0x7b: {  	_ =	swait.ge [sflag:s23], $0x2000  }
0x7c: {  	[sflag:s23] =	ssyncset.done $0x0  }
0x7d: {  	[sflag:s23] =	ssyncadd.s32 $0xFFFFE000  }
0x7e: {  	[tilespmem:s26], [sflag:$0x2] =	stream.indirect.gather [hbm4b:s5+s25], $0x80, s30, s25, $0xb8;
	[tilespmem:$0x1D000] =	vst v63  }
0x7f: {  	_ =	swait.ge [sflag:s28], $0x2000  }
0x80: {  	[sflag:s28] =	ssyncset.done $0x0  }
0x81: {  	[sflag:s28] =	ssyncadd.s32 $0xFFFFE000  }
0x82: {  	[spmem:s2] =	stream.indirect.scatter.add.f32 [tilespmem:s22], [sflag:$0x3], $0x80, s31, s25, $0xb8;
	[tilespmem:$0x1D000] =	vst v63  }
0x83: {  	_ =	swait.ge [sflag:s23], $0x2000  }
0x84: {  	[sflag:s23] =	ssyncset.done $0x0  }
0x85: {  	[sflag:s23] =	ssyncadd.s32 $0xFFFFE000  }
0x86: {  	_ =	swait.ge [sflag:s29], $0x2000  }
0x87: {  	[sflag:s29] =	ssyncset.done $0x0  }
0x88: {  	[sflag:s29] =	ssyncadd.s32 $0xFFFFE000  }
0x89: {  	[spmem:s2] =	stream.indirect.scatter.add.f32 [tilespmem:s26], [sflag:$0x3], $0x80, s0, s25, $0xb8;
	[tilespmem:$0x1D000] =	vst v63  }
0x8a: {  	_ =	swait.ge [sflag:s23], $0x2000  }
0x8b: {  	[sflag:s23] =	ssyncset.done $0x0  }
0x8c: {  	s10 =	simm.s32 $0x0;
	[sflag:s23] =	ssyncadd.s32 $0xFFFFE000  }
0x8d: {  	[tilespmem:s10], [sflag:$0x3] =	stream.linear.gather [hbm4b:s18+s10], $0x2800, $0x38;
	[tilespmem:$0x1D000] =	vst v63  }
0x8e: {  	_ =	swait.ge [sflag:s23], $0x2800  }
0x8f: {  	[sflag:s23] =	ssyncset.done $0x0  }
0x90: {  	[sflag:s23] =	ssyncadd.s32 $0xFFFFD800  }
0x91: {  	[tilespmem:s24], [sflag:$0x3] =	stream.linear.gather [hbm4b:s19+s10], $0x2800, $0x38;
	[tilespmem:$0x1D000] =	vst v63  }
0x92: {  	_ =	swait.ge [sflag:s23], $0x2800  }
0x93: {  	[sflag:s23] =	ssyncset.done $0x0  }
0x94: {  	[sflag:s23] =	ssyncadd.s32 $0xFFFFD800  }
0x95: {  	[tilespmem:s22], [sflag:$0x1] =	stream.indirect.gather [hbm4b:s5+s25], $0x80, s10, s25, $0xb8;
	[tilespmem:$0x1D000] =	vst v63  }
0x96: {  	s7 =	simm.s32 $0x80  }
0x97: {  	[tilespmem:s26], [sflag:$0x2] =	stream.indirect.gather [hbm4b:s5+s25], $0x80, s7, s25, $0xb8;
	[tilespmem:$0x1D000] =	vst v63  }
0x98: {  	_ =	swait.ge [sflag:s28], $0x2000  }
0x99: {  	[sflag:s28] =	ssyncset.done $0x0  }
0x9a: {  	s8 =	simm.s32 $0x2800;
	[sflag:s28] =	ssyncadd.s32 $0xFFFFE000  }
0x9b: {  	[spmem:s2] =	stream.indirect.scatter.add.f32 [tilespmem:s22], [sflag:$0x3], $0x80, s8, s25, $0xb8;
	[tilespmem:$0x1D000] =	vst v63  }
0x9c: {  	_ =	swait.ge [sflag:s23], $0x2000  }
0x9d: {  	[sflag:s23] =	ssyncset.done $0x0  }
0x9e: {  	s9 =	simm.s32 $0x100;
	[sflag:s23] =	ssyncadd.s32 $0xFFFFE000  }
0x9f: {  	[tilespmem:s22], [sflag:$0x1] =	stream.indirect.gather [hbm4b:s5+s25], $0x80, s9, s25, $0xb8;
	[tilespmem:$0x1D000] =	vst v63  }
0xa0: {  	_ =	swait.ge [sflag:s29], $0x2000  }
0xa1: {  	[sflag:s29] =	ssyncset.done $0x0  }
0xa2: {  	s10 =	simm.s32 $0x2880;
	[sflag:s29] =	ssyncadd.s32 $0xFFFFE000  }
0xa3: {  	[spmem:s2] =	stream.indirect.scatter.add.f32 [tilespmem:s26], [sflag:$0x3], $0x80, s10, s25, $0xb8;
	[tilespmem:$0x1D000] =	vst v63  }
0xa4: {  	_ =	swait.ge [sflag:s23], $0x2000  }
0xa5: {  	s3 =	simm.s32 $0x100;
	s7 =	simm.s32 $0x800;
	[sflag:s23] =	ssyncset.done $0x0  }
.LBB2_4:
0xa6: {  	s8 =	sadd.s32 $0x80, s3  }
0xa7: {  	[sflag:s23] =	ssyncadd.s32 $0xFFFFE000;
	s9 =	smov.u32 s7;
	s10 =	sadd.s32 $0x400, s7  }
0xa8: {  	[tilespmem:s26], [sflag:$0x2] =	stream.indirect.gather [hbm4b:s5+s25], $0x80, s8, s25, $0xb8;
	[tilespmem:$0x1D000] =	vst v63  }
0xa9: {  	p0 =	sne.s32 s7, $0x9800;
	_ =	swait.ge [sflag:s28], $0x2000  }
0xaa: {  	[sflag:s28] =	ssyncset.done $0x0  }
0xab: {  	s7 =	sadd.s32 $0x2800, s3;
	[sflag:s28] =	ssyncadd.s32 $0xFFFFE000  }
0xac: {  	[spmem:s2] =	stream.indirect.scatter.add.f32 [tilespmem:s22], [sflag:$0x3], $0x80, s7, s25, $0xb8;
	[tilespmem:$0x1D000] =	vst v63  }
0xad: {  	_ =	swait.ge [sflag:s23], $0x2000  }
0xae: {  	[sflag:s23] =	ssyncset.done $0x0  }
0xaf: {  	s7 =	sadd.s32 $0x100, s3;
	[sflag:s23] =	ssyncadd.s32 $0xFFFFE000  }
0xb0: {  	[tilespmem:s22], [sflag:$0x1] =	stream.indirect.gather [hbm4b:s5+s25], $0x80, s7, s25, $0xb8;
	[tilespmem:$0x1D000] =	vst v63  }
0xb1: {  	_ =	swait.ge [sflag:s29], $0x2000  }
.Ltmp1:
0xb2: {  	[sflag:s29] =	ssyncset.done $0x0;
	(pc) =	sbr.rel @p0 .LBB2_4-.Ltmp1, $4  }
0xb3: {  	s3 =	sadd.s32 $0x2880, s3;
	[sflag:s29] =	ssyncadd.s32 $0xFFFFE000  }
0xb4: {  	[spmem:s2] =	stream.indirect.scatter.add.f32 [tilespmem:s26], [sflag:$0x3], $0x80, s3, s25, $0xb8;
	[tilespmem:$0x1D000] =	vst v63  }
0xb5: {  	_ =	swait.ge [sflag:s23], $0x2000  }
0xb6: {  	s7 =	smov.u32 s10;
	s3 =	sshra.s32 s9, $0x2;
	[sflag:s23] =	ssyncset.done $0x0  }
0xb7: {  	s7 =	sadd.s32 $0x80, s3;
	[sflag:s23] =	ssyncadd.s32 $0xFFFFE000  }
0xb8: {  	[tilespmem:s26], [sflag:$0x2] =	stream.indirect.gather [hbm4b:s5+s25], $0x80, s7, s25, $0xb8;
	[tilespmem:$0x1D000] =	vst v63  }
0xb9: {  	_ =	swait.ge [sflag:s28], $0x2000  }
0xba: {  	[sflag:s28] =	ssyncset.done $0x0  }
0xbb: {  	s9 =	sadd.s32 $0x2800, s3;
	[sflag:s28] =	ssyncadd.s32 $0xFFFFE000  }
0xbc: {  	[spmem:s2] =	stream.indirect.scatter.add.f32 [tilespmem:s22], [sflag:$0x3], $0x80, s9, s25, $0xb8;
	[tilespmem:$0x1D000] =	vst v63  }
0xbd: {  	_ =	swait.ge [sflag:s23], $0x2000  }
0xbe: {  	[sflag:s23] =	ssyncset.done $0x0  }
0xbf: {  	s10 =	sadd.s32 $0x100, s3;
	[sflag:s23] =	ssyncadd.s32 $0xFFFFE000  }
0xc0: {  	[tilespmem:s22], [sflag:$0x1] =	stream.indirect.gather [hbm4b:s5+s25], $0x80, s10, s25, $0xb8;
	[tilespmem:$0x1D000] =	vst v63  }
0xc1: {  	_ =	swait.ge [sflag:s29], $0x2000  }
0xc2: {  	[sflag:s29] =	ssyncset.done $0x0  }
0xc3: {  	s8 =	sadd.s32 $0x2880, s3;
	[sflag:s29] =	ssyncadd.s32 $0xFFFFE000  }
0xc4: {  	[spmem:s2] =	stream.indirect.scatter.add.f32 [tilespmem:s26], [sflag:$0x3], $0x80, s8, s25, $0xb8;
	[tilespmem:$0x1D000] =	vst v63  }
0xc5: {  	_ =	swait.ge [sflag:s23], $0x2000  }
0xc6: {  	[sflag:s23] =	ssyncset.done $0x0  }
0xc7: {  	[sflag:s23] =	ssyncadd.s32 $0xFFFFE000  }
0xc8: {  	[tilespmem:s26], [sflag:$0x2] =	stream.indirect.gather [hbm4b:s5+s25], $0x80, s30, s25, $0xb8;
	[tilespmem:$0x1D000] =	vst v63  }
0xc9: {  	_ =	swait.ge [sflag:s28], $0x2000  }
0xca: {  	[sflag:s28] =	ssyncset.done $0x0  }
0xcb: {  	[sflag:s28] =	ssyncadd.s32 $0xFFFFE000  }
0xcc: {  	[spmem:s2] =	stream.indirect.scatter.add.f32 [tilespmem:s22], [sflag:$0x3], $0x80, s31, s25, $0xb8;
	[tilespmem:$0x1D000] =	vst v63  }
0xcd: {  	_ =	swait.ge [sflag:s23], $0x2000  }
0xce: {  	[sflag:s23] =	ssyncset.done $0x0  }
0xcf: {  	[sflag:s23] =	ssyncadd.s32 $0xFFFFE000  }
0xd0: {  	_ =	swait.ge [sflag:s29], $0x2000  }
0xd1: {  	[sflag:s29] =	ssyncset.done $0x0  }
0xd2: {  	[sflag:s29] =	ssyncadd.s32 $0xFFFFE000  }
0xd3: {  	[spmem:s2] =	stream.indirect.scatter.add.f32 [tilespmem:s26], [sflag:$0x3], $0x80, s0, s25, $0xb8;
	[tilespmem:$0x1D000] =	vst v63  }
0xd4: {  	s9 =	stileid.u32;
	_ =	swait.ge [sflag:s23], $0x2000  }
0xd5: {  	s1 =	sadd.s32 $0x1, s1;
	s3 =	sshll.u32 s9, $0x6;
	[sflag:s23] =	ssyncset.done $0x0  }
0xd6: {  	p0 =	sne.s32 s1, s21;
	s3 =	sor.u32 $0x1C03, s3;
	[sflag:s23] =	ssyncadd.s32 $0xFFFFE000  }
.Ltmp2:
0xd7: {  	s10 =	sshrl.u32 s6, $0x3;
	[bflag:$0x0] =	sbarrier.arrive $0xFFFF;
	(pc) =	sbr.rel @p0 .LBB2_1-.Ltmp2, $4  }
0xd8: {  	[hbm:s20], [sflag:s3] =	dma.local [spmem:s10], $0x2800  }
0xd9: {  	_ =	swait.ge [sflag:s23], $0x2800  }
0xda: {  	[sflag:s23] =	ssyncset.done $0x0  }
0xdb: {  	[sflag:s23] =	ssyncadd.s32 $0xFFFFD800  }
0xdc: {  	_ =	sfence.sel $0x180000  }
0xdd: {  	[bflag:$0x0] =	sbarrier.arrive $0xFFFF  }
0xde: {  	_ =	strace $0x9000004D  }
0xdf: {  	s0 =	stileid.u32;
	[bflag:$0x2] =	sbarrier.arrive $0xFFFF  }
0xe0: {  	p0 =	sne.s32 s0, $0x0;
	s0 =	rddreg [dreg:$0x3]  }
0xe1: {  	s0 =	sadd.s32 @!p0 $0x100000, s0  }
0xe2: {  	[sflag:s0] =	ssyncadd.tile.s32 @!p0 $0x1;
	_ =	shalt  }
.Lfunc_end2:
_tile_overlayer_lowered:
.L_overlay_start_2:
0xe3: {  	(tag) =	ssettag $0x2  }
0xe4: {  	s0 =	rddreg [dreg:$0x0];
	s2 =	stileid.u32  }
0xe5: {  	s1 =	rddreg [dreg:$0x1];
	p0 =	sne.s32 s2, $0x0  }
0xe6: {  	s3 =	rddreg [dreg:$0x2];
	[bflag:$0x3] =	sbarrier.arrive $0xFFFF;
	s2 =	simm.s32 @!p0 $0x1C03  }
0xe7: {  	[timem:s3], [sflag:s2] =	dma.local @!p0 [hbm:s0], s1  }
0xe8: {  	s0 =	simm.s32 @!p0 $0x3  }
0xe9: {  	_ =	swait.ge @!p0 [sflag:s0], s1  }
0xea: {  	s1 =	ssub.s32 @!p0 $0x0, s1;
	[sflag:s0] =	ssyncset.done @!p0 $0x0  }
0xeb: {  	[sflag:s0] =	ssyncadd.s32 @!p0 s1  }
0xec: {  	[bflag:$0x3] =	sbarrier.arrive $0xFFFF  }
0xed: {  	_ =	shalt  }

// kernel: kernel.19.cloned.1.call-start
scs
__scs_entry_jumppad:
0x0: {  	(pc) =	sbr.rel $0x88, $3  }
0x1: {  	(tag) =	ssettag $0x0;
	lr =	simm.s32 $0x1  }
0x2: {  	[smem:$0x3F99] =	sst lr;
	_ =	strace $0xD0000000  }
0x3: {  	_ = 	snop  }
0x4: {  	_ = 	snop  }
0x5: {  	_ = 	snop  }
0x6: {  	_ = 	snop  }
0x7: {  	_ = 	snop  }
__scs_overlays_trampoline_lowered:
0x8: {  	[smem:$0x3FA8] =	sst s0  }
0x9: {  	[smem:$0x3FA9] =	sst s1  }
0xa: {  	[smem:$0x3FAA] =	sst s2  }
0xb: {  	[smem:$0x3FAB] =	sst s3  }
0xc: {  	[smem:$0x3FAC] =	sst s4  }
0xd: {  	[smem:$0x3FAD] =	sst s5  }
0xe: {  	[smem:$0x3FAE] =	sst s6  }
0xf: {  	[smem:$0x3FAF] =	sst s7  }
0x10: {  	[smem:$0x3FB0] =	sst s8  }
0x11: {  	[smem:$0x3FB1] =	sst s9;
	s0 =	simm.s32 @!p0 $0x0  }
0x12: {  	s1 =	sld [smem:$0x3F97];
	s0 =	simm.s32 @p0 $0x1  }
0x13: {  	[smem:$0x3FB2] =	sst s0;
	s0 =	simm.s32 @!p1 $0x0  }
0x14: {  	s2 =	sld [smem:$0x3F96];
	s0 =	simm.s32 @p1 $0x1  }
0x15: {  	[smem:$0x3FB3] =	sst s0;
	s0 =	simm.s32 @!p2 $0x0  }
0x16: {  	s3 =	sld [smem:$0x3FDB];
	s0 =	simm.s32 @p2 $0x1  }
0x17: {  	s4 =	simm.s32 $0x1BF5;
	[smem:$0x3FB5] =	sst s0  }
0x18: {  	s0 =	sld [smem:$0x3F98];
	_ =	swait.ge [sflag:s4], $0x0  }
0x19: {  	s7 =	sld [smem:$0x3F99]  }
0x1a: {  	s8 =	sadd.s32 $0xFFFFE003, lr  }
0x1b: {  	s9 =	sadd.s32 $0xFFFFFEF7, lr;
	s5 =	simm.s32 $0xFFFFFFFF;
	p2 =	slt.u32 s8, $0xFFFFF086  }
0x1c: {  	p1 =	slt.u32 s9, $0xF7A;
	s5 =	simm.s32 @!p2 $0x0  }
0x1d: {  	s5 =	simm.s32 @p1 $0x1;
	p0 =	seq.s32 s7, s2  }
0x1e: {  	s7 =	smul.u32 @!p0 $0xF7A, s2;
	p2 =	seq.s32 @!p0 s5, $0x0  }
0x1f: {  	s9 =	smul.u32 $0xF7A, s1;
	s8 =	simm.s32 @!p0 $0x1BF5;
	p2 =	por !p2, p0  }
0x20: {  	[sflag:s8] =	ssyncset.s32 @!p0 $0xFFFFF086;
	s6 =	sadd.s32 @!p0 s3, s7;
	s7 =	simm.s32 @!p0 $0x108  }
0x21: {  	s3 =	sadd.s32 s3, s9;
	s6 =	sadd.s32 @!p0 $0x88, s6;
	s7 =	simm.s32 @p2 $0x1082  }
0x22: {  	[simem:s7], [sflag:s8] =	dma.local @!p0 [hbm:s6], $0xF7A  }
0x23: {  	s9 =	sor.u32 $0xD0000000, s2;
	s6 =	simm.s32 $0x108;
	_ =	swait.ge @!p0 [sflag:s8], $0x0  }
0x24: {  	s3 =	sadd.s32 $0x88, s3;
	s6 =	simm.s32 @!p1 $0x1082;
	[sflag:s4] =	ssyncset.s32 $0xFFFFF086  }
0x25: {  	[simem:s6], [sflag:s4] =	dma.local [hbm:s3], $0xF7A  }
0x26: {  	[smem:$0x3F99] =	sst s1;
	(tag) =	ssettag s2;
	_ =	strace s9  }
0x27: {  	s1 =	sld [smem:$0x3FA9]  }
0x28: {  	s2 =	sld [smem:$0x3FAA]  }
0x29: {  	s4 =	sld [smem:$0x3FAC]  }
0x2a: {  	p0 =	seq.s32 s5, $0x0;
	s5 =	sld [smem:$0x3FAD]  }
0x2b: {  	s6 =	sld [smem:$0x3FAE]  }
0x2c: {  	s7 =	sld [smem:$0x3FAF]  }
0x2d: {  	s3 =	simm.s32 $0x108;
	s8 =	sld [smem:$0x3FB0]  }
0x2e: {  	s3 =	simm.s32 @!p0 $0x1082;
	s9 =	sld [smem:$0x3FB1]  }
0x2f: {  	lr =	sadd.s32 s0, s3;
	s0 =	sld [smem:$0x3FA8]  }
0x30: {  	s3 =	sld [smem:$0x3FAB]  }
0x31: {  	[smem:$0x3FB4] =	sst s10  }
0x32: {  	s10 =	sld [smem:$0x3FB2];
	_ =	sdelay $0x3  }
0x33: {  	p0 =	seq.s32 s10, $0x1;
	s10 =	sld [smem:$0x3FB4];
	_ =	sdelay $0x3  }
0x34: {  	[smem:$0x3FB4] =	sst s10  }
0x35: {  	s10 =	sld [smem:$0x3FB3];
	_ =	sdelay $0x3  }
0x36: {  	p1 =	seq.s32 s10, $0x1;
	s10 =	sld [smem:$0x3FB4];
	_ =	sdelay $0x3  }
0x37: {  	[smem:$0x3FB4] =	sst s10  }
0x38: {  	s10 =	sld [smem:$0x3FB5]  }
0x39: {  	_ = 	snop;
	(pc) =	sbr.ind lr, $3  }
0x3a: {  	_ = 	snop  }
0x3b: {  	_ = 	snop  }
0x3c: {  	p2 =	seq.s32 s10, $0x1;
	s10 =	sld [smem:$0x3FB4]  }
0x3d: {  	_ =	shalt  }
0x3e: {  	_ =	shalt  }
0x3f: {  	_ =	shalt  }
0x40: {  	_ =	shalt  }
0x41: {  	_ =	shalt  }
0x42: {  	_ =	shalt  }
0x43: {  	_ =	shalt  }
0x44: {  	_ =	shalt  }
0x45: {  	_ =	shalt  }
0x46: {  	_ =	shalt  }
0x47: {  	_ =	shalt  }
0x48: {  	_ =	shalt  }
0x49: {  	_ =	shalt  }
0x4a: {  	_ =	shalt  }
0x4b: {  	_ =	shalt  }
0x4c: {  	_ =	shalt  }
0x4d: {  	_ =	shalt  }
0x4e: {  	_ =	shalt  }
0x4f: {  	_ =	shalt  }
0x50: {  	_ =	shalt  }
0x51: {  	_ =	shalt  }
0x52: {  	_ =	shalt  }
0x53: {  	_ =	shalt  }
0x54: {  	_ =	shalt  }
0x55: {  	_ =	shalt  }
0x56: {  	_ =	shalt  }
0x57: {  	_ =	shalt  }
0x58: {  	_ =	shalt  }
0x59: {  	_ =	shalt  }
0x5a: {  	_ =	shalt  }
0x5b: {  	_ =	shalt  }
0x5c: {  	_ =	shalt  }
0x5d: {  	_ =	shalt  }
0x5e: {  	_ =	shalt  }
0x5f: {  	_ =	shalt  }
0x60: {  	_ =	shalt  }
0x61: {  	_ =	shalt  }
0x62: {  	_ =	shalt  }
0x63: {  	_ =	shalt  }
0x64: {  	_ =	shalt  }
0x65: {  	_ =	shalt  }
0x66: {  	_ =	shalt  }
0x67: {  	_ =	shalt  }
0x68: {  	_ =	shalt  }
0x69: {  	_ =	shalt  }
0x6a: {  	_ =	shalt  }
0x6b: {  	_ =	shalt  }
0x6c: {  	_ =	shalt  }
0x6d: {  	_ =	shalt  }
0x6e: {  	_ =	shalt  }
0x6f: {  	_ =	shalt  }
0x70: {  	_ =	shalt  }
0x71: {  	_ =	shalt  }
0x72: {  	_ =	shalt  }
0x73: {  	_ =	shalt  }
0x74: {  	_ =	shalt  }
0x75: {  	_ =	shalt  }
0x76: {  	_ =	shalt  }
0x77: {  	_ =	shalt  }
0x78: {  	_ =	shalt  }
0x79: {  	_ =	shalt  }
0x7a: {  	_ =	shalt  }
0x7b: {  	_ =	shalt  }
0x7c: {  	_ =	shalt  }
0x7d: {  	_ =	shalt  }
0x7e: {  	_ =	shalt  }
0x7f: {  	_ =	shalt  }
0x80: {  	_ =	shalt  }
0x81: {  	_ =	shalt  }
0x82: {  	_ =	shalt  }
0x83: {  	_ =	shalt  }
0x84: {  	_ =	shalt  }
0x85: {  	_ =	shalt  }
0x86: {  	_ =	shalt  }
0x87: {  	_ =	shalt  }
.Lfunc_end0:
.L_simem_size_0:
called_computation.3_lowered:
.L_overlay_start_0:
0x88: {  	s2 =	sld [smem:$0x3FD9]  }
0x89: {  	s3 =	sld [smem:$0x3FFE];
	_ =	sdelay $0x1  }
0x8a: {  	s1 =	srdreg.scid  }
0x8b: {  	s0 =	sand.u32 $0x1, s1  }
0x8c: {  	s17 =	sshll.u32 s0, $0xA;
	s2 =	sadd.s32 s3, s2  }
0x8d: {  	s2 =	sadd.s32 s2, s17  }
0x8e: {  	[smem:$0x3FC0] =	sst s2  }
0x8f: {  	_ = 	snop  }
0x90: {  	s2 =	sld [smem:$0x3FD0];
	(tm) =	ssettm $0x1  }
0x91: {  	s18 =	sld [smem:$0x3FFB];
	_ =	sdelay $0x3  }
0x92: {  	_ =	strace s18  }
0x93: {  	s3 =	sld [smem:$0x3FFC];
	_ =	sdelay $0x3  }
0x94: {  	_ =	strace s3  }
0x95: {  	s3 =	sld [smem:$0x3FFD];
	_ =	sdelay $0x3  }
0x96: {  	_ =	strace s3  }
0x97: {  	_ =	strace $0x8FFFFFFF  }
0x98: {  	s19 =	sld [smem:$0x3FDB];
	_ =	sdelay $0x1  }
0x99: {  	s4 =	simm.s32 $_scs_section_size  }
0x9a: {  	s5 =	simm.s32 $_size__tile_overlayer_lowered;
	s6 =	simm.s32 $_tile_overlayer_lowered  }
0x9b: {  	s22 =	simm.s32 $0x1BFF;
	s21 =	sshll.u32 s6, $0x1;
	s3 =	sadd.s32 s4, s19  }
0x9c: {  	s7 =	simm.s32 $0x0;
	s20 =	sshll.u32 s5, $0x1;
	s5 =	sadd.s32 s21, s3  }
0x9d: {  	[timem:s7], [sflag:s22] =	dma.local [hbm:s5], s20  }
0x9e: {  	_ =	swait.ge [sflag:s22], s20  }
0x9f: {  	s4 =	ssub.s32 $0x0, s20;
	[sflag:s22] =	ssyncset.done $0x0  }
0xa0: {  	[sflag:s22] =	ssyncadd.s32 s4;
	_ =	sdelay $0x1  }
0xa1: {  	s23 =	simm.s32 $0x1B8B  }
0xa2: {  	_ =	swait.ge [sflag:s23], $0x1  }
0xa3: {  	[sflag:s23] =	ssyncset.done $0x0  }
0xa4: {  	s25 =	simm.s32 $0x1B8E;
	s24 =	sld [smem:$0x3FFE];
	[sflag:s23] =	ssyncadd.s32 $0xFFFFFFFF  }
0xa5: {  	s26 =	simm.s32 $execute0_lowered;
	[smem:$0x3FD2] =	sst s25  }
0xa6: {  	s5 =	sshll.u32 s26, $0x1;
	_ =	strace $0x8000004F;
	[dreg:$0x1] =	wrdreg $0xFFFFFFFF  }
0xa7: {  	s28 =	simm.s32 $_size_execute0_lowered;
	s3 =	sadd.s32 s3, s5;
	[dreg:$0x0] =	wrdreg $0x0  }
0xa8: {  	s5 =	sshll.u32 s28, $0x1;
	[dreg:$0x2] =	wrdreg s3  }
0xa9: {  	[dreg:$0x3] =	wrdreg s5  }
0xaa: {  	[dreg:$0x4] =	wrdreg $0xC0  }
0xab: {  	_ =	task [dreg:s7], $0x5FFFF  }
0xac: {  	[dreg:$0x1] =	wrdreg $0xFFFFFFFF  }
0xad: {  	[dreg:$0x0] =	wrdreg $0x60  }
0xae: {  	[dreg:$0x2] =	wrdreg s24  }
0xaf: {  	[dreg:$0x3] =	wrdreg s2  }
0xb0: {  	[dreg:$0x4] =	wrdreg $0x90000  }
0xb1: {  	[dreg:$0x5] =	wrdreg $0x9  }
0xb2: {  	_ =	task.clear_ibuf [dreg:s7], $0x6FFFF;
	_ =	strace $0x9000004F  }
0xb3: {  	s29 =	simm.s32 $0x9;
	_ =	strace $0x80000051  }
0xb4: {  	_ =	swait.ge [sflag:s29], $0x1  }
0xb5: {  	[sflag:s29] =	ssyncadd.s32 $0xFFFFFFFF  }
0xb6: {  	_ =	strace $0x90000051  }
0xb7: {  	_ =	sfence  }
0xb8: {  	s30 =	sld [smem:$0x0];
	_ =	sdelay $0x2  }
0xb9: {  	s31 =	sshll.u32 s1, $0xD;
	s1 =	sshrl.u32 s1, $0x2  }
0xba: {  	s3 =	sand.u32 $0x4000, s31;
	s1 =	sadd.s32 s1, s30  }
0xbb: {  	s0 =	sor.u32 s3, s0;
	s1 =	sshll.u32 s1, $0x11  }
0xbc: {  	s0 =	sor.u32 s1, s0  }
0xbd: {  	s0 =	sadd.s32 $0x8F2B, s0  }
0xbe: {  	[sflag:s0] =	ssyncadd.remote.s32 $0x1  }
0xbf: {  	_ =	sfence.sel $0xFFFF  }
0xc0: {  	[dreg:$0x0] =	wrdreg $0xFFFFFFFF;
	(pc) =	sbr.abs _section_cstart, $3  }
0xc1: {  	[dreg:$0x1] =	wrdreg $0xFFFFFFFF  }
0xc2: {  	_ =	task.clear_ibuf [dreg:s7], $0x2FFFF;
	_ =	strace $0x9FFFFFFF  }
0xc3: {  	(tm) =	ssettm $0x7FFFFFFF  }
tec
execute0_lowered:
.L_overlay_start_1:
0x0: {  	(tag) =	ssettag $0x1  }
0x1: {  	s0 =	rddreg [dreg:$0x0]  }
0x2: {  	s2 =	rddreg [dreg:$0x2];
	s1 =	srdreg.scid  }
0x3: {  	s4 =	simm.s32 $0x0;
	s9 =	stileid.u32;
	s28 =	simm.s32 $0x1  }
0x4: {  	s29 =	simm.s32 $0x2;
	s30 =	simm.s32 $0x2780;
	s31 =	simm.s32 $0x4F00  }
0x5: {  	s1 =	sand.u32 $0x1, s1;
	[smem:$0x7FF] =	sst s4;
	s6 =	smul.u32 $0x14000, s9  }
0x6: {  	s5 =	sadd.s32 $0x7B400, s0;
	s7 =	sadd.s32 $0x67400, s0;
	s20 =	smul.u32 $0x50000, s9  }
0x7: {  	s19 =	sadd.s32 $0x3000, s0;
	s22 =	sshll.u32 s9, $0x1;
	s3 =	smul.u32 $0x140000, s1  }
0x8: {  	_ =	strace $0x80000050;
	s8 =	ssub.s32 $0x2, s1;
	s1 =	sor.u32 s1, s22  }
0x9: {  	s22 =	simm.s32 $0x5000;
	s1 =	smul.u32 $0x5000, s1;
	s3 =	sadd.s32 s6, s3  }
0xa: {  	s21 =	sshrl.u32 s8, $0x1;
	s6 =	sshrl.u32 s20, $0x2;
	s3 =	sshrl.u32 s3, $0x3  }
0xb: {  	s6 =	sadd.s32 s6, s2;
	s1 =	sshrl.u32 s1, $0x3;
	s0 =	sadd.s32 s3, s0  }
0xc: {  	s3 =	ssub.s32 s8, s21;
	s23 =	sadd.s32 $0x2000, s6;
	s24 =	sadd.s32 $0x4000, s6  }
0xd: {  	s25 =	sadd.s32 $0x6000, s6;
	s26 =	sadd.s32 $0x8000, s6;
	s11 =	sadd.s32 $0xA000, s6  }
0xe: {  	s12 =	sadd.s32 $0xC000, s6;
	s13 =	sadd.s32 $0xE000, s6;
	[dreg:$0x4] =	wrdreg s23  }
0xf: {  	s14 =	sadd.s32 $0x10000, s6;
	s16 =	sadd.s32 s7, s1;
	[dreg:$0x5] =	wrdreg s24  }
0x10: {  	s17 =	sadd.s32 s19, s1;
	s1 =	sadd.s32 $0x500, s1;
	[dreg:$0x6] =	wrdreg s25  }
0x11: {  	s15 =	sadd.s32 $0x12000, s6;
	[dreg:$0x7] =	wrdreg s26;
	s18 =	sadd.s32 s7, s1  }
0x12: {  	s19 =	sadd.s32 s19, s1;
	s20 =	sadd.s32 $0xA2600, s0;
	s21 =	smax.u32 s3, $0x1  }
0x13: {  	s23 =	simm.s32 $0x3;
	s24 =	simm.s32 $0x2800;
	s25 =	simm.s32 $0x40  }
0x14: {  	s26 =	simm.s32 $0x7000;
	s0 =	simm.s32 $0x4F80;
	s1 =	simm.s32 $0x0  }
.LBB2_1:
0x15: {  	s3 =	rddreg [dreg:$0x1]  }
0x16: {  	[tilespmem:s22], [sflag:$0x3] =	stream.linear.gather [hbm4b:s3+s4], $0x2000, $0x38;
	[tilespmem:$0x1D000] =	vst v63  }
0x17: {  	_ =	swait.ge [sflag:s23], $0x2000  }
0x18: {  	[sflag:s23] =	ssyncset.done $0x0  }
0x19: {  	[sflag:s23] =	ssyncadd.s32 $0xFFFFE000  }
0x1a: {  	[spmem:s6] =	stream.linear.scatter [tilespmem:s22], [sflag:$0x3], $0x2000, $0x38;
	[tilespmem:$0x1D000] =	vst v63  }
0x1b: {  	_ =	swait.ge [sflag:s23], $0x2000  }
0x1c: {  	[sflag:s23] =	ssyncset.done $0x0  }
0x1d: {  	s7 =	rddreg [dreg:$0x4];
	[sflag:s23] =	ssyncadd.s32 $0xFFFFE000  }
0x1e: {  	[spmem:s7] =	stream.linear.scatter [tilespmem:s22], [sflag:$0x3], $0x2000, $0x38;
	[tilespmem:$0x1D000] =	vst v63  }
0x1f: {  	_ =	swait.ge [sflag:s23], $0x2000  }
0x20: {  	[sflag:s23] =	ssyncset.done $0x0  }
0x21: {  	s8 =	rddreg [dreg:$0x5];
	[sflag:s23] =	ssyncadd.s32 $0xFFFFE000  }
0x22: {  	[spmem:s8] =	stream.linear.scatter [tilespmem:s22], [sflag:$0x3], $0x2000, $0x38;
	[tilespmem:$0x1D000] =	vst v63  }
0x23: {  	_ =	swait.ge [sflag:s23], $0x2000  }
0x24: {  	[sflag:s23] =	ssyncset.done $0x0  }
0x25: {  	s9 =	rddreg [dreg:$0x6];
	[sflag:s23] =	ssyncadd.s32 $0xFFFFE000  }
0x26: {  	[spmem:s9] =	stream.linear.scatter [tilespmem:s22], [sflag:$0x3], $0x2000, $0x38;
	[tilespmem:$0x1D000] =	vst v63  }
0x27: {  	_ =	swait.ge [sflag:s23], $0x2000  }
0x28: {  	[sflag:s23] =	ssyncset.done $0x0  }
0x29: {  	s10 =	rddreg [dreg:$0x7];
	[sflag:s23] =	ssyncadd.s32 $0xFFFFE000  }
0x2a: {  	[spmem:s10] =	stream.linear.scatter [tilespmem:s22], [sflag:$0x3], $0x2000, $0x38;
	[tilespmem:$0x1D000] =	vst v63  }
0x2b: {  	_ =	swait.ge [sflag:s23], $0x2000  }
0x2c: {  	[sflag:s23] =	ssyncset.done $0x0  }
0x2d: {  	[sflag:s23] =	ssyncadd.s32 $0xFFFFE000  }
0x2e: {  	[spmem:s11] =	stream.linear.scatter [tilespmem:s22], [sflag:$0x3], $0x2000, $0x38;
	[tilespmem:$0x1D000] =	vst v63  }
0x2f: {  	_ =	swait.ge [sflag:s23], $0x2000  }
0x30: {  	[sflag:s23] =	ssyncset.done $0x0  }
0x31: {  	[sflag:s23] =	ssyncadd.s32 $0xFFFFE000  }
0x32: {  	[spmem:s12] =	stream.linear.scatter [tilespmem:s22], [sflag:$0x3], $0x2000, $0x38;
	[tilespmem:$0x1D000] =	vst v63  }
0x33: {  	_ =	swait.ge [sflag:s23], $0x2000  }
0x34: {  	[sflag:s23] =	ssyncset.done $0x0  }
0x35: {  	[sflag:s23] =	ssyncadd.s32 $0xFFFFE000  }
0x36: {  	[spmem:s13] =	stream.linear.scatter [tilespmem:s22], [sflag:$0x3], $0x2000, $0x38;
	[tilespmem:$0x1D000] =	vst v63  }
0x37: {  	_ =	swait.ge [sflag:s23], $0x2000  }
0x38: {  	[sflag:s23] =	ssyncset.done $0x0  }
0x39: {  	[sflag:s23] =	ssyncadd.s32 $0xFFFFE000  }
0x3a: {  	[spmem:s14] =	stream.linear.scatter [tilespmem:s22], [sflag:$0x3], $0x2000, $0x38;
	[tilespmem:$0x1D000] =	vst v63  }
0x3b: {  	_ =	swait.ge [sflag:s23], $0x2000  }
0x3c: {  	[sflag:s23] =	ssyncset.done $0x0  }
0x3d: {  	[sflag:s23] =	ssyncadd.s32 $0xFFFFE000  }
0x3e: {  	[spmem:s15] =	stream.linear.scatter [tilespmem:s22], [sflag:$0x3], $0x2000, $0x38;
	[tilespmem:$0x1D000] =	vst v63  }
0x3f: {  	_ =	swait.ge [sflag:s23], $0x2000  }
0x40: {  	[sflag:s23] =	ssyncset.done $0x0  }
0x41: {  	[sflag:s23] =	ssyncadd.s32 $0xFFFFE000  }
0x42: {  	[bflag:$0x0] =	sbarrier.arrive $0xFFFF  }
0x43: {  	[tilespmem:s4], [sflag:$0x3] =	stream.linear.gather [hbm4b:s16+s4], $0x2800, $0x38;
	[tilespmem:$0x1D000] =	vst v63  }
0x44: {  	_ =	swait.ge [sflag:s23], $0x2800  }
0x45: {  	[sflag:s23] =	ssyncset.done $0x0  }
0x46: {  	[sflag:s23] =	ssyncadd.s32 $0xFFFFD800  }
0x47: {  	[tilespmem:s24], [sflag:$0x3] =	stream.linear.gather [hbm4b:s17+s4], $0x2800, $0x38;
	[tilespmem:$0x1D000] =	vst v63  }
0x48: {  	_ =	swait.ge [sflag:s23], $0x2800  }
0x49: {  	[sflag:s23] =	ssyncset.done $0x0  }
0x4a: {  	[sflag:s23] =	ssyncadd.s32 $0xFFFFD800  }
0x4b: {  	[tilespmem:s22], [sflag:$0x1] =	stream.indirect.gather [hbm4b:s5+s25], $0x80, s4, s25, $0xb8;
	[tilespmem:$0x1D000] =	vst v63  }
0x4c: {  	s7 =	simm.s32 $0x80  }
0x4d: {  	[tilespmem:s26], [sflag:$0x2] =	stream.indirect.gather [hbm4b:s5+s25], $0x80, s7, s25, $0xb8;
	[tilespmem:$0x1D000] =	vst v63  }
0x4e: {  	_ =	swait.ge [sflag:s28], $0x2000  }
0x4f: {  	[sflag:s28] =	ssyncset.done $0x0  }
0x50: {  	s8 =	simm.s32 $0x2800;
	[sflag:s28] =	ssyncadd.s32 $0xFFFFE000  }
0x51: {  	[spmem:s2] =	stream.indirect.scatter.add.f32 [tilespmem:s22], [sflag:$0x3], $0x80, s8, s25, $0xb8;
	[tilespmem:$0x1D000] =	vst v63  }
0x52: {  	_ =	swait.ge [sflag:s23], $0x2000  }
0x53: {  	[sflag:s23] =	ssyncset.done $0x0  }
0x54: {  	s9 =	simm.s32 $0x100;
	[sflag:s23] =	ssyncadd.s32 $0xFFFFE000  }
0x55: {  	[tilespmem:s22], [sflag:$0x1] =	stream.indirect.gather [hbm4b:s5+s25], $0x80, s9, s25, $0xb8;
	[tilespmem:$0x1D000] =	vst v63  }
0x56: {  	_ =	swait.ge [sflag:s29], $0x2000  }
0x57: {  	[sflag:s29] =	ssyncset.done $0x0  }
0x58: {  	s10 =	simm.s32 $0x2880;
	[sflag:s29] =	ssyncadd.s32 $0xFFFFE000  }
0x59: {  	[spmem:s2] =	stream.indirect.scatter.add.f32 [tilespmem:s26], [sflag:$0x3], $0x80, s10, s25, $0xb8;
	[tilespmem:$0x1D000] =	vst v63  }
0x5a: {  	_ =	swait.ge [sflag:s23], $0x2000  }
0x5b: {  	s3 =	simm.s32 $0x100;
	s7 =	simm.s32 $0x800;
	[sflag:s23] =	ssyncset.done $0x0  }
.LBB2_2:
0x5c: {  	s8 =	sadd.s32 $0x80, s3  }
0x5d: {  	[sflag:s23] =	ssyncadd.s32 $0xFFFFE000;
	s9 =	smov.u32 s7;
	s10 =	sadd.s32 $0x400, s7  }
0x5e: {  	[tilespmem:s26], [sflag:$0x2] =	stream.indirect.gather [hbm4b:s5+s25], $0x80, s8, s25, $0xb8;
	[tilespmem:$0x1D000] =	vst v63  }
0x5f: {  	p0 =	sne.s32 s7, $0x9800;
	_ =	swait.ge [sflag:s28], $0x2000  }
0x60: {  	[sflag:s28] =	ssyncset.done $0x0  }
0x61: {  	s7 =	sadd.s32 $0x2800, s3;
	[sflag:s28] =	ssyncadd.s32 $0xFFFFE000  }
0x62: {  	[spmem:s2] =	stream.indirect.scatter.add.f32 [tilespmem:s22], [sflag:$0x3], $0x80, s7, s25, $0xb8;
	[tilespmem:$0x1D000] =	vst v63  }
0x63: {  	_ =	swait.ge [sflag:s23], $0x2000  }
0x64: {  	[sflag:s23] =	ssyncset.done $0x0  }
0x65: {  	s7 =	sadd.s32 $0x100, s3;
	[sflag:s23] =	ssyncadd.s32 $0xFFFFE000  }
0x66: {  	[tilespmem:s22], [sflag:$0x1] =	stream.indirect.gather [hbm4b:s5+s25], $0x80, s7, s25, $0xb8;
	[tilespmem:$0x1D000] =	vst v63  }
0x67: {  	_ =	swait.ge [sflag:s29], $0x2000  }
.Ltmp0:
0x68: {  	[sflag:s29] =	ssyncset.done $0x0;
	(pc) =	sbr.rel @p0 .LBB2_2-.Ltmp0, $4  }
0x69: {  	s3 =	sadd.s32 $0x2880, s3;
	[sflag:s29] =	ssyncadd.s32 $0xFFFFE000  }
0x6a: {  	[spmem:s2] =	stream.indirect.scatter.add.f32 [tilespmem:s26], [sflag:$0x3], $0x80, s3, s25, $0xb8;
	[tilespmem:$0x1D000] =	vst v63  }
0x6b: {  	_ =	swait.ge [sflag:s23], $0x2000  }
0x6c: {  	s7 =	smov.u32 s10;
	s3 =	sshra.s32 s9, $0x2;
	[sflag:s23] =	ssyncset.done $0x0  }
0x6d: {  	s7 =	sadd.s32 $0x80, s3;
	[sflag:s23] =	ssyncadd.s32 $0xFFFFE000  }
0x6e: {  	[tilespmem:s26], [sflag:$0x2] =	stream.indirect.gather [hbm4b:s5+s25], $0x80, s7, s25, $0xb8;
	[tilespmem:$0x1D000] =	vst v63  }
0x6f: {  	_ =	swait.ge [sflag:s28], $0x2000  }
0x70: {  	[sflag:s28] =	ssyncset.done $0x0  }
0x71: {  	s10 =	sadd.s32 $0x2800, s3;
	[sflag:s28] =	ssyncadd.s32 $0xFFFFE000  }
0x72: {  	[spmem:s2] =	stream.indirect.scatter.add.f32 [tilespmem:s22], [sflag:$0x3], $0x80, s10, s25, $0xb8;
	[tilespmem:$0x1D000] =	vst v63  }
0x73: {  	_ =	swait.ge [sflag:s23], $0x2000  }
0x74: {  	[sflag:s23] =	ssyncset.done $0x0  }
0x75: {  	s8 =	sadd.s32 $0x100, s3;
	[sflag:s23] =	ssyncadd.s32 $0xFFFFE000  }
0x76: {  	[tilespmem:s22], [sflag:$0x1] =	stream.indirect.gather [hbm4b:s5+s25], $0x80, s8, s25, $0xb8;
	[tilespmem:$0x1D000] =	vst v63  }
0x77: {  	_ =	swait.ge [sflag:s29], $0x2000  }
0x78: {  	[sflag:s29] =	ssyncset.done $0x0  }
0x79: {  	s9 =	sadd.s32 $0x2880, s3;
	[sflag:s29] =	ssyncadd.s32 $0xFFFFE000  }
0x7a: {  	[spmem:s2] =	stream.indirect.scatter.add.f32 [tilespmem:s26], [sflag:$0x3], $0x80, s9, s25, $0xb8;
	[tilespmem:$0x1D000] =	vst v63  }
0x7b: {  	_ =	swait.ge [sflag:s23], $0x2000  }
0x7c: {  	[sflag:s23] =	ssyncset.done $0x0  }
0x7d: {  	[sflag:s23] =	ssyncadd.s32 $0xFFFFE000  }
0x7e: {  	[tilespmem:s26], [sflag:$0x2] =	stream.indirect.gather [hbm4b:s5+s25], $0x80, s30, s25, $0xb8;
	[tilespmem:$0x1D000] =	vst v63  }
0x7f: {  	_ =	swait.ge [sflag:s28], $0x2000  }
0x80: {  	[sflag:s28] =	ssyncset.done $0x0  }
0x81: {  	[sflag:s28] =	ssyncadd.s32 $0xFFFFE000  }
0x82: {  	[spmem:s2] =	stream.indirect.scatter.add.f32 [tilespmem:s22], [sflag:$0x3], $0x80, s31, s25, $0xb8;
	[tilespmem:$0x1D000] =	vst v63  }
0x83: {  	_ =	swait.ge [sflag:s23], $0x2000  }
0x84: {  	[sflag:s23] =	ssyncset.done $0x0  }
0x85: {  	[sflag:s23] =	ssyncadd.s32 $0xFFFFE000  }
0x86: {  	_ =	swait.ge [sflag:s29], $0x2000  }
0x87: {  	[sflag:s29] =	ssyncset.done $0x0  }
0x88: {  	[sflag:s29] =	ssyncadd.s32 $0xFFFFE000  }
0x89: {  	[spmem:s2] =	stream.indirect.scatter.add.f32 [tilespmem:s26], [sflag:$0x3], $0x80, s0, s25, $0xb8;
	[tilespmem:$0x1D000] =	vst v63  }
0x8a: {  	_ =	swait.ge [sflag:s23], $0x2000  }
0x8b: {  	[sflag:s23] =	ssyncset.done $0x0  }
0x8c: {  	s10 =	simm.s32 $0x0;
	[sflag:s23] =	ssyncadd.s32 $0xFFFFE000  }
0x8d: {  	[tilespmem:s10], [sflag:$0x3] =	stream.linear.gather [hbm4b:s18+s10], $0x2800, $0x38;
	[tilespmem:$0x1D000] =	vst v63  }
0x8e: {  	_ =	swait.ge [sflag:s23], $0x2800  }
0x8f: {  	[sflag:s23] =	ssyncset.done $0x0  }
0x90: {  	[sflag:s23] =	ssyncadd.s32 $0xFFFFD800  }
0x91: {  	[tilespmem:s24], [sflag:$0x3] =	stream.linear.gather [hbm4b:s19+s10], $0x2800, $0x38;
	[tilespmem:$0x1D000] =	vst v63  }
0x92: {  	_ =	swait.ge [sflag:s23], $0x2800  }
0x93: {  	[sflag:s23] =	ssyncset.done $0x0  }
0x94: {  	[sflag:s23] =	ssyncadd.s32 $0xFFFFD800  }
0x95: {  	[tilespmem:s22], [sflag:$0x1] =	stream.indirect.gather [hbm4b:s5+s25], $0x80, s10, s25, $0xb8;
	[tilespmem:$0x1D000] =	vst v63  }
0x96: {  	s7 =	simm.s32 $0x80  }
0x97: {  	[tilespmem:s26], [sflag:$0x2] =	stream.indirect.gather [hbm4b:s5+s25], $0x80, s7, s25, $0xb8;
	[tilespmem:$0x1D000] =	vst v63  }
0x98: {  	_ =	swait.ge [sflag:s28], $0x2000  }
0x99: {  	[sflag:s28] =	ssyncset.done $0x0  }
0x9a: {  	s8 =	simm.s32 $0x2800;
	[sflag:s28] =	ssyncadd.s32 $0xFFFFE000  }
0x9b: {  	[spmem:s2] =	stream.indirect.scatter.add.f32 [tilespmem:s22], [sflag:$0x3], $0x80, s8, s25, $0xb8;
	[tilespmem:$0x1D000] =	vst v63  }
0x9c: {  	_ =	swait.ge [sflag:s23], $0x2000  }
0x9d: {  	[sflag:s23] =	ssyncset.done $0x0  }
0x9e: {  	s9 =	simm.s32 $0x100;
	[sflag:s23] =	ssyncadd.s32 $0xFFFFE000  }
0x9f: {  	[tilespmem:s22], [sflag:$0x1] =	stream.indirect.gather [hbm4b:s5+s25], $0x80, s9, s25, $0xb8;
	[tilespmem:$0x1D000] =	vst v63  }
0xa0: {  	_ =	swait.ge [sflag:s29], $0x2000  }
0xa1: {  	[sflag:s29] =	ssyncset.done $0x0  }
0xa2: {  	s10 =	simm.s32 $0x2880;
	[sflag:s29] =	ssyncadd.s32 $0xFFFFE000  }
0xa3: {  	[spmem:s2] =	stream.indirect.scatter.add.f32 [tilespmem:s26], [sflag:$0x3], $0x80, s10, s25, $0xb8;
	[tilespmem:$0x1D000] =	vst v63  }
0xa4: {  	_ =	swait.ge [sflag:s23], $0x2000  }
0xa5: {  	s3 =	simm.s32 $0x100;
	s7 =	simm.s32 $0x800;
	[sflag:s23] =	ssyncset.done $0x0  }
.LBB2_4:
0xa6: {  	s8 =	sadd.s32 $0x80, s3  }
0xa7: {  	[sflag:s23] =	ssyncadd.s32 $0xFFFFE000;
	s9 =	smov.u32 s7;
	s10 =	sadd.s32 $0x400, s7  }
0xa8: {  	[tilespmem:s26], [sflag:$0x2] =	stream.indirect.gather [hbm4b:s5+s25], $0x80, s8, s25, $0xb8;
	[tilespmem:$0x1D000] =	vst v63  }
0xa9: {  	p0 =	sne.s32 s7, $0x9800;
	_ =	swait.ge [sflag:s28], $0x2000  }
0xaa: {  	[sflag:s28] =	ssyncset.done $0x0  }
0xab: {  	s7 =	sadd.s32 $0x2800, s3;
	[sflag:s28] =	ssyncadd.s32 $0xFFFFE000  }
0xac: {  	[spmem:s2] =	stream.indirect.scatter.add.f32 [tilespmem:s22], [sflag:$0x3], $0x80, s7, s25, $0xb8;
	[tilespmem:$0x1D000] =	vst v63  }
0xad: {  	_ =	swait.ge [sflag:s23], $0x2000  }
0xae: {  	[sflag:s23] =	ssyncset.done $0x0  }
0xaf: {  	s7 =	sadd.s32 $0x100, s3;
	[sflag:s23] =	ssyncadd.s32 $0xFFFFE000  }
0xb0: {  	[tilespmem:s22], [sflag:$0x1] =	stream.indirect.gather [hbm4b:s5+s25], $0x80, s7, s25, $0xb8;
	[tilespmem:$0x1D000] =	vst v63  }
0xb1: {  	_ =	swait.ge [sflag:s29], $0x2000  }
.Ltmp1:
0xb2: {  	[sflag:s29] =	ssyncset.done $0x0;
	(pc) =	sbr.rel @p0 .LBB2_4-.Ltmp1, $4  }
0xb3: {  	s3 =	sadd.s32 $0x2880, s3;
	[sflag:s29] =	ssyncadd.s32 $0xFFFFE000  }
0xb4: {  	[spmem:s2] =	stream.indirect.scatter.add.f32 [tilespmem:s26], [sflag:$0x3], $0x80, s3, s25, $0xb8;
	[tilespmem:$0x1D000] =	vst v63  }
0xb5: {  	_ =	swait.ge [sflag:s23], $0x2000  }
0xb6: {  	s7 =	smov.u32 s10;
	s3 =	sshra.s32 s9, $0x2;
	[sflag:s23] =	ssyncset.done $0x0  }
0xb7: {  	s7 =	sadd.s32 $0x80, s3;
	[sflag:s23] =	ssyncadd.s32 $0xFFFFE000  }
0xb8: {  	[tilespmem:s26], [sflag:$0x2] =	stream.indirect.gather [hbm4b:s5+s25], $0x80, s7, s25, $0xb8;
	[tilespmem:$0x1D000] =	vst v63  }
0xb9: {  	_ =	swait.ge [sflag:s28], $0x2000  }
0xba: {  	[sflag:s28] =	ssyncset.done $0x0  }
0xbb: {  	s9 =	sadd.s32 $0x2800, s3;
	[sflag:s28] =	ssyncadd.s32 $0xFFFFE000  }
0xbc: {  	[spmem:s2] =	stream.indirect.scatter.add.f32 [tilespmem:s22], [sflag:$0x3], $0x80, s9, s25, $0xb8;
	[tilespmem:$0x1D000] =	vst v63  }
0xbd: {  	_ =	swait.ge [sflag:s23], $0x2000  }
0xbe: {  	[sflag:s23] =	ssyncset.done $0x0  }
0xbf: {  	s10 =	sadd.s32 $0x100, s3;
	[sflag:s23] =	ssyncadd.s32 $0xFFFFE000  }
0xc0: {  	[tilespmem:s22], [sflag:$0x1] =	stream.indirect.gather [hbm4b:s5+s25], $0x80, s10, s25, $0xb8;
	[tilespmem:$0x1D000] =	vst v63  }
0xc1: {  	_ =	swait.ge [sflag:s29], $0x2000  }
0xc2: {  	[sflag:s29] =	ssyncset.done $0x0  }
0xc3: {  	s8 =	sadd.s32 $0x2880, s3;
	[sflag:s29] =	ssyncadd.s32 $0xFFFFE000  }
0xc4: {  	[spmem:s2] =	stream.indirect.scatter.add.f32 [tilespmem:s26], [sflag:$0x3], $0x80, s8, s25, $0xb8;
	[tilespmem:$0x1D000] =	vst v63  }
0xc5: {  	_ =	swait.ge [sflag:s23], $0x2000  }
0xc6: {  	[sflag:s23] =	ssyncset.done $0x0  }
0xc7: {  	[sflag:s23] =	ssyncadd.s32 $0xFFFFE000  }
0xc8: {  	[tilespmem:s26], [sflag:$0x2] =	stream.indirect.gather [hbm4b:s5+s25], $0x80, s30, s25, $0xb8;
	[tilespmem:$0x1D000] =	vst v63  }
0xc9: {  	_ =	swait.ge [sflag:s28], $0x2000  }
0xca: {  	[sflag:s28] =	ssyncset.done $0x0  }
0xcb: {  	[sflag:s28] =	ssyncadd.s32 $0xFFFFE000  }
0xcc: {  	[spmem:s2] =	stream.indirect.scatter.add.f32 [tilespmem:s22], [sflag:$0x3], $0x80, s31, s25, $0xb8;
	[tilespmem:$0x1D000] =	vst v63  }
0xcd: {  	_ =	swait.ge [sflag:s23], $0x2000  }
0xce: {  	[sflag:s23] =	ssyncset.done $0x0  }
0xcf: {  	[sflag:s23] =	ssyncadd.s32 $0xFFFFE000  }
0xd0: {  	_ =	swait.ge [sflag:s29], $0x2000  }
0xd1: {  	[sflag:s29] =	ssyncset.done $0x0  }
0xd2: {  	[sflag:s29] =	ssyncadd.s32 $0xFFFFE000  }
0xd3: {  	[spmem:s2] =	stream.indirect.scatter.add.f32 [tilespmem:s26], [sflag:$0x3], $0x80, s0, s25, $0xb8;
	[tilespmem:$0x1D000] =	vst v63  }
0xd4: {  	s9 =	stileid.u32;
	_ =	swait.ge [sflag:s23], $0x2000  }
0xd5: {  	s1 =	sadd.s32 $0x1, s1;
	s3 =	sshll.u32 s9, $0x6;
	[sflag:s23] =	ssyncset.done $0x0  }
0xd6: {  	p0 =	sne.s32 s1, s21;
	s3 =	sor.u32 $0x1C03, s3;
	[sflag:s23] =	ssyncadd.s32 $0xFFFFE000  }
.Ltmp2:
0xd7: {  	s10 =	sshrl.u32 s6, $0x3;
	[bflag:$0x0] =	sbarrier.arrive $0xFFFF;
	(pc) =	sbr.rel @p0 .LBB2_1-.Ltmp2, $4  }
0xd8: {  	[hbm:s20], [sflag:s3] =	dma.local [spmem:s10], $0x2800  }
0xd9: {  	_ =	swait.ge [sflag:s23], $0x2800  }
0xda: {  	[sflag:s23] =	ssyncset.done $0x0  }
0xdb: {  	[sflag:s23] =	ssyncadd.s32 $0xFFFFD800  }
0xdc: {  	_ =	sfence.sel $0x180000  }
0xdd: {  	[bflag:$0x0] =	sbarrier.arrive $0xFFFF  }
0xde: {  	_ =	strace $0x90000050  }
0xdf: {  	s0 =	stileid.u32;
	[bflag:$0x2] =	sbarrier.arrive $0xFFFF  }
0xe0: {  	p0 =	sne.s32 s0, $0x0;
	s0 =	rddreg [dreg:$0x3]  }
0xe1: {  	s0 =	sadd.s32 @!p0 $0x100000, s0  }
0xe2: {  	[sflag:s0] =	ssyncadd.tile.s32 @!p0 $0x1;
	_ =	shalt  }
.Lfunc_end2:
_tile_overlayer_lowered:
.L_overlay_start_2:
0xe3: {  	(tag) =	ssettag $0x2  }
0xe4: {  	s0 =	rddreg [dreg:$0x0];
	s2 =	stileid.u32  }
0xe5: {  	s1 =	rddreg [dreg:$0x1];
	p0 =	sne.s32 s2, $0x0  }
0xe6: {  	s3 =	rddreg [dreg:$0x2];
	[bflag:$0x3] =	sbarrier.arrive $0xFFFF;
	s2 =	simm.s32 @!p0 $0x1C03  }
0xe7: {  	[timem:s3], [sflag:s2] =	dma.local @!p0 [hbm:s0], s1  }
0xe8: {  	s0 =	simm.s32 @!p0 $0x3  }
0xe9: {  	_ =	swait.ge @!p0 [sflag:s0], s1  }
0xea: {  	s1 =	ssub.s32 @!p0 $0x0, s1;
	[sflag:s0] =	ssyncset.done @!p0 $0x0  }
0xeb: {  	[sflag:s0] =	ssyncadd.s32 @!p0 s1  }
0xec: {  	[bflag:$0x3] =	sbarrier.arrive $0xFFFF  }
0xed: {  	_ =	shalt  }

</sc_bundles>
